<compile_context>
chip_gen: v7x
topology: tpu7x:2x2x1
jax: 0.10.2.dev20260603
libtpu: 0.0.44.dev20260713+nightly
codegen_flags: <defaults>
</compile_context>

<pallas_src>
import functools

import jax
import jax.numpy as jnp
from jax import lax
from jax.experimental import pallas as pl
from jax.experimental.pallas import tpu as pltpu
from jax.experimental.pallas import tpu_sc as plsc

N = 10000
DEG = 32
D = 128
OUT = 128

_NSC = 4000

_NC = 2
_NS = 16
_NW = _NC * _NS

_CN = 8
_CROWS = _CN * DEG
_NCHUNK = _NSC // _CN
_CPW = -(-_NCHUNK // _NW)

_LANE = 16
_JV = D // _LANE


def _sc_sum_body(h2_hbm, out_hbm, buf0, buf1, sums0, sums1, sem0, sem1, osem0, osem1):
    wid = lax.axis_index("s") * _NC + lax.axis_index("c")
    bufs = (buf0, buf1)
    sums_ = (sums0, sums1)
    sems = (sem0, sem1)
    osems = (osem0, osem1)

    def cid_of(i):
        return wid + i * _NW

    def issue(i, slot):
        cid = cid_of(i)

        @pl.when(cid < _NCHUNK)
        def _():
            pltpu.async_copy(
                h2_hbm.at[pl.ds(cid * _CROWS, _CROWS)], bufs[slot], sems[slot]
            )

    def wait_out(i, slot):
        cid = cid_of(i)

        @pl.when((i >= 0) & (cid < _NCHUNK))
        def _():
            pltpu.make_async_copy(
                sums_[slot], out_hbm.at[pl.ds(cid * _CN, _CN)], osems[slot]
            ).wait()

    def compute(i, slot):
        cid = cid_of(i)
        wait_out(i - 2, slot)

        @pl.when(cid < _NCHUNK)
        def _():
            buf = bufs[slot]
            sm = sums_[slot]
            pltpu.make_async_copy(
                h2_hbm.at[pl.ds(cid * _CROWS, _CROWS)], buf, sems[slot]
            ).wait()

            def node_body(n, carry):
                base = n * DEG
                accs = tuple(buf[base, pl.ds(j * _LANE, _LANE)] for j in range(_JV))
                for dd in range(1, DEG):
                    accs = tuple(
                        accs[j] + buf[base + dd, pl.ds(j * _LANE, _LANE)]
                        for j in range(_JV)
                    )
                for j in range(_JV):
                    sm[n, pl.ds(j * _LANE, _LANE)] = accs[j] * (1.0 / DEG)
                return carry

            lax.fori_loop(0, _CN, node_body, 0)
            pltpu.async_copy(sm, out_hbm.at[pl.ds(cid * _CN, _CN)], osems[slot])

    issue(0, 0)

    def loop_body(i2, carry):
        for b in range(2):
            i = i2 * 2 + b
            issue(i + 1, 1 - b)
            compute(i, b)
        return carry

    lax.fori_loop(0, _CPW // 2, loop_body, 0, unroll=False)
    for i in (_CPW - 2, _CPW - 1):
        wait_out(i, i % 2)


@functools.partial(jax.jit, donate_argnums=())
def _sc_mailbox_sum(h2):
    mesh = plsc.VectorSubcoreMesh(
        core_axis_name="c", subcore_axis_name="s",
        num_cores=_NC, num_subcores=_NS,
    )
    return pl.kernel(
        _sc_sum_body,
        out_type=jax.ShapeDtypeStruct((_NSC, D), jnp.float32),
        mesh=mesh,
        scratch_types=[
            pltpu.VMEM((_CROWS, D), jnp.float32),
            pltpu.VMEM((_CROWS, D), jnp.float32),
            pltpu.VMEM((_CN, D), jnp.float32),
            pltpu.VMEM((_CN, D), jnp.float32),
            pltpu.SemaphoreType.DMA,
            pltpu.SemaphoreType.DMA,
            pltpu.SemaphoreType.DMA,
            pltpu.SemaphoreType.DMA,
        ],
    )(h2)


_BLK_A = 1000
_BLK_B = 1000
_OFF_A = _NSC // _BLK_A


def _tc_fused_body(h_ref, nf_ref, w1t_ref, w2t_ref, b_ref, out_ref):
    hm = jnp.mean(h_ref[...], axis=1)
    hterm = jnp.dot(hm, w1t_ref[...], preferred_element_type=jnp.float32)
    base = (
        jnp.dot(nf_ref[...], w2t_ref[...], preferred_element_type=jnp.float32)
        + b_ref[...]
    )
    keep = (pl.program_id(0) >= _OFF_A).astype(jnp.float32)
    out_ref[...] = base + keep * hterm


def _tc_acc_body(means_ref, w1t_ref, partial_ref, out_ref):
    out_ref[...] = partial_ref[...] + jnp.dot(
        means_ref[...], w1t_ref[...], preferred_element_type=jnp.float32
    )


def kernel(h, node_feat, W, b):
    h2 = h.reshape(N * DEG, D)
    means = _sc_mailbox_sum(h2)

    w1t = W[:, :D].T
    w2t = W[:, D:].T
    b2 = b.reshape(1, OUT)

    out_a = pl.pallas_call(
        _tc_fused_body,
        grid=(N // _BLK_A,),
        in_specs=[
            pl.BlockSpec((_BLK_A, DEG, D), lambda i: (jnp.maximum(i, _OFF_A), 0, 0)),
            pl.BlockSpec((_BLK_A, D), lambda i: (i, 0)),
            pl.BlockSpec((D, OUT), lambda i: (0, 0)),
            pl.BlockSpec((D, OUT), lambda i: (0, 0)),
            pl.BlockSpec((1, OUT), lambda i: (0, 0)),
        ],
        out_specs=pl.BlockSpec((_BLK_A, OUT), lambda i: (i, 0)),
        out_shape=jax.ShapeDtypeStruct((N, OUT), jnp.float32),
    )(h, node_feat, w1t, w2t, b2)

    return pl.pallas_call(
        _tc_acc_body,
        grid=(_NSC // _BLK_B,),
        in_specs=[
            pl.BlockSpec((_BLK_B, D), lambda i: (i, 0)),
            pl.BlockSpec((D, OUT), lambda i: (0, 0)),
            pl.BlockSpec((_BLK_B, OUT), lambda i: (i, 0)),
        ],
        out_specs=pl.BlockSpec((_BLK_B, OUT), lambda i: (i, 0)),
        out_shape=jax.ShapeDtypeStruct((N, OUT), jnp.float32),
        input_output_aliases={2: 0},
    )(means, w1t, out_a)

# --- scband reference (transcript-rebuilt; emitter-appended) ---
"""Pipeline reference for scband-mean-aggregator-9509057593728 (READ-ONLY COPY).

The authoritative reference and input builder live on the scoring server;
editing this copy changes nothing except your own understanding.
"""

import jax, jax.numpy as jnp
import numpy as np

N = 10000
DEG = 32
D = 128
OUT = 128

def setup_inputs(seed: int = 0) -> dict:
    key = jax.random.key(seed)
    k1, k2, k3, k4 = jax.random.split(key, 4)
    h = jax.random.normal(k1, (N, DEG, D), dtype=jnp.float32)
    node_feat = jax.random.normal(k2, (N, D), dtype=jnp.float32)
    # nn.Linear(2*inp_dim, out_dim): weight [out, 2*in], bias [out]
    W = jax.random.normal(k3, (OUT, 2 * D), dtype=jnp.float32) * (1.0 / np.sqrt(2 * D))
    b = jax.random.normal(k4, (OUT,), dtype=jnp.float32) * 0.01
    return {"h": h, "node_feat": node_feat, "W": W, "b": b}

def reference(h, node_feat, W, b):
    # h = nodes.mailbox['h']: [N, deg, D]
    hm = jnp.mean(h, axis=1)                       # [N, D]
    cat = jnp.concatenate([hm, node_feat], axis=1)  # [N, 2D]
    out = cat @ W.T + b                             # [N, OUT]
    return out

if __name__ == "__main__":
    import jax
    _d = setup_inputs()
    print(jax.jit(kernel)(*tuple(_d.values())))

</pallas_src>

<mosaic_0001>
#map = affine_map<(d0, d1) -> (0, 0)>
module attributes {stable_mosaic.version = 14 : i64} {
  func.func @_sc_sum_body(%arg0: i32, %arg1: i32, %arg2: memref<320000x128xf32, #tpu.memory_space<hbm>>, %arg3: memref<4000x128xf32, #tpu.memory_space<hbm>>, %arg4: memref<256x128xf32, #tpu.memory_space<vmem>>, %arg5: memref<256x128xf32, #tpu.memory_space<vmem>>, %arg6: memref<8x128xf32, #tpu.memory_space<vmem>>, %arg7: memref<8x128xf32, #tpu.memory_space<vmem>>, %arg8: memref<!tpu.dma_semaphore, #tpu.memory_space<semaphore_mem>>, %arg9: memref<!tpu.dma_semaphore, #tpu.memory_space<semaphore_mem>>, %arg10: memref<!tpu.dma_semaphore, #tpu.memory_space<semaphore_mem>>, %arg11: memref<!tpu.dma_semaphore, #tpu.memory_space<semaphore_mem>>) attributes {dimension_semantics = [#tpu.dimension_semantics<core_parallel>, #tpu.dimension_semantics<subcore_parallel>], iteration_bounds = array<i64: 2, 16>, scalar_prefetch = 0 : i64, scratch_operands = 8 : i64, tpu.core_type = #tpu.core_type<sc_vector_subcore>, window_params = [{transform_indices = #map}, {transform_indices = #map}]} {
    %mul3A = arith.constant 2 : i32
    %mul3A_0 = arith.muli %arg1, %mul3A : i32
    %add3A = arith.addi %mul3A_0, %arg0 : i32
    %add3A_1 = arith.constant 0 : i32
    %add3A_2 = arith.addi %add3A, %add3A_1 : i32
    %lt3A = arith.constant 500 : i32
    %lt3A_3 = arith.cmpi slt, %add3A_2, %lt3A : i32
    %convert_element_type3A = arith.extui %lt3A_3 : i1 to i32
    %cond3A = arith.constant 0 : i32
    %cond3A_4 = arith.cmpi ne, %convert_element_type3A, %cond3A : i32
    scf.if %cond3A_4 {
      %mul3A_27 = arith.constant 256 : i32
      %mul3A_28 = arith.muli %add3A_2, %mul3A_27 : i32
      %dma_start3A = arith.constant 0 : i32
      %dma_start3A_29 = tpu.memref_slice %arg2[%mul3A_28, %dma_start3A] : memref<320000x128xf32, #tpu.memory_space<hbm>> -> memref<256x128xf32, #tpu.memory_space<hbm>>
      %dma_start3A_30 = arith.constant 0 : i32
      %dma_start3A_31 = tpu.memref_slice %arg2[%mul3A_28, %dma_start3A_30] : memref<320000x128xf32, #tpu.memory_space<hbm>> -> memref<256x128xf32, #tpu.memory_space<hbm>>
      tpu.enqueue_dma source(%dma_start3A_31 : memref<256x128xf32, #tpu.memory_space<hbm>>) target(%arg4 : memref<256x128xf32, #tpu.memory_space<vmem>>) target_semaphore(%arg8 : memref<!tpu.dma_semaphore, #tpu.memory_space<semaphore_mem>>)
    } else {
    }
    %scan3A = arith.constant 0 : i32
    %scan3A_5 = arith.constant 0 : i32
    %scan3A_6 = arith.constant 8 : i32
    %scan3A_7 = arith.addi %scan3A_5, %scan3A_6 : i32
    %scan3A_8 = arith.constant 1 : i32
    scf.for %scan3A_27 = %scan3A_5 to %scan3A_7 step %scan3A_8  : i32 {
      %mul3A_28 = arith.constant 2 : i32
      %mul3A_29 = arith.muli %scan3A_27, %mul3A_28 : i32
      %add3A_30 = arith.constant 0 : i32
      %add3A_31 = arith.addi %mul3A_29, %add3A_30 : i32
      %add3A_32 = arith.constant 1 : i32
      %add3A_33 = arith.addi %add3A_31, %add3A_32 : i32
      %mul3A_34 = arith.constant 32 : i32
      %mul3A_35 = arith.muli %add3A_33, %mul3A_34 : i32
      %add3A_36 = arith.addi %add3A, %mul3A_35 : i32
      %lt3A_37 = arith.constant 500 : i32
      %lt3A_38 = arith.cmpi slt, %add3A_36, %lt3A_37 : i32
      %convert_element_type3A_39 = arith.extui %lt3A_38 : i1 to i32
      %cond3A_40 = arith.constant 0 : i32
      %cond3A_41 = arith.cmpi ne, %convert_element_type3A_39, %cond3A_40 : i32
      scf.if %cond3A_41 {
        %mul3A_96 = arith.constant 256 : i32
        %mul3A_97 = arith.muli %add3A_36, %mul3A_96 : i32
        %dma_start3A = arith.constant 0 : i32
        %dma_start3A_98 = tpu.memref_slice %arg2[%mul3A_97, %dma_start3A] : memref<320000x128xf32, #tpu.memory_space<hbm>> -> memref<256x128xf32, #tpu.memory_space<hbm>>
        %dma_start3A_99 = arith.constant 0 : i32
        %dma_start3A_100 = tpu.memref_slice %arg2[%mul3A_97, %dma_start3A_99] : memref<320000x128xf32, #tpu.memory_space<hbm>> -> memref<256x128xf32, #tpu.memory_space<hbm>>
        tpu.enqueue_dma source(%dma_start3A_100 : memref<256x128xf32, #tpu.memory_space<hbm>>) target(%arg5 : memref<256x128xf32, #tpu.memory_space<vmem>>) target_semaphore(%arg9 : memref<!tpu.dma_semaphore, #tpu.memory_space<semaphore_mem>>)
      } else {
      }
      %mul3A_42 = arith.constant 32 : i32
      %mul3A_43 = arith.muli %add3A_31, %mul3A_42 : i32
      %add3A_44 = arith.addi %add3A, %mul3A_43 : i32
      %sub3A = arith.constant 2 : i32
      %sub3A_45 = arith.subi %add3A_31, %sub3A : i32
      %mul3A_46 = arith.constant 32 : i32
      %mul3A_47 = arith.muli %sub3A_45, %mul3A_46 : i32
      %add3A_48 = arith.addi %add3A, %mul3A_47 : i32
      %ge3A = arith.constant 0 : i32
      %ge3A_49 = arith.cmpi sge, %sub3A_45, %ge3A : i32
      %lt3A_50 = arith.constant 500 : i32
      %lt3A_51 = arith.cmpi slt, %add3A_48, %lt3A_50 : i32
      %and3A_52 = arith.andi %ge3A_49, %lt3A_51 : i1
      %convert_element_type3A_53 = arith.extui %and3A_52 : i1 to i32
      %cond3A_54 = arith.constant 0 : i32
      %cond3A_55 = arith.cmpi ne, %convert_element_type3A_53, %cond3A_54 : i32
      scf.if %cond3A_55 {
        %mul3A_96 = arith.constant 8 : i32
        %mul3A_97 = arith.muli %add3A_48, %mul3A_96 : i32
        %dma_wait3A = arith.constant 0 : i32
        %dma_wait3A_98 = tpu.memref_slice %arg3[%mul3A_97, %dma_wait3A] : memref<4000x128xf32, #tpu.memory_space<hbm>> -> memref<8x128xf32, #tpu.memory_space<hbm>>
        %dma_wait3A_99 = arith.constant 0 : i32
        %dma_wait3A_100 = tpu.memref_slice %arg3[%mul3A_97, %dma_wait3A_99] : memref<4000x128xf32, #tpu.memory_space<hbm>> -> memref<8x128xf32, #tpu.memory_space<hbm>>
        tpu.wait_dma2 semaphore(%arg10 : memref<!tpu.dma_semaphore, #tpu.memory_space<semaphore_mem>>) src(%arg6 : memref<8x128xf32, #tpu.memory_space<vmem>>) dst(%dma_wait3A_100 : memref<8x128xf32, #tpu.memory_space<hbm>>)
      } else {
      }
      %lt3A_56 = arith.constant 500 : i32
      %lt3A_57 = arith.cmpi slt, %add3A_44, %lt3A_56 : i32
      %convert_element_type3A_58 = arith.extui %lt3A_57 : i1 to i32
      %cond3A_59 = arith.constant 0 : i32
      %cond3A_60 = arith.cmpi ne, %convert_element_type3A_58, %cond3A_59 : i32
      scf.if %cond3A_60 {
        %mul3A_96 = arith.constant 256 : i32
        %mul3A_97 = arith.muli %add3A_44, %mul3A_96 : i32
        %dma_wait3A = arith.constant 0 : i32
        %dma_wait3A_98 = tpu.memref_slice %arg2[%mul3A_97, %dma_wait3A] : memref<320000x128xf32, #tpu.memory_space<hbm>> -> memref<256x128xf32, #tpu.memory_space<hbm>>
        %dma_wait3A_99 = arith.constant 0 : i32
        %dma_wait3A_100 = tpu.memref_slice %arg2[%mul3A_97, %dma_wait3A_99] : memref<320000x128xf32, #tpu.memory_space<hbm>> -> memref<256x128xf32, #tpu.memory_space<hbm>>
        tpu.wait_dma2 semaphore(%arg8 : memref<!tpu.dma_semaphore, #tpu.memory_space<semaphore_mem>>) src(%dma_wait3A_100 : memref<256x128xf32, #tpu.memory_space<hbm>>) dst(%arg4 : memref<256x128xf32, #tpu.memory_space<vmem>>)
        %scan3A_101 = arith.constant 0 : i32
        %scan3A_102 = arith.constant 0 : i32
        %scan3A_103 = arith.constant 8 : i32
        %scan3A_104 = arith.addi %scan3A_102, %scan3A_103 : i32
        %scan3A_105 = arith.constant 1 : i32
        scf.for %scan3A_112 = %scan3A_102 to %scan3A_104 step %scan3A_105  : i32 {
          %mul3A_113 = arith.constant 32 : i32
          %mul3A_114 = arith.muli %scan3A_112, %mul3A_113 : i32
          %get3A = arith.index_cast %mul3A_114 : i32 to index
          %get3A_115 = arith.constant 0 : index
          %get3A_116 = tpu.vector_load %arg4[%get3A, %get3A_115] {strides = array<i32>} : memref<256x128xf32, #tpu.memory_space<vmem>>, vector<1x16xf32>,
          %get3A_117 = vector.shape_cast %get3A_116 : vector<1x16xf32> to vector<16xf32>
          %get3A_118 = arith.index_cast %mul3A_114 : i32 to index
          %get3A_119 = arith.constant 16 : index
          %get3A_120 = tpu.vector_load %arg4[%get3A_118, %get3A_119] {strides = array<i32>} : memref<256x128xf32, #tpu.memory_space<vmem>>, vector<1x16xf32>,
          %get3A_121 = vector.shape_cast %get3A_120 : vector<1x16xf32> to vector<16xf32>
          %get3A_122 = arith.index_cast %mul3A_114 : i32 to index
          %get3A_123 = arith.constant 32 : index
          %get3A_124 = tpu.vector_load %arg4[%get3A_122, %get3A_123] {strides = array<i32>} : memref<256x128xf32, #tpu.memory_space<vmem>>, vector<1x16xf32>,
          %get3A_125 = vector.shape_cast %get3A_124 : vector<1x16xf32> to vector<16xf32>
          %get3A_126 = arith.index_cast %mul3A_114 : i32 to index
          %get3A_127 = arith.constant 48 : index
          %get3A_128 = tpu.vector_load %arg4[%get3A_126, %get3A_127] {strides = array<i32>} : memref<256x128xf32, #tpu.memory_space<vmem>>, vector<1x16xf32>,
          %get3A_129 = vector.shape_cast %get3A_128 : vector<1x16xf32> to vector<16xf32>
          %get3A_130 = arith.index_cast %mul3A_114 : i32 to index
          %get3A_131 = arith.constant 64 : index
          %get3A_132 = tpu.vector_load %arg4[%get3A_130, %get3A_131] {strides = array<i32>} : memref<256x128xf32, #tpu.memory_space<vmem>>, vector<1x16xf32>,
          %get3A_133 = vector.shape_cast %get3A_132 : vector<1x16xf32> to vector<16xf32>
          %get3A_134 = arith.index_cast %mul3A_114 : i32 to index
          %get3A_135 = arith.constant 80 : index
          %get3A_136 = tpu.vector_load %arg4[%get3A_134, %get3A_135] {strides = array<i32>} : memref<256x128xf32, #tpu.memory_space<vmem>>, vector<1x16xf32>,
          %get3A_137 = vector.shape_cast %get3A_136 : vector<1x16xf32> to vector<16xf32>
          %get3A_138 = arith.index_cast %mul3A_114 : i32 to index
          %get3A_139 = arith.constant 96 : index
          %get3A_140 = tpu.vector_load %arg4[%get3A_138, %get3A_139] {strides = array<i32>} : memref<256x128xf32, #tpu.memory_space<vmem>>, vector<1x16xf32>,
          %get3A_141 = vector.shape_cast %get3A_140 : vector<1x16xf32> to vector<16xf32>
          %get3A_142 = arith.index_cast %mul3A_114 : i32 to index
          %get3A_143 = arith.constant 112 : index
          %get3A_144 = tpu.vector_load %arg4[%get3A_142, %get3A_143] {strides = array<i32>} : memref<256x128xf32, #tpu.memory_space<vmem>>, vector<1x16xf32>,
          %get3A_145 = vector.shape_cast %get3A_144 : vector<1x16xf32> to vector<16xf32>
          %add3A_146 = arith.constant 1 : i32
          %add3A_147 = arith.addi %mul3A_114, %add3A_146 : i32
          %get3A_148 = arith.index_cast %add3A_147 : i32 to index
          %get3A_149 = arith.constant 0 : index
          %get3A_150 = tpu.vector_load %arg4[%get3A_148, %get3A_149] {strides = array<i32>} : memref<256x128xf32, #tpu.memory_space<vmem>>, vector<1x16xf32>,
          %get3A_151 = vector.shape_cast %get3A_150 : vector<1x16xf32> to vector<16xf32>
          %add3A_152 = arith.addf %get3A_117, %get3A_151 : vector<16xf32>
          %add3A_153 = arith.constant 1 : i32
          %add3A_154 = arith.addi %mul3A_114, %add3A_153 : i32
          %get3A_155 = arith.index_cast %add3A_154 : i32 to index
          %get3A_156 = arith.constant 16 : index
          %get3A_157 = tpu.vector_load %arg4[%get3A_155, %get3A_156] {strides = array<i32>} : memref<256x128xf32, #tpu.memory_space<vmem>>, vector<1x16xf32>,
          %get3A_158 = vector.shape_cast %get3A_157 : vector<1x16xf32> to vector<16xf32>
          %add3A_159 = arith.addf %get3A_121, %get3A_158 : vector<16xf32>
          %add3A_160 = arith.constant 1 : i32
          %add3A_161 = arith.addi %mul3A_114, %add3A_160 : i32
          %get3A_162 = arith.index_cast %add3A_161 : i32 to index
          %get3A_163 = arith.constant 32 : index
          %get3A_164 = tpu.vector_load %arg4[%get3A_162, %get3A_163] {strides = array<i32>} : memref<256x128xf32, #tpu.memory_space<vmem>>, vector<1x16xf32>,
          %get3A_165 = vector.shape_cast %get3A_164 : vector<1x16xf32> to vector<16xf32>
          %add3A_166 = arith.addf %get3A_125, %get3A_165 : vector<16xf32>
          %add3A_167 = arith.constant 1 : i32
          %add3A_168 = arith.addi %mul3A_114, %add3A_167 : i32
          %get3A_169 = arith.index_cast %add3A_168 : i32 to index
          %get3A_170 = arith.constant 48 : index
          %get3A_171 = tpu.vector_load %arg4[%get3A_169, %get3A_170] {strides = array<i32>} : memref<256x128xf32, #tpu.memory_space<vmem>>, vector<1x16xf32>,
          %get3A_172 = vector.shape_cast %get3A_171 : vector<1x16xf32> to vector<16xf32>
          %add3A_173 = arith.addf %get3A_129, %get3A_172 : vector<16xf32>
          %add3A_174 = arith.constant 1 : i32
          %add3A_175 = arith.addi %mul3A_114, %add3A_174 : i32
          %get3A_176 = arith.index_cast %add3A_175 : i32 to index
          %get3A_177 = arith.constant 64 : index
          %get3A_178 = tpu.vector_load %arg4[%get3A_176, %get3A_177] {strides = array<i32>} : memref<256x128xf32, #tpu.memory_space<vmem>>, vector<1x16xf32>,
          %get3A_179 = vector.shape_cast %get3A_178 : vector<1x16xf32> to vector<16xf32>
          %add3A_180 = arith.addf %get3A_133, %get3A_179 : vector<16xf32>
          %add3A_181 = arith.constant 1 : i32
          %add3A_182 = arith.addi %mul3A_114, %add3A_181 : i32
          %get3A_183 = arith.index_cast %add3A_182 : i32 to index
          %get3A_184 = arith.constant 80 : index
          %get3A_185 = tpu.vector_load %arg4[%get3A_183, %get3A_184] {strides = array<i32>} : memref<256x128xf32, #tpu.memory_space<vmem>>, vector<1x16xf32>,
          %get3A_186 = vector.shape_cast %get3A_185 : vector<1x16xf32> to vector<16xf32>
          %add3A_187 = arith.addf %get3A_137, %get3A_186 : vector<16xf32>
          %add3A_188 = arith.constant 1 : i32
          %add3A_189 = arith.addi %mul3A_114, %add3A_188 : i32
          %get3A_190 = arith.index_cast %add3A_189 : i32 to index
          %get3A_191 = arith.constant 96 : index
          %get3A_192 = tpu.vector_load %arg4[%get3A_190, %get3A_191] {strides = array<i32>} : memref<256x128xf32, #tpu.memory_space<vmem>>, vector<1x16xf32>,
          %get3A_193 = vector.shape_cast %get3A_192 : vector<1x16xf32> to vector<16xf32>
          %add3A_194 = arith.addf %get3A_141, %get3A_193 : vector<16xf32>
          %add3A_195 = arith.constant 1 : i32
          %add3A_196 = arith.addi %mul3A_114, %add3A_195 : i32
          %get3A_197 = arith.index_cast %add3A_196 : i32 to index
          %get3A_198 = arith.constant 112 : index
          %get3A_199 = tpu.vector_load %arg4[%get3A_197, %get3A_198] {strides = array<i32>} : memref<256x128xf32, #tpu.memory_space<vmem>>, vector<1x16xf32>,
          %get3A_200 = vector.shape_cast %get3A_199 : vector<1x16xf32> to vector<16xf32>
          %add3A_201 = arith.addf %get3A_145, %get3A_200 : vector<16xf32>
          %add3A_202 = arith.constant 2 : i32
          %add3A_203 = arith.addi %mul3A_114, %add3A_202 : i32
          %get3A_204 = arith.index_cast %add3A_203 : i32 to index
          %get3A_205 = arith.constant 0 : index
          %get3A_206 = tpu.vector_load %arg4[%get3A_204, %get3A_205] {strides = array<i32>} : memref<256x128xf32, #tpu.memory_space<vmem>>, vector<1x16xf32>,
          %get3A_207 = vector.shape_cast %get3A_206 : vector<1x16xf32> to vector<16xf32>
          %add3A_208 = arith.addf %add3A_152, %get3A_207 : vector<16xf32>
          %add3A_209 = arith.constant 2 : i32
          %add3A_210 = arith.addi %mul3A_114, %add3A_209 : i32
          %get3A_211 = arith.index_cast %add3A_210 : i32 to index
          %get3A_212 = arith.constant 16 : index
          %get3A_213 = tpu.vector_load %arg4[%get3A_211, %get3A_212] {strides = array<i32>} : memref<256x128xf32, #tpu.memory_space<vmem>>, vector<1x16xf32>,
          %get3A_214 = vector.shape_cast %get3A_213 : vector<1x16xf32> to vector<16xf32>
          %add3A_215 = arith.addf %add3A_159, %get3A_214 : vector<16xf32>
          %add3A_216 = arith.constant 2 : i32
          %add3A_217 = arith.addi %mul3A_114, %add3A_216 : i32
          %get3A_218 = arith.index_cast %add3A_217 : i32 to index
          %get3A_219 = arith.constant 32 : index
          %get3A_220 = tpu.vector_load %arg4[%get3A_218, %get3A_219] {strides = array<i32>} : memref<256x128xf32, #tpu.memory_space<vmem>>, vector<1x16xf32>,
          %get3A_221 = vector.shape_cast %get3A_220 : vector<1x16xf32> to vector<16xf32>
          %add3A_222 = arith.addf %add3A_166, %get3A_221 : vector<16xf32>
          %add3A_223 = arith.constant 2 : i32
          %add3A_224 = arith.addi %mul3A_114, %add3A_223 : i32
          %get3A_225 = arith.index_cast %add3A_224 : i32 to index
          %get3A_226 = arith.constant 48 : index
          %get3A_227 = tpu.vector_load %arg4[%get3A_225, %get3A_226] {strides = array<i32>} : memref<256x128xf32, #tpu.memory_space<vmem>>, vector<1x16xf32>,
          %get3A_228 = vector.shape_cast %get3A_227 : vector<1x16xf32> to vector<16xf32>
          %add3A_229 = arith.addf %add3A_173, %get3A_228 : vector<16xf32>
          %add3A_230 = arith.constant 2 : i32
          %add3A_231 = arith.addi %mul3A_114, %add3A_230 : i32
          %get3A_232 = arith.index_cast %add3A_231 : i32 to index
          %get3A_233 = arith.constant 64 : index
          %get3A_234 = tpu.vector_load %arg4[%get3A_232, %get3A_233] {strides = array<i32>} : memref<256x128xf32, #tpu.memory_space<vmem>>, vector<1x16xf32>,
          %get3A_235 = vector.shape_cast %get3A_234 : vector<1x16xf32> to vector<16xf32>
          %add3A_236 = arith.addf %add3A_180, %get3A_235 : vector<16xf32>
          %add3A_237 = arith.constant 2 : i32
          %add3A_238 = arith.addi %mul3A_114, %add3A_237 : i32
          %get3A_239 = arith.index_cast %add3A_238 : i32 to index
          %get3A_240 = arith.constant 80 : index
          %get3A_241 = tpu.vector_load %arg4[%get3A_239, %get3A_240] {strides = array<i32>} : memref<256x128xf32, #tpu.memory_space<vmem>>, vector<1x16xf32>,
          %get3A_242 = vector.shape_cast %get3A_241 : vector<1x16xf32> to vector<16xf32>
          %add3A_243 = arith.addf %add3A_187, %get3A_242 : vector<16xf32>
          %add3A_244 = arith.constant 2 : i32
          %add3A_245 = arith.addi %mul3A_114, %add3A_244 : i32
          %get3A_246 = arith.index_cast %add3A_245 : i32 to index
          %get3A_247 = arith.constant 96 : index
          %get3A_248 = tpu.vector_load %arg4[%get3A_246, %get3A_247] {strides = array<i32>} : memref<256x128xf32, #tpu.memory_space<vmem>>, vector<1x16xf32>,
          %get3A_249 = vector.shape_cast %get3A_248 : vector<1x16xf32> to vector<16xf32>
          %add3A_250 = arith.addf %add3A_194, %get3A_249 : vector<16xf32>
          %add3A_251 = arith.constant 2 : i32
          %add3A_252 = arith.addi %mul3A_114, %add3A_251 : i32
          %get3A_253 = arith.index_cast %add3A_252 : i32 to index
          %get3A_254 = arith.constant 112 : index
          %get3A_255 = tpu.vector_load %arg4[%get3A_253, %get3A_254] {strides = array<i32>} : memref<256x128xf32, #tpu.memory_space<vmem>>, vector<1x16xf32>,
          %get3A_256 = vector.shape_cast %get3A_255 : vector<1x16xf32> to vector<16xf32>
          %add3A_257 = arith.addf %add3A_201, %get3A_256 : vector<16xf32>
          %add3A_258 = arith.constant 3 : i32
          %add3A_259 = arith.addi %mul3A_114, %add3A_258 : i32
          %get3A_260 = arith.index_cast %add3A_259 : i32 to index
          %get3A_261 = arith.constant 0 : index
          %get3A_262 = tpu.vector_load %arg4[%get3A_260, %get3A_261] {strides = array<i32>} : memref<256x128xf32, #tpu.memory_space<vmem>>, vector<1x16xf32>,
          %get3A_263 = vector.shape_cast %get3A_262 : vector<1x16xf32> to vector<16xf32>
          %add3A_264 = arith.addf %add3A_208, %get3A_263 : vector<16xf32>
          %add3A_265 = arith.constant 3 : i32
          %add3A_266 = arith.addi %mul3A_114, %add3A_265 : i32
          %get3A_267 = arith.index_cast %add3A_266 : i32 to index
          %get3A_268 = arith.constant 16 : index
          %get3A_269 = tpu.vector_load %arg4[%get3A_267, %get3A_268] {strides = array<i32>} : memref<256x128xf32, #tpu.memory_space<vmem>>, vector<1x16xf32>,
          %get3A_270 = vector.shape_cast %get3A_269 : vector<1x16xf32> to vector<16xf32>
          %add3A_271 = arith.addf %add3A_215, %get3A_270 : vector<16xf32>
          %add3A_272 = arith.constant 3 : i32
          %add3A_273 = arith.addi %mul3A_114, %add3A_272 : i32
          %get3A_274 = arith.index_cast %add3A_273 : i32 to index
          %get3A_275 = arith.constant 32 : index
          %get3A_276 = tpu.vector_load %arg4[%get3A_274, %get3A_275] {strides = array<i32>} : memref<256x128xf32, #tpu.memory_space<vmem>>, vector<1x16xf32>,
          %get3A_277 = vector.shape_cast %get3A_276 : vector<1x16xf32> to vector<16xf32>
          %add3A_278 = arith.addf %add3A_222, %get3A_277 : vector<16xf32>
          %add3A_279 = arith.constant 3 : i32
          %add3A_280 = arith.addi %mul3A_114, %add3A_279 : i32
          %get3A_281 = arith.index_cast %add3A_280 : i32 to index
          %get3A_282 = arith.constant 48 : index
          %get3A_283 = tpu.vector_load %arg4[%get3A_281, %get3A_282] {strides = array<i32>} : memref<256x128xf32, #tpu.memory_space<vmem>>, vector<1x16xf32>,
          %get3A_284 = vector.shape_cast %get3A_283 : vector<1x16xf32> to vector<16xf32>
          %add3A_285 = arith.addf %add3A_229, %get3A_284 : vector<16xf32>
          %add3A_286 = arith.constant 3 : i32
          %add3A_287 = arith.addi %mul3A_114, %add3A_286 : i32
          %get3A_288 = arith.index_cast %add3A_287 : i32 to index
          %get3A_289 = arith.constant 64 : index
          %get3A_290 = tpu.vector_load %arg4[%get3A_288, %get3A_289] {strides = array<i32>} : memref<256x128xf32, #tpu.memory_space<vmem>>, vector<1x16xf32>,
          %get3A_291 = vector.shape_cast %get3A_290 : vector<1x16xf32> to vector<16xf32>
          %add3A_292 = arith.addf %add3A_236, %get3A_291 : vector<16xf32>
          %add3A_293 = arith.constant 3 : i32
          %add3A_294 = arith.addi %mul3A_114, %add3A_293 : i32
          %get3A_295 = arith.index_cast %add3A_294 : i32 to index
          %get3A_296 = arith.constant 80 : index
          %get3A_297 = tpu.vector_load %arg4[%get3A_295, %get3A_296] {strides = array<i32>} : memref<256x128xf32, #tpu.memory_space<vmem>>, vector<1x16xf32>,
          %get3A_298 = vector.shape_cast %get3A_297 : vector<1x16xf32> to vector<16xf32>
          %add3A_299 = arith.addf %add3A_243, %get3A_298 : vector<16xf32>
          %add3A_300 = arith.constant 3 : i32
          %add3A_301 = arith.addi %mul3A_114, %add3A_300 : i32
          %get3A_302 = arith.index_cast %add3A_301 : i32 to index
          %get3A_303 = arith.constant 96 : index
          %get3A_304 = tpu.vector_load %arg4[%get3A_302, %get3A_303] {strides = array<i32>} : memref<256x128xf32, #tpu.memory_space<vmem>>, vector<1x16xf32>,
          %get3A_305 = vector.shape_cast %get3A_304 : vector<1x16xf32> to vector<16xf32>
          %add3A_306 = arith.addf %add3A_250, %get3A_305 : vector<16xf32>
          %add3A_307 = arith.constant 3 : i32
          %add3A_308 = arith.addi %mul3A_114, %add3A_307 : i32
          %get3A_309 = arith.index_cast %add3A_308 : i32 to index
          %get3A_310 = arith.constant 112 : index
          %get3A_311 = tpu.vector_load %arg4[%get3A_309, %get3A_310] {strides = array<i32>} : memref<256x128xf32, #tpu.memory_space<vmem>>, vector<1x16xf32>,
          %get3A_312 = vector.shape_cast %get3A_311 : vector<1x16xf32> to vector<16xf32>
          %add3A_313 = arith.addf %add3A_257, %get3A_312 : vector<16xf32>
          %add3A_314 = arith.constant 4 : i32
          %add3A_315 = arith.addi %mul3A_114, %add3A_314 : i32
          %get3A_316 = arith.index_cast %add3A_315 : i32 to index
          %get3A_317 = arith.constant 0 : index
          %get3A_318 = tpu.vector_load %arg4[%get3A_316, %get3A_317] {strides = array<i32>} : memref<256x128xf32, #tpu.memory_space<vmem>>, vector<1x16xf32>,
          %get3A_319 = vector.shape_cast %get3A_318 : vector<1x16xf32> to vector<16xf32>
          %add3A_320 = arith.addf %add3A_264, %get3A_319 : vector<16xf32>
          %add3A_321 = arith.constant 4 : i32
          %add3A_322 = arith.addi %mul3A_114, %add3A_321 : i32
          %get3A_323 = arith.index_cast %add3A_322 : i32 to index
          %get3A_324 = arith.constant 16 : index
          %get3A_325 = tpu.vector_load %arg4[%get3A_323, %get3A_324] {strides = array<i32>} : memref<256x128xf32, #tpu.memory_space<vmem>>, vector<1x16xf32>,
          %get3A_326 = vector.shape_cast %get3A_325 : vector<1x16xf32> to vector<16xf32>
          %add3A_327 = arith.addf %add3A_271, %get3A_326 : vector<16xf32>
          %add3A_328 = arith.constant 4 : i32
          %add3A_329 = arith.addi %mul3A_114, %add3A_328 : i32
          %get3A_330 = arith.index_cast %add3A_329 : i32 to index
          %get3A_331 = arith.constant 32 : index
          %get3A_332 = tpu.vector_load %arg4[%get3A_330, %get3A_331] {strides = array<i32>} : memref<256x128xf32, #tpu.memory_space<vmem>>, vector<1x16xf32>,
          %get3A_333 = vector.shape_cast %get3A_332 : vector<1x16xf32> to vector<16xf32>
          %add3A_334 = arith.addf %add3A_278, %get3A_333 : vector<16xf32>
          %add3A_335 = arith.constant 4 : i32
          %add3A_336 = arith.addi %mul3A_114, %add3A_335 : i32
          %get3A_337 = arith.index_cast %add3A_336 : i32 to index
          %get3A_338 = arith.constant 48 : index
          %get3A_339 = tpu.vector_load %arg4[%get3A_337, %get3A_338] {strides = array<i32>} : memref<256x128xf32, #tpu.memory_space<vmem>>, vector<1x16xf32>,
          %get3A_340 = vector.shape_cast %get3A_339 : vector<1x16xf32> to vector<16xf32>
          %add3A_341 = arith.addf %add3A_285, %get3A_340 : vector<16xf32>
          %add3A_342 = arith.constant 4 : i32
          %add3A_343 = arith.addi %mul3A_114, %add3A_342 : i32
          %get3A_344 = arith.index_cast %add3A_343 : i32 to index
          %get3A_345 = arith.constant 64 : index
          %get3A_346 = tpu.vector_load %arg4[%get3A_344, %get3A_345] {strides = array<i32>} : memref<256x128xf32, #tpu.memory_space<vmem>>, vector<1x16xf32>,
          %get3A_347 = vector.shape_cast %get3A_346 : vector<1x16xf32> to vector<16xf32>
          %add3A_348 = arith.addf %add3A_292, %get3A_347 : vector<16xf32>
          %add3A_349 = arith.constant 4 : i32
          %add3A_350 = arith.addi %mul3A_114, %add3A_349 : i32
          %get3A_351 = arith.index_cast %add3A_350 : i32 to index
          %get3A_352 = arith.constant 80 : index
          %get3A_353 = tpu.vector_load %arg4[%get3A_351, %get3A_352] {strides = array<i32>} : memref<256x128xf32, #tpu.memory_space<vmem>>, vector<1x16xf32>,
          %get3A_354 = vector.shape_cast %get3A_353 : vector<1x16xf32> to vector<16xf32>
          %add3A_355 = arith.addf %add3A_299, %get3A_354 : vector<16xf32>
          %add3A_356 = arith.constant 4 : i32
          %add3A_357 = arith.addi %mul3A_114, %add3A_356 : i32
          %get3A_358 = arith.index_cast %add3A_357 : i32 to index
          %get3A_359 = arith.constant 96 : index
          %get3A_360 = tpu.vector_load %arg4[%get3A_358, %get3A_359] {strides = array<i32>} : memref<256x128xf32, #tpu.memory_space<vmem>>, vector<1x16xf32>,
          %get3A_361 = vector.shape_cast %get3A_360 : vector<1x16xf32> to vector<16xf32>
          %add3A_362 = arith.addf %add3A_306, %get3A_361 : vector<16xf32>
          %add3A_363 = arith.constant 4 : i32
          %add3A_364 = arith.addi %mul3A_114, %add3A_363 : i32
          %get3A_365 = arith.index_cast %add3A_364 : i32 to index
          %get3A_366 = arith.constant 112 : index
          %get3A_367 = tpu.vector_load %arg4[%get3A_365, %get3A_366] {strides = array<i32>} : memref<256x128xf32, #tpu.memory_space<vmem>>, vector<1x16xf32>,
          %get3A_368 = vector.shape_cast %get3A_367 : vector<1x16xf32> to vector<16xf32>
          %add3A_369 = arith.addf %add3A_313, %get3A_368 : vector<16xf32>
          %add3A_370 = arith.constant 5 : i32
          %add3A_371 = arith.addi %mul3A_114, %add3A_370 : i32
          %get3A_372 = arith.index_cast %add3A_371 : i32 to index
          %get3A_373 = arith.constant 0 : index
          %get3A_374 = tpu.vector_load %arg4[%get3A_372, %get3A_373] {strides = array<i32>} : memref<256x128xf32, #tpu.memory_space<vmem>>, vector<1x16xf32>,
          %get3A_375 = vector.shape_cast %get3A_374 : vector<1x16xf32> to vector<16xf32>
          %add3A_376 = arith.addf %add3A_320, %get3A_375 : vector<16xf32>
          %add3A_377 = arith.constant 5 : i32
          %add3A_378 = arith.addi %mul3A_114, %add3A_377 : i32
          %get3A_379 = arith.index_cast %add3A_378 : i32 to index
          %get3A_380 = arith.constant 16 : index
          %get3A_381 = tpu.vector_load %arg4[%get3A_379, %get3A_380] {strides = array<i32>} : memref<256x128xf32, #tpu.memory_space<vmem>>, vector<1x16xf32>,
          %get3A_382 = vector.shape_cast %get3A_381 : vector<1x16xf32> to vector<16xf32>
          %add3A_383 = arith.addf %add3A_327, %get3A_382 : vector<16xf32>
          %add3A_384 = arith.constant 5 : i32
          %add3A_385 = arith.addi %mul3A_114, %add3A_384 : i32
          %get3A_386 = arith.index_cast %add3A_385 : i32 to index
          %get3A_387 = arith.constant 32 : index
          %get3A_388 = tpu.vector_load %arg4[%get3A_386, %get3A_387] {strides = array<i32>} : memref<256x128xf32, #tpu.memory_space<vmem>>, vector<1x16xf32>,
          %get3A_389 = vector.shape_cast %get3A_388 : vector<1x16xf32> to vector<16xf32>
          %add3A_390 = arith.addf %add3A_334, %get3A_389 : vector<16xf32>
          %add3A_391 = arith.constant 5 : i32
          %add3A_392 = arith.addi %mul3A_114, %add3A_391 : i32
          %get3A_393 = arith.index_cast %add3A_392 : i32 to index
          %get3A_394 = arith.constant 48 : index
          %get3A_395 = tpu.vector_load %arg4[%get3A_393, %get3A_394] {strides = array<i32>} : memref<256x128xf32, #tpu.memory_space<vmem>>, vector<1x16xf32>,
          %get3A_396 = vector.shape_cast %get3A_395 : vector<1x16xf32> to vector<16xf32>
          %add3A_397 = arith.addf %add3A_341, %get3A_396 : vector<16xf32>
          %add3A_398 = arith.constant 5 : i32
          %add3A_399 = arith.addi %mul3A_114, %add3A_398 : i32
          %get3A_400 = arith.index_cast %add3A_399 : i32 to index
          %get3A_401 = arith.constant 64 : index
          %get3A_402 = tpu.vector_load %arg4[%get3A_400, %get3A_401] {strides = array<i32>} : memref<256x128xf32, #tpu.memory_space<vmem>>, vector<1x16xf32>,
          %get3A_403 = vector.shape_cast %get3A_402 : vector<1x16xf32> to vector<16xf32>
          %add3A_404 = arith.addf %add3A_348, %get3A_403 : vector<16xf32>
          %add3A_405 = arith.constant 5 : i32
          %add3A_406 = arith.addi %mul3A_114, %add3A_405 : i32
          %get3A_407 = arith.index_cast %add3A_406 : i32 to index
          %get3A_408 = arith.constant 80 : index
          %get3A_409 = tpu.vector_load %arg4[%get3A_407, %get3A_408] {strides = array<i32>} : memref<256x128xf32, #tpu.memory_space<vmem>>, vector<1x16xf32>,
          %get3A_410 = vector.shape_cast %get3A_409 : vector<1x16xf32> to vector<16xf32>
          %add3A_411 = arith.addf %add3A_355, %get3A_410 : vector<16xf32>
          %add3A_412 = arith.constant 5 : i32
          %add3A_413 = arith.addi %mul3A_114, %add3A_412 : i32
          %get3A_414 = arith.index_cast %add3A_413 : i32 to index
          %get3A_415 = arith.constant 96 : index
          %get3A_416 = tpu.vector_load %arg4[%get3A_414, %get3A_415] {strides = array<i32>} : memref<256x128xf32, #tpu.memory_space<vmem>>, vector<1x16xf32>,
          %get3A_417 = vector.shape_cast %get3A_416 : vector<1x16xf32> to vector<16xf32>
          %add3A_418 = arith.addf %add3A_362, %get3A_417 : vector<16xf32>
          %add3A_419 = arith.constant 5 : i32
          %add3A_420 = arith.addi %mul3A_114, %add3A_419 : i32
          %get3A_421 = arith.index_cast %add3A_420 : i32 to index
          %get3A_422 = arith.constant 112 : index
          %get3A_423 = tpu.vector_load %arg4[%get3A_421, %get3A_422] {strides = array<i32>} : memref<256x128xf32, #tpu.memory_space<vmem>>, vector<1x16xf32>,
          %get3A_424 = vector.shape_cast %get3A_423 : vector<1x16xf32> to vector<16xf32>
          %add3A_425 = arith.addf %add3A_369, %get3A_424 : vector<16xf32>
          %add3A_426 = arith.constant 6 : i32
          %add3A_427 = arith.addi %mul3A_114, %add3A_426 : i32
          %get3A_428 = arith.index_cast %add3A_427 : i32 to index
          %get3A_429 = arith.constant 0 : index
          %get3A_430 = tpu.vector_load %arg4[%get3A_428, %get3A_429] {strides = array<i32>} : memref<256x128xf32, #tpu.memory_space<vmem>>, vector<1x16xf32>,
          %get3A_431 = vector.shape_cast %get3A_430 : vector<1x16xf32> to vector<16xf32>
          %add3A_432 = arith.addf %add3A_376, %get3A_431 : vector<16xf32>
          %add3A_433 = arith.constant 6 : i32
          %add3A_434 = arith.addi %mul3A_114, %add3A_433 : i32
          %get3A_435 = arith.index_cast %add3A_434 : i32 to index
          %get3A_436 = arith.constant 16 : index
          %get3A_437 = tpu.vector_load %arg4[%get3A_435, %get3A_436] {strides = array<i32>} : memref<256x128xf32, #tpu.memory_space<vmem>>, vector<1x16xf32>,
          %get3A_438 = vector.shape_cast %get3A_437 : vector<1x16xf32> to vector<16xf32>
          %add3A_439 = arith.addf %add3A_383, %get3A_438 : vector<16xf32>
          %add3A_440 = arith.constant 6 : i32
          %add3A_441 = arith.addi %mul3A_114, %add3A_440 : i32
          %get3A_442 = arith.index_cast %add3A_441 : i32 to index
          %get3A_443 = arith.constant 32 : index
          %get3A_444 = tpu.vector_load %arg4[%get3A_442, %get3A_443] {strides = array<i32>} : memref<256x128xf32, #tpu.memory_space<vmem>>, vector<1x16xf32>,
          %get3A_445 = vector.shape_cast %get3A_444 : vector<1x16xf32> to vector<16xf32>
          %add3A_446 = arith.addf %add3A_390, %get3A_445 : vector<16xf32>
          %add3A_447 = arith.constant 6 : i32
          %add3A_448 = arith.addi %mul3A_114, %add3A_447 : i32
          %get3A_449 = arith.index_cast %add3A_448 : i32 to index
          %get3A_450 = arith.constant 48 : index
          %get3A_451 = tpu.vector_load %arg4[%get3A_449, %get3A_450] {strides = array<i32>} : memref<256x128xf32, #tpu.memory_space<vmem>>, vector<1x16xf32>,
          %get3A_452 = vector.shape_cast %get3A_451 : vector<1x16xf32> to vector<16xf32>
          %add3A_453 = arith.addf %add3A_397, %get3A_452 : vector<16xf32>
          %add3A_454 = arith.constant 6 : i32
          %add3A_455 = arith.addi %mul3A_114, %add3A_454 : i32
          %get3A_456 = arith.index_cast %add3A_455 : i32 to index
          %get3A_457 = arith.constant 64 : index
          %get3A_458 = tpu.vector_load %arg4[%get3A_456, %get3A_457] {strides = array<i32>} : memref<256x128xf32, #tpu.memory_space<vmem>>, vector<1x16xf32>,
          %get3A_459 = vector.shape_cast %get3A_458 : vector<1x16xf32> to vector<16xf32>
          %add3A_460 = arith.addf %add3A_404, %get3A_459 : vector<16xf32>
          %add3A_461 = arith.constant 6 : i32
          %add3A_462 = arith.addi %mul3A_114, %add3A_461 : i32
          %get3A_463 = arith.index_cast %add3A_462 : i32 to index
          %get3A_464 = arith.constant 80 : index
          %get3A_465 = tpu.vector_load %arg4[%get3A_463, %get3A_464] {strides = array<i32>} : memref<256x128xf32, #tpu.memory_space<vmem>>, vector<1x16xf32>,
          %get3A_466 = vector.shape_cast %get3A_465 : vector<1x16xf32> to vector<16xf32>
          %add3A_467 = arith.addf %add3A_411, %get3A_466 : vector<16xf32>
          %add3A_468 = arith.constant 6 : i32
          %add3A_469 = arith.addi %mul3A_114, %add3A_468 : i32
          %get3A_470 = arith.index_cast %add3A_469 : i32 to index
          %get3A_471 = arith.constant 96 : index
          %get3A_472 = tpu.vector_load %arg4[%get3A_470, %get3A_471] {strides = array<i32>} : memref<256x128xf32, #tpu.memory_space<vmem>>, vector<1x16xf32>,
          %get3A_473 = vector.shape_cast %get3A_472 : vector<1x16xf32> to vector<16xf32>
          %add3A_474 = arith.addf %add3A_418, %get3A_473 : vector<16xf32>
          %add3A_475 = arith.constant 6 : i32
          %add3A_476 = arith.addi %mul3A_114, %add3A_475 : i32
          %get3A_477 = arith.index_cast %add3A_476 : i32 to index
          %get3A_478 = arith.constant 112 : index
          %get3A_479 = tpu.vector_load %arg4[%get3A_477, %get3A_478] {strides = array<i32>} : memref<256x128xf32, #tpu.memory_space<vmem>>, vector<1x16xf32>,
          %get3A_480 = vector.shape_cast %get3A_479 : vector<1x16xf32> to vector<16xf32>
          %add3A_481 = arith.addf %add3A_425, %get3A_480 : vector<16xf32>
          %add3A_482 = arith.constant 7 : i32
          %add3A_483 = arith.addi %mul3A_114, %add3A_482 : i32
          %get3A_484 = arith.index_cast %add3A_483 : i32 to index
          %get3A_485 = arith.constant 0 : index
          %get3A_486 = tpu.vector_load %arg4[%get3A_484, %get3A_485] {strides = array<i32>} : memref<256x128xf32, #tpu.memory_space<vmem>>, vector<1x16xf32>,
          %get3A_487 = vector.shape_cast %get3A_486 : vector<1x16xf32> to vector<16xf32>
          %add3A_488 = arith.addf %add3A_432, %get3A_487 : vector<16xf32>
          %add3A_489 = arith.constant 7 : i32
          %add3A_490 = arith.addi %mul3A_114, %add3A_489 : i32
          %get3A_491 = arith.index_cast %add3A_490 : i32 to index
          %get3A_492 = arith.constant 16 : index
          %get3A_493 = tpu.vector_load %arg4[%get3A_491, %get3A_492] {strides = array<i32>} : memref<256x128xf32, #tpu.memory_space<vmem>>, vector<1x16xf32>,
          %get3A_494 = vector.shape_cast %get3A_493 : vector<1x16xf32> to vector<16xf32>
          %add3A_495 = arith.addf %add3A_439, %get3A_494 : vector<16xf32>
          %add3A_496 = arith.constant 7 : i32
          %add3A_497 = arith.addi %mul3A_114, %add3A_496 : i32
          %get3A_498 = arith.index_cast %add3A_497 : i32 to index
          %get3A_499 = arith.constant 32 : index
          %get3A_500 = tpu.vector_load %arg4[%get3A_498, %get3A_499] {strides = array<i32>} : memref<256x128xf32, #tpu.memory_space<vmem>>, vector<1x16xf32>,
          %get3A_501 = vector.shape_cast %get3A_500 : vector<1x16xf32> to vector<16xf32>
          %add3A_502 = arith.addf %add3A_446, %get3A_501 : vector<16xf32>
          %add3A_503 = arith.constant 7 : i32
          %add3A_504 = arith.addi %mul3A_114, %add3A_503 : i32
          %get3A_505 = arith.index_cast %add3A_504 : i32 to index
          %get3A_506 = arith.constant 48 : index
          %get3A_507 = tpu.vector_load %arg4[%get3A_505, %get3A_506] {strides = array<i32>} : memref<256x128xf32, #tpu.memory_space<vmem>>, vector<1x16xf32>,
          %get3A_508 = vector.shape_cast %get3A_507 : vector<1x16xf32> to vector<16xf32>
          %add3A_509 = arith.addf %add3A_453, %get3A_508 : vector<16xf32>
          %add3A_510 = arith.constant 7 : i32
          %add3A_511 = arith.addi %mul3A_114, %add3A_510 : i32
          %get3A_512 = arith.index_cast %add3A_511 : i32 to index
          %get3A_513 = arith.constant 64 : index
          %get3A_514 = tpu.vector_load %arg4[%get3A_512, %get3A_513] {strides = array<i32>} : memref<256x128xf32, #tpu.memory_space<vmem>>, vector<1x16xf32>,
          %get3A_515 = vector.shape_cast %get3A_514 : vector<1x16xf32> to vector<16xf32>
          %add3A_516 = arith.addf %add3A_460, %get3A_515 : vector<16xf32>
          %add3A_517 = arith.constant 7 : i32
          %add3A_518 = arith.addi %mul3A_114, %add3A_517 : i32
          %get3A_519 = arith.index_cast %add3A_518 : i32 to index
          %get3A_520 = arith.constant 80 : index
          %get3A_521 = tpu.vector_load %arg4[%get3A_519, %get3A_520] {strides = array<i32>} : memref<256x128xf32, #tpu.memory_space<vmem>>, vector<1x16xf32>,
          %get3A_522 = vector.shape_cast %get3A_521 : vector<1x16xf32> to vector<16xf32>
          %add3A_523 = arith.addf %add3A_467, %get3A_522 : vector<16xf32>
          %add3A_524 = arith.constant 7 : i32
          %add3A_525 = arith.addi %mul3A_114, %add3A_524 : i32
          %get3A_526 = arith.index_cast %add3A_525 : i32 to index
          %get3A_527 = arith.constant 96 : index
          %get3A_528 = tpu.vector_load %arg4[%get3A_526, %get3A_527] {strides = array<i32>} : memref<256x128xf32, #tpu.memory_space<vmem>>, vector<1x16xf32>,
          %get3A_529 = vector.shape_cast %get3A_528 : vector<1x16xf32> to vector<16xf32>
          %add3A_530 = arith.addf %add3A_474, %get3A_529 : vector<16xf32>
          %add3A_531 = arith.constant 7 : i32
          %add3A_532 = arith.addi %mul3A_114, %add3A_531 : i32
          %get3A_533 = arith.index_cast %add3A_532 : i32 to index
          %get3A_534 = arith.constant 112 : index
          %get3A_535 = tpu.vector_load %arg4[%get3A_533, %get3A_534] {strides = array<i32>} : memref<256x128xf32, #tpu.memory_space<vmem>>, vector<1x16xf32>,
          %get3A_536 = vector.shape_cast %get3A_535 : vector<1x16xf32> to vector<16xf32>
          %add3A_537 = arith.addf %add3A_481, %get3A_536 : vector<16xf32>
          %add3A_538 = arith.constant 8 : i32
          %add3A_539 = arith.addi %mul3A_114, %add3A_538 : i32
          %get3A_540 = arith.index_cast %add3A_539 : i32 to index
          %get3A_541 = arith.constant 0 : index
          %get3A_542 = tpu.vector_load %arg4[%get3A_540, %get3A_541] {strides = array<i32>} : memref<256x128xf32, #tpu.memory_space<vmem>>, vector<1x16xf32>,
          %get3A_543 = vector.shape_cast %get3A_542 : vector<1x16xf32> to vector<16xf32>
          %add3A_544 = arith.addf %add3A_488, %get3A_543 : vector<16xf32>
          %add3A_545 = arith.constant 8 : i32
          %add3A_546 = arith.addi %mul3A_114, %add3A_545 : i32
          %get3A_547 = arith.index_cast %add3A_546 : i32 to index
          %get3A_548 = arith.constant 16 : index
          %get3A_549 = tpu.vector_load %arg4[%get3A_547, %get3A_548] {strides = array<i32>} : memref<256x128xf32, #tpu.memory_space<vmem>>, vector<1x16xf32>,
          %get3A_550 = vector.shape_cast %get3A_549 : vector<1x16xf32> to vector<16xf32>
          %add3A_551 = arith.addf %add3A_495, %get3A_550 : vector<16xf32>
          %add3A_552 = arith.constant 8 : i32
          %add3A_553 = arith.addi %mul3A_114, %add3A_552 : i32
          %get3A_554 = arith.index_cast %add3A_553 : i32 to index
          %get3A_555 = arith.constant 32 : index
          %get3A_556 = tpu.vector_load %arg4[%get3A_554, %get3A_555] {strides = array<i32>} : memref<256x128xf32, #tpu.memory_space<vmem>>, vector<1x16xf32>,
          %get3A_557 = vector.shape_cast %get3A_556 : vector<1x16xf32> to vector<16xf32>
          %add3A_558 = arith.addf %add3A_502, %get3A_557 : vector<16xf32>
          %add3A_559 = arith.constant 8 : i32
          %add3A_560 = arith.addi %mul3A_114, %add3A_559 : i32
          %get3A_561 = arith.index_cast %add3A_560 : i32 to index
          %get3A_562 = arith.constant 48 : index
          %get3A_563 = tpu.vector_load %arg4[%get3A_561, %get3A_562] {strides = array<i32>} : memref<256x128xf32, #tpu.memory_space<vmem>>, vector<1x16xf32>,
          %get3A_564 = vector.shape_cast %get3A_563 : vector<1x16xf32> to vector<16xf32>
          %add3A_565 = arith.addf %add3A_509, %get3A_564 : vector<16xf32>
          %add3A_566 = arith.constant 8 : i32
          %add3A_567 = arith.addi %mul3A_114, %add3A_566 : i32
          %get3A_568 = arith.index_cast %add3A_567 : i32 to index
          %get3A_569 = arith.constant 64 : index
          %get3A_570 = tpu.vector_load %arg4[%get3A_568, %get3A_569] {strides = array<i32>} : memref<256x128xf32, #tpu.memory_space<vmem>>, vector<1x16xf32>,
          %get3A_571 = vector.shape_cast %get3A_570 : vector<1x16xf32> to vector<16xf32>
          %add3A_572 = arith.addf %add3A_516, %get3A_571 : vector<16xf32>
          %add3A_573 = arith.constant 8 : i32
          %add3A_574 = arith.addi %mul3A_114, %add3A_573 : i32
          %get3A_575 = arith.index_cast %add3A_574 : i32 to index
          %get3A_576 = arith.constant 80 : index
          %get3A_577 = tpu.vector_load %arg4[%get3A_575, %get3A_576] {strides = array<i32>} : memref<256x128xf32, #tpu.memory_space<vmem>>, vector<1x16xf32>,
          %get3A_578 = vector.shape_cast %get3A_577 : vector<1x16xf32> to vector<16xf32>
          %add3A_579 = arith.addf %add3A_523, %get3A_578 : vector<16xf32>
          %add3A_580 = arith.constant 8 : i32
          %add3A_581 = arith.addi %mul3A_114, %add3A_580 : i32
          %get3A_582 = arith.index_cast %add3A_581 : i32 to index
          %get3A_583 = arith.constant 96 : index
          %get3A_584 = tpu.vector_load %arg4[%get3A_582, %get3A_583] {strides = array<i32>} : memref<256x128xf32, #tpu.memory_space<vmem>>, vector<1x16xf32>,
          %get3A_585 = vector.shape_cast %get3A_584 : vector<1x16xf32> to vector<16xf32>
          %add3A_586 = arith.addf %add3A_530, %get3A_585 : vector<16xf32>
          %add3A_587 = arith.constant 8 : i32
          %add3A_588 = arith.addi %mul3A_114, %add3A_587 : i32
          %get3A_589 = arith.index_cast %add3A_588 : i32 to index
          %get3A_590 = arith.constant 112 : index
          %get3A_591 = tpu.vector_load %arg4[%get3A_589, %get3A_590] {strides = array<i32>} : memref<256x128xf32, #tpu.memory_space<vmem>>, vector<1x16xf32>,
          %get3A_592 = vector.shape_cast %get3A_591 : vector<1x16xf32> to vector<16xf32>
          %add3A_593 = arith.addf %add3A_537, %get3A_592 : vector<16xf32>
          %add3A_594 = arith.constant 9 : i32
          %add3A_595 = arith.addi %mul3A_114, %add3A_594 : i32
          %get3A_596 = arith.index_cast %add3A_595 : i32 to index
          %get3A_597 = arith.constant 0 : index
          %get3A_598 = tpu.vector_load %arg4[%get3A_596, %get3A_597] {strides = array<i32>} : memref<256x128xf32, #tpu.memory_space<vmem>>, vector<1x16xf32>,
          %get3A_599 = vector.shape_cast %get3A_598 : vector<1x16xf32> to vector<16xf32>
          %add3A_600 = arith.addf %add3A_544, %get3A_599 : vector<16xf32>
          %add3A_601 = arith.constant 9 : i32
          %add3A_602 = arith.addi %mul3A_114, %add3A_601 : i32
          %get3A_603 = arith.index_cast %add3A_602 : i32 to index
          %get3A_604 = arith.constant 16 : index
          %get3A_605 = tpu.vector_load %arg4[%get3A_603, %get3A_604] {strides = array<i32>} : memref<256x128xf32, #tpu.memory_space<vmem>>, vector<1x16xf32>,
          %get3A_606 = vector.shape_cast %get3A_605 : vector<1x16xf32> to vector<16xf32>
          %add3A_607 = arith.addf %add3A_551, %get3A_606 : vector<16xf32>
          %add3A_608 = arith.constant 9 : i32
          %add3A_609 = arith.addi %mul3A_114, %add3A_608 : i32
          %get3A_610 = arith.index_cast %add3A_609 : i32 to index
          %get3A_611 = arith.constant 32 : index
          %get3A_612 = tpu.vector_load %arg4[%get3A_610, %get3A_611] {strides = array<i32>} : memref<256x128xf32, #tpu.memory_space<vmem>>, vector<1x16xf32>,
          %get3A_613 = vector.shape_cast %get3A_612 : vector<1x16xf32> to vector<16xf32>
          %add3A_614 = arith.addf %add3A_558, %get3A_613 : vector<16xf32>
          %add3A_615 = arith.constant 9 : i32
          %add3A_616 = arith.addi %mul3A_114, %add3A_615 : i32
          %get3A_617 = arith.index_cast %add3A_616 : i32 to index
          %get3A_618 = arith.constant 48 : index
          %get3A_619 = tpu.vector_load %arg4[%get3A_617, %get3A_618] {strides = array<i32>} : memref<256x128xf32, #tpu.memory_space<vmem>>, vector<1x16xf32>,
          %get3A_620 = vector.shape_cast %get3A_619 : vector<1x16xf32> to vector<16xf32>
          %add3A_621 = arith.addf %add3A_565, %get3A_620 : vector<16xf32>
          %add3A_622 = arith.constant 9 : i32
          %add3A_623 = arith.addi %mul3A_114, %add3A_622 : i32
          %get3A_624 = arith.index_cast %add3A_623 : i32 to index
          %get3A_625 = arith.constant 64 : index
          %get3A_626 = tpu.vector_load %arg4[%get3A_624, %get3A_625] {strides = array<i32>} : memref<256x128xf32, #tpu.memory_space<vmem>>, vector<1x16xf32>,
          %get3A_627 = vector.shape_cast %get3A_626 : vector<1x16xf32> to vector<16xf32>
          %add3A_628 = arith.addf %add3A_572, %get3A_627 : vector<16xf32>
          %add3A_629 = arith.constant 9 : i32
          %add3A_630 = arith.addi %mul3A_114, %add3A_629 : i32
          %get3A_631 = arith.index_cast %add3A_630 : i32 to index
          %get3A_632 = arith.constant 80 : index
          %get3A_633 = tpu.vector_load %arg4[%get3A_631, %get3A_632] {strides = array<i32>} : memref<256x128xf32, #tpu.memory_space<vmem>>, vector<1x16xf32>,
          %get3A_634 = vector.shape_cast %get3A_633 : vector<1x16xf32> to vector<16xf32>
          %add3A_635 = arith.addf %add3A_579, %get3A_634 : vector<16xf32>
          %add3A_636 = arith.constant 9 : i32
          %add3A_637 = arith.addi %mul3A_114, %add3A_636 : i32
          %get3A_638 = arith.index_cast %add3A_637 : i32 to index
          %get3A_639 = arith.constant 96 : index
          %get3A_640 = tpu.vector_load %arg4[%get3A_638, %get3A_639] {strides = array<i32>} : memref<256x128xf32, #tpu.memory_space<vmem>>, vector<1x16xf32>,
          %get3A_641 = vector.shape_cast %get3A_640 : vector<1x16xf32> to vector<16xf32>
          %add3A_642 = arith.addf %add3A_586, %get3A_641 : vector<16xf32>
          %add3A_643 = arith.constant 9 : i32
          %add3A_644 = arith.addi %mul3A_114, %add3A_643 : i32
          %get3A_645 = arith.index_cast %add3A_644 : i32 to index
          %get3A_646 = arith.constant 112 : index
          %get3A_647 = tpu.vector_load %arg4[%get3A_645, %get3A_646] {strides = array<i32>} : memref<256x128xf32, #tpu.memory_space<vmem>>, vector<1x16xf32>,
          %get3A_648 = vector.shape_cast %get3A_647 : vector<1x16xf32> to vector<16xf32>
          %add3A_649 = arith.addf %add3A_593, %get3A_648 : vector<16xf32>
          %add3A_650 = arith.constant 10 : i32
          %add3A_651 = arith.addi %mul3A_114, %add3A_650 : i32
          %get3A_652 = arith.index_cast %add3A_651 : i32 to index
          %get3A_653 = arith.constant 0 : index
          %get3A_654 = tpu.vector_load %arg4[%get3A_652, %get3A_653] {strides = array<i32>} : memref<256x128xf32, #tpu.memory_space<vmem>>, vector<1x16xf32>,
          %get3A_655 = vector.shape_cast %get3A_654 : vector<1x16xf32> to vector<16xf32>
          %add3A_656 = arith.addf %add3A_600, %get3A_655 : vector<16xf32>
          %add3A_657 = arith.constant 10 : i32
          %add3A_658 = arith.addi %mul3A_114, %add3A_657 : i32
          %get3A_659 = arith.index_cast %add3A_658 : i32 to index
          %get3A_660 = arith.constant 16 : index
          %get3A_661 = tpu.vector_load %arg4[%get3A_659, %get3A_660] {strides = array<i32>} : memref<256x128xf32, #tpu.memory_space<vmem>>, vector<1x16xf32>,
          %get3A_662 = vector.shape_cast %get3A_661 : vector<1x16xf32> to vector<16xf32>
          %add3A_663 = arith.addf %add3A_607, %get3A_662 : vector<16xf32>
          %add3A_664 = arith.constant 10 : i32
          %add3A_665 = arith.addi %mul3A_114, %add3A_664 : i32
          %get3A_666 = arith.index_cast %add3A_665 : i32 to index
          %get3A_667 = arith.constant 32 : index
          %get3A_668 = tpu.vector_load %arg4[%get3A_666, %get3A_667] {strides = array<i32>} : memref<256x128xf32, #tpu.memory_space<vmem>>, vector<1x16xf32>,
          %get3A_669 = vector.shape_cast %get3A_668 : vector<1x16xf32> to vector<16xf32>
          %add3A_670 = arith.addf %add3A_614, %get3A_669 : vector<16xf32>
          %add3A_671 = arith.constant 10 : i32
          %add3A_672 = arith.addi %mul3A_114, %add3A_671 : i32
          %get3A_673 = arith.index_cast %add3A_672 : i32 to index
          %get3A_674 = arith.constant 48 : index
          %get3A_675 = tpu.vector_load %arg4[%get3A_673, %get3A_674] {strides = array<i32>} : memref<256x128xf32, #tpu.memory_space<vmem>>, vector<1x16xf32>,
          %get3A_676 = vector.shape_cast %get3A_675 : vector<1x16xf32> to vector<16xf32>
          %add3A_677 = arith.addf %add3A_621, %get3A_676 : vector<16xf32>
          %add3A_678 = arith.constant 10 : i32
          %add3A_679 = arith.addi %mul3A_114, %add3A_678 : i32
          %get3A_680 = arith.index_cast %add3A_679 : i32 to index
          %get3A_681 = arith.constant 64 : index
          %get3A_682 = tpu.vector_load %arg4[%get3A_680, %get3A_681] {strides = array<i32>} : memref<256x128xf32, #tpu.memory_space<vmem>>, vector<1x16xf32>,
          %get3A_683 = vector.shape_cast %get3A_682 : vector<1x16xf32> to vector<16xf32>
          %add3A_684 = arith.addf %add3A_628, %get3A_683 : vector<16xf32>
          %add3A_685 = arith.constant 10 : i32
          %add3A_686 = arith.addi %mul3A_114, %add3A_685 : i32
          %get3A_687 = arith.index_cast %add3A_686 : i32 to index
          %get3A_688 = arith.constant 80 : index
          %get3A_689 = tpu.vector_load %arg4[%get3A_687, %get3A_688] {strides = array<i32>} : memref<256x128xf32, #tpu.memory_space<vmem>>, vector<1x16xf32>,
          %get3A_690 = vector.shape_cast %get3A_689 : vector<1x16xf32> to vector<16xf32>
          %add3A_691 = arith.addf %add3A_635, %get3A_690 : vector<16xf32>
          %add3A_692 = arith.constant 10 : i32
          %add3A_693 = arith.addi %mul3A_114, %add3A_692 : i32
          %get3A_694 = arith.index_cast %add3A_693 : i32 to index
          %get3A_695 = arith.constant 96 : index
          %get3A_696 = tpu.vector_load %arg4[%get3A_694, %get3A_695] {strides = array<i32>} : memref<256x128xf32, #tpu.memory_space<vmem>>, vector<1x16xf32>,
          %get3A_697 = vector.shape_cast %get3A_696 : vector<1x16xf32> to vector<16xf32>
          %add3A_698 = arith.addf %add3A_642, %get3A_697 : vector<16xf32>
          %add3A_699 = arith.constant 10 : i32
          %add3A_700 = arith.addi %mul3A_114, %add3A_699 : i32
          %get3A_701 = arith.index_cast %add3A_700 : i32 to index
          %get3A_702 = arith.constant 112 : index
          %get3A_703 = tpu.vector_load %arg4[%get3A_701, %get3A_702] {strides = array<i32>} : memref<256x128xf32, #tpu.memory_space<vmem>>, vector<1x16xf32>,
          %get3A_704 = vector.shape_cast %get3A_703 : vector<1x16xf32> to vector<16xf32>
          %add3A_705 = arith.addf %add3A_649, %get3A_704 : vector<16xf32>
          %add3A_706 = arith.constant 11 : i32
          %add3A_707 = arith.addi %mul3A_114, %add3A_706 : i32
          %get3A_708 = arith.index_cast %add3A_707 : i32 to index
          %get3A_709 = arith.constant 0 : index
          %get3A_710 = tpu.vector_load %arg4[%get3A_708, %get3A_709] {strides = array<i32>} : memref<256x128xf32, #tpu.memory_space<vmem>>, vector<1x16xf32>,
          %get3A_711 = vector.shape_cast %get3A_710 : vector<1x16xf32> to vector<16xf32>
          %add3A_712 = arith.addf %add3A_656, %get3A_711 : vector<16xf32>
          %add3A_713 = arith.constant 11 : i32
          %add3A_714 = arith.addi %mul3A_114, %add3A_713 : i32
          %get3A_715 = arith.index_cast %add3A_714 : i32 to index
          %get3A_716 = arith.constant 16 : index
          %get3A_717 = tpu.vector_load %arg4[%get3A_715, %get3A_716] {strides = array<i32>} : memref<256x128xf32, #tpu.memory_space<vmem>>, vector<1x16xf32>,
          %get3A_718 = vector.shape_cast %get3A_717 : vector<1x16xf32> to vector<16xf32>
          %add3A_719 = arith.addf %add3A_663, %get3A_718 : vector<16xf32>
          %add3A_720 = arith.constant 11 : i32
          %add3A_721 = arith.addi %mul3A_114, %add3A_720 : i32
          %get3A_722 = arith.index_cast %add3A_721 : i32 to index
          %get3A_723 = arith.constant 32 : index
          %get3A_724 = tpu.vector_load %arg4[%get3A_722, %get3A_723] {strides = array<i32>} : memref<256x128xf32, #tpu.memory_space<vmem>>, vector<1x16xf32>,
          %get3A_725 = vector.shape_cast %get3A_724 : vector<1x16xf32> to vector<16xf32>
          %add3A_726 = arith.addf %add3A_670, %get3A_725 : vector<16xf32>
          %add3A_727 = arith.constant 11 : i32
          %add3A_728 = arith.addi %mul3A_114, %add3A_727 : i32
          %get3A_729 = arith.index_cast %add3A_728 : i32 to index
          %get3A_730 = arith.constant 48 : index
          %get3A_731 = tpu.vector_load %arg4[%get3A_729, %get3A_730] {strides = array<i32>} : memref<256x128xf32, #tpu.memory_space<vmem>>, vector<1x16xf32>,
          %get3A_732 = vector.shape_cast %get3A_731 : vector<1x16xf32> to vector<16xf32>
          %add3A_733 = arith.addf %add3A_677, %get3A_732 : vector<16xf32>
          %add3A_734 = arith.constant 11 : i32
          %add3A_735 = arith.addi %mul3A_114, %add3A_734 : i32
          %get3A_736 = arith.index_cast %add3A_735 : i32 to index
          %get3A_737 = arith.constant 64 : index
          %get3A_738 = tpu.vector_load %arg4[%get3A_736, %get3A_737] {strides = array<i32>} : memref<256x128xf32, #tpu.memory_space<vmem>>, vector<1x16xf32>,
          %get3A_739 = vector.shape_cast %get3A_738 : vector<1x16xf32> to vector<16xf32>
          %add3A_740 = arith.addf %add3A_684, %get3A_739 : vector<16xf32>
          %add3A_741 = arith.constant 11 : i32
          %add3A_742 = arith.addi %mul3A_114, %add3A_741 : i32
          %get3A_743 = arith.index_cast %add3A_742 : i32 to index
          %get3A_744 = arith.constant 80 : index
          %get3A_745 = tpu.vector_load %arg4[%get3A_743, %get3A_744] {strides = array<i32>} : memref<256x128xf32, #tpu.memory_space<vmem>>, vector<1x16xf32>,
          %get3A_746 = vector.shape_cast %get3A_745 : vector<1x16xf32> to vector<16xf32>
          %add3A_747 = arith.addf %add3A_691, %get3A_746 : vector<16xf32>
          %add3A_748 = arith.constant 11 : i32
          %add3A_749 = arith.addi %mul3A_114, %add3A_748 : i32
          %get3A_750 = arith.index_cast %add3A_749 : i32 to index
          %get3A_751 = arith.constant 96 : index
          %get3A_752 = tpu.vector_load %arg4[%get3A_750, %get3A_751] {strides = array<i32>} : memref<256x128xf32, #tpu.memory_space<vmem>>, vector<1x16xf32>,
          %get3A_753 = vector.shape_cast %get3A_752 : vector<1x16xf32> to vector<16xf32>
          %add3A_754 = arith.addf %add3A_698, %get3A_753 : vector<16xf32>
          %add3A_755 = arith.constant 11 : i32
          %add3A_756 = arith.addi %mul3A_114, %add3A_755 : i32
          %get3A_757 = arith.index_cast %add3A_756 : i32 to index
          %get3A_758 = arith.constant 112 : index
          %get3A_759 = tpu.vector_load %arg4[%get3A_757, %get3A_758] {strides = array<i32>} : memref<256x128xf32, #tpu.memory_space<vmem>>, vector<1x16xf32>,
          %get3A_760 = vector.shape_cast %get3A_759 : vector<1x16xf32> to vector<16xf32>
          %add3A_761 = arith.addf %add3A_705, %get3A_760 : vector<16xf32>
          %add3A_762 = arith.constant 12 : i32
          %add3A_763 = arith.addi %mul3A_114, %add3A_762 : i32
          %get3A_764 = arith.index_cast %add3A_763 : i32 to index
          %get3A_765 = arith.constant 0 : index
          %get3A_766 = tpu.vector_load %arg4[%get3A_764, %get3A_765] {strides = array<i32>} : memref<256x128xf32, #tpu.memory_space<vmem>>, vector<1x16xf32>,
          %get3A_767 = vector.shape_cast %get3A_766 : vector<1x16xf32> to vector<16xf32>
          %add3A_768 = arith.addf %add3A_712, %get3A_767 : vector<16xf32>
          %add3A_769 = arith.constant 12 : i32
          %add3A_770 = arith.addi %mul3A_114, %add3A_769 : i32
          %get3A_771 = arith.index_cast %add3A_770 : i32 to index
          %get3A_772 = arith.constant 16 : index
          %get3A_773 = tpu.vector_load %arg4[%get3A_771, %get3A_772] {strides = array<i32>} : memref<256x128xf32, #tpu.memory_space<vmem>>, vector<1x16xf32>,
          %get3A_774 = vector.shape_cast %get3A_773 : vector<1x16xf32> to vector<16xf32>
          %add3A_775 = arith.addf %add3A_719, %get3A_774 : vector<16xf32>
          %add3A_776 = arith.constant 12 : i32
          %add3A_777 = arith.addi %mul3A_114, %add3A_776 : i32
          %get3A_778 = arith.index_cast %add3A_777 : i32 to index
          %get3A_779 = arith.constant 32 : index
          %get3A_780 = tpu.vector_load %arg4[%get3A_778, %get3A_779] {strides = array<i32>} : memref<256x128xf32, #tpu.memory_space<vmem>>, vector<1x16xf32>,
          %get3A_781 = vector.shape_cast %get3A_780 : vector<1x16xf32> to vector<16xf32>
          %add3A_782 = arith.addf %add3A_726, %get3A_781 : vector<16xf32>
          %add3A_783 = arith.constant 12 : i32
          %add3A_784 = arith.addi %mul3A_114, %add3A_783 : i32
          %get3A_785 = arith.index_cast %add3A_784 : i32 to index
          %get3A_786 = arith.constant 48 : index
          %get3A_787 = tpu.vector_load %arg4[%get3A_785, %get3A_786] {strides = array<i32>} : memref<256x128xf32, #tpu.memory_space<vmem>>, vector<1x16xf32>,
          %get3A_788 = vector.shape_cast %get3A_787 : vector<1x16xf32> to vector<16xf32>
          %add3A_789 = arith.addf %add3A_733, %get3A_788 : vector<16xf32>
          %add3A_790 = arith.constant 12 : i32
          %add3A_791 = arith.addi %mul3A_114, %add3A_790 : i32
          %get3A_792 = arith.index_cast %add3A_791 : i32 to index
          %get3A_793 = arith.constant 64 : index
          %get3A_794 = tpu.vector_load %arg4[%get3A_792, %get3A_793] {strides = array<i32>} : memref<256x128xf32, #tpu.memory_space<vmem>>, vector<1x16xf32>,
          %get3A_795 = vector.shape_cast %get3A_794 : vector<1x16xf32> to vector<16xf32>
          %add3A_796 = arith.addf %add3A_740, %get3A_795 : vector<16xf32>
          %add3A_797 = arith.constant 12 : i32
          %add3A_798 = arith.addi %mul3A_114, %add3A_797 : i32
          %get3A_799 = arith.index_cast %add3A_798 : i32 to index
          %get3A_800 = arith.constant 80 : index
          %get3A_801 = tpu.vector_load %arg4[%get3A_799, %get3A_800] {strides = array<i32>} : memref<256x128xf32, #tpu.memory_space<vmem>>, vector<1x16xf32>,
          %get3A_802 = vector.shape_cast %get3A_801 : vector<1x16xf32> to vector<16xf32>
          %add3A_803 = arith.addf %add3A_747, %get3A_802 : vector<16xf32>
          %add3A_804 = arith.constant 12 : i32
          %add3A_805 = arith.addi %mul3A_114, %add3A_804 : i32
          %get3A_806 = arith.index_cast %add3A_805 : i32 to index
          %get3A_807 = arith.constant 96 : index
          %get3A_808 = tpu.vector_load %arg4[%get3A_806, %get3A_807] {strides = array<i32>} : memref<256x128xf32, #tpu.memory_space<vmem>>, vector<1x16xf32>,
          %get3A_809 = vector.shape_cast %get3A_808 : vector<1x16xf32> to vector<16xf32>
          %add3A_810 = arith.addf %add3A_754, %get3A_809 : vector<16xf32>
          %add3A_811 = arith.constant 12 : i32
          %add3A_812 = arith.addi %mul3A_114, %add3A_811 : i32
          %get3A_813 = arith.index_cast %add3A_812 : i32 to index
          %get3A_814 = arith.constant 112 : index
          %get3A_815 = tpu.vector_load %arg4[%get3A_813, %get3A_814] {strides = array<i32>} : memref<256x128xf32, #tpu.memory_space<vmem>>, vector<1x16xf32>,
          %get3A_816 = vector.shape_cast %get3A_815 : vector<1x16xf32> to vector<16xf32>
          %add3A_817 = arith.addf %add3A_761, %get3A_816 : vector<16xf32>
          %add3A_818 = arith.constant 13 : i32
          %add3A_819 = arith.addi %mul3A_114, %add3A_818 : i32
          %get3A_820 = arith.index_cast %add3A_819 : i32 to index
          %get3A_821 = arith.constant 0 : index
          %get3A_822 = tpu.vector_load %arg4[%get3A_820, %get3A_821] {strides = array<i32>} : memref<256x128xf32, #tpu.memory_space<vmem>>, vector<1x16xf32>,
          %get3A_823 = vector.shape_cast %get3A_822 : vector<1x16xf32> to vector<16xf32>
          %add3A_824 = arith.addf %add3A_768, %get3A_823 : vector<16xf32>
          %add3A_825 = arith.constant 13 : i32
          %add3A_826 = arith.addi %mul3A_114, %add3A_825 : i32
          %get3A_827 = arith.index_cast %add3A_826 : i32 to index
          %get3A_828 = arith.constant 16 : index
          %get3A_829 = tpu.vector_load %arg4[%get3A_827, %get3A_828] {strides = array<i32>} : memref<256x128xf32, #tpu.memory_space<vmem>>, vector<1x16xf32>,
          %get3A_830 = vector.shape_cast %get3A_829 : vector<1x16xf32> to vector<16xf32>
          %add3A_831 = arith.addf %add3A_775, %get3A_830 : vector<16xf32>
          %add3A_832 = arith.constant 13 : i32
          %add3A_833 = arith.addi %mul3A_114, %add3A_832 : i32
          %get3A_834 = arith.index_cast %add3A_833 : i32 to index
          %get3A_835 = arith.constant 32 : index
          %get3A_836 = tpu.vector_load %arg4[%get3A_834, %get3A_835] {strides = array<i32>} : memref<256x128xf32, #tpu.memory_space<vmem>>, vector<1x16xf32>,
          %get3A_837 = vector.shape_cast %get3A_836 : vector<1x16xf32> to vector<16xf32>
          %add3A_838 = arith.addf %add3A_782, %get3A_837 : vector<16xf32>
          %add3A_839 = arith.constant 13 : i32
          %add3A_840 = arith.addi %mul3A_114, %add3A_839 : i32
          %get3A_841 = arith.index_cast %add3A_840 : i32 to index
          %get3A_842 = arith.constant 48 : index
          %get3A_843 = tpu.vector_load %arg4[%get3A_841, %get3A_842] {strides = array<i32>} : memref<256x128xf32, #tpu.memory_space<vmem>>, vector<1x16xf32>,
          %get3A_844 = vector.shape_cast %get3A_843 : vector<1x16xf32> to vector<16xf32>
          %add3A_845 = arith.addf %add3A_789, %get3A_844 : vector<16xf32>
          %add3A_846 = arith.constant 13 : i32
          %add3A_847 = arith.addi %mul3A_114, %add3A_846 : i32
          %get3A_848 = arith.index_cast %add3A_847 : i32 to index
          %get3A_849 = arith.constant 64 : index
          %get3A_850 = tpu.vector_load %arg4[%get3A_848, %get3A_849] {strides = array<i32>} : memref<256x128xf32, #tpu.memory_space<vmem>>, vector<1x16xf32>,
          %get3A_851 = vector.shape_cast %get3A_850 : vector<1x16xf32> to vector<16xf32>
          %add3A_852 = arith.addf %add3A_796, %get3A_851 : vector<16xf32>
          %add3A_853 = arith.constant 13 : i32
          %add3A_854 = arith.addi %mul3A_114, %add3A_853 : i32
          %get3A_855 = arith.index_cast %add3A_854 : i32 to index
          %get3A_856 = arith.constant 80 : index
          %get3A_857 = tpu.vector_load %arg4[%get3A_855, %get3A_856] {strides = array<i32>} : memref<256x128xf32, #tpu.memory_space<vmem>>, vector<1x16xf32>,
          %get3A_858 = vector.shape_cast %get3A_857 : vector<1x16xf32> to vector<16xf32>
          %add3A_859 = arith.addf %add3A_803, %get3A_858 : vector<16xf32>
          %add3A_860 = arith.constant 13 : i32
          %add3A_861 = arith.addi %mul3A_114, %add3A_860 : i32
          %get3A_862 = arith.index_cast %add3A_861 : i32 to index
          %get3A_863 = arith.constant 96 : index
          %get3A_864 = tpu.vector_load %arg4[%get3A_862, %get3A_863] {strides = array<i32>} : memref<256x128xf32, #tpu.memory_space<vmem>>, vector<1x16xf32>,
          %get3A_865 = vector.shape_cast %get3A_864 : vector<1x16xf32> to vector<16xf32>
          %add3A_866 = arith.addf %add3A_810, %get3A_865 : vector<16xf32>
          %add3A_867 = arith.constant 13 : i32
          %add3A_868 = arith.addi %mul3A_114, %add3A_867 : i32
          %get3A_869 = arith.index_cast %add3A_868 : i32 to index
          %get3A_870 = arith.constant 112 : index
          %get3A_871 = tpu.vector_load %arg4[%get3A_869, %get3A_870] {strides = array<i32>} : memref<256x128xf32, #tpu.memory_space<vmem>>, vector<1x16xf32>,
          %get3A_872 = vector.shape_cast %get3A_871 : vector<1x16xf32> to vector<16xf32>
          %add3A_873 = arith.addf %add3A_817, %get3A_872 : vector<16xf32>
          %add3A_874 = arith.constant 14 : i32
          %add3A_875 = arith.addi %mul3A_114, %add3A_874 : i32
          %get3A_876 = arith.index_cast %add3A_875 : i32 to index
          %get3A_877 = arith.constant 0 : index
          %get3A_878 = tpu.vector_load %arg4[%get3A_876, %get3A_877] {strides = array<i32>} : memref<256x128xf32, #tpu.memory_space<vmem>>, vector<1x16xf32>,
          %get3A_879 = vector.shape_cast %get3A_878 : vector<1x16xf32> to vector<16xf32>
          %add3A_880 = arith.addf %add3A_824, %get3A_879 : vector<16xf32>
          %add3A_881 = arith.constant 14 : i32
          %add3A_882 = arith.addi %mul3A_114, %add3A_881 : i32
          %get3A_883 = arith.index_cast %add3A_882 : i32 to index
          %get3A_884 = arith.constant 16 : index
          %get3A_885 = tpu.vector_load %arg4[%get3A_883, %get3A_884] {strides = array<i32>} : memref<256x128xf32, #tpu.memory_space<vmem>>, vector<1x16xf32>,
          %get3A_886 = vector.shape_cast %get3A_885 : vector<1x16xf32> to vector<16xf32>
          %add3A_887 = arith.addf %add3A_831, %get3A_886 : vector<16xf32>
          %add3A_888 = arith.constant 14 : i32
          %add3A_889 = arith.addi %mul3A_114, %add3A_888 : i32
          %get3A_890 = arith.index_cast %add3A_889 : i32 to index
          %get3A_891 = arith.constant 32 : index
          %get3A_892 = tpu.vector_load %arg4[%get3A_890, %get3A_891] {strides = array<i32>} : memref<256x128xf32, #tpu.memory_space<vmem>>, vector<1x16xf32>,
          %get3A_893 = vector.shape_cast %get3A_892 : vector<1x16xf32> to vector<16xf32>
          %add3A_894 = arith.addf %add3A_838, %get3A_893 : vector<16xf32>
          %add3A_895 = arith.constant 14 : i32
          %add3A_896 = arith.addi %mul3A_114, %add3A_895 : i32
          %get3A_897 = arith.index_cast %add3A_896 : i32 to index
          %get3A_898 = arith.constant 48 : index
          %get3A_899 = tpu.vector_load %arg4[%get3A_897, %get3A_898] {strides = array<i32>} : memref<256x128xf32, #tpu.memory_space<vmem>>, vector<1x16xf32>,
          %get3A_900 = vector.shape_cast %get3A_899 : vector<1x16xf32> to vector<16xf32>
          %add3A_901 = arith.addf %add3A_845, %get3A_900 : vector<16xf32>
          %add3A_902 = arith.constant 14 : i32
          %add3A_903 = arith.addi %mul3A_114, %add3A_902 : i32
          %get3A_904 = arith.index_cast %add3A_903 : i32 to index
          %get3A_905 = arith.constant 64 : index
          %get3A_906 = tpu.vector_load %arg4[%get3A_904, %get3A_905] {strides = array<i32>} : memref<256x128xf32, #tpu.memory_space<vmem>>, vector<1x16xf32>,
          %get3A_907 = vector.shape_cast %get3A_906 : vector<1x16xf32> to vector<16xf32>
          %add3A_908 = arith.addf %add3A_852, %get3A_907 : vector<16xf32>
          %add3A_909 = arith.constant 14 : i32
          %add3A_910 = arith.addi %mul3A_114, %add3A_909 : i32
          %get3A_911 = arith.index_cast %add3A_910 : i32 to index
          %get3A_912 = arith.constant 80 : index
          %get3A_913 = tpu.vector_load %arg4[%get3A_911, %get3A_912] {strides = array<i32>} : memref<256x128xf32, #tpu.memory_space<vmem>>, vector<1x16xf32>,
          %get3A_914 = vector.shape_cast %get3A_913 : vector<1x16xf32> to vector<16xf32>
          %add3A_915 = arith.addf %add3A_859, %get3A_914 : vector<16xf32>
          %add3A_916 = arith.constant 14 : i32
          %add3A_917 = arith.addi %mul3A_114, %add3A_916 : i32
          %get3A_918 = arith.index_cast %add3A_917 : i32 to index
          %get3A_919 = arith.constant 96 : index
          %get3A_920 = tpu.vector_load %arg4[%get3A_918, %get3A_919] {strides = array<i32>} : memref<256x128xf32, #tpu.memory_space<vmem>>, vector<1x16xf32>,
          %get3A_921 = vector.shape_cast %get3A_920 : vector<1x16xf32> to vector<16xf32>
          %add3A_922 = arith.addf %add3A_866, %get3A_921 : vector<16xf32>
          %add3A_923 = arith.constant 14 : i32
          %add3A_924 = arith.addi %mul3A_114, %add3A_923 : i32
          %get3A_925 = arith.index_cast %add3A_924 : i32 to index
          %get3A_926 = arith.constant 112 : index
          %get3A_927 = tpu.vector_load %arg4[%get3A_925, %get3A_926] {strides = array<i32>} : memref<256x128xf32, #tpu.memory_space<vmem>>, vector<1x16xf32>,
          %get3A_928 = vector.shape_cast %get3A_927 : vector<1x16xf32> to vector<16xf32>
          %add3A_929 = arith.addf %add3A_873, %get3A_928 : vector<16xf32>
          %add3A_930 = arith.constant 15 : i32
          %add3A_931 = arith.addi %mul3A_114, %add3A_930 : i32
          %get3A_932 = arith.index_cast %add3A_931 : i32 to index
          %get3A_933 = arith.constant 0 : index
          %get3A_934 = tpu.vector_load %arg4[%get3A_932, %get3A_933] {strides = array<i32>} : memref<256x128xf32, #tpu.memory_space<vmem>>, vector<1x16xf32>,
          %get3A_935 = vector.shape_cast %get3A_934 : vector<1x16xf32> to vector<16xf32>
          %add3A_936 = arith.addf %add3A_880, %get3A_935 : vector<16xf32>
          %add3A_937 = arith.constant 15 : i32
          %add3A_938 = arith.addi %mul3A_114, %add3A_937 : i32
          %get3A_939 = arith.index_cast %add3A_938 : i32 to index
          %get3A_940 = arith.constant 16 : index
          %get3A_941 = tpu.vector_load %arg4[%get3A_939, %get3A_940] {strides = array<i32>} : memref<256x128xf32, #tpu.memory_space<vmem>>, vector<1x16xf32>,
          %get3A_942 = vector.shape_cast %get3A_941 : vector<1x16xf32> to vector<16xf32>
          %add3A_943 = arith.addf %add3A_887, %get3A_942 : vector<16xf32>
          %add3A_944 = arith.constant 15 : i32
          %add3A_945 = arith.addi %mul3A_114, %add3A_944 : i32
          %get3A_946 = arith.index_cast %add3A_945 : i32 to index
          %get3A_947 = arith.constant 32 : index
          %get3A_948 = tpu.vector_load %arg4[%get3A_946, %get3A_947] {strides = array<i32>} : memref<256x128xf32, #tpu.memory_space<vmem>>, vector<1x16xf32>,
          %get3A_949 = vector.shape_cast %get3A_948 : vector<1x16xf32> to vector<16xf32>
          %add3A_950 = arith.addf %add3A_894, %get3A_949 : vector<16xf32>
          %add3A_951 = arith.constant 15 : i32
          %add3A_952 = arith.addi %mul3A_114, %add3A_951 : i32
          %get3A_953 = arith.index_cast %add3A_952 : i32 to index
          %get3A_954 = arith.constant 48 : index
          %get3A_955 = tpu.vector_load %arg4[%get3A_953, %get3A_954] {strides = array<i32>} : memref<256x128xf32, #tpu.memory_space<vmem>>, vector<1x16xf32>,
          %get3A_956 = vector.shape_cast %get3A_955 : vector<1x16xf32> to vector<16xf32>
          %add3A_957 = arith.addf %add3A_901, %get3A_956 : vector<16xf32>
          %add3A_958 = arith.constant 15 : i32
          %add3A_959 = arith.addi %mul3A_114, %add3A_958 : i32
          %get3A_960 = arith.index_cast %add3A_959 : i32 to index
          %get3A_961 = arith.constant 64 : index
          %get3A_962 = tpu.vector_load %arg4[%get3A_960, %get3A_961] {strides = array<i32>} : memref<256x128xf32, #tpu.memory_space<vmem>>, vector<1x16xf32>,
          %get3A_963 = vector.shape_cast %get3A_962 : vector<1x16xf32> to vector<16xf32>
          %add3A_964 = arith.addf %add3A_908, %get3A_963 : vector<16xf32>
          %add3A_965 = arith.constant 15 : i32
          %add3A_966 = arith.addi %mul3A_114, %add3A_965 : i32
          %get3A_967 = arith.index_cast %add3A_966 : i32 to index
          %get3A_968 = arith.constant 80 : index
          %get3A_969 = tpu.vector_load %arg4[%get3A_967, %get3A_968] {strides = array<i32>} : memref<256x128xf32, #tpu.memory_space<vmem>>, vector<1x16xf32>,
          %get3A_970 = vector.shape_cast %get3A_969 : vector<1x16xf32> to vector<16xf32>
          %add3A_971 = arith.addf %add3A_915, %get3A_970 : vector<16xf32>
          %add3A_972 = arith.constant 15 : i32
          %add3A_973 = arith.addi %mul3A_114, %add3A_972 : i32
          %get3A_974 = arith.index_cast %add3A_973 : i32 to index
          %get3A_975 = arith.constant 96 : index
          %get3A_976 = tpu.vector_load %arg4[%get3A_974, %get3A_975] {strides = array<i32>} : memref<256x128xf32, #tpu.memory_space<vmem>>, vector<1x16xf32>,
          %get3A_977 = vector.shape_cast %get3A_976 : vector<1x16xf32> to vector<16xf32>
          %add3A_978 = arith.addf %add3A_922, %get3A_977 : vector<16xf32>
          %add3A_979 = arith.constant 15 : i32
          %add3A_980 = arith.addi %mul3A_114, %add3A_979 : i32
          %get3A_981 = arith.index_cast %add3A_980 : i32 to index
          %get3A_982 = arith.constant 112 : index
          %get3A_983 = tpu.vector_load %arg4[%get3A_981, %get3A_982] {strides = array<i32>} : memref<256x128xf32, #tpu.memory_space<vmem>>, vector<1x16xf32>,
          %get3A_984 = vector.shape_cast %get3A_983 : vector<1x16xf32> to vector<16xf32>
          %add3A_985 = arith.addf %add3A_929, %get3A_984 : vector<16xf32>
          %add3A_986 = arith.constant 16 : i32
          %add3A_987 = arith.addi %mul3A_114, %add3A_986 : i32
          %get3A_988 = arith.index_cast %add3A_987 : i32 to index
          %get3A_989 = arith.constant 0 : index
          %get3A_990 = tpu.vector_load %arg4[%get3A_988, %get3A_989] {strides = array<i32>} : memref<256x128xf32, #tpu.memory_space<vmem>>, vector<1x16xf32>,
          %get3A_991 = vector.shape_cast %get3A_990 : vector<1x16xf32> to vector<16xf32>
          %add3A_992 = arith.addf %add3A_936, %get3A_991 : vector<16xf32>
          %add3A_993 = arith.constant 16 : i32
          %add3A_994 = arith.addi %mul3A_114, %add3A_993 : i32
          %get3A_995 = arith.index_cast %add3A_994 : i32 to index
          %get3A_996 = arith.constant 16 : index
          %get3A_997 = tpu.vector_load %arg4[%get3A_995, %get3A_996] {strides = array<i32>} : memref<256x128xf32, #tpu.memory_space<vmem>>, vector<1x16xf32>,
          %get3A_998 = vector.shape_cast %get3A_997 : vector<1x16xf32> to vector<16xf32>
          %add3A_999 = arith.addf %add3A_943, %get3A_998 : vector<16xf32>
          %add3A_1000 = arith.constant 16 : i32
          %add3A_1001 = arith.addi %mul3A_114, %add3A_1000 : i32
          %get3A_1002 = arith.index_cast %add3A_1001 : i32 to index
          %get3A_1003 = arith.constant 32 : index
          %get3A_1004 = tpu.vector_load %arg4[%get3A_1002, %get3A_1003] {strides = array<i32>} : memref<256x128xf32, #tpu.memory_space<vmem>>, vector<1x16xf32>,
          %get3A_1005 = vector.shape_cast %get3A_1004 : vector<1x16xf32> to vector<16xf32>
          %add3A_1006 = arith.addf %add3A_950, %get3A_1005 : vector<16xf32>
          %add3A_1007 = arith.constant 16 : i32
          %add3A_1008 = arith.addi %mul3A_114, %add3A_1007 : i32
          %get3A_1009 = arith.index_cast %add3A_1008 : i32 to index
          %get3A_1010 = arith.constant 48 : index
          %get3A_1011 = tpu.vector_load %arg4[%get3A_1009, %get3A_1010] {strides = array<i32>} : memref<256x128xf32, #tpu.memory_space<vmem>>, vector<1x16xf32>,
          %get3A_1012 = vector.shape_cast %get3A_1011 : vector<1x16xf32> to vector<16xf32>
          %add3A_1013 = arith.addf %add3A_957, %get3A_1012 : vector<16xf32>
          %add3A_1014 = arith.constant 16 : i32
          %add3A_1015 = arith.addi %mul3A_114, %add3A_1014 : i32
          %get3A_1016 = arith.index_cast %add3A_1015 : i32 to index
          %get3A_1017 = arith.constant 64 : index
          %get3A_1018 = tpu.vector_load %arg4[%get3A_1016, %get3A_1017] {strides = array<i32>} : memref<256x128xf32, #tpu.memory_space<vmem>>, vector<1x16xf32>,
          %get3A_1019 = vector.shape_cast %get3A_1018 : vector<1x16xf32> to vector<16xf32>
          %add3A_1020 = arith.addf %add3A_964, %get3A_1019 : vector<16xf32>
          %add3A_1021 = arith.constant 16 : i32
          %add3A_1022 = arith.addi %mul3A_114, %add3A_1021 : i32
          %get3A_1023 = arith.index_cast %add3A_1022 : i32 to index
          %get3A_1024 = arith.constant 80 : index
          %get3A_1025 = tpu.vector_load %arg4[%get3A_1023, %get3A_1024] {strides = array<i32>} : memref<256x128xf32, #tpu.memory_space<vmem>>, vector<1x16xf32>,
          %get3A_1026 = vector.shape_cast %get3A_1025 : vector<1x16xf32> to vector<16xf32>
          %add3A_1027 = arith.addf %add3A_971, %get3A_1026 : vector<16xf32>
          %add3A_1028 = arith.constant 16 : i32
          %add3A_1029 = arith.addi %mul3A_114, %add3A_1028 : i32
          %get3A_1030 = arith.index_cast %add3A_1029 : i32 to index
          %get3A_1031 = arith.constant 96 : index
          %get3A_1032 = tpu.vector_load %arg4[%get3A_1030, %get3A_1031] {strides = array<i32>} : memref<256x128xf32, #tpu.memory_space<vmem>>, vector<1x16xf32>,
          %get3A_1033 = vector.shape_cast %get3A_1032 : vector<1x16xf32> to vector<16xf32>
          %add3A_1034 = arith.addf %add3A_978, %get3A_1033 : vector<16xf32>
          %add3A_1035 = arith.constant 16 : i32
          %add3A_1036 = arith.addi %mul3A_114, %add3A_1035 : i32
          %get3A_1037 = arith.index_cast %add3A_1036 : i32 to index
          %get3A_1038 = arith.constant 112 : index
          %get3A_1039 = tpu.vector_load %arg4[%get3A_1037, %get3A_1038] {strides = array<i32>} : memref<256x128xf32, #tpu.memory_space<vmem>>, vector<1x16xf32>,
          %get3A_1040 = vector.shape_cast %get3A_1039 : vector<1x16xf32> to vector<16xf32>
          %add3A_1041 = arith.addf %add3A_985, %get3A_1040 : vector<16xf32>
          %add3A_1042 = arith.constant 17 : i32
          %add3A_1043 = arith.addi %mul3A_114, %add3A_1042 : i32
          %get3A_1044 = arith.index_cast %add3A_1043 : i32 to index
          %get3A_1045 = arith.constant 0 : index
          %get3A_1046 = tpu.vector_load %arg4[%get3A_1044, %get3A_1045] {strides = array<i32>} : memref<256x128xf32, #tpu.memory_space<vmem>>, vector<1x16xf32>,
          %get3A_1047 = vector.shape_cast %get3A_1046 : vector<1x16xf32> to vector<16xf32>
          %add3A_1048 = arith.addf %add3A_992, %get3A_1047 : vector<16xf32>
          %add3A_1049 = arith.constant 17 : i32
          %add3A_1050 = arith.addi %mul3A_114, %add3A_1049 : i32
          %get3A_1051 = arith.index_cast %add3A_1050 : i32 to index
          %get3A_1052 = arith.constant 16 : index
          %get3A_1053 = tpu.vector_load %arg4[%get3A_1051, %get3A_1052] {strides = array<i32>} : memref<256x128xf32, #tpu.memory_space<vmem>>, vector<1x16xf32>,
          %get3A_1054 = vector.shape_cast %get3A_1053 : vector<1x16xf32> to vector<16xf32>
          %add3A_1055 = arith.addf %add3A_999, %get3A_1054 : vector<16xf32>
          %add3A_1056 = arith.constant 17 : i32
          %add3A_1057 = arith.addi %mul3A_114, %add3A_1056 : i32
          %get3A_1058 = arith.index_cast %add3A_1057 : i32 to index
          %get3A_1059 = arith.constant 32 : index
          %get3A_1060 = tpu.vector_load %arg4[%get3A_1058, %get3A_1059] {strides = array<i32>} : memref<256x128xf32, #tpu.memory_space<vmem>>, vector<1x16xf32>,
          %get3A_1061 = vector.shape_cast %get3A_1060 : vector<1x16xf32> to vector<16xf32>
          %add3A_1062 = arith.addf %add3A_1006, %get3A_1061 : vector<16xf32>
          %add3A_1063 = arith.constant 17 : i32
          %add3A_1064 = arith.addi %mul3A_114, %add3A_1063 : i32
          %get3A_1065 = arith.index_cast %add3A_1064 : i32 to index
          %get3A_1066 = arith.constant 48 : index
          %get3A_1067 = tpu.vector_load %arg4[%get3A_1065, %get3A_1066] {strides = array<i32>} : memref<256x128xf32, #tpu.memory_space<vmem>>, vector<1x16xf32>,
          %get3A_1068 = vector.shape_cast %get3A_1067 : vector<1x16xf32> to vector<16xf32>
          %add3A_1069 = arith.addf %add3A_1013, %get3A_1068 : vector<16xf32>
          %add3A_1070 = arith.constant 17 : i32
          %add3A_1071 = arith.addi %mul3A_114, %add3A_1070 : i32
          %get3A_1072 = arith.index_cast %add3A_1071 : i32 to index
          %get3A_1073 = arith.constant 64 : index
          %get3A_1074 = tpu.vector_load %arg4[%get3A_1072, %get3A_1073] {strides = array<i32>} : memref<256x128xf32, #tpu.memory_space<vmem>>, vector<1x16xf32>,
          %get3A_1075 = vector.shape_cast %get3A_1074 : vector<1x16xf32> to vector<16xf32>
          %add3A_1076 = arith.addf %add3A_1020, %get3A_1075 : vector<16xf32>
          %add3A_1077 = arith.constant 17 : i32
          %add3A_1078 = arith.addi %mul3A_114, %add3A_1077 : i32
          %get3A_1079 = arith.index_cast %add3A_1078 : i32 to index
          %get3A_1080 = arith.constant 80 : index
          %get3A_1081 = tpu.vector_load %arg4[%get3A_1079, %get3A_1080] {strides = array<i32>} : memref<256x128xf32, #tpu.memory_space<vmem>>, vector<1x16xf32>,
          %get3A_1082 = vector.shape_cast %get3A_1081 : vector<1x16xf32> to vector<16xf32>
          %add3A_1083 = arith.addf %add3A_1027, %get3A_1082 : vector<16xf32>
          %add3A_1084 = arith.constant 17 : i32
          %add3A_1085 = arith.addi %mul3A_114, %add3A_1084 : i32
          %get3A_1086 = arith.index_cast %add3A_1085 : i32 to index
          %get3A_1087 = arith.constant 96 : index
          %get3A_1088 = tpu.vector_load %arg4[%get3A_1086, %get3A_1087] {strides = array<i32>} : memref<256x128xf32, #tpu.memory_space<vmem>>, vector<1x16xf32>,
          %get3A_1089 = vector.shape_cast %get3A_1088 : vector<1x16xf32> to vector<16xf32>
          %add3A_1090 = arith.addf %add3A_1034, %get3A_1089 : vector<16xf32>
          %add3A_1091 = arith.constant 17 : i32
          %add3A_1092 = arith.addi %mul3A_114, %add3A_1091 : i32
          %get3A_1093 = arith.index_cast %add3A_1092 : i32 to index
          %get3A_1094 = arith.constant 112 : index
          %get3A_1095 = tpu.vector_load %arg4[%get3A_1093, %get3A_1094] {strides = array<i32>} : memref<256x128xf32, #tpu.memory_space<vmem>>, vector<1x16xf32>,
          %get3A_1096 = vector.shape_cast %get3A_1095 : vector<1x16xf32> to vector<16xf32>
          %add3A_1097 = arith.addf %add3A_1041, %get3A_1096 : vector<16xf32>
          %add3A_1098 = arith.constant 18 : i32
          %add3A_1099 = arith.addi %mul3A_114, %add3A_1098 : i32
          %get3A_1100 = arith.index_cast %add3A_1099 : i32 to index
          %get3A_1101 = arith.constant 0 : index
          %get3A_1102 = tpu.vector_load %arg4[%get3A_1100, %get3A_1101] {strides = array<i32>} : memref<256x128xf32, #tpu.memory_space<vmem>>, vector<1x16xf32>,
          %get3A_1103 = vector.shape_cast %get3A_1102 : vector<1x16xf32> to vector<16xf32>
          %add3A_1104 = arith.addf %add3A_1048, %get3A_1103 : vector<16xf32>
          %add3A_1105 = arith.constant 18 : i32
          %add3A_1106 = arith.addi %mul3A_114, %add3A_1105 : i32
          %get3A_1107 = arith.index_cast %add3A_1106 : i32 to index
          %get3A_1108 = arith.constant 16 : index
          %get3A_1109 = tpu.vector_load %arg4[%get3A_1107, %get3A_1108] {strides = array<i32>} : memref<256x128xf32, #tpu.memory_space<vmem>>, vector<1x16xf32>,
          %get3A_1110 = vector.shape_cast %get3A_1109 : vector<1x16xf32> to vector<16xf32>
          %add3A_1111 = arith.addf %add3A_1055, %get3A_1110 : vector<16xf32>
          %add3A_1112 = arith.constant 18 : i32
          %add3A_1113 = arith.addi %mul3A_114, %add3A_1112 : i32
          %get3A_1114 = arith.index_cast %add3A_1113 : i32 to index
          %get3A_1115 = arith.constant 32 : index
          %get3A_1116 = tpu.vector_load %arg4[%get3A_1114, %get3A_1115] {strides = array<i32>} : memref<256x128xf32, #tpu.memory_space<vmem>>, vector<1x16xf32>,
          %get3A_1117 = vector.shape_cast %get3A_1116 : vector<1x16xf32> to vector<16xf32>
          %add3A_1118 = arith.addf %add3A_1062, %get3A_1117 : vector<16xf32>
          %add3A_1119 = arith.constant 18 : i32
          %add3A_1120 = arith.addi %mul3A_114, %add3A_1119 : i32
          %get3A_1121 = arith.index_cast %add3A_1120 : i32 to index
          %get3A_1122 = arith.constant 48 : index
          %get3A_1123 = tpu.vector_load %arg4[%get3A_1121, %get3A_1122] {strides = array<i32>} : memref<256x128xf32, #tpu.memory_space<vmem>>, vector<1x16xf32>,
          %get3A_1124 = vector.shape_cast %get3A_1123 : vector<1x16xf32> to vector<16xf32>
          %add3A_1125 = arith.addf %add3A_1069, %get3A_1124 : vector<16xf32>
          %add3A_1126 = arith.constant 18 : i32
          %add3A_1127 = arith.addi %mul3A_114, %add3A_1126 : i32
          %get3A_1128 = arith.index_cast %add3A_1127 : i32 to index
          %get3A_1129 = arith.constant 64 : index
          %get3A_1130 = tpu.vector_load %arg4[%get3A_1128, %get3A_1129] {strides = array<i32>} : memref<256x128xf32, #tpu.memory_space<vmem>>, vector<1x16xf32>,
          %get3A_1131 = vector.shape_cast %get3A_1130 : vector<1x16xf32> to vector<16xf32>
          %add3A_1132 = arith.addf %add3A_1076, %get3A_1131 : vector<16xf32>
          %add3A_1133 = arith.constant 18 : i32
          %add3A_1134 = arith.addi %mul3A_114, %add3A_1133 : i32
          %get3A_1135 = arith.index_cast %add3A_1134 : i32 to index
          %get3A_1136 = arith.constant 80 : index
          %get3A_1137 = tpu.vector_load %arg4[%get3A_1135, %get3A_1136] {strides = array<i32>} : memref<256x128xf32, #tpu.memory_space<vmem>>, vector<1x16xf32>,
          %get3A_1138 = vector.shape_cast %get3A_1137 : vector<1x16xf32> to vector<16xf32>
          %add3A_1139 = arith.addf %add3A_1083, %get3A_1138 : vector<16xf32>
          %add3A_1140 = arith.constant 18 : i32
          %add3A_1141 = arith.addi %mul3A_114, %add3A_1140 : i32
          %get3A_1142 = arith.index_cast %add3A_1141 : i32 to index
          %get3A_1143 = arith.constant 96 : index
          %get3A_1144 = tpu.vector_load %arg4[%get3A_1142, %get3A_1143] {strides = array<i32>} : memref<256x128xf32, #tpu.memory_space<vmem>>, vector<1x16xf32>,
          %get3A_1145 = vector.shape_cast %get3A_1144 : vector<1x16xf32> to vector<16xf32>
          %add3A_1146 = arith.addf %add3A_1090, %get3A_1145 : vector<16xf32>
          %add3A_1147 = arith.constant 18 : i32
          %add3A_1148 = arith.addi %mul3A_114, %add3A_1147 : i32
          %get3A_1149 = arith.index_cast %add3A_1148 : i32 to index
          %get3A_1150 = arith.constant 112 : index
          %get3A_1151 = tpu.vector_load %arg4[%get3A_1149, %get3A_1150] {strides = array<i32>} : memref<256x128xf32, #tpu.memory_space<vmem>>, vector<1x16xf32>,
          %get3A_1152 = vector.shape_cast %get3A_1151 : vector<1x16xf32> to vector<16xf32>
          %add3A_1153 = arith.addf %add3A_1097, %get3A_1152 : vector<16xf32>
          %add3A_1154 = arith.constant 19 : i32
          %add3A_1155 = arith.addi %mul3A_114, %add3A_1154 : i32
          %get3A_1156 = arith.index_cast %add3A_1155 : i32 to index
          %get3A_1157 = arith.constant 0 : index
          %get3A_1158 = tpu.vector_load %arg4[%get3A_1156, %get3A_1157] {strides = array<i32>} : memref<256x128xf32, #tpu.memory_space<vmem>>, vector<1x16xf32>,
          %get3A_1159 = vector.shape_cast %get3A_1158 : vector<1x16xf32> to vector<16xf32>
          %add3A_1160 = arith.addf %add3A_1104, %get3A_1159 : vector<16xf32>
          %add3A_1161 = arith.constant 19 : i32
          %add3A_1162 = arith.addi %mul3A_114, %add3A_1161 : i32
          %get3A_1163 = arith.index_cast %add3A_1162 : i32 to index
          %get3A_1164 = arith.constant 16 : index
          %get3A_1165 = tpu.vector_load %arg4[%get3A_1163, %get3A_1164] {strides = array<i32>} : memref<256x128xf32, #tpu.memory_space<vmem>>, vector<1x16xf32>,
          %get3A_1166 = vector.shape_cast %get3A_1165 : vector<1x16xf32> to vector<16xf32>
          %add3A_1167 = arith.addf %add3A_1111, %get3A_1166 : vector<16xf32>
          %add3A_1168 = arith.constant 19 : i32
          %add3A_1169 = arith.addi %mul3A_114, %add3A_1168 : i32
          %get3A_1170 = arith.index_cast %add3A_1169 : i32 to index
          %get3A_1171 = arith.constant 32 : index
          %get3A_1172 = tpu.vector_load %arg4[%get3A_1170, %get3A_1171] {strides = array<i32>} : memref<256x128xf32, #tpu.memory_space<vmem>>, vector<1x16xf32>,
          %get3A_1173 = vector.shape_cast %get3A_1172 : vector<1x16xf32> to vector<16xf32>
          %add3A_1174 = arith.addf %add3A_1118, %get3A_1173 : vector<16xf32>
          %add3A_1175 = arith.constant 19 : i32
          %add3A_1176 = arith.addi %mul3A_114, %add3A_1175 : i32
          %get3A_1177 = arith.index_cast %add3A_1176 : i32 to index
          %get3A_1178 = arith.constant 48 : index
          %get3A_1179 = tpu.vector_load %arg4[%get3A_1177, %get3A_1178] {strides = array<i32>} : memref<256x128xf32, #tpu.memory_space<vmem>>, vector<1x16xf32>,
          %get3A_1180 = vector.shape_cast %get3A_1179 : vector<1x16xf32> to vector<16xf32>
          %add3A_1181 = arith.addf %add3A_1125, %get3A_1180 : vector<16xf32>
          %add3A_1182 = arith.constant 19 : i32
          %add3A_1183 = arith.addi %mul3A_114, %add3A_1182 : i32
          %get3A_1184 = arith.index_cast %add3A_1183 : i32 to index
          %get3A_1185 = arith.constant 64 : index
          %get3A_1186 = tpu.vector_load %arg4[%get3A_1184, %get3A_1185] {strides = array<i32>} : memref<256x128xf32, #tpu.memory_space<vmem>>, vector<1x16xf32>,
          %get3A_1187 = vector.shape_cast %get3A_1186 : vector<1x16xf32> to vector<16xf32>
          %add3A_1188 = arith.addf %add3A_1132, %get3A_1187 : vector<16xf32>
          %add3A_1189 = arith.constant 19 : i32
          %add3A_1190 = arith.addi %mul3A_114, %add3A_1189 : i32
          %get3A_1191 = arith.index_cast %add3A_1190 : i32 to index
          %get3A_1192 = arith.constant 80 : index
          %get3A_1193 = tpu.vector_load %arg4[%get3A_1191, %get3A_1192] {strides = array<i32>} : memref<256x128xf32, #tpu.memory_space<vmem>>, vector<1x16xf32>,
          %get3A_1194 = vector.shape_cast %get3A_1193 : vector<1x16xf32> to vector<16xf32>
          %add3A_1195 = arith.addf %add3A_1139, %get3A_1194 : vector<16xf32>
          %add3A_1196 = arith.constant 19 : i32
          %add3A_1197 = arith.addi %mul3A_114, %add3A_1196 : i32
          %get3A_1198 = arith.index_cast %add3A_1197 : i32 to index
          %get3A_1199 = arith.constant 96 : index
          %get3A_1200 = tpu.vector_load %arg4[%get3A_1198, %get3A_1199] {strides = array<i32>} : memref<256x128xf32, #tpu.memory_space<vmem>>, vector<1x16xf32>,
          %get3A_1201 = vector.shape_cast %get3A_1200 : vector<1x16xf32> to vector<16xf32>
          %add3A_1202 = arith.addf %add3A_1146, %get3A_1201 : vector<16xf32>
          %add3A_1203 = arith.constant 19 : i32
          %add3A_1204 = arith.addi %mul3A_114, %add3A_1203 : i32
          %get3A_1205 = arith.index_cast %add3A_1204 : i32 to index
          %get3A_1206 = arith.constant 112 : index
          %get3A_1207 = tpu.vector_load %arg4[%get3A_1205, %get3A_1206] {strides = array<i32>} : memref<256x128xf32, #tpu.memory_space<vmem>>, vector<1x16xf32>,
          %get3A_1208 = vector.shape_cast %get3A_1207 : vector<1x16xf32> to vector<16xf32>
          %add3A_1209 = arith.addf %add3A_1153, %get3A_1208 : vector<16xf32>
          %add3A_1210 = arith.constant 20 : i32
          %add3A_1211 = arith.addi %mul3A_114, %add3A_1210 : i32
          %get3A_1212 = arith.index_cast %add3A_1211 : i32 to index
          %get3A_1213 = arith.constant 0 : index
          %get3A_1214 = tpu.vector_load %arg4[%get3A_1212, %get3A_1213] {strides = array<i32>} : memref<256x128xf32, #tpu.memory_space<vmem>>, vector<1x16xf32>,
          %get3A_1215 = vector.shape_cast %get3A_1214 : vector<1x16xf32> to vector<16xf32>
          %add3A_1216 = arith.addf %add3A_1160, %get3A_1215 : vector<16xf32>
          %add3A_1217 = arith.constant 20 : i32
          %add3A_1218 = arith.addi %mul3A_114, %add3A_1217 : i32
          %get3A_1219 = arith.index_cast %add3A_1218 : i32 to index
          %get3A_1220 = arith.constant 16 : index
          %get3A_1221 = tpu.vector_load %arg4[%get3A_1219, %get3A_1220] {strides = array<i32>} : memref<256x128xf32, #tpu.memory_space<vmem>>, vector<1x16xf32>,
          %get3A_1222 = vector.shape_cast %get3A_1221 : vector<1x16xf32> to vector<16xf32>
          %add3A_1223 = arith.addf %add3A_1167, %get3A_1222 : vector<16xf32>
          %add3A_1224 = arith.constant 20 : i32
          %add3A_1225 = arith.addi %mul3A_114, %add3A_1224 : i32
          %get3A_1226 = arith.index_cast %add3A_1225 : i32 to index
          %get3A_1227 = arith.constant 32 : index
          %get3A_1228 = tpu.vector_load %arg4[%get3A_1226, %get3A_1227] {strides = array<i32>} : memref<256x128xf32, #tpu.memory_space<vmem>>, vector<1x16xf32>,
          %get3A_1229 = vector.shape_cast %get3A_1228 : vector<1x16xf32> to vector<16xf32>
          %add3A_1230 = arith.addf %add3A_1174, %get3A_1229 : vector<16xf32>
          %add3A_1231 = arith.constant 20 : i32
          %add3A_1232 = arith.addi %mul3A_114, %add3A_1231 : i32
          %get3A_1233 = arith.index_cast %add3A_1232 : i32 to index
          %get3A_1234 = arith.constant 48 : index
          %get3A_1235 = tpu.vector_load %arg4[%get3A_1233, %get3A_1234] {strides = array<i32>} : memref<256x128xf32, #tpu.memory_space<vmem>>, vector<1x16xf32>,
          %get3A_1236 = vector.shape_cast %get3A_1235 : vector<1x16xf32> to vector<16xf32>
          %add3A_1237 = arith.addf %add3A_1181, %get3A_1236 : vector<16xf32>
          %add3A_1238 = arith.constant 20 : i32
          %add3A_1239 = arith.addi %mul3A_114, %add3A_1238 : i32
          %get3A_1240 = arith.index_cast %add3A_1239 : i32 to index
          %get3A_1241 = arith.constant 64 : index
          %get3A_1242 = tpu.vector_load %arg4[%get3A_1240, %get3A_1241] {strides = array<i32>} : memref<256x128xf32, #tpu.memory_space<vmem>>, vector<1x16xf32>,
          %get3A_1243 = vector.shape_cast %get3A_1242 : vector<1x16xf32> to vector<16xf32>
          %add3A_1244 = arith.addf %add3A_1188, %get3A_1243 : vector<16xf32>
          %add3A_1245 = arith.constant 20 : i32
          %add3A_1246 = arith.addi %mul3A_114, %add3A_1245 : i32
          %get3A_1247 = arith.index_cast %add3A_1246 : i32 to index
          %get3A_1248 = arith.constant 80 : index
          %get3A_1249 = tpu.vector_load %arg4[%get3A_1247, %get3A_1248] {strides = array<i32>} : memref<256x128xf32, #tpu.memory_space<vmem>>, vector<1x16xf32>,
          %get3A_1250 = vector.shape_cast %get3A_1249 : vector<1x16xf32> to vector<16xf32>
          %add3A_1251 = arith.addf %add3A_1195, %get3A_1250 : vector<16xf32>
          %add3A_1252 = arith.constant 20 : i32
          %add3A_1253 = arith.addi %mul3A_114, %add3A_1252 : i32
          %get3A_1254 = arith.index_cast %add3A_1253 : i32 to index
          %get3A_1255 = arith.constant 96 : index
          %get3A_1256 = tpu.vector_load %arg4[%get3A_1254, %get3A_1255] {strides = array<i32>} : memref<256x128xf32, #tpu.memory_space<vmem>>, vector<1x16xf32>,
          %get3A_1257 = vector.shape_cast %get3A_1256 : vector<1x16xf32> to vector<16xf32>
          %add3A_1258 = arith.addf %add3A_1202, %get3A_1257 : vector<16xf32>
          %add3A_1259 = arith.constant 20 : i32
          %add3A_1260 = arith.addi %mul3A_114, %add3A_1259 : i32
          %get3A_1261 = arith.index_cast %add3A_1260 : i32 to index
          %get3A_1262 = arith.constant 112 : index
          %get3A_1263 = tpu.vector_load %arg4[%get3A_1261, %get3A_1262] {strides = array<i32>} : memref<256x128xf32, #tpu.memory_space<vmem>>, vector<1x16xf32>,
          %get3A_1264 = vector.shape_cast %get3A_1263 : vector<1x16xf32> to vector<16xf32>
          %add3A_1265 = arith.addf %add3A_1209, %get3A_1264 : vector<16xf32>
          %add3A_1266 = arith.constant 21 : i32
          %add3A_1267 = arith.addi %mul3A_114, %add3A_1266 : i32
          %get3A_1268 = arith.index_cast %add3A_1267 : i32 to index
          %get3A_1269 = arith.constant 0 : index
          %get3A_1270 = tpu.vector_load %arg4[%get3A_1268, %get3A_1269] {strides = array<i32>} : memref<256x128xf32, #tpu.memory_space<vmem>>, vector<1x16xf32>,
          %get3A_1271 = vector.shape_cast %get3A_1270 : vector<1x16xf32> to vector<16xf32>
          %add3A_1272 = arith.addf %add3A_1216, %get3A_1271 : vector<16xf32>
          %add3A_1273 = arith.constant 21 : i32
          %add3A_1274 = arith.addi %mul3A_114, %add3A_1273 : i32
          %get3A_1275 = arith.index_cast %add3A_1274 : i32 to index
          %get3A_1276 = arith.constant 16 : index
          %get3A_1277 = tpu.vector_load %arg4[%get3A_1275, %get3A_1276] {strides = array<i32>} : memref<256x128xf32, #tpu.memory_space<vmem>>, vector<1x16xf32>,
          %get3A_1278 = vector.shape_cast %get3A_1277 : vector<1x16xf32> to vector<16xf32>
          %add3A_1279 = arith.addf %add3A_1223, %get3A_1278 : vector<16xf32>
          %add3A_1280 = arith.constant 21 : i32
          %add3A_1281 = arith.addi %mul3A_114, %add3A_1280 : i32
          %get3A_1282 = arith.index_cast %add3A_1281 : i32 to index
          %get3A_1283 = arith.constant 32 : index
          %get3A_1284 = tpu.vector_load %arg4[%get3A_1282, %get3A_1283] {strides = array<i32>} : memref<256x128xf32, #tpu.memory_space<vmem>>, vector<1x16xf32>,
          %get3A_1285 = vector.shape_cast %get3A_1284 : vector<1x16xf32> to vector<16xf32>
          %add3A_1286 = arith.addf %add3A_1230, %get3A_1285 : vector<16xf32>
          %add3A_1287 = arith.constant 21 : i32
          %add3A_1288 = arith.addi %mul3A_114, %add3A_1287 : i32
          %get3A_1289 = arith.index_cast %add3A_1288 : i32 to index
          %get3A_1290 = arith.constant 48 : index
          %get3A_1291 = tpu.vector_load %arg4[%get3A_1289, %get3A_1290] {strides = array<i32>} : memref<256x128xf32, #tpu.memory_space<vmem>>, vector<1x16xf32>,
          %get3A_1292 = vector.shape_cast %get3A_1291 : vector<1x16xf32> to vector<16xf32>
          %add3A_1293 = arith.addf %add3A_1237, %get3A_1292 : vector<16xf32>
          %add3A_1294 = arith.constant 21 : i32
          %add3A_1295 = arith.addi %mul3A_114, %add3A_1294 : i32
          %get3A_1296 = arith.index_cast %add3A_1295 : i32 to index
          %get3A_1297 = arith.constant 64 : index
          %get3A_1298 = tpu.vector_load %arg4[%get3A_1296, %get3A_1297] {strides = array<i32>} : memref<256x128xf32, #tpu.memory_space<vmem>>, vector<1x16xf32>,
          %get3A_1299 = vector.shape_cast %get3A_1298 : vector<1x16xf32> to vector<16xf32>
          %add3A_1300 = arith.addf %add3A_1244, %get3A_1299 : vector<16xf32>
          %add3A_1301 = arith.constant 21 : i32
          %add3A_1302 = arith.addi %mul3A_114, %add3A_1301 : i32
          %get3A_1303 = arith.index_cast %add3A_1302 : i32 to index
          %get3A_1304 = arith.constant 80 : index
          %get3A_1305 = tpu.vector_load %arg4[%get3A_1303, %get3A_1304] {strides = array<i32>} : memref<256x128xf32, #tpu.memory_space<vmem>>, vector<1x16xf32>,
          %get3A_1306 = vector.shape_cast %get3A_1305 : vector<1x16xf32> to vector<16xf32>
          %add3A_1307 = arith.addf %add3A_1251, %get3A_1306 : vector<16xf32>
          %add3A_1308 = arith.constant 21 : i32
          %add3A_1309 = arith.addi %mul3A_114, %add3A_1308 : i32
          %get3A_1310 = arith.index_cast %add3A_1309 : i32 to index
          %get3A_1311 = arith.constant 96 : index
          %get3A_1312 = tpu.vector_load %arg4[%get3A_1310, %get3A_1311] {strides = array<i32>} : memref<256x128xf32, #tpu.memory_space<vmem>>, vector<1x16xf32>,
          %get3A_1313 = vector.shape_cast %get3A_1312 : vector<1x16xf32> to vector<16xf32>
          %add3A_1314 = arith.addf %add3A_1258, %get3A_1313 : vector<16xf32>
          %add3A_1315 = arith.constant 21 : i32
          %add3A_1316 = arith.addi %mul3A_114, %add3A_1315 : i32
          %get3A_1317 = arith.index_cast %add3A_1316 : i32 to index
          %get3A_1318 = arith.constant 112 : index
          %get3A_1319 = tpu.vector_load %arg4[%get3A_1317, %get3A_1318] {strides = array<i32>} : memref<256x128xf32, #tpu.memory_space<vmem>>, vector<1x16xf32>,
          %get3A_1320 = vector.shape_cast %get3A_1319 : vector<1x16xf32> to vector<16xf32>
          %add3A_1321 = arith.addf %add3A_1265, %get3A_1320 : vector<16xf32>
          %add3A_1322 = arith.constant 22 : i32
          %add3A_1323 = arith.addi %mul3A_114, %add3A_1322 : i32
          %get3A_1324 = arith.index_cast %add3A_1323 : i32 to index
          %get3A_1325 = arith.constant 0 : index
          %get3A_1326 = tpu.vector_load %arg4[%get3A_1324, %get3A_1325] {strides = array<i32>} : memref<256x128xf32, #tpu.memory_space<vmem>>, vector<1x16xf32>,
          %get3A_1327 = vector.shape_cast %get3A_1326 : vector<1x16xf32> to vector<16xf32>
          %add3A_1328 = arith.addf %add3A_1272, %get3A_1327 : vector<16xf32>
          %add3A_1329 = arith.constant 22 : i32
          %add3A_1330 = arith.addi %mul3A_114, %add3A_1329 : i32
          %get3A_1331 = arith.index_cast %add3A_1330 : i32 to index
          %get3A_1332 = arith.constant 16 : index
          %get3A_1333 = tpu.vector_load %arg4[%get3A_1331, %get3A_1332] {strides = array<i32>} : memref<256x128xf32, #tpu.memory_space<vmem>>, vector<1x16xf32>,
          %get3A_1334 = vector.shape_cast %get3A_1333 : vector<1x16xf32> to vector<16xf32>
          %add3A_1335 = arith.addf %add3A_1279, %get3A_1334 : vector<16xf32>
          %add3A_1336 = arith.constant 22 : i32
          %add3A_1337 = arith.addi %mul3A_114, %add3A_1336 : i32
          %get3A_1338 = arith.index_cast %add3A_1337 : i32 to index
          %get3A_1339 = arith.constant 32 : index
          %get3A_1340 = tpu.vector_load %arg4[%get3A_1338, %get3A_1339] {strides = array<i32>} : memref<256x128xf32, #tpu.memory_space<vmem>>, vector<1x16xf32>,
          %get3A_1341 = vector.shape_cast %get3A_1340 : vector<1x16xf32> to vector<16xf32>
          %add3A_1342 = arith.addf %add3A_1286, %get3A_1341 : vector<16xf32>
          %add3A_1343 = arith.constant 22 : i32
          %add3A_1344 = arith.addi %mul3A_114, %add3A_1343 : i32
          %get3A_1345 = arith.index_cast %add3A_1344 : i32 to index
          %get3A_1346 = arith.constant 48 : index
          %get3A_1347 = tpu.vector_load %arg4[%get3A_1345, %get3A_1346] {strides = array<i32>} : memref<256x128xf32, #tpu.memory_space<vmem>>, vector<1x16xf32>,
          %get3A_1348 = vector.shape_cast %get3A_1347 : vector<1x16xf32> to vector<16xf32>
          %add3A_1349 = arith.addf %add3A_1293, %get3A_1348 : vector<16xf32>
          %add3A_1350 = arith.constant 22 : i32
          %add3A_1351 = arith.addi %mul3A_114, %add3A_1350 : i32
          %get3A_1352 = arith.index_cast %add3A_1351 : i32 to index
          %get3A_1353 = arith.constant 64 : index
          %get3A_1354 = tpu.vector_load %arg4[%get3A_1352, %get3A_1353] {strides = array<i32>} : memref<256x128xf32, #tpu.memory_space<vmem>>, vector<1x16xf32>,
          %get3A_1355 = vector.shape_cast %get3A_1354 : vector<1x16xf32> to vector<16xf32>
          %add3A_1356 = arith.addf %add3A_1300, %get3A_1355 : vector<16xf32>
          %add3A_1357 = arith.constant 22 : i32
          %add3A_1358 = arith.addi %mul3A_114, %add3A_1357 : i32
          %get3A_1359 = arith.index_cast %add3A_1358 : i32 to index
          %get3A_1360 = arith.constant 80 : index
          %get3A_1361 = tpu.vector_load %arg4[%get3A_1359, %get3A_1360] {strides = array<i32>} : memref<256x128xf32, #tpu.memory_space<vmem>>, vector<1x16xf32>,
          %get3A_1362 = vector.shape_cast %get3A_1361 : vector<1x16xf32> to vector<16xf32>
          %add3A_1363 = arith.addf %add3A_1307, %get3A_1362 : vector<16xf32>
          %add3A_1364 = arith.constant 22 : i32
          %add3A_1365 = arith.addi %mul3A_114, %add3A_1364 : i32
          %get3A_1366 = arith.index_cast %add3A_1365 : i32 to index
          %get3A_1367 = arith.constant 96 : index
          %get3A_1368 = tpu.vector_load %arg4[%get3A_1366, %get3A_1367] {strides = array<i32>} : memref<256x128xf32, #tpu.memory_space<vmem>>, vector<1x16xf32>,
          %get3A_1369 = vector.shape_cast %get3A_1368 : vector<1x16xf32> to vector<16xf32>
          %add3A_1370 = arith.addf %add3A_1314, %get3A_1369 : vector<16xf32>
          %add3A_1371 = arith.constant 22 : i32
          %add3A_1372 = arith.addi %mul3A_114, %add3A_1371 : i32
          %get3A_1373 = arith.index_cast %add3A_1372 : i32 to index
          %get3A_1374 = arith.constant 112 : index
          %get3A_1375 = tpu.vector_load %arg4[%get3A_1373, %get3A_1374] {strides = array<i32>} : memref<256x128xf32, #tpu.memory_space<vmem>>, vector<1x16xf32>,
          %get3A_1376 = vector.shape_cast %get3A_1375 : vector<1x16xf32> to vector<16xf32>
          %add3A_1377 = arith.addf %add3A_1321, %get3A_1376 : vector<16xf32>
          %add3A_1378 = arith.constant 23 : i32
          %add3A_1379 = arith.addi %mul3A_114, %add3A_1378 : i32
          %get3A_1380 = arith.index_cast %add3A_1379 : i32 to index
          %get3A_1381 = arith.constant 0 : index
          %get3A_1382 = tpu.vector_load %arg4[%get3A_1380, %get3A_1381] {strides = array<i32>} : memref<256x128xf32, #tpu.memory_space<vmem>>, vector<1x16xf32>,
          %get3A_1383 = vector.shape_cast %get3A_1382 : vector<1x16xf32> to vector<16xf32>
          %add3A_1384 = arith.addf %add3A_1328, %get3A_1383 : vector<16xf32>
          %add3A_1385 = arith.constant 23 : i32
          %add3A_1386 = arith.addi %mul3A_114, %add3A_1385 : i32
          %get3A_1387 = arith.index_cast %add3A_1386 : i32 to index
          %get3A_1388 = arith.constant 16 : index
          %get3A_1389 = tpu.vector_load %arg4[%get3A_1387, %get3A_1388] {strides = array<i32>} : memref<256x128xf32, #tpu.memory_space<vmem>>, vector<1x16xf32>,
          %get3A_1390 = vector.shape_cast %get3A_1389 : vector<1x16xf32> to vector<16xf32>
          %add3A_1391 = arith.addf %add3A_1335, %get3A_1390 : vector<16xf32>
          %add3A_1392 = arith.constant 23 : i32
          %add3A_1393 = arith.addi %mul3A_114, %add3A_1392 : i32
          %get3A_1394 = arith.index_cast %add3A_1393 : i32 to index
          %get3A_1395 = arith.constant 32 : index
          %get3A_1396 = tpu.vector_load %arg4[%get3A_1394, %get3A_1395] {strides = array<i32>} : memref<256x128xf32, #tpu.memory_space<vmem>>, vector<1x16xf32>,
          %get3A_1397 = vector.shape_cast %get3A_1396 : vector<1x16xf32> to vector<16xf32>
          %add3A_1398 = arith.addf %add3A_1342, %get3A_1397 : vector<16xf32>
          %add3A_1399 = arith.constant 23 : i32
          %add3A_1400 = arith.addi %mul3A_114, %add3A_1399 : i32
          %get3A_1401 = arith.index_cast %add3A_1400 : i32 to index
          %get3A_1402 = arith.constant 48 : index
          %get3A_1403 = tpu.vector_load %arg4[%get3A_1401, %get3A_1402] {strides = array<i32>} : memref<256x128xf32, #tpu.memory_space<vmem>>, vector<1x16xf32>,
          %get3A_1404 = vector.shape_cast %get3A_1403 : vector<1x16xf32> to vector<16xf32>
          %add3A_1405 = arith.addf %add3A_1349, %get3A_1404 : vector<16xf32>
          %add3A_1406 = arith.constant 23 : i32
          %add3A_1407 = arith.addi %mul3A_114, %add3A_1406 : i32
          %get3A_1408 = arith.index_cast %add3A_1407 : i32 to index
          %get3A_1409 = arith.constant 64 : index
          %get3A_1410 = tpu.vector_load %arg4[%get3A_1408, %get3A_1409] {strides = array<i32>} : memref<256x128xf32, #tpu.memory_space<vmem>>, vector<1x16xf32>,
          %get3A_1411 = vector.shape_cast %get3A_1410 : vector<1x16xf32> to vector<16xf32>
          %add3A_1412 = arith.addf %add3A_1356, %get3A_1411 : vector<16xf32>
          %add3A_1413 = arith.constant 23 : i32
          %add3A_1414 = arith.addi %mul3A_114, %add3A_1413 : i32
          %get3A_1415 = arith.index_cast %add3A_1414 : i32 to index
          %get3A_1416 = arith.constant 80 : index
          %get3A_1417 = tpu.vector_load %arg4[%get3A_1415, %get3A_1416] {strides = array<i32>} : memref<256x128xf32, #tpu.memory_space<vmem>>, vector<1x16xf32>,
          %get3A_1418 = vector.shape_cast %get3A_1417 : vector<1x16xf32> to vector<16xf32>
          %add3A_1419 = arith.addf %add3A_1363, %get3A_1418 : vector<16xf32>
          %add3A_1420 = arith.constant 23 : i32
          %add3A_1421 = arith.addi %mul3A_114, %add3A_1420 : i32
          %get3A_1422 = arith.index_cast %add3A_1421 : i32 to index
          %get3A_1423 = arith.constant 96 : index
          %get3A_1424 = tpu.vector_load %arg4[%get3A_1422, %get3A_1423] {strides = array<i32>} : memref<256x128xf32, #tpu.memory_space<vmem>>, vector<1x16xf32>,
          %get3A_1425 = vector.shape_cast %get3A_1424 : vector<1x16xf32> to vector<16xf32>
          %add3A_1426 = arith.addf %add3A_1370, %get3A_1425 : vector<16xf32>
          %add3A_1427 = arith.constant 23 : i32
          %add3A_1428 = arith.addi %mul3A_114, %add3A_1427 : i32
          %get3A_1429 = arith.index_cast %add3A_1428 : i32 to index
          %get3A_1430 = arith.constant 112 : index
          %get3A_1431 = tpu.vector_load %arg4[%get3A_1429, %get3A_1430] {strides = array<i32>} : memref<256x128xf32, #tpu.memory_space<vmem>>, vector<1x16xf32>,
          %get3A_1432 = vector.shape_cast %get3A_1431 : vector<1x16xf32> to vector<16xf32>
          %add3A_1433 = arith.addf %add3A_1377, %get3A_1432 : vector<16xf32>
          %add3A_1434 = arith.constant 24 : i32
          %add3A_1435 = arith.addi %mul3A_114, %add3A_1434 : i32
          %get3A_1436 = arith.index_cast %add3A_1435 : i32 to index
          %get3A_1437 = arith.constant 0 : index
          %get3A_1438 = tpu.vector_load %arg4[%get3A_1436, %get3A_1437] {strides = array<i32>} : memref<256x128xf32, #tpu.memory_space<vmem>>, vector<1x16xf32>,
          %get3A_1439 = vector.shape_cast %get3A_1438 : vector<1x16xf32> to vector<16xf32>
          %add3A_1440 = arith.addf %add3A_1384, %get3A_1439 : vector<16xf32>
          %add3A_1441 = arith.constant 24 : i32
          %add3A_1442 = arith.addi %mul3A_114, %add3A_1441 : i32
          %get3A_1443 = arith.index_cast %add3A_1442 : i32 to index
          %get3A_1444 = arith.constant 16 : index
          %get3A_1445 = tpu.vector_load %arg4[%get3A_1443, %get3A_1444] {strides = array<i32>} : memref<256x128xf32, #tpu.memory_space<vmem>>, vector<1x16xf32>,
          %get3A_1446 = vector.shape_cast %get3A_1445 : vector<1x16xf32> to vector<16xf32>
          %add3A_1447 = arith.addf %add3A_1391, %get3A_1446 : vector<16xf32>
          %add3A_1448 = arith.constant 24 : i32
          %add3A_1449 = arith.addi %mul3A_114, %add3A_1448 : i32
          %get3A_1450 = arith.index_cast %add3A_1449 : i32 to index
          %get3A_1451 = arith.constant 32 : index
          %get3A_1452 = tpu.vector_load %arg4[%get3A_1450, %get3A_1451] {strides = array<i32>} : memref<256x128xf32, #tpu.memory_space<vmem>>, vector<1x16xf32>,
          %get3A_1453 = vector.shape_cast %get3A_1452 : vector<1x16xf32> to vector<16xf32>
          %add3A_1454 = arith.addf %add3A_1398, %get3A_1453 : vector<16xf32>
          %add3A_1455 = arith.constant 24 : i32
          %add3A_1456 = arith.addi %mul3A_114, %add3A_1455 : i32
          %get3A_1457 = arith.index_cast %add3A_1456 : i32 to index
          %get3A_1458 = arith.constant 48 : index
          %get3A_1459 = tpu.vector_load %arg4[%get3A_1457, %get3A_1458] {strides = array<i32>} : memref<256x128xf32, #tpu.memory_space<vmem>>, vector<1x16xf32>,
          %get3A_1460 = vector.shape_cast %get3A_1459 : vector<1x16xf32> to vector<16xf32>
          %add3A_1461 = arith.addf %add3A_1405, %get3A_1460 : vector<16xf32>
          %add3A_1462 = arith.constant 24 : i32
          %add3A_1463 = arith.addi %mul3A_114, %add3A_1462 : i32
          %get3A_1464 = arith.index_cast %add3A_1463 : i32 to index
          %get3A_1465 = arith.constant 64 : index
          %get3A_1466 = tpu.vector_load %arg4[%get3A_1464, %get3A_1465] {strides = array<i32>} : memref<256x128xf32, #tpu.memory_space<vmem>>, vector<1x16xf32>,
          %get3A_1467 = vector.shape_cast %get3A_1466 : vector<1x16xf32> to vector<16xf32>
          %add3A_1468 = arith.addf %add3A_1412, %get3A_1467 : vector<16xf32>
          %add3A_1469 = arith.constant 24 : i32
          %add3A_1470 = arith.addi %mul3A_114, %add3A_1469 : i32
          %get3A_1471 = arith.index_cast %add3A_1470 : i32 to index
          %get3A_1472 = arith.constant 80 : index
          %get3A_1473 = tpu.vector_load %arg4[%get3A_1471, %get3A_1472] {strides = array<i32>} : memref<256x128xf32, #tpu.memory_space<vmem>>, vector<1x16xf32>,
          %get3A_1474 = vector.shape_cast %get3A_1473 : vector<1x16xf32> to vector<16xf32>
          %add3A_1475 = arith.addf %add3A_1419, %get3A_1474 : vector<16xf32>
          %add3A_1476 = arith.constant 24 : i32
          %add3A_1477 = arith.addi %mul3A_114, %add3A_1476 : i32
          %get3A_1478 = arith.index_cast %add3A_1477 : i32 to index
          %get3A_1479 = arith.constant 96 : index
          %get3A_1480 = tpu.vector_load %arg4[%get3A_1478, %get3A_1479] {strides = array<i32>} : memref<256x128xf32, #tpu.memory_space<vmem>>, vector<1x16xf32>,
          %get3A_1481 = vector.shape_cast %get3A_1480 : vector<1x16xf32> to vector<16xf32>
          %add3A_1482 = arith.addf %add3A_1426, %get3A_1481 : vector<16xf32>
          %add3A_1483 = arith.constant 24 : i32
          %add3A_1484 = arith.addi %mul3A_114, %add3A_1483 : i32
          %get3A_1485 = arith.index_cast %add3A_1484 : i32 to index
          %get3A_1486 = arith.constant 112 : index
          %get3A_1487 = tpu.vector_load %arg4[%get3A_1485, %get3A_1486] {strides = array<i32>} : memref<256x128xf32, #tpu.memory_space<vmem>>, vector<1x16xf32>,
          %get3A_1488 = vector.shape_cast %get3A_1487 : vector<1x16xf32> to vector<16xf32>
          %add3A_1489 = arith.addf %add3A_1433, %get3A_1488 : vector<16xf32>
          %add3A_1490 = arith.constant 25 : i32
          %add3A_1491 = arith.addi %mul3A_114, %add3A_1490 : i32
          %get3A_1492 = arith.index_cast %add3A_1491 : i32 to index
          %get3A_1493 = arith.constant 0 : index
          %get3A_1494 = tpu.vector_load %arg4[%get3A_1492, %get3A_1493] {strides = array<i32>} : memref<256x128xf32, #tpu.memory_space<vmem>>, vector<1x16xf32>,
          %get3A_1495 = vector.shape_cast %get3A_1494 : vector<1x16xf32> to vector<16xf32>
          %add3A_1496 = arith.addf %add3A_1440, %get3A_1495 : vector<16xf32>
          %add3A_1497 = arith.constant 25 : i32
          %add3A_1498 = arith.addi %mul3A_114, %add3A_1497 : i32
          %get3A_1499 = arith.index_cast %add3A_1498 : i32 to index
          %get3A_1500 = arith.constant 16 : index
          %get3A_1501 = tpu.vector_load %arg4[%get3A_1499, %get3A_1500] {strides = array<i32>} : memref<256x128xf32, #tpu.memory_space<vmem>>, vector<1x16xf32>,
          %get3A_1502 = vector.shape_cast %get3A_1501 : vector<1x16xf32> to vector<16xf32>
          %add3A_1503 = arith.addf %add3A_1447, %get3A_1502 : vector<16xf32>
          %add3A_1504 = arith.constant 25 : i32
          %add3A_1505 = arith.addi %mul3A_114, %add3A_1504 : i32
          %get3A_1506 = arith.index_cast %add3A_1505 : i32 to index
          %get3A_1507 = arith.constant 32 : index
          %get3A_1508 = tpu.vector_load %arg4[%get3A_1506, %get3A_1507] {strides = array<i32>} : memref<256x128xf32, #tpu.memory_space<vmem>>, vector<1x16xf32>,
          %get3A_1509 = vector.shape_cast %get3A_1508 : vector<1x16xf32> to vector<16xf32>
          %add3A_1510 = arith.addf %add3A_1454, %get3A_1509 : vector<16xf32>
          %add3A_1511 = arith.constant 25 : i32
          %add3A_1512 = arith.addi %mul3A_114, %add3A_1511 : i32
          %get3A_1513 = arith.index_cast %add3A_1512 : i32 to index
          %get3A_1514 = arith.constant 48 : index
          %get3A_1515 = tpu.vector_load %arg4[%get3A_1513, %get3A_1514] {strides = array<i32>} : memref<256x128xf32, #tpu.memory_space<vmem>>, vector<1x16xf32>,
          %get3A_1516 = vector.shape_cast %get3A_1515 : vector<1x16xf32> to vector<16xf32>
          %add3A_1517 = arith.addf %add3A_1461, %get3A_1516 : vector<16xf32>
          %add3A_1518 = arith.constant 25 : i32
          %add3A_1519 = arith.addi %mul3A_114, %add3A_1518 : i32
          %get3A_1520 = arith.index_cast %add3A_1519 : i32 to index
          %get3A_1521 = arith.constant 64 : index
          %get3A_1522 = tpu.vector_load %arg4[%get3A_1520, %get3A_1521] {strides = array<i32>} : memref<256x128xf32, #tpu.memory_space<vmem>>, vector<1x16xf32>,
          %get3A_1523 = vector.shape_cast %get3A_1522 : vector<1x16xf32> to vector<16xf32>
          %add3A_1524 = arith.addf %add3A_1468, %get3A_1523 : vector<16xf32>
          %add3A_1525 = arith.constant 25 : i32
          %add3A_1526 = arith.addi %mul3A_114, %add3A_1525 : i32
          %get3A_1527 = arith.index_cast %add3A_1526 : i32 to index
          %get3A_1528 = arith.constant 80 : index
          %get3A_1529 = tpu.vector_load %arg4[%get3A_1527, %get3A_1528] {strides = array<i32>} : memref<256x128xf32, #tpu.memory_space<vmem>>, vector<1x16xf32>,
          %get3A_1530 = vector.shape_cast %get3A_1529 : vector<1x16xf32> to vector<16xf32>
          %add3A_1531 = arith.addf %add3A_1475, %get3A_1530 : vector<16xf32>
          %add3A_1532 = arith.constant 25 : i32
          %add3A_1533 = arith.addi %mul3A_114, %add3A_1532 : i32
          %get3A_1534 = arith.index_cast %add3A_1533 : i32 to index
          %get3A_1535 = arith.constant 96 : index
          %get3A_1536 = tpu.vector_load %arg4[%get3A_1534, %get3A_1535] {strides = array<i32>} : memref<256x128xf32, #tpu.memory_space<vmem>>, vector<1x16xf32>,
          %get3A_1537 = vector.shape_cast %get3A_1536 : vector<1x16xf32> to vector<16xf32>
          %add3A_1538 = arith.addf %add3A_1482, %get3A_1537 : vector<16xf32>
          %add3A_1539 = arith.constant 25 : i32
          %add3A_1540 = arith.addi %mul3A_114, %add3A_1539 : i32
          %get3A_1541 = arith.index_cast %add3A_1540 : i32 to index
          %get3A_1542 = arith.constant 112 : index
          %get3A_1543 = tpu.vector_load %arg4[%get3A_1541, %get3A_1542] {strides = array<i32>} : memref<256x128xf32, #tpu.memory_space<vmem>>, vector<1x16xf32>,
          %get3A_1544 = vector.shape_cast %get3A_1543 : vector<1x16xf32> to vector<16xf32>
          %add3A_1545 = arith.addf %add3A_1489, %get3A_1544 : vector<16xf32>
          %add3A_1546 = arith.constant 26 : i32
          %add3A_1547 = arith.addi %mul3A_114, %add3A_1546 : i32
          %get3A_1548 = arith.index_cast %add3A_1547 : i32 to index
          %get3A_1549 = arith.constant 0 : index
          %get3A_1550 = tpu.vector_load %arg4[%get3A_1548, %get3A_1549] {strides = array<i32>} : memref<256x128xf32, #tpu.memory_space<vmem>>, vector<1x16xf32>,
          %get3A_1551 = vector.shape_cast %get3A_1550 : vector<1x16xf32> to vector<16xf32>
          %add3A_1552 = arith.addf %add3A_1496, %get3A_1551 : vector<16xf32>
          %add3A_1553 = arith.constant 26 : i32
          %add3A_1554 = arith.addi %mul3A_114, %add3A_1553 : i32
          %get3A_1555 = arith.index_cast %add3A_1554 : i32 to index
          %get3A_1556 = arith.constant 16 : index
          %get3A_1557 = tpu.vector_load %arg4[%get3A_1555, %get3A_1556] {strides = array<i32>} : memref<256x128xf32, #tpu.memory_space<vmem>>, vector<1x16xf32>,
          %get3A_1558 = vector.shape_cast %get3A_1557 : vector<1x16xf32> to vector<16xf32>
          %add3A_1559 = arith.addf %add3A_1503, %get3A_1558 : vector<16xf32>
          %add3A_1560 = arith.constant 26 : i32
          %add3A_1561 = arith.addi %mul3A_114, %add3A_1560 : i32
          %get3A_1562 = arith.index_cast %add3A_1561 : i32 to index
          %get3A_1563 = arith.constant 32 : index
          %get3A_1564 = tpu.vector_load %arg4[%get3A_1562, %get3A_1563] {strides = array<i32>} : memref<256x128xf32, #tpu.memory_space<vmem>>, vector<1x16xf32>,
          %get3A_1565 = vector.shape_cast %get3A_1564 : vector<1x16xf32> to vector<16xf32>
          %add3A_1566 = arith.addf %add3A_1510, %get3A_1565 : vector<16xf32>
          %add3A_1567 = arith.constant 26 : i32
          %add3A_1568 = arith.addi %mul3A_114, %add3A_1567 : i32
          %get3A_1569 = arith.index_cast %add3A_1568 : i32 to index
          %get3A_1570 = arith.constant 48 : index
          %get3A_1571 = tpu.vector_load %arg4[%get3A_1569, %get3A_1570] {strides = array<i32>} : memref<256x128xf32, #tpu.memory_space<vmem>>, vector<1x16xf32>,
          %get3A_1572 = vector.shape_cast %get3A_1571 : vector<1x16xf32> to vector<16xf32>
          %add3A_1573 = arith.addf %add3A_1517, %get3A_1572 : vector<16xf32>
          %add3A_1574 = arith.constant 26 : i32
          %add3A_1575 = arith.addi %mul3A_114, %add3A_1574 : i32
          %get3A_1576 = arith.index_cast %add3A_1575 : i32 to index
          %get3A_1577 = arith.constant 64 : index
          %get3A_1578 = tpu.vector_load %arg4[%get3A_1576, %get3A_1577] {strides = array<i32>} : memref<256x128xf32, #tpu.memory_space<vmem>>, vector<1x16xf32>,
          %get3A_1579 = vector.shape_cast %get3A_1578 : vector<1x16xf32> to vector<16xf32>
          %add3A_1580 = arith.addf %add3A_1524, %get3A_1579 : vector<16xf32>
          %add3A_1581 = arith.constant 26 : i32
          %add3A_1582 = arith.addi %mul3A_114, %add3A_1581 : i32
          %get3A_1583 = arith.index_cast %add3A_1582 : i32 to index
          %get3A_1584 = arith.constant 80 : index
          %get3A_1585 = tpu.vector_load %arg4[%get3A_1583, %get3A_1584] {strides = array<i32>} : memref<256x128xf32, #tpu.memory_space<vmem>>, vector<1x16xf32>,
          %get3A_1586 = vector.shape_cast %get3A_1585 : vector<1x16xf32> to vector<16xf32>
          %add3A_1587 = arith.addf %add3A_1531, %get3A_1586 : vector<16xf32>
          %add3A_1588 = arith.constant 26 : i32
          %add3A_1589 = arith.addi %mul3A_114, %add3A_1588 : i32
          %get3A_1590 = arith.index_cast %add3A_1589 : i32 to index
          %get3A_1591 = arith.constant 96 : index
          %get3A_1592 = tpu.vector_load %arg4[%get3A_1590, %get3A_1591] {strides = array<i32>} : memref<256x128xf32, #tpu.memory_space<vmem>>, vector<1x16xf32>,
          %get3A_1593 = vector.shape_cast %get3A_1592 : vector<1x16xf32> to vector<16xf32>
          %add3A_1594 = arith.addf %add3A_1538, %get3A_1593 : vector<16xf32>
          %add3A_1595 = arith.constant 26 : i32
          %add3A_1596 = arith.addi %mul3A_114, %add3A_1595 : i32
          %get3A_1597 = arith.index_cast %add3A_1596 : i32 to index
          %get3A_1598 = arith.constant 112 : index
          %get3A_1599 = tpu.vector_load %arg4[%get3A_1597, %get3A_1598] {strides = array<i32>} : memref<256x128xf32, #tpu.memory_space<vmem>>, vector<1x16xf32>,
          %get3A_1600 = vector.shape_cast %get3A_1599 : vector<1x16xf32> to vector<16xf32>
          %add3A_1601 = arith.addf %add3A_1545, %get3A_1600 : vector<16xf32>
          %add3A_1602 = arith.constant 27 : i32
          %add3A_1603 = arith.addi %mul3A_114, %add3A_1602 : i32
          %get3A_1604 = arith.index_cast %add3A_1603 : i32 to index
          %get3A_1605 = arith.constant 0 : index
          %get3A_1606 = tpu.vector_load %arg4[%get3A_1604, %get3A_1605] {strides = array<i32>} : memref<256x128xf32, #tpu.memory_space<vmem>>, vector<1x16xf32>,
          %get3A_1607 = vector.shape_cast %get3A_1606 : vector<1x16xf32> to vector<16xf32>
          %add3A_1608 = arith.addf %add3A_1552, %get3A_1607 : vector<16xf32>
          %add3A_1609 = arith.constant 27 : i32
          %add3A_1610 = arith.addi %mul3A_114, %add3A_1609 : i32
          %get3A_1611 = arith.index_cast %add3A_1610 : i32 to index
          %get3A_1612 = arith.constant 16 : index
          %get3A_1613 = tpu.vector_load %arg4[%get3A_1611, %get3A_1612] {strides = array<i32>} : memref<256x128xf32, #tpu.memory_space<vmem>>, vector<1x16xf32>,
          %get3A_1614 = vector.shape_cast %get3A_1613 : vector<1x16xf32> to vector<16xf32>
          %add3A_1615 = arith.addf %add3A_1559, %get3A_1614 : vector<16xf32>
          %add3A_1616 = arith.constant 27 : i32
          %add3A_1617 = arith.addi %mul3A_114, %add3A_1616 : i32
          %get3A_1618 = arith.index_cast %add3A_1617 : i32 to index
          %get3A_1619 = arith.constant 32 : index
          %get3A_1620 = tpu.vector_load %arg4[%get3A_1618, %get3A_1619] {strides = array<i32>} : memref<256x128xf32, #tpu.memory_space<vmem>>, vector<1x16xf32>,
          %get3A_1621 = vector.shape_cast %get3A_1620 : vector<1x16xf32> to vector<16xf32>
          %add3A_1622 = arith.addf %add3A_1566, %get3A_1621 : vector<16xf32>
          %add3A_1623 = arith.constant 27 : i32
          %add3A_1624 = arith.addi %mul3A_114, %add3A_1623 : i32
          %get3A_1625 = arith.index_cast %add3A_1624 : i32 to index
          %get3A_1626 = arith.constant 48 : index
          %get3A_1627 = tpu.vector_load %arg4[%get3A_1625, %get3A_1626] {strides = array<i32>} : memref<256x128xf32, #tpu.memory_space<vmem>>, vector<1x16xf32>,
          %get3A_1628 = vector.shape_cast %get3A_1627 : vector<1x16xf32> to vector<16xf32>
          %add3A_1629 = arith.addf %add3A_1573, %get3A_1628 : vector<16xf32>
          %add3A_1630 = arith.constant 27 : i32
          %add3A_1631 = arith.addi %mul3A_114, %add3A_1630 : i32
          %get3A_1632 = arith.index_cast %add3A_1631 : i32 to index
          %get3A_1633 = arith.constant 64 : index
          %get3A_1634 = tpu.vector_load %arg4[%get3A_1632, %get3A_1633] {strides = array<i32>} : memref<256x128xf32, #tpu.memory_space<vmem>>, vector<1x16xf32>,
          %get3A_1635 = vector.shape_cast %get3A_1634 : vector<1x16xf32> to vector<16xf32>
          %add3A_1636 = arith.addf %add3A_1580, %get3A_1635 : vector<16xf32>
          %add3A_1637 = arith.constant 27 : i32
          %add3A_1638 = arith.addi %mul3A_114, %add3A_1637 : i32
          %get3A_1639 = arith.index_cast %add3A_1638 : i32 to index
          %get3A_1640 = arith.constant 80 : index
          %get3A_1641 = tpu.vector_load %arg4[%get3A_1639, %get3A_1640] {strides = array<i32>} : memref<256x128xf32, #tpu.memory_space<vmem>>, vector<1x16xf32>,
          %get3A_1642 = vector.shape_cast %get3A_1641 : vector<1x16xf32> to vector<16xf32>
          %add3A_1643 = arith.addf %add3A_1587, %get3A_1642 : vector<16xf32>
          %add3A_1644 = arith.constant 27 : i32
          %add3A_1645 = arith.addi %mul3A_114, %add3A_1644 : i32
          %get3A_1646 = arith.index_cast %add3A_1645 : i32 to index
          %get3A_1647 = arith.constant 96 : index
          %get3A_1648 = tpu.vector_load %arg4[%get3A_1646, %get3A_1647] {strides = array<i32>} : memref<256x128xf32, #tpu.memory_space<vmem>>, vector<1x16xf32>,
          %get3A_1649 = vector.shape_cast %get3A_1648 : vector<1x16xf32> to vector<16xf32>
          %add3A_1650 = arith.addf %add3A_1594, %get3A_1649 : vector<16xf32>
          %add3A_1651 = arith.constant 27 : i32
          %add3A_1652 = arith.addi %mul3A_114, %add3A_1651 : i32
          %get3A_1653 = arith.index_cast %add3A_1652 : i32 to index
          %get3A_1654 = arith.constant 112 : index
          %get3A_1655 = tpu.vector_load %arg4[%get3A_1653, %get3A_1654] {strides = array<i32>} : memref<256x128xf32, #tpu.memory_space<vmem>>, vector<1x16xf32>,
          %get3A_1656 = vector.shape_cast %get3A_1655 : vector<1x16xf32> to vector<16xf32>
          %add3A_1657 = arith.addf %add3A_1601, %get3A_1656 : vector<16xf32>
          %add3A_1658 = arith.constant 28 : i32
          %add3A_1659 = arith.addi %mul3A_114, %add3A_1658 : i32
          %get3A_1660 = arith.index_cast %add3A_1659 : i32 to index
          %get3A_1661 = arith.constant 0 : index
          %get3A_1662 = tpu.vector_load %arg4[%get3A_1660, %get3A_1661] {strides = array<i32>} : memref<256x128xf32, #tpu.memory_space<vmem>>, vector<1x16xf32>,
          %get3A_1663 = vector.shape_cast %get3A_1662 : vector<1x16xf32> to vector<16xf32>
          %add3A_1664 = arith.addf %add3A_1608, %get3A_1663 : vector<16xf32>
          %add3A_1665 = arith.constant 28 : i32
          %add3A_1666 = arith.addi %mul3A_114, %add3A_1665 : i32
          %get3A_1667 = arith.index_cast %add3A_1666 : i32 to index
          %get3A_1668 = arith.constant 16 : index
          %get3A_1669 = tpu.vector_load %arg4[%get3A_1667, %get3A_1668] {strides = array<i32>} : memref<256x128xf32, #tpu.memory_space<vmem>>, vector<1x16xf32>,
          %get3A_1670 = vector.shape_cast %get3A_1669 : vector<1x16xf32> to vector<16xf32>
          %add3A_1671 = arith.addf %add3A_1615, %get3A_1670 : vector<16xf32>
          %add3A_1672 = arith.constant 28 : i32
          %add3A_1673 = arith.addi %mul3A_114, %add3A_1672 : i32
          %get3A_1674 = arith.index_cast %add3A_1673 : i32 to index
          %get3A_1675 = arith.constant 32 : index
          %get3A_1676 = tpu.vector_load %arg4[%get3A_1674, %get3A_1675] {strides = array<i32>} : memref<256x128xf32, #tpu.memory_space<vmem>>, vector<1x16xf32>,
          %get3A_1677 = vector.shape_cast %get3A_1676 : vector<1x16xf32> to vector<16xf32>
          %add3A_1678 = arith.addf %add3A_1622, %get3A_1677 : vector<16xf32>
          %add3A_1679 = arith.constant 28 : i32
          %add3A_1680 = arith.addi %mul3A_114, %add3A_1679 : i32
          %get3A_1681 = arith.index_cast %add3A_1680 : i32 to index
          %get3A_1682 = arith.constant 48 : index
          %get3A_1683 = tpu.vector_load %arg4[%get3A_1681, %get3A_1682] {strides = array<i32>} : memref<256x128xf32, #tpu.memory_space<vmem>>, vector<1x16xf32>,
          %get3A_1684 = vector.shape_cast %get3A_1683 : vector<1x16xf32> to vector<16xf32>
          %add3A_1685 = arith.addf %add3A_1629, %get3A_1684 : vector<16xf32>
          %add3A_1686 = arith.constant 28 : i32
          %add3A_1687 = arith.addi %mul3A_114, %add3A_1686 : i32
          %get3A_1688 = arith.index_cast %add3A_1687 : i32 to index
          %get3A_1689 = arith.constant 64 : index
          %get3A_1690 = tpu.vector_load %arg4[%get3A_1688, %get3A_1689] {strides = array<i32>} : memref<256x128xf32, #tpu.memory_space<vmem>>, vector<1x16xf32>,
          %get3A_1691 = vector.shape_cast %get3A_1690 : vector<1x16xf32> to vector<16xf32>
          %add3A_1692 = arith.addf %add3A_1636, %get3A_1691 : vector<16xf32>
          %add3A_1693 = arith.constant 28 : i32
          %add3A_1694 = arith.addi %mul3A_114, %add3A_1693 : i32
          %get3A_1695 = arith.index_cast %add3A_1694 : i32 to index
          %get3A_1696 = arith.constant 80 : index
          %get3A_1697 = tpu.vector_load %arg4[%get3A_1695, %get3A_1696] {strides = array<i32>} : memref<256x128xf32, #tpu.memory_space<vmem>>, vector<1x16xf32>,
          %get3A_1698 = vector.shape_cast %get3A_1697 : vector<1x16xf32> to vector<16xf32>
          %add3A_1699 = arith.addf %add3A_1643, %get3A_1698 : vector<16xf32>
          %add3A_1700 = arith.constant 28 : i32
          %add3A_1701 = arith.addi %mul3A_114, %add3A_1700 : i32
          %get3A_1702 = arith.index_cast %add3A_1701 : i32 to index
          %get3A_1703 = arith.constant 96 : index
          %get3A_1704 = tpu.vector_load %arg4[%get3A_1702, %get3A_1703] {strides = array<i32>} : memref<256x128xf32, #tpu.memory_space<vmem>>, vector<1x16xf32>,
          %get3A_1705 = vector.shape_cast %get3A_1704 : vector<1x16xf32> to vector<16xf32>
          %add3A_1706 = arith.addf %add3A_1650, %get3A_1705 : vector<16xf32>
          %add3A_1707 = arith.constant 28 : i32
          %add3A_1708 = arith.addi %mul3A_114, %add3A_1707 : i32
          %get3A_1709 = arith.index_cast %add3A_1708 : i32 to index
          %get3A_1710 = arith.constant 112 : index
          %get3A_1711 = tpu.vector_load %arg4[%get3A_1709, %get3A_1710] {strides = array<i32>} : memref<256x128xf32, #tpu.memory_space<vmem>>, vector<1x16xf32>,
          %get3A_1712 = vector.shape_cast %get3A_1711 : vector<1x16xf32> to vector<16xf32>
          %add3A_1713 = arith.addf %add3A_1657, %get3A_1712 : vector<16xf32>
          %add3A_1714 = arith.constant 29 : i32
          %add3A_1715 = arith.addi %mul3A_114, %add3A_1714 : i32
          %get3A_1716 = arith.index_cast %add3A_1715 : i32 to index
          %get3A_1717 = arith.constant 0 : index
          %get3A_1718 = tpu.vector_load %arg4[%get3A_1716, %get3A_1717] {strides = array<i32>} : memref<256x128xf32, #tpu.memory_space<vmem>>, vector<1x16xf32>,
          %get3A_1719 = vector.shape_cast %get3A_1718 : vector<1x16xf32> to vector<16xf32>
          %add3A_1720 = arith.addf %add3A_1664, %get3A_1719 : vector<16xf32>
          %add3A_1721 = arith.constant 29 : i32
          %add3A_1722 = arith.addi %mul3A_114, %add3A_1721 : i32
          %get3A_1723 = arith.index_cast %add3A_1722 : i32 to index
          %get3A_1724 = arith.constant 16 : index
          %get3A_1725 = tpu.vector_load %arg4[%get3A_1723, %get3A_1724] {strides = array<i32>} : memref<256x128xf32, #tpu.memory_space<vmem>>, vector<1x16xf32>,
          %get3A_1726 = vector.shape_cast %get3A_1725 : vector<1x16xf32> to vector<16xf32>
          %add3A_1727 = arith.addf %add3A_1671, %get3A_1726 : vector<16xf32>
          %add3A_1728 = arith.constant 29 : i32
          %add3A_1729 = arith.addi %mul3A_114, %add3A_1728 : i32
          %get3A_1730 = arith.index_cast %add3A_1729 : i32 to index
          %get3A_1731 = arith.constant 32 : index
          %get3A_1732 = tpu.vector_load %arg4[%get3A_1730, %get3A_1731] {strides = array<i32>} : memref<256x128xf32, #tpu.memory_space<vmem>>, vector<1x16xf32>,
          %get3A_1733 = vector.shape_cast %get3A_1732 : vector<1x16xf32> to vector<16xf32>
          %add3A_1734 = arith.addf %add3A_1678, %get3A_1733 : vector<16xf32>
          %add3A_1735 = arith.constant 29 : i32
          %add3A_1736 = arith.addi %mul3A_114, %add3A_1735 : i32
          %get3A_1737 = arith.index_cast %add3A_1736 : i32 to index
          %get3A_1738 = arith.constant 48 : index
          %get3A_1739 = tpu.vector_load %arg4[%get3A_1737, %get3A_1738] {strides = array<i32>} : memref<256x128xf32, #tpu.memory_space<vmem>>, vector<1x16xf32>,
          %get3A_1740 = vector.shape_cast %get3A_1739 : vector<1x16xf32> to vector<16xf32>
          %add3A_1741 = arith.addf %add3A_1685, %get3A_1740 : vector<16xf32>
          %add3A_1742 = arith.constant 29 : i32
          %add3A_1743 = arith.addi %mul3A_114, %add3A_1742 : i32
          %get3A_1744 = arith.index_cast %add3A_1743 : i32 to index
          %get3A_1745 = arith.constant 64 : index
          %get3A_1746 = tpu.vector_load %arg4[%get3A_1744, %get3A_1745] {strides = array<i32>} : memref<256x128xf32, #tpu.memory_space<vmem>>, vector<1x16xf32>,
          %get3A_1747 = vector.shape_cast %get3A_1746 : vector<1x16xf32> to vector<16xf32>
          %add3A_1748 = arith.addf %add3A_1692, %get3A_1747 : vector<16xf32>
          %add3A_1749 = arith.constant 29 : i32
          %add3A_1750 = arith.addi %mul3A_114, %add3A_1749 : i32
          %get3A_1751 = arith.index_cast %add3A_1750 : i32 to index
          %get3A_1752 = arith.constant 80 : index
          %get3A_1753 = tpu.vector_load %arg4[%get3A_1751, %get3A_1752] {strides = array<i32>} : memref<256x128xf32, #tpu.memory_space<vmem>>, vector<1x16xf32>,
          %get3A_1754 = vector.shape_cast %get3A_1753 : vector<1x16xf32> to vector<16xf32>
          %add3A_1755 = arith.addf %add3A_1699, %get3A_1754 : vector<16xf32>
          %add3A_1756 = arith.constant 29 : i32
          %add3A_1757 = arith.addi %mul3A_114, %add3A_1756 : i32
          %get3A_1758 = arith.index_cast %add3A_1757 : i32 to index
          %get3A_1759 = arith.constant 96 : index
          %get3A_1760 = tpu.vector_load %arg4[%get3A_1758, %get3A_1759] {strides = array<i32>} : memref<256x128xf32, #tpu.memory_space<vmem>>, vector<1x16xf32>,
          %get3A_1761 = vector.shape_cast %get3A_1760 : vector<1x16xf32> to vector<16xf32>
          %add3A_1762 = arith.addf %add3A_1706, %get3A_1761 : vector<16xf32>
          %add3A_1763 = arith.constant 29 : i32
          %add3A_1764 = arith.addi %mul3A_114, %add3A_1763 : i32
          %get3A_1765 = arith.index_cast %add3A_1764 : i32 to index
          %get3A_1766 = arith.constant 112 : index
          %get3A_1767 = tpu.vector_load %arg4[%get3A_1765, %get3A_1766] {strides = array<i32>} : memref<256x128xf32, #tpu.memory_space<vmem>>, vector<1x16xf32>,
          %get3A_1768 = vector.shape_cast %get3A_1767 : vector<1x16xf32> to vector<16xf32>
          %add3A_1769 = arith.addf %add3A_1713, %get3A_1768 : vector<16xf32>
          %add3A_1770 = arith.constant 30 : i32
          %add3A_1771 = arith.addi %mul3A_114, %add3A_1770 : i32
          %get3A_1772 = arith.index_cast %add3A_1771 : i32 to index
          %get3A_1773 = arith.constant 0 : index
          %get3A_1774 = tpu.vector_load %arg4[%get3A_1772, %get3A_1773] {strides = array<i32>} : memref<256x128xf32, #tpu.memory_space<vmem>>, vector<1x16xf32>,
          %get3A_1775 = vector.shape_cast %get3A_1774 : vector<1x16xf32> to vector<16xf32>
          %add3A_1776 = arith.addf %add3A_1720, %get3A_1775 : vector<16xf32>
          %add3A_1777 = arith.constant 30 : i32
          %add3A_1778 = arith.addi %mul3A_114, %add3A_1777 : i32
          %get3A_1779 = arith.index_cast %add3A_1778 : i32 to index
          %get3A_1780 = arith.constant 16 : index
          %get3A_1781 = tpu.vector_load %arg4[%get3A_1779, %get3A_1780] {strides = array<i32>} : memref<256x128xf32, #tpu.memory_space<vmem>>, vector<1x16xf32>,
          %get3A_1782 = vector.shape_cast %get3A_1781 : vector<1x16xf32> to vector<16xf32>
          %add3A_1783 = arith.addf %add3A_1727, %get3A_1782 : vector<16xf32>
          %add3A_1784 = arith.constant 30 : i32
          %add3A_1785 = arith.addi %mul3A_114, %add3A_1784 : i32
          %get3A_1786 = arith.index_cast %add3A_1785 : i32 to index
          %get3A_1787 = arith.constant 32 : index
          %get3A_1788 = tpu.vector_load %arg4[%get3A_1786, %get3A_1787] {strides = array<i32>} : memref<256x128xf32, #tpu.memory_space<vmem>>, vector<1x16xf32>,
          %get3A_1789 = vector.shape_cast %get3A_1788 : vector<1x16xf32> to vector<16xf32>
          %add3A_1790 = arith.addf %add3A_1734, %get3A_1789 : vector<16xf32>
          %add3A_1791 = arith.constant 30 : i32
          %add3A_1792 = arith.addi %mul3A_114, %add3A_1791 : i32
          %get3A_1793 = arith.index_cast %add3A_1792 : i32 to index
          %get3A_1794 = arith.constant 48 : index
          %get3A_1795 = tpu.vector_load %arg4[%get3A_1793, %get3A_1794] {strides = array<i32>} : memref<256x128xf32, #tpu.memory_space<vmem>>, vector<1x16xf32>,
          %get3A_1796 = vector.shape_cast %get3A_1795 : vector<1x16xf32> to vector<16xf32>
          %add3A_1797 = arith.addf %add3A_1741, %get3A_1796 : vector<16xf32>
          %add3A_1798 = arith.constant 30 : i32
          %add3A_1799 = arith.addi %mul3A_114, %add3A_1798 : i32
          %get3A_1800 = arith.index_cast %add3A_1799 : i32 to index
          %get3A_1801 = arith.constant 64 : index
          %get3A_1802 = tpu.vector_load %arg4[%get3A_1800, %get3A_1801] {strides = array<i32>} : memref<256x128xf32, #tpu.memory_space<vmem>>, vector<1x16xf32>,
          %get3A_1803 = vector.shape_cast %get3A_1802 : vector<1x16xf32> to vector<16xf32>
          %add3A_1804 = arith.addf %add3A_1748, %get3A_1803 : vector<16xf32>
          %add3A_1805 = arith.constant 30 : i32
          %add3A_1806 = arith.addi %mul3A_114, %add3A_1805 : i32
          %get3A_1807 = arith.index_cast %add3A_1806 : i32 to index
          %get3A_1808 = arith.constant 80 : index
          %get3A_1809 = tpu.vector_load %arg4[%get3A_1807, %get3A_1808] {strides = array<i32>} : memref<256x128xf32, #tpu.memory_space<vmem>>, vector<1x16xf32>,
          %get3A_1810 = vector.shape_cast %get3A_1809 : vector<1x16xf32> to vector<16xf32>
          %add3A_1811 = arith.addf %add3A_1755, %get3A_1810 : vector<16xf32>
          %add3A_1812 = arith.constant 30 : i32
          %add3A_1813 = arith.addi %mul3A_114, %add3A_1812 : i32
          %get3A_1814 = arith.index_cast %add3A_1813 : i32 to index
          %get3A_1815 = arith.constant 96 : index
          %get3A_1816 = tpu.vector_load %arg4[%get3A_1814, %get3A_1815] {strides = array<i32>} : memref<256x128xf32, #tpu.memory_space<vmem>>, vector<1x16xf32>,
          %get3A_1817 = vector.shape_cast %get3A_1816 : vector<1x16xf32> to vector<16xf32>
          %add3A_1818 = arith.addf %add3A_1762, %get3A_1817 : vector<16xf32>
          %add3A_1819 = arith.constant 30 : i32
          %add3A_1820 = arith.addi %mul3A_114, %add3A_1819 : i32
          %get3A_1821 = arith.index_cast %add3A_1820 : i32 to index
          %get3A_1822 = arith.constant 112 : index
          %get3A_1823 = tpu.vector_load %arg4[%get3A_1821, %get3A_1822] {strides = array<i32>} : memref<256x128xf32, #tpu.memory_space<vmem>>, vector<1x16xf32>,
          %get3A_1824 = vector.shape_cast %get3A_1823 : vector<1x16xf32> to vector<16xf32>
          %add3A_1825 = arith.addf %add3A_1769, %get3A_1824 : vector<16xf32>
          %add3A_1826 = arith.constant 31 : i32
          %add3A_1827 = arith.addi %mul3A_114, %add3A_1826 : i32
          %get3A_1828 = arith.index_cast %add3A_1827 : i32 to index
          %get3A_1829 = arith.constant 0 : index
          %get3A_1830 = tpu.vector_load %arg4[%get3A_1828, %get3A_1829] {strides = array<i32>} : memref<256x128xf32, #tpu.memory_space<vmem>>, vector<1x16xf32>,
          %get3A_1831 = vector.shape_cast %get3A_1830 : vector<1x16xf32> to vector<16xf32>
          %add3A_1832 = arith.addf %add3A_1776, %get3A_1831 : vector<16xf32>
          %add3A_1833 = arith.constant 31 : i32
          %add3A_1834 = arith.addi %mul3A_114, %add3A_1833 : i32
          %get3A_1835 = arith.index_cast %add3A_1834 : i32 to index
          %get3A_1836 = arith.constant 16 : index
          %get3A_1837 = tpu.vector_load %arg4[%get3A_1835, %get3A_1836] {strides = array<i32>} : memref<256x128xf32, #tpu.memory_space<vmem>>, vector<1x16xf32>,
          %get3A_1838 = vector.shape_cast %get3A_1837 : vector<1x16xf32> to vector<16xf32>
          %add3A_1839 = arith.addf %add3A_1783, %get3A_1838 : vector<16xf32>
          %add3A_1840 = arith.constant 31 : i32
          %add3A_1841 = arith.addi %mul3A_114, %add3A_1840 : i32
          %get3A_1842 = arith.index_cast %add3A_1841 : i32 to index
          %get3A_1843 = arith.constant 32 : index
          %get3A_1844 = tpu.vector_load %arg4[%get3A_1842, %get3A_1843] {strides = array<i32>} : memref<256x128xf32, #tpu.memory_space<vmem>>, vector<1x16xf32>,
          %get3A_1845 = vector.shape_cast %get3A_1844 : vector<1x16xf32> to vector<16xf32>
          %add3A_1846 = arith.addf %add3A_1790, %get3A_1845 : vector<16xf32>
          %add3A_1847 = arith.constant 31 : i32
          %add3A_1848 = arith.addi %mul3A_114, %add3A_1847 : i32
          %get3A_1849 = arith.index_cast %add3A_1848 : i32 to index
          %get3A_1850 = arith.constant 48 : index
          %get3A_1851 = tpu.vector_load %arg4[%get3A_1849, %get3A_1850] {strides = array<i32>} : memref<256x128xf32, #tpu.memory_space<vmem>>, vector<1x16xf32>,
          %get3A_1852 = vector.shape_cast %get3A_1851 : vector<1x16xf32> to vector<16xf32>
          %add3A_1853 = arith.addf %add3A_1797, %get3A_1852 : vector<16xf32>
          %add3A_1854 = arith.constant 31 : i32
          %add3A_1855 = arith.addi %mul3A_114, %add3A_1854 : i32
          %get3A_1856 = arith.index_cast %add3A_1855 : i32 to index
          %get3A_1857 = arith.constant 64 : index
          %get3A_1858 = tpu.vector_load %arg4[%get3A_1856, %get3A_1857] {strides = array<i32>} : memref<256x128xf32, #tpu.memory_space<vmem>>, vector<1x16xf32>,
          %get3A_1859 = vector.shape_cast %get3A_1858 : vector<1x16xf32> to vector<16xf32>
          %add3A_1860 = arith.addf %add3A_1804, %get3A_1859 : vector<16xf32>
          %add3A_1861 = arith.constant 31 : i32
          %add3A_1862 = arith.addi %mul3A_114, %add3A_1861 : i32
          %get3A_1863 = arith.index_cast %add3A_1862 : i32 to index
          %get3A_1864 = arith.constant 80 : index
          %get3A_1865 = tpu.vector_load %arg4[%get3A_1863, %get3A_1864] {strides = array<i32>} : memref<256x128xf32, #tpu.memory_space<vmem>>, vector<1x16xf32>,
          %get3A_1866 = vector.shape_cast %get3A_1865 : vector<1x16xf32> to vector<16xf32>
          %add3A_1867 = arith.addf %add3A_1811, %get3A_1866 : vector<16xf32>
          %add3A_1868 = arith.constant 31 : i32
          %add3A_1869 = arith.addi %mul3A_114, %add3A_1868 : i32
          %get3A_1870 = arith.index_cast %add3A_1869 : i32 to index
          %get3A_1871 = arith.constant 96 : index
          %get3A_1872 = tpu.vector_load %arg4[%get3A_1870, %get3A_1871] {strides = array<i32>} : memref<256x128xf32, #tpu.memory_space<vmem>>, vector<1x16xf32>,
          %get3A_1873 = vector.shape_cast %get3A_1872 : vector<1x16xf32> to vector<16xf32>
          %add3A_1874 = arith.addf %add3A_1818, %get3A_1873 : vector<16xf32>
          %add3A_1875 = arith.constant 31 : i32
          %add3A_1876 = arith.addi %mul3A_114, %add3A_1875 : i32
          %get3A_1877 = arith.index_cast %add3A_1876 : i32 to index
          %get3A_1878 = arith.constant 112 : index
          %get3A_1879 = tpu.vector_load %arg4[%get3A_1877, %get3A_1878] {strides = array<i32>} : memref<256x128xf32, #tpu.memory_space<vmem>>, vector<1x16xf32>,
          %get3A_1880 = vector.shape_cast %get3A_1879 : vector<1x16xf32> to vector<16xf32>
          %add3A_1881 = arith.addf %add3A_1825, %get3A_1880 : vector<16xf32>
          %mul3A_1882 = arith.constant 3.125000e-02 : f32
          %mul3A_1883 = vector.broadcast %mul3A_1882 : f32 to vector<16xf32>
          %mul3A_1884 = arith.mulf %add3A_1832, %mul3A_1883 : vector<16xf32>
          %swap3A = arith.index_cast %scan3A_112 : i32 to index
          %swap3A_1885 = arith.constant 0 : index
          %swap3A_1886 = tpu.vector_load %arg6[%swap3A, %swap3A_1885] {strides = array<i32>} : memref<8x128xf32, #tpu.memory_space<vmem>>, vector<1x16xf32>,
          %swap3A_1887 = vector.shape_cast %swap3A_1886 : vector<1x16xf32> to vector<16xf32>
          %swap3A_1888 = vector.shape_cast %mul3A_1884 : vector<16xf32> to vector<1x16xf32>
          tpu.vector_store %arg6[%swap3A, %swap3A_1885], %swap3A_1888 {strides = array<i32>} : memref<8x128xf32, #tpu.memory_space<vmem>>, vector<1x16xf32>,
          %mul3A_1889 = arith.constant 3.125000e-02 : f32
          %mul3A_1890 = vector.broadcast %mul3A_1889 : f32 to vector<16xf32>
          %mul3A_1891 = arith.mulf %add3A_1839, %mul3A_1890 : vector<16xf32>
          %swap3A_1892 = arith.index_cast %scan3A_112 : i32 to index
          %swap3A_1893 = arith.constant 16 : index
          %swap3A_1894 = tpu.vector_load %arg6[%swap3A_1892, %swap3A_1893] {strides = array<i32>} : memref<8x128xf32, #tpu.memory_space<vmem>>, vector<1x16xf32>,
          %swap3A_1895 = vector.shape_cast %swap3A_1894 : vector<1x16xf32> to vector<16xf32>
          %swap3A_1896 = vector.shape_cast %mul3A_1891 : vector<16xf32> to vector<1x16xf32>
          tpu.vector_store %arg6[%swap3A_1892, %swap3A_1893], %swap3A_1896 {strides = array<i32>} : memref<8x128xf32, #tpu.memory_space<vmem>>, vector<1x16xf32>,
          %mul3A_1897 = arith.constant 3.125000e-02 : f32
          %mul3A_1898 = vector.broadcast %mul3A_1897 : f32 to vector<16xf32>
          %mul3A_1899 = arith.mulf %add3A_1846, %mul3A_1898 : vector<16xf32>
          %swap3A_1900 = arith.index_cast %scan3A_112 : i32 to index
          %swap3A_1901 = arith.constant 32 : index
          %swap3A_1902 = tpu.vector_load %arg6[%swap3A_1900, %swap3A_1901] {strides = array<i32>} : memref<8x128xf32, #tpu.memory_space<vmem>>, vector<1x16xf32>,
          %swap3A_1903 = vector.shape_cast %swap3A_1902 : vector<1x16xf32> to vector<16xf32>
          %swap3A_1904 = vector.shape_cast %mul3A_1899 : vector<16xf32> to vector<1x16xf32>
          tpu.vector_store %arg6[%swap3A_1900, %swap3A_1901], %swap3A_1904 {strides = array<i32>} : memref<8x128xf32, #tpu.memory_space<vmem>>, vector<1x16xf32>,
          %mul3A_1905 = arith.constant 3.125000e-02 : f32
          %mul3A_1906 = vector.broadcast %mul3A_1905 : f32 to vector<16xf32>
          %mul3A_1907 = arith.mulf %add3A_1853, %mul3A_1906 : vector<16xf32>
          %swap3A_1908 = arith.index_cast %scan3A_112 : i32 to index
          %swap3A_1909 = arith.constant 48 : index
          %swap3A_1910 = tpu.vector_load %arg6[%swap3A_1908, %swap3A_1909] {strides = array<i32>} : memref<8x128xf32, #tpu.memory_space<vmem>>, vector<1x16xf32>,
          %swap3A_1911 = vector.shape_cast %swap3A_1910 : vector<1x16xf32> to vector<16xf32>
          %swap3A_1912 = vector.shape_cast %mul3A_1907 : vector<16xf32> to vector<1x16xf32>
          tpu.vector_store %arg6[%swap3A_1908, %swap3A_1909], %swap3A_1912 {strides = array<i32>} : memref<8x128xf32, #tpu.memory_space<vmem>>, vector<1x16xf32>,
          %mul3A_1913 = arith.constant 3.125000e-02 : f32
          %mul3A_1914 = vector.broadcast %mul3A_1913 : f32 to vector<16xf32>
          %mul3A_1915 = arith.mulf %add3A_1860, %mul3A_1914 : vector<16xf32>
          %swap3A_1916 = arith.index_cast %scan3A_112 : i32 to index
          %swap3A_1917 = arith.constant 64 : index
          %swap3A_1918 = tpu.vector_load %arg6[%swap3A_1916, %swap3A_1917] {strides = array<i32>} : memref<8x128xf32, #tpu.memory_space<vmem>>, vector<1x16xf32>,
          %swap3A_1919 = vector.shape_cast %swap3A_1918 : vector<1x16xf32> to vector<16xf32>
          %swap3A_1920 = vector.shape_cast %mul3A_1915 : vector<16xf32> to vector<1x16xf32>
          tpu.vector_store %arg6[%swap3A_1916, %swap3A_1917], %swap3A_1920 {strides = array<i32>} : memref<8x128xf32, #tpu.memory_space<vmem>>, vector<1x16xf32>,
          %mul3A_1921 = arith.constant 3.125000e-02 : f32
          %mul3A_1922 = vector.broadcast %mul3A_1921 : f32 to vector<16xf32>
          %mul3A_1923 = arith.mulf %add3A_1867, %mul3A_1922 : vector<16xf32>
          %swap3A_1924 = arith.index_cast %scan3A_112 : i32 to index
          %swap3A_1925 = arith.constant 80 : index
          %swap3A_1926 = tpu.vector_load %arg6[%swap3A_1924, %swap3A_1925] {strides = array<i32>} : memref<8x128xf32, #tpu.memory_space<vmem>>, vector<1x16xf32>,
          %swap3A_1927 = vector.shape_cast %swap3A_1926 : vector<1x16xf32> to vector<16xf32>
          %swap3A_1928 = vector.shape_cast %mul3A_1923 : vector<16xf32> to vector<1x16xf32>
          tpu.vector_store %arg6[%swap3A_1924, %swap3A_1925], %swap3A_1928 {strides = array<i32>} : memref<8x128xf32, #tpu.memory_space<vmem>>, vector<1x16xf32>,
          %mul3A_1929 = arith.constant 3.125000e-02 : f32
          %mul3A_1930 = vector.broadcast %mul3A_1929 : f32 to vector<16xf32>
          %mul3A_1931 = arith.mulf %add3A_1874, %mul3A_1930 : vector<16xf32>
          %swap3A_1932 = arith.index_cast %scan3A_112 : i32 to index
          %swap3A_1933 = arith.constant 96 : index
          %swap3A_1934 = tpu.vector_load %arg6[%swap3A_1932, %swap3A_1933] {strides = array<i32>} : memref<8x128xf32, #tpu.memory_space<vmem>>, vector<1x16xf32>,
          %swap3A_1935 = vector.shape_cast %swap3A_1934 : vector<1x16xf32> to vector<16xf32>
          %swap3A_1936 = vector.shape_cast %mul3A_1931 : vector<16xf32> to vector<1x16xf32>
          tpu.vector_store %arg6[%swap3A_1932, %swap3A_1933], %swap3A_1936 {strides = array<i32>} : memref<8x128xf32, #tpu.memory_space<vmem>>, vector<1x16xf32>,
          %mul3A_1937 = arith.constant 3.125000e-02 : f32
          %mul3A_1938 = vector.broadcast %mul3A_1937 : f32 to vector<16xf32>
          %mul3A_1939 = arith.mulf %add3A_1881, %mul3A_1938 : vector<16xf32>
          %swap3A_1940 = arith.index_cast %scan3A_112 : i32 to index
          %swap3A_1941 = arith.constant 112 : index
          %swap3A_1942 = tpu.vector_load %arg6[%swap3A_1940, %swap3A_1941] {strides = array<i32>} : memref<8x128xf32, #tpu.memory_space<vmem>>, vector<1x16xf32>,
          %swap3A_1943 = vector.shape_cast %swap3A_1942 : vector<1x16xf32> to vector<16xf32>
          %swap3A_1944 = vector.shape_cast %mul3A_1939 : vector<16xf32> to vector<1x16xf32>
          tpu.vector_store %arg6[%swap3A_1940, %swap3A_1941], %swap3A_1944 {strides = array<i32>} : memref<8x128xf32, #tpu.memory_space<vmem>>, vector<1x16xf32>,
        }
        %scan3A_106 = arith.constant 8 : i32
        %mul3A_107 = arith.constant 8 : i32
        %mul3A_108 = arith.muli %add3A_44, %mul3A_107 : i32
        %dma_start3A = arith.constant 0 : i32
        %dma_start3A_109 = tpu.memref_slice %arg3[%mul3A_108, %dma_start3A] : memref<4000x128xf32, #tpu.memory_space<hbm>> -> memref<8x128xf32, #tpu.memory_space<hbm>>
        %dma_start3A_110 = arith.constant 0 : i32
        %dma_start3A_111 = tpu.memref_slice %arg3[%mul3A_108, %dma_start3A_110] : memref<4000x128xf32, #tpu.memory_space<hbm>> -> memref<8x128xf32, #tpu.memory_space<hbm>>
        tpu.enqueue_dma source(%arg6 : memref<8x128xf32, #tpu.memory_space<vmem>>) target(%dma_start3A_111 : memref<8x128xf32, #tpu.memory_space<hbm>>) target_semaphore(%arg10 : memref<!tpu.dma_semaphore, #tpu.memory_space<semaphore_mem>>)
      } else {
      }
      %mul3A_61 = arith.constant 2 : i32
      %mul3A_62 = arith.muli %scan3A_27, %mul3A_61 : i32
      %add3A_63 = arith.constant 1 : i32
      %add3A_64 = arith.addi %mul3A_62, %add3A_63 : i32
      %add3A_65 = arith.constant 1 : i32
      %add3A_66 = arith.addi %add3A_64, %add3A_65 : i32
      %mul3A_67 = arith.constant 32 : i32
      %mul3A_68 = arith.muli %add3A_66, %mul3A_67 : i32
      %add3A_69 = arith.addi %add3A, %mul3A_68 : i32
      %lt3A_70 = arith.constant 500 : i32
      %lt3A_71 = arith.cmpi slt, %add3A_69, %lt3A_70 : i32
      %convert_element_type3A_72 = arith.extui %lt3A_71 : i1 to i32
      %cond3A_73 = arith.constant 0 : i32
      %cond3A_74 = arith.cmpi ne, %convert_element_type3A_72, %cond3A_73 : i32
      scf.if %cond3A_74 {
        %mul3A_96 = arith.constant 256 : i32
        %mul3A_97 = arith.muli %add3A_69, %mul3A_96 : i32
        %dma_start3A = arith.constant 0 : i32
        %dma_start3A_98 = tpu.memref_slice %arg2[%mul3A_97, %dma_start3A] : memref<320000x128xf32, #tpu.memory_space<hbm>> -> memref<256x128xf32, #tpu.memory_space<hbm>>
        %dma_start3A_99 = arith.constant 0 : i32
        %dma_start3A_100 = tpu.memref_slice %arg2[%mul3A_97, %dma_start3A_99] : memref<320000x128xf32, #tpu.memory_space<hbm>> -> memref<256x128xf32, #tpu.memory_space<hbm>>
        tpu.enqueue_dma source(%dma_start3A_100 : memref<256x128xf32, #tpu.memory_space<hbm>>) target(%arg4 : memref<256x128xf32, #tpu.memory_space<vmem>>) target_semaphore(%arg8 : memref<!tpu.dma_semaphore, #tpu.memory_space<semaphore_mem>>)
      } else {
      }
      %mul3A_75 = arith.constant 32 : i32
      %mul3A_76 = arith.muli %add3A_64, %mul3A_75 : i32
      %add3A_77 = arith.addi %add3A, %mul3A_76 : i32
      %sub3A_78 = arith.constant 2 : i32
      %sub3A_79 = arith.subi %add3A_64, %sub3A_78 : i32
      %mul3A_80 = arith.constant 32 : i32
      %mul3A_81 = arith.muli %sub3A_79, %mul3A_80 : i32
      %add3A_82 = arith.addi %add3A, %mul3A_81 : i32
      %ge3A_83 = arith.constant 0 : i32
      %ge3A_84 = arith.cmpi sge, %sub3A_79, %ge3A_83 : i32
      %lt3A_85 = arith.constant 500 : i32
      %lt3A_86 = arith.cmpi slt, %add3A_82, %lt3A_85 : i32
      %and3A_87 = arith.andi %ge3A_84, %lt3A_86 : i1
      %convert_element_type3A_88 = arith.extui %and3A_87 : i1 to i32
      %cond3A_89 = arith.constant 0 : i32
      %cond3A_90 = arith.cmpi ne, %convert_element_type3A_88, %cond3A_89 : i32
      scf.if %cond3A_90 {
        %mul3A_96 = arith.constant 8 : i32
        %mul3A_97 = arith.muli %add3A_82, %mul3A_96 : i32
        %dma_wait3A = arith.constant 0 : i32
        %dma_wait3A_98 = tpu.memref_slice %arg3[%mul3A_97, %dma_wait3A] : memref<4000x128xf32, #tpu.memory_space<hbm>> -> memref<8x128xf32, #tpu.memory_space<hbm>>
        %dma_wait3A_99 = arith.constant 0 : i32
        %dma_wait3A_100 = tpu.memref_slice %arg3[%mul3A_97, %dma_wait3A_99] : memref<4000x128xf32, #tpu.memory_space<hbm>> -> memref<8x128xf32, #tpu.memory_space<hbm>>
        tpu.wait_dma2 semaphore(%arg11 : memref<!tpu.dma_semaphore, #tpu.memory_space<semaphore_mem>>) src(%arg7 : memref<8x128xf32, #tpu.memory_space<vmem>>) dst(%dma_wait3A_100 : memref<8x128xf32, #tpu.memory_space<hbm>>)
      } else {
      }
      %lt3A_91 = arith.constant 500 : i32
      %lt3A_92 = arith.cmpi slt, %add3A_77, %lt3A_91 : i32
      %convert_element_type3A_93 = arith.extui %lt3A_92 : i1 to i32
      %cond3A_94 = arith.constant 0 : i32
      %cond3A_95 = arith.cmpi ne, %convert_element_type3A_93, %cond3A_94 : i32
      scf.if %cond3A_95 {
        %mul3A_96 = arith.constant 256 : i32
        %mul3A_97 = arith.muli %add3A_77, %mul3A_96 : i32
        %dma_wait3A = arith.constant 0 : i32
        %dma_wait3A_98 = tpu.memref_slice %arg2[%mul3A_97, %dma_wait3A] : memref<320000x128xf32, #tpu.memory_space<hbm>> -> memref<256x128xf32, #tpu.memory_space<hbm>>
        %dma_wait3A_99 = arith.constant 0 : i32
        %dma_wait3A_100 = tpu.memref_slice %arg2[%mul3A_97, %dma_wait3A_99] : memref<320000x128xf32, #tpu.memory_space<hbm>> -> memref<256x128xf32, #tpu.memory_space<hbm>>
        tpu.wait_dma2 semaphore(%arg9 : memref<!tpu.dma_semaphore, #tpu.memory_space<semaphore_mem>>) src(%dma_wait3A_100 : memref<256x128xf32, #tpu.memory_space<hbm>>) dst(%arg5 : memref<256x128xf32, #tpu.memory_space<vmem>>)
        %scan3A_101 = arith.constant 0 : i32
        %scan3A_102 = arith.constant 0 : i32
        %scan3A_103 = arith.constant 8 : i32
        %scan3A_104 = arith.addi %scan3A_102, %scan3A_103 : i32
        %scan3A_105 = arith.constant 1 : i32
        scf.for %scan3A_112 = %scan3A_102 to %scan3A_104 step %scan3A_105  : i32 {
          %mul3A_113 = arith.constant 32 : i32
          %mul3A_114 = arith.muli %scan3A_112, %mul3A_113 : i32
          %get3A = arith.index_cast %mul3A_114 : i32 to index
          %get3A_115 = arith.constant 0 : index
          %get3A_116 = tpu.vector_load %arg5[%get3A, %get3A_115] {strides = array<i32>} : memref<256x128xf32, #tpu.memory_space<vmem>>, vector<1x16xf32>,
          %get3A_117 = vector.shape_cast %get3A_116 : vector<1x16xf32> to vector<16xf32>
          %get3A_118 = arith.index_cast %mul3A_114 : i32 to index
          %get3A_119 = arith.constant 16 : index
          %get3A_120 = tpu.vector_load %arg5[%get3A_118, %get3A_119] {strides = array<i32>} : memref<256x128xf32, #tpu.memory_space<vmem>>, vector<1x16xf32>,
          %get3A_121 = vector.shape_cast %get3A_120 : vector<1x16xf32> to vector<16xf32>
          %get3A_122 = arith.index_cast %mul3A_114 : i32 to index
          %get3A_123 = arith.constant 32 : index
          %get3A_124 = tpu.vector_load %arg5[%get3A_122, %get3A_123] {strides = array<i32>} : memref<256x128xf32, #tpu.memory_space<vmem>>, vector<1x16xf32>,
          %get3A_125 = vector.shape_cast %get3A_124 : vector<1x16xf32> to vector<16xf32>
          %get3A_126 = arith.index_cast %mul3A_114 : i32 to index
          %get3A_127 = arith.constant 48 : index
          %get3A_128 = tpu.vector_load %arg5[%get3A_126, %get3A_127] {strides = array<i32>} : memref<256x128xf32, #tpu.memory_space<vmem>>, vector<1x16xf32>,
          %get3A_129 = vector.shape_cast %get3A_128 : vector<1x16xf32> to vector<16xf32>
          %get3A_130 = arith.index_cast %mul3A_114 : i32 to index
          %get3A_131 = arith.constant 64 : index
          %get3A_132 = tpu.vector_load %arg5[%get3A_130, %get3A_131] {strides = array<i32>} : memref<256x128xf32, #tpu.memory_space<vmem>>, vector<1x16xf32>,
          %get3A_133 = vector.shape_cast %get3A_132 : vector<1x16xf32> to vector<16xf32>
          %get3A_134 = arith.index_cast %mul3A_114 : i32 to index
          %get3A_135 = arith.constant 80 : index
          %get3A_136 = tpu.vector_load %arg5[%get3A_134, %get3A_135] {strides = array<i32>} : memref<256x128xf32, #tpu.memory_space<vmem>>, vector<1x16xf32>,
          %get3A_137 = vector.shape_cast %get3A_136 : vector<1x16xf32> to vector<16xf32>
          %get3A_138 = arith.index_cast %mul3A_114 : i32 to index
          %get3A_139 = arith.constant 96 : index
          %get3A_140 = tpu.vector_load %arg5[%get3A_138, %get3A_139] {strides = array<i32>} : memref<256x128xf32, #tpu.memory_space<vmem>>, vector<1x16xf32>,
          %get3A_141 = vector.shape_cast %get3A_140 : vector<1x16xf32> to vector<16xf32>
          %get3A_142 = arith.index_cast %mul3A_114 : i32 to index
          %get3A_143 = arith.constant 112 : index
          %get3A_144 = tpu.vector_load %arg5[%get3A_142, %get3A_143] {strides = array<i32>} : memref<256x128xf32, #tpu.memory_space<vmem>>, vector<1x16xf32>,
          %get3A_145 = vector.shape_cast %get3A_144 : vector<1x16xf32> to vector<16xf32>
          %add3A_146 = arith.constant 1 : i32
          %add3A_147 = arith.addi %mul3A_114, %add3A_146 : i32
          %get3A_148 = arith.index_cast %add3A_147 : i32 to index
          %get3A_149 = arith.constant 0 : index
          %get3A_150 = tpu.vector_load %arg5[%get3A_148, %get3A_149] {strides = array<i32>} : memref<256x128xf32, #tpu.memory_space<vmem>>, vector<1x16xf32>,
          %get3A_151 = vector.shape_cast %get3A_150 : vector<1x16xf32> to vector<16xf32>
          %add3A_152 = arith.addf %get3A_117, %get3A_151 : vector<16xf32>
          %add3A_153 = arith.constant 1 : i32
          %add3A_154 = arith.addi %mul3A_114, %add3A_153 : i32
          %get3A_155 = arith.index_cast %add3A_154 : i32 to index
          %get3A_156 = arith.constant 16 : index
          %get3A_157 = tpu.vector_load %arg5[%get3A_155, %get3A_156] {strides = array<i32>} : memref<256x128xf32, #tpu.memory_space<vmem>>, vector<1x16xf32>,
          %get3A_158 = vector.shape_cast %get3A_157 : vector<1x16xf32> to vector<16xf32>
          %add3A_159 = arith.addf %get3A_121, %get3A_158 : vector<16xf32>
          %add3A_160 = arith.constant 1 : i32
          %add3A_161 = arith.addi %mul3A_114, %add3A_160 : i32
          %get3A_162 = arith.index_cast %add3A_161 : i32 to index
          %get3A_163 = arith.constant 32 : index
          %get3A_164 = tpu.vector_load %arg5[%get3A_162, %get3A_163] {strides = array<i32>} : memref<256x128xf32, #tpu.memory_space<vmem>>, vector<1x16xf32>,
          %get3A_165 = vector.shape_cast %get3A_164 : vector<1x16xf32> to vector<16xf32>
          %add3A_166 = arith.addf %get3A_125, %get3A_165 : vector<16xf32>
          %add3A_167 = arith.constant 1 : i32
          %add3A_168 = arith.addi %mul3A_114, %add3A_167 : i32
          %get3A_169 = arith.index_cast %add3A_168 : i32 to index
          %get3A_170 = arith.constant 48 : index
          %get3A_171 = tpu.vector_load %arg5[%get3A_169, %get3A_170] {strides = array<i32>} : memref<256x128xf32, #tpu.memory_space<vmem>>, vector<1x16xf32>,
          %get3A_172 = vector.shape_cast %get3A_171 : vector<1x16xf32> to vector<16xf32>
          %add3A_173 = arith.addf %get3A_129, %get3A_172 : vector<16xf32>
          %add3A_174 = arith.constant 1 : i32
          %add3A_175 = arith.addi %mul3A_114, %add3A_174 : i32
          %get3A_176 = arith.index_cast %add3A_175 : i32 to index
          %get3A_177 = arith.constant 64 : index
          %get3A_178 = tpu.vector_load %arg5[%get3A_176, %get3A_177] {strides = array<i32>} : memref<256x128xf32, #tpu.memory_space<vmem>>, vector<1x16xf32>,
          %get3A_179 = vector.shape_cast %get3A_178 : vector<1x16xf32> to vector<16xf32>
          %add3A_180 = arith.addf %get3A_133, %get3A_179 : vector<16xf32>
          %add3A_181 = arith.constant 1 : i32
          %add3A_182 = arith.addi %mul3A_114, %add3A_181 : i32
          %get3A_183 = arith.index_cast %add3A_182 : i32 to index
          %get3A_184 = arith.constant 80 : index
          %get3A_185 = tpu.vector_load %arg5[%get3A_183, %get3A_184] {strides = array<i32>} : memref<256x128xf32, #tpu.memory_space<vmem>>, vector<1x16xf32>,
          %get3A_186 = vector.shape_cast %get3A_185 : vector<1x16xf32> to vector<16xf32>
          %add3A_187 = arith.addf %get3A_137, %get3A_186 : vector<16xf32>
          %add3A_188 = arith.constant 1 : i32
          %add3A_189 = arith.addi %mul3A_114, %add3A_188 : i32
          %get3A_190 = arith.index_cast %add3A_189 : i32 to index
          %get3A_191 = arith.constant 96 : index
          %get3A_192 = tpu.vector_load %arg5[%get3A_190, %get3A_191] {strides = array<i32>} : memref<256x128xf32, #tpu.memory_space<vmem>>, vector<1x16xf32>,
          %get3A_193 = vector.shape_cast %get3A_192 : vector<1x16xf32> to vector<16xf32>
          %add3A_194 = arith.addf %get3A_141, %get3A_193 : vector<16xf32>
          %add3A_195 = arith.constant 1 : i32
          %add3A_196 = arith.addi %mul3A_114, %add3A_195 : i32
          %get3A_197 = arith.index_cast %add3A_196 : i32 to index
          %get3A_198 = arith.constant 112 : index
          %get3A_199 = tpu.vector_load %arg5[%get3A_197, %get3A_198] {strides = array<i32>} : memref<256x128xf32, #tpu.memory_space<vmem>>, vector<1x16xf32>,
          %get3A_200 = vector.shape_cast %get3A_199 : vector<1x16xf32> to vector<16xf32>
          %add3A_201 = arith.addf %get3A_145, %get3A_200 : vector<16xf32>
          %add3A_202 = arith.constant 2 : i32
          %add3A_203 = arith.addi %mul3A_114, %add3A_202 : i32
          %get3A_204 = arith.index_cast %add3A_203 : i32 to index
          %get3A_205 = arith.constant 0 : index
          %get3A_206 = tpu.vector_load %arg5[%get3A_204, %get3A_205] {strides = array<i32>} : memref<256x128xf32, #tpu.memory_space<vmem>>, vector<1x16xf32>,
          %get3A_207 = vector.shape_cast %get3A_206 : vector<1x16xf32> to vector<16xf32>
          %add3A_208 = arith.addf %add3A_152, %get3A_207 : vector<16xf32>
          %add3A_209 = arith.constant 2 : i32
          %add3A_210 = arith.addi %mul3A_114, %add3A_209 : i32
          %get3A_211 = arith.index_cast %add3A_210 : i32 to index
          %get3A_212 = arith.constant 16 : index
          %get3A_213 = tpu.vector_load %arg5[%get3A_211, %get3A_212] {strides = array<i32>} : memref<256x128xf32, #tpu.memory_space<vmem>>, vector<1x16xf32>,
          %get3A_214 = vector.shape_cast %get3A_213 : vector<1x16xf32> to vector<16xf32>
          %add3A_215 = arith.addf %add3A_159, %get3A_214 : vector<16xf32>
          %add3A_216 = arith.constant 2 : i32
          %add3A_217 = arith.addi %mul3A_114, %add3A_216 : i32
          %get3A_218 = arith.index_cast %add3A_217 : i32 to index
          %get3A_219 = arith.constant 32 : index
          %get3A_220 = tpu.vector_load %arg5[%get3A_218, %get3A_219] {strides = array<i32>} : memref<256x128xf32, #tpu.memory_space<vmem>>, vector<1x16xf32>,
          %get3A_221 = vector.shape_cast %get3A_220 : vector<1x16xf32> to vector<16xf32>
          %add3A_222 = arith.addf %add3A_166, %get3A_221 : vector<16xf32>
          %add3A_223 = arith.constant 2 : i32
          %add3A_224 = arith.addi %mul3A_114, %add3A_223 : i32
          %get3A_225 = arith.index_cast %add3A_224 : i32 to index
          %get3A_226 = arith.constant 48 : index
          %get3A_227 = tpu.vector_load %arg5[%get3A_225, %get3A_226] {strides = array<i32>} : memref<256x128xf32, #tpu.memory_space<vmem>>, vector<1x16xf32>,
          %get3A_228 = vector.shape_cast %get3A_227 : vector<1x16xf32> to vector<16xf32>
          %add3A_229 = arith.addf %add3A_173, %get3A_228 : vector<16xf32>
          %add3A_230 = arith.constant 2 : i32
          %add3A_231 = arith.addi %mul3A_114, %add3A_230 : i32
          %get3A_232 = arith.index_cast %add3A_231 : i32 to index
          %get3A_233 = arith.constant 64 : index
          %get3A_234 = tpu.vector_load %arg5[%get3A_232, %get3A_233] {strides = array<i32>} : memref<256x128xf32, #tpu.memory_space<vmem>>, vector<1x16xf32>,
          %get3A_235 = vector.shape_cast %get3A_234 : vector<1x16xf32> to vector<16xf32>
          %add3A_236 = arith.addf %add3A_180, %get3A_235 : vector<16xf32>
          %add3A_237 = arith.constant 2 : i32
          %add3A_238 = arith.addi %mul3A_114, %add3A_237 : i32
          %get3A_239 = arith.index_cast %add3A_238 : i32 to index
          %get3A_240 = arith.constant 80 : index
          %get3A_241 = tpu.vector_load %arg5[%get3A_239, %get3A_240] {strides = array<i32>} : memref<256x128xf32, #tpu.memory_space<vmem>>, vector<1x16xf32>,
          %get3A_242 = vector.shape_cast %get3A_241 : vector<1x16xf32> to vector<16xf32>
          %add3A_243 = arith.addf %add3A_187, %get3A_242 : vector<16xf32>
          %add3A_244 = arith.constant 2 : i32
          %add3A_245 = arith.addi %mul3A_114, %add3A_244 : i32
          %get3A_246 = arith.index_cast %add3A_245 : i32 to index
          %get3A_247 = arith.constant 96 : index
          %get3A_248 = tpu.vector_load %arg5[%get3A_246, %get3A_247] {strides = array<i32>} : memref<256x128xf32, #tpu.memory_space<vmem>>, vector<1x16xf32>,
          %get3A_249 = vector.shape_cast %get3A_248 : vector<1x16xf32> to vector<16xf32>
          %add3A_250 = arith.addf %add3A_194, %get3A_249 : vector<16xf32>
          %add3A_251 = arith.constant 2 : i32
          %add3A_252 = arith.addi %mul3A_114, %add3A_251 : i32
          %get3A_253 = arith.index_cast %add3A_252 : i32 to index
          %get3A_254 = arith.constant 112 : index
          %get3A_255 = tpu.vector_load %arg5[%get3A_253, %get3A_254] {strides = array<i32>} : memref<256x128xf32, #tpu.memory_space<vmem>>, vector<1x16xf32>,
          %get3A_256 = vector.shape_cast %get3A_255 : vector<1x16xf32> to vector<16xf32>
          %add3A_257 = arith.addf %add3A_201, %get3A_256 : vector<16xf32>
          %add3A_258 = arith.constant 3 : i32
          %add3A_259 = arith.addi %mul3A_114, %add3A_258 : i32
          %get3A_260 = arith.index_cast %add3A_259 : i32 to index
          %get3A_261 = arith.constant 0 : index
          %get3A_262 = tpu.vector_load %arg5[%get3A_260, %get3A_261] {strides = array<i32>} : memref<256x128xf32, #tpu.memory_space<vmem>>, vector<1x16xf32>,
          %get3A_263 = vector.shape_cast %get3A_262 : vector<1x16xf32> to vector<16xf32>
          %add3A_264 = arith.addf %add3A_208, %get3A_263 : vector<16xf32>
          %add3A_265 = arith.constant 3 : i32
          %add3A_266 = arith.addi %mul3A_114, %add3A_265 : i32
          %get3A_267 = arith.index_cast %add3A_266 : i32 to index
          %get3A_268 = arith.constant 16 : index
          %get3A_269 = tpu.vector_load %arg5[%get3A_267, %get3A_268] {strides = array<i32>} : memref<256x128xf32, #tpu.memory_space<vmem>>, vector<1x16xf32>,
          %get3A_270 = vector.shape_cast %get3A_269 : vector<1x16xf32> to vector<16xf32>
          %add3A_271 = arith.addf %add3A_215, %get3A_270 : vector<16xf32>
          %add3A_272 = arith.constant 3 : i32
          %add3A_273 = arith.addi %mul3A_114, %add3A_272 : i32
          %get3A_274 = arith.index_cast %add3A_273 : i32 to index
          %get3A_275 = arith.constant 32 : index
          %get3A_276 = tpu.vector_load %arg5[%get3A_274, %get3A_275] {strides = array<i32>} : memref<256x128xf32, #tpu.memory_space<vmem>>, vector<1x16xf32>,
          %get3A_277 = vector.shape_cast %get3A_276 : vector<1x16xf32> to vector<16xf32>
          %add3A_278 = arith.addf %add3A_222, %get3A_277 : vector<16xf32>
          %add3A_279 = arith.constant 3 : i32
          %add3A_280 = arith.addi %mul3A_114, %add3A_279 : i32
          %get3A_281 = arith.index_cast %add3A_280 : i32 to index
          %get3A_282 = arith.constant 48 : index
          %get3A_283 = tpu.vector_load %arg5[%get3A_281, %get3A_282] {strides = array<i32>} : memref<256x128xf32, #tpu.memory_space<vmem>>, vector<1x16xf32>,
          %get3A_284 = vector.shape_cast %get3A_283 : vector<1x16xf32> to vector<16xf32>
          %add3A_285 = arith.addf %add3A_229, %get3A_284 : vector<16xf32>
          %add3A_286 = arith.constant 3 : i32
          %add3A_287 = arith.addi %mul3A_114, %add3A_286 : i32
          %get3A_288 = arith.index_cast %add3A_287 : i32 to index
          %get3A_289 = arith.constant 64 : index
          %get3A_290 = tpu.vector_load %arg5[%get3A_288, %get3A_289] {strides = array<i32>} : memref<256x128xf32, #tpu.memory_space<vmem>>, vector<1x16xf32>,
          %get3A_291 = vector.shape_cast %get3A_290 : vector<1x16xf32> to vector<16xf32>
          %add3A_292 = arith.addf %add3A_236, %get3A_291 : vector<16xf32>
          %add3A_293 = arith.constant 3 : i32
          %add3A_294 = arith.addi %mul3A_114, %add3A_293 : i32
          %get3A_295 = arith.index_cast %add3A_294 : i32 to index
          %get3A_296 = arith.constant 80 : index
          %get3A_297 = tpu.vector_load %arg5[%get3A_295, %get3A_296] {strides = array<i32>} : memref<256x128xf32, #tpu.memory_space<vmem>>, vector<1x16xf32>,
          %get3A_298 = vector.shape_cast %get3A_297 : vector<1x16xf32> to vector<16xf32>
          %add3A_299 = arith.addf %add3A_243, %get3A_298 : vector<16xf32>
          %add3A_300 = arith.constant 3 : i32
          %add3A_301 = arith.addi %mul3A_114, %add3A_300 : i32
          %get3A_302 = arith.index_cast %add3A_301 : i32 to index
          %get3A_303 = arith.constant 96 : index
          %get3A_304 = tpu.vector_load %arg5[%get3A_302, %get3A_303] {strides = array<i32>} : memref<256x128xf32, #tpu.memory_space<vmem>>, vector<1x16xf32>,
          %get3A_305 = vector.shape_cast %get3A_304 : vector<1x16xf32> to vector<16xf32>
          %add3A_306 = arith.addf %add3A_250, %get3A_305 : vector<16xf32>
          %add3A_307 = arith.constant 3 : i32
          %add3A_308 = arith.addi %mul3A_114, %add3A_307 : i32
          %get3A_309 = arith.index_cast %add3A_308 : i32 to index
          %get3A_310 = arith.constant 112 : index
          %get3A_311 = tpu.vector_load %arg5[%get3A_309, %get3A_310] {strides = array<i32>} : memref<256x128xf32, #tpu.memory_space<vmem>>, vector<1x16xf32>,
          %get3A_312 = vector.shape_cast %get3A_311 : vector<1x16xf32> to vector<16xf32>
          %add3A_313 = arith.addf %add3A_257, %get3A_312 : vector<16xf32>
          %add3A_314 = arith.constant 4 : i32
          %add3A_315 = arith.addi %mul3A_114, %add3A_314 : i32
          %get3A_316 = arith.index_cast %add3A_315 : i32 to index
          %get3A_317 = arith.constant 0 : index
          %get3A_318 = tpu.vector_load %arg5[%get3A_316, %get3A_317] {strides = array<i32>} : memref<256x128xf32, #tpu.memory_space<vmem>>, vector<1x16xf32>,
          %get3A_319 = vector.shape_cast %get3A_318 : vector<1x16xf32> to vector<16xf32>
          %add3A_320 = arith.addf %add3A_264, %get3A_319 : vector<16xf32>
          %add3A_321 = arith.constant 4 : i32
          %add3A_322 = arith.addi %mul3A_114, %add3A_321 : i32
          %get3A_323 = arith.index_cast %add3A_322 : i32 to index
          %get3A_324 = arith.constant 16 : index
          %get3A_325 = tpu.vector_load %arg5[%get3A_323, %get3A_324] {strides = array<i32>} : memref<256x128xf32, #tpu.memory_space<vmem>>, vector<1x16xf32>,
          %get3A_326 = vector.shape_cast %get3A_325 : vector<1x16xf32> to vector<16xf32>
          %add3A_327 = arith.addf %add3A_271, %get3A_326 : vector<16xf32>
          %add3A_328 = arith.constant 4 : i32
          %add3A_329 = arith.addi %mul3A_114, %add3A_328 : i32
          %get3A_330 = arith.index_cast %add3A_329 : i32 to index
          %get3A_331 = arith.constant 32 : index
          %get3A_332 = tpu.vector_load %arg5[%get3A_330, %get3A_331] {strides = array<i32>} : memref<256x128xf32, #tpu.memory_space<vmem>>, vector<1x16xf32>,
          %get3A_333 = vector.shape_cast %get3A_332 : vector<1x16xf32> to vector<16xf32>
          %add3A_334 = arith.addf %add3A_278, %get3A_333 : vector<16xf32>
          %add3A_335 = arith.constant 4 : i32
          %add3A_336 = arith.addi %mul3A_114, %add3A_335 : i32
          %get3A_337 = arith.index_cast %add3A_336 : i32 to index
          %get3A_338 = arith.constant 48 : index
          %get3A_339 = tpu.vector_load %arg5[%get3A_337, %get3A_338] {strides = array<i32>} : memref<256x128xf32, #tpu.memory_space<vmem>>, vector<1x16xf32>,
          %get3A_340 = vector.shape_cast %get3A_339 : vector<1x16xf32> to vector<16xf32>
          %add3A_341 = arith.addf %add3A_285, %get3A_340 : vector<16xf32>
          %add3A_342 = arith.constant 4 : i32
          %add3A_343 = arith.addi %mul3A_114, %add3A_342 : i32
          %get3A_344 = arith.index_cast %add3A_343 : i32 to index
          %get3A_345 = arith.constant 64 : index
          %get3A_346 = tpu.vector_load %arg5[%get3A_344, %get3A_345] {strides = array<i32>} : memref<256x128xf32, #tpu.memory_space<vmem>>, vector<1x16xf32>,
          %get3A_347 = vector.shape_cast %get3A_346 : vector<1x16xf32> to vector<16xf32>
          %add3A_348 = arith.addf %add3A_292, %get3A_347 : vector<16xf32>
          %add3A_349 = arith.constant 4 : i32
          %add3A_350 = arith.addi %mul3A_114, %add3A_349 : i32
          %get3A_351 = arith.index_cast %add3A_350 : i32 to index
          %get3A_352 = arith.constant 80 : index
          %get3A_353 = tpu.vector_load %arg5[%get3A_351, %get3A_352] {strides = array<i32>} : memref<256x128xf32, #tpu.memory_space<vmem>>, vector<1x16xf32>,
          %get3A_354 = vector.shape_cast %get3A_353 : vector<1x16xf32> to vector<16xf32>
          %add3A_355 = arith.addf %add3A_299, %get3A_354 : vector<16xf32>
          %add3A_356 = arith.constant 4 : i32
          %add3A_357 = arith.addi %mul3A_114, %add3A_356 : i32
          %get3A_358 = arith.index_cast %add3A_357 : i32 to index
          %get3A_359 = arith.constant 96 : index
          %get3A_360 = tpu.vector_load %arg5[%get3A_358, %get3A_359] {strides = array<i32>} : memref<256x128xf32, #tpu.memory_space<vmem>>, vector<1x16xf32>,
          %get3A_361 = vector.shape_cast %get3A_360 : vector<1x16xf32> to vector<16xf32>
          %add3A_362 = arith.addf %add3A_306, %get3A_361 : vector<16xf32>
          %add3A_363 = arith.constant 4 : i32
          %add3A_364 = arith.addi %mul3A_114, %add3A_363 : i32
          %get3A_365 = arith.index_cast %add3A_364 : i32 to index
          %get3A_366 = arith.constant 112 : index
          %get3A_367 = tpu.vector_load %arg5[%get3A_365, %get3A_366] {strides = array<i32>} : memref<256x128xf32, #tpu.memory_space<vmem>>, vector<1x16xf32>,
          %get3A_368 = vector.shape_cast %get3A_367 : vector<1x16xf32> to vector<16xf32>
          %add3A_369 = arith.addf %add3A_313, %get3A_368 : vector<16xf32>
          %add3A_370 = arith.constant 5 : i32
          %add3A_371 = arith.addi %mul3A_114, %add3A_370 : i32
          %get3A_372 = arith.index_cast %add3A_371 : i32 to index
          %get3A_373 = arith.constant 0 : index
          %get3A_374 = tpu.vector_load %arg5[%get3A_372, %get3A_373] {strides = array<i32>} : memref<256x128xf32, #tpu.memory_space<vmem>>, vector<1x16xf32>,
          %get3A_375 = vector.shape_cast %get3A_374 : vector<1x16xf32> to vector<16xf32>
          %add3A_376 = arith.addf %add3A_320, %get3A_375 : vector<16xf32>
          %add3A_377 = arith.constant 5 : i32
          %add3A_378 = arith.addi %mul3A_114, %add3A_377 : i32
          %get3A_379 = arith.index_cast %add3A_378 : i32 to index
          %get3A_380 = arith.constant 16 : index
          %get3A_381 = tpu.vector_load %arg5[%get3A_379, %get3A_380] {strides = array<i32>} : memref<256x128xf32, #tpu.memory_space<vmem>>, vector<1x16xf32>,
          %get3A_382 = vector.shape_cast %get3A_381 : vector<1x16xf32> to vector<16xf32>
          %add3A_383 = arith.addf %add3A_327, %get3A_382 : vector<16xf32>
          %add3A_384 = arith.constant 5 : i32
          %add3A_385 = arith.addi %mul3A_114, %add3A_384 : i32
          %get3A_386 = arith.index_cast %add3A_385 : i32 to index
          %get3A_387 = arith.constant 32 : index
          %get3A_388 = tpu.vector_load %arg5[%get3A_386, %get3A_387] {strides = array<i32>} : memref<256x128xf32, #tpu.memory_space<vmem>>, vector<1x16xf32>,
          %get3A_389 = vector.shape_cast %get3A_388 : vector<1x16xf32> to vector<16xf32>
          %add3A_390 = arith.addf %add3A_334, %get3A_389 : vector<16xf32>
          %add3A_391 = arith.constant 5 : i32
          %add3A_392 = arith.addi %mul3A_114, %add3A_391 : i32
          %get3A_393 = arith.index_cast %add3A_392 : i32 to index
          %get3A_394 = arith.constant 48 : index
          %get3A_395 = tpu.vector_load %arg5[%get3A_393, %get3A_394] {strides = array<i32>} : memref<256x128xf32, #tpu.memory_space<vmem>>, vector<1x16xf32>,
          %get3A_396 = vector.shape_cast %get3A_395 : vector<1x16xf32> to vector<16xf32>
          %add3A_397 = arith.addf %add3A_341, %get3A_396 : vector<16xf32>
          %add3A_398 = arith.constant 5 : i32
          %add3A_399 = arith.addi %mul3A_114, %add3A_398 : i32
          %get3A_400 = arith.index_cast %add3A_399 : i32 to index
          %get3A_401 = arith.constant 64 : index
          %get3A_402 = tpu.vector_load %arg5[%get3A_400, %get3A_401] {strides = array<i32>} : memref<256x128xf32, #tpu.memory_space<vmem>>, vector<1x16xf32>,
          %get3A_403 = vector.shape_cast %get3A_402 : vector<1x16xf32> to vector<16xf32>
          %add3A_404 = arith.addf %add3A_348, %get3A_403 : vector<16xf32>
          %add3A_405 = arith.constant 5 : i32
          %add3A_406 = arith.addi %mul3A_114, %add3A_405 : i32
          %get3A_407 = arith.index_cast %add3A_406 : i32 to index
          %get3A_408 = arith.constant 80 : index
          %get3A_409 = tpu.vector_load %arg5[%get3A_407, %get3A_408] {strides = array<i32>} : memref<256x128xf32, #tpu.memory_space<vmem>>, vector<1x16xf32>,
          %get3A_410 = vector.shape_cast %get3A_409 : vector<1x16xf32> to vector<16xf32>
          %add3A_411 = arith.addf %add3A_355, %get3A_410 : vector<16xf32>
          %add3A_412 = arith.constant 5 : i32
          %add3A_413 = arith.addi %mul3A_114, %add3A_412 : i32
          %get3A_414 = arith.index_cast %add3A_413 : i32 to index
          %get3A_415 = arith.constant 96 : index
          %get3A_416 = tpu.vector_load %arg5[%get3A_414, %get3A_415] {strides = array<i32>} : memref<256x128xf32, #tpu.memory_space<vmem>>, vector<1x16xf32>,
          %get3A_417 = vector.shape_cast %get3A_416 : vector<1x16xf32> to vector<16xf32>
          %add3A_418 = arith.addf %add3A_362, %get3A_417 : vector<16xf32>
          %add3A_419 = arith.constant 5 : i32
          %add3A_420 = arith.addi %mul3A_114, %add3A_419 : i32
          %get3A_421 = arith.index_cast %add3A_420 : i32 to index
          %get3A_422 = arith.constant 112 : index
          %get3A_423 = tpu.vector_load %arg5[%get3A_421, %get3A_422] {strides = array<i32>} : memref<256x128xf32, #tpu.memory_space<vmem>>, vector<1x16xf32>,
          %get3A_424 = vector.shape_cast %get3A_423 : vector<1x16xf32> to vector<16xf32>
          %add3A_425 = arith.addf %add3A_369, %get3A_424 : vector<16xf32>
          %add3A_426 = arith.constant 6 : i32
          %add3A_427 = arith.addi %mul3A_114, %add3A_426 : i32
          %get3A_428 = arith.index_cast %add3A_427 : i32 to index
          %get3A_429 = arith.constant 0 : index
          %get3A_430 = tpu.vector_load %arg5[%get3A_428, %get3A_429] {strides = array<i32>} : memref<256x128xf32, #tpu.memory_space<vmem>>, vector<1x16xf32>,
          %get3A_431 = vector.shape_cast %get3A_430 : vector<1x16xf32> to vector<16xf32>
          %add3A_432 = arith.addf %add3A_376, %get3A_431 : vector<16xf32>
          %add3A_433 = arith.constant 6 : i32
          %add3A_434 = arith.addi %mul3A_114, %add3A_433 : i32
          %get3A_435 = arith.index_cast %add3A_434 : i32 to index
          %get3A_436 = arith.constant 16 : index
          %get3A_437 = tpu.vector_load %arg5[%get3A_435, %get3A_436] {strides = array<i32>} : memref<256x128xf32, #tpu.memory_space<vmem>>, vector<1x16xf32>,
          %get3A_438 = vector.shape_cast %get3A_437 : vector<1x16xf32> to vector<16xf32>
          %add3A_439 = arith.addf %add3A_383, %get3A_438 : vector<16xf32>
          %add3A_440 = arith.constant 6 : i32
          %add3A_441 = arith.addi %mul3A_114, %add3A_440 : i32
          %get3A_442 = arith.index_cast %add3A_441 : i32 to index
          %get3A_443 = arith.constant 32 : index
          %get3A_444 = tpu.vector_load %arg5[%get3A_442, %get3A_443] {strides = array<i32>} : memref<256x128xf32, #tpu.memory_space<vmem>>, vector<1x16xf32>,
          %get3A_445 = vector.shape_cast %get3A_444 : vector<1x16xf32> to vector<16xf32>
          %add3A_446 = arith.addf %add3A_390, %get3A_445 : vector<16xf32>
          %add3A_447 = arith.constant 6 : i32
          %add3A_448 = arith.addi %mul3A_114, %add3A_447 : i32
          %get3A_449 = arith.index_cast %add3A_448 : i32 to index
          %get3A_450 = arith.constant 48 : index
          %get3A_451 = tpu.vector_load %arg5[%get3A_449, %get3A_450] {strides = array<i32>} : memref<256x128xf32, #tpu.memory_space<vmem>>, vector<1x16xf32>,
          %get3A_452 = vector.shape_cast %get3A_451 : vector<1x16xf32> to vector<16xf32>
          %add3A_453 = arith.addf %add3A_397, %get3A_452 : vector<16xf32>
          %add3A_454 = arith.constant 6 : i32
          %add3A_455 = arith.addi %mul3A_114, %add3A_454 : i32
          %get3A_456 = arith.index_cast %add3A_455 : i32 to index
          %get3A_457 = arith.constant 64 : index
          %get3A_458 = tpu.vector_load %arg5[%get3A_456, %get3A_457] {strides = array<i32>} : memref<256x128xf32, #tpu.memory_space<vmem>>, vector<1x16xf32>,
          %get3A_459 = vector.shape_cast %get3A_458 : vector<1x16xf32> to vector<16xf32>
          %add3A_460 = arith.addf %add3A_404, %get3A_459 : vector<16xf32>
          %add3A_461 = arith.constant 6 : i32
          %add3A_462 = arith.addi %mul3A_114, %add3A_461 : i32
          %get3A_463 = arith.index_cast %add3A_462 : i32 to index
          %get3A_464 = arith.constant 80 : index
          %get3A_465 = tpu.vector_load %arg5[%get3A_463, %get3A_464] {strides = array<i32>} : memref<256x128xf32, #tpu.memory_space<vmem>>, vector<1x16xf32>,
          %get3A_466 = vector.shape_cast %get3A_465 : vector<1x16xf32> to vector<16xf32>
          %add3A_467 = arith.addf %add3A_411, %get3A_466 : vector<16xf32>
          %add3A_468 = arith.constant 6 : i32
          %add3A_469 = arith.addi %mul3A_114, %add3A_468 : i32
          %get3A_470 = arith.index_cast %add3A_469 : i32 to index
          %get3A_471 = arith.constant 96 : index
          %get3A_472 = tpu.vector_load %arg5[%get3A_470, %get3A_471] {strides = array<i32>} : memref<256x128xf32, #tpu.memory_space<vmem>>, vector<1x16xf32>,
          %get3A_473 = vector.shape_cast %get3A_472 : vector<1x16xf32> to vector<16xf32>
          %add3A_474 = arith.addf %add3A_418, %get3A_473 : vector<16xf32>
          %add3A_475 = arith.constant 6 : i32
          %add3A_476 = arith.addi %mul3A_114, %add3A_475 : i32
          %get3A_477 = arith.index_cast %add3A_476 : i32 to index
          %get3A_478 = arith.constant 112 : index
          %get3A_479 = tpu.vector_load %arg5[%get3A_477, %get3A_478] {strides = array<i32>} : memref<256x128xf32, #tpu.memory_space<vmem>>, vector<1x16xf32>,
          %get3A_480 = vector.shape_cast %get3A_479 : vector<1x16xf32> to vector<16xf32>
          %add3A_481 = arith.addf %add3A_425, %get3A_480 : vector<16xf32>
          %add3A_482 = arith.constant 7 : i32
          %add3A_483 = arith.addi %mul3A_114, %add3A_482 : i32
          %get3A_484 = arith.index_cast %add3A_483 : i32 to index
          %get3A_485 = arith.constant 0 : index
          %get3A_486 = tpu.vector_load %arg5[%get3A_484, %get3A_485] {strides = array<i32>} : memref<256x128xf32, #tpu.memory_space<vmem>>, vector<1x16xf32>,
          %get3A_487 = vector.shape_cast %get3A_486 : vector<1x16xf32> to vector<16xf32>
          %add3A_488 = arith.addf %add3A_432, %get3A_487 : vector<16xf32>
          %add3A_489 = arith.constant 7 : i32
          %add3A_490 = arith.addi %mul3A_114, %add3A_489 : i32
          %get3A_491 = arith.index_cast %add3A_490 : i32 to index
          %get3A_492 = arith.constant 16 : index
          %get3A_493 = tpu.vector_load %arg5[%get3A_491, %get3A_492] {strides = array<i32>} : memref<256x128xf32, #tpu.memory_space<vmem>>, vector<1x16xf32>,
          %get3A_494 = vector.shape_cast %get3A_493 : vector<1x16xf32> to vector<16xf32>
          %add3A_495 = arith.addf %add3A_439, %get3A_494 : vector<16xf32>
          %add3A_496 = arith.constant 7 : i32
          %add3A_497 = arith.addi %mul3A_114, %add3A_496 : i32
          %get3A_498 = arith.index_cast %add3A_497 : i32 to index
          %get3A_499 = arith.constant 32 : index
          %get3A_500 = tpu.vector_load %arg5[%get3A_498, %get3A_499] {strides = array<i32>} : memref<256x128xf32, #tpu.memory_space<vmem>>, vector<1x16xf32>,
          %get3A_501 = vector.shape_cast %get3A_500 : vector<1x16xf32> to vector<16xf32>
          %add3A_502 = arith.addf %add3A_446, %get3A_501 : vector<16xf32>
          %add3A_503 = arith.constant 7 : i32
          %add3A_504 = arith.addi %mul3A_114, %add3A_503 : i32
          %get3A_505 = arith.index_cast %add3A_504 : i32 to index
          %get3A_506 = arith.constant 48 : index
          %get3A_507 = tpu.vector_load %arg5[%get3A_505, %get3A_506] {strides = array<i32>} : memref<256x128xf32, #tpu.memory_space<vmem>>, vector<1x16xf32>,
          %get3A_508 = vector.shape_cast %get3A_507 : vector<1x16xf32> to vector<16xf32>
          %add3A_509 = arith.addf %add3A_453, %get3A_508 : vector<16xf32>
          %add3A_510 = arith.constant 7 : i32
          %add3A_511 = arith.addi %mul3A_114, %add3A_510 : i32
          %get3A_512 = arith.index_cast %add3A_511 : i32 to index
          %get3A_513 = arith.constant 64 : index
          %get3A_514 = tpu.vector_load %arg5[%get3A_512, %get3A_513] {strides = array<i32>} : memref<256x128xf32, #tpu.memory_space<vmem>>, vector<1x16xf32>,
          %get3A_515 = vector.shape_cast %get3A_514 : vector<1x16xf32> to vector<16xf32>
          %add3A_516 = arith.addf %add3A_460, %get3A_515 : vector<16xf32>
          %add3A_517 = arith.constant 7 : i32
          %add3A_518 = arith.addi %mul3A_114, %add3A_517 : i32
          %get3A_519 = arith.index_cast %add3A_518 : i32 to index
          %get3A_520 = arith.constant 80 : index
          %get3A_521 = tpu.vector_load %arg5[%get3A_519, %get3A_520] {strides = array<i32>} : memref<256x128xf32, #tpu.memory_space<vmem>>, vector<1x16xf32>,
          %get3A_522 = vector.shape_cast %get3A_521 : vector<1x16xf32> to vector<16xf32>
          %add3A_523 = arith.addf %add3A_467, %get3A_522 : vector<16xf32>
          %add3A_524 = arith.constant 7 : i32
          %add3A_525 = arith.addi %mul3A_114, %add3A_524 : i32
          %get3A_526 = arith.index_cast %add3A_525 : i32 to index
          %get3A_527 = arith.constant 96 : index
          %get3A_528 = tpu.vector_load %arg5[%get3A_526, %get3A_527] {strides = array<i32>} : memref<256x128xf32, #tpu.memory_space<vmem>>, vector<1x16xf32>,
          %get3A_529 = vector.shape_cast %get3A_528 : vector<1x16xf32> to vector<16xf32>
          %add3A_530 = arith.addf %add3A_474, %get3A_529 : vector<16xf32>
          %add3A_531 = arith.constant 7 : i32
          %add3A_532 = arith.addi %mul3A_114, %add3A_531 : i32
          %get3A_533 = arith.index_cast %add3A_532 : i32 to index
          %get3A_534 = arith.constant 112 : index
          %get3A_535 = tpu.vector_load %arg5[%get3A_533, %get3A_534] {strides = array<i32>} : memref<256x128xf32, #tpu.memory_space<vmem>>, vector<1x16xf32>,
          %get3A_536 = vector.shape_cast %get3A_535 : vector<1x16xf32> to vector<16xf32>
          %add3A_537 = arith.addf %add3A_481, %get3A_536 : vector<16xf32>
          %add3A_538 = arith.constant 8 : i32
          %add3A_539 = arith.addi %mul3A_114, %add3A_538 : i32
          %get3A_540 = arith.index_cast %add3A_539 : i32 to index
          %get3A_541 = arith.constant 0 : index
          %get3A_542 = tpu.vector_load %arg5[%get3A_540, %get3A_541] {strides = array<i32>} : memref<256x128xf32, #tpu.memory_space<vmem>>, vector<1x16xf32>,
          %get3A_543 = vector.shape_cast %get3A_542 : vector<1x16xf32> to vector<16xf32>
          %add3A_544 = arith.addf %add3A_488, %get3A_543 : vector<16xf32>
          %add3A_545 = arith.constant 8 : i32
          %add3A_546 = arith.addi %mul3A_114, %add3A_545 : i32
          %get3A_547 = arith.index_cast %add3A_546 : i32 to index
          %get3A_548 = arith.constant 16 : index
          %get3A_549 = tpu.vector_load %arg5[%get3A_547, %get3A_548] {strides = array<i32>} : memref<256x128xf32, #tpu.memory_space<vmem>>, vector<1x16xf32>,
          %get3A_550 = vector.shape_cast %get3A_549 : vector<1x16xf32> to vector<16xf32>
          %add3A_551 = arith.addf %add3A_495, %get3A_550 : vector<16xf32>
          %add3A_552 = arith.constant 8 : i32
          %add3A_553 = arith.addi %mul3A_114, %add3A_552 : i32
          %get3A_554 = arith.index_cast %add3A_553 : i32 to index
          %get3A_555 = arith.constant 32 : index
          %get3A_556 = tpu.vector_load %arg5[%get3A_554, %get3A_555] {strides = array<i32>} : memref<256x128xf32, #tpu.memory_space<vmem>>, vector<1x16xf32>,
          %get3A_557 = vector.shape_cast %get3A_556 : vector<1x16xf32> to vector<16xf32>
          %add3A_558 = arith.addf %add3A_502, %get3A_557 : vector<16xf32>
          %add3A_559 = arith.constant 8 : i32
          %add3A_560 = arith.addi %mul3A_114, %add3A_559 : i32
          %get3A_561 = arith.index_cast %add3A_560 : i32 to index
          %get3A_562 = arith.constant 48 : index
          %get3A_563 = tpu.vector_load %arg5[%get3A_561, %get3A_562] {strides = array<i32>} : memref<256x128xf32, #tpu.memory_space<vmem>>, vector<1x16xf32>,
          %get3A_564 = vector.shape_cast %get3A_563 : vector<1x16xf32> to vector<16xf32>
          %add3A_565 = arith.addf %add3A_509, %get3A_564 : vector<16xf32>
          %add3A_566 = arith.constant 8 : i32
          %add3A_567 = arith.addi %mul3A_114, %add3A_566 : i32
          %get3A_568 = arith.index_cast %add3A_567 : i32 to index
          %get3A_569 = arith.constant 64 : index
          %get3A_570 = tpu.vector_load %arg5[%get3A_568, %get3A_569] {strides = array<i32>} : memref<256x128xf32, #tpu.memory_space<vmem>>, vector<1x16xf32>,
          %get3A_571 = vector.shape_cast %get3A_570 : vector<1x16xf32> to vector<16xf32>
          %add3A_572 = arith.addf %add3A_516, %get3A_571 : vector<16xf32>
          %add3A_573 = arith.constant 8 : i32
          %add3A_574 = arith.addi %mul3A_114, %add3A_573 : i32
          %get3A_575 = arith.index_cast %add3A_574 : i32 to index
          %get3A_576 = arith.constant 80 : index
          %get3A_577 = tpu.vector_load %arg5[%get3A_575, %get3A_576] {strides = array<i32>} : memref<256x128xf32, #tpu.memory_space<vmem>>, vector<1x16xf32>,
          %get3A_578 = vector.shape_cast %get3A_577 : vector<1x16xf32> to vector<16xf32>
          %add3A_579 = arith.addf %add3A_523, %get3A_578 : vector<16xf32>
          %add3A_580 = arith.constant 8 : i32
          %add3A_581 = arith.addi %mul3A_114, %add3A_580 : i32
          %get3A_582 = arith.index_cast %add3A_581 : i32 to index
          %get3A_583 = arith.constant 96 : index
          %get3A_584 = tpu.vector_load %arg5[%get3A_582, %get3A_583] {strides = array<i32>} : memref<256x128xf32, #tpu.memory_space<vmem>>, vector<1x16xf32>,
          %get3A_585 = vector.shape_cast %get3A_584 : vector<1x16xf32> to vector<16xf32>
          %add3A_586 = arith.addf %add3A_530, %get3A_585 : vector<16xf32>
          %add3A_587 = arith.constant 8 : i32
          %add3A_588 = arith.addi %mul3A_114, %add3A_587 : i32
          %get3A_589 = arith.index_cast %add3A_588 : i32 to index
          %get3A_590 = arith.constant 112 : index
          %get3A_591 = tpu.vector_load %arg5[%get3A_589, %get3A_590] {strides = array<i32>} : memref<256x128xf32, #tpu.memory_space<vmem>>, vector<1x16xf32>,
          %get3A_592 = vector.shape_cast %get3A_591 : vector<1x16xf32> to vector<16xf32>
          %add3A_593 = arith.addf %add3A_537, %get3A_592 : vector<16xf32>
          %add3A_594 = arith.constant 9 : i32
          %add3A_595 = arith.addi %mul3A_114, %add3A_594 : i32
          %get3A_596 = arith.index_cast %add3A_595 : i32 to index
          %get3A_597 = arith.constant 0 : index
          %get3A_598 = tpu.vector_load %arg5[%get3A_596, %get3A_597] {strides = array<i32>} : memref<256x128xf32, #tpu.memory_space<vmem>>, vector<1x16xf32>,
          %get3A_599 = vector.shape_cast %get3A_598 : vector<1x16xf32> to vector<16xf32>
          %add3A_600 = arith.addf %add3A_544, %get3A_599 : vector<16xf32>
          %add3A_601 = arith.constant 9 : i32
          %add3A_602 = arith.addi %mul3A_114, %add3A_601 : i32
          %get3A_603 = arith.index_cast %add3A_602 : i32 to index
          %get3A_604 = arith.constant 16 : index
          %get3A_605 = tpu.vector_load %arg5[%get3A_603, %get3A_604] {strides = array<i32>} : memref<256x128xf32, #tpu.memory_space<vmem>>, vector<1x16xf32>,
          %get3A_606 = vector.shape_cast %get3A_605 : vector<1x16xf32> to vector<16xf32>
          %add3A_607 = arith.addf %add3A_551, %get3A_606 : vector<16xf32>
          %add3A_608 = arith.constant 9 : i32
          %add3A_609 = arith.addi %mul3A_114, %add3A_608 : i32
          %get3A_610 = arith.index_cast %add3A_609 : i32 to index
          %get3A_611 = arith.constant 32 : index
          %get3A_612 = tpu.vector_load %arg5[%get3A_610, %get3A_611] {strides = array<i32>} : memref<256x128xf32, #tpu.memory_space<vmem>>, vector<1x16xf32>,
          %get3A_613 = vector.shape_cast %get3A_612 : vector<1x16xf32> to vector<16xf32>
          %add3A_614 = arith.addf %add3A_558, %get3A_613 : vector<16xf32>
          %add3A_615 = arith.constant 9 : i32
          %add3A_616 = arith.addi %mul3A_114, %add3A_615 : i32
          %get3A_617 = arith.index_cast %add3A_616 : i32 to index
          %get3A_618 = arith.constant 48 : index
          %get3A_619 = tpu.vector_load %arg5[%get3A_617, %get3A_618] {strides = array<i32>} : memref<256x128xf32, #tpu.memory_space<vmem>>, vector<1x16xf32>,
          %get3A_620 = vector.shape_cast %get3A_619 : vector<1x16xf32> to vector<16xf32>
          %add3A_621 = arith.addf %add3A_565, %get3A_620 : vector<16xf32>
          %add3A_622 = arith.constant 9 : i32
          %add3A_623 = arith.addi %mul3A_114, %add3A_622 : i32
          %get3A_624 = arith.index_cast %add3A_623 : i32 to index
          %get3A_625 = arith.constant 64 : index
          %get3A_626 = tpu.vector_load %arg5[%get3A_624, %get3A_625] {strides = array<i32>} : memref<256x128xf32, #tpu.memory_space<vmem>>, vector<1x16xf32>,
          %get3A_627 = vector.shape_cast %get3A_626 : vector<1x16xf32> to vector<16xf32>
          %add3A_628 = arith.addf %add3A_572, %get3A_627 : vector<16xf32>
          %add3A_629 = arith.constant 9 : i32
          %add3A_630 = arith.addi %mul3A_114, %add3A_629 : i32
          %get3A_631 = arith.index_cast %add3A_630 : i32 to index
          %get3A_632 = arith.constant 80 : index
          %get3A_633 = tpu.vector_load %arg5[%get3A_631, %get3A_632] {strides = array<i32>} : memref<256x128xf32, #tpu.memory_space<vmem>>, vector<1x16xf32>,
          %get3A_634 = vector.shape_cast %get3A_633 : vector<1x16xf32> to vector<16xf32>
          %add3A_635 = arith.addf %add3A_579, %get3A_634 : vector<16xf32>
          %add3A_636 = arith.constant 9 : i32
          %add3A_637 = arith.addi %mul3A_114, %add3A_636 : i32
          %get3A_638 = arith.index_cast %add3A_637 : i32 to index
          %get3A_639 = arith.constant 96 : index
          %get3A_640 = tpu.vector_load %arg5[%get3A_638, %get3A_639] {strides = array<i32>} : memref<256x128xf32, #tpu.memory_space<vmem>>, vector<1x16xf32>,
          %get3A_641 = vector.shape_cast %get3A_640 : vector<1x16xf32> to vector<16xf32>
          %add3A_642 = arith.addf %add3A_586, %get3A_641 : vector<16xf32>
          %add3A_643 = arith.constant 9 : i32
          %add3A_644 = arith.addi %mul3A_114, %add3A_643 : i32
          %get3A_645 = arith.index_cast %add3A_644 : i32 to index
          %get3A_646 = arith.constant 112 : index
          %get3A_647 = tpu.vector_load %arg5[%get3A_645, %get3A_646] {strides = array<i32>} : memref<256x128xf32, #tpu.memory_space<vmem>>, vector<1x16xf32>,
          %get3A_648 = vector.shape_cast %get3A_647 : vector<1x16xf32> to vector<16xf32>
          %add3A_649 = arith.addf %add3A_593, %get3A_648 : vector<16xf32>
          %add3A_650 = arith.constant 10 : i32
          %add3A_651 = arith.addi %mul3A_114, %add3A_650 : i32
          %get3A_652 = arith.index_cast %add3A_651 : i32 to index
          %get3A_653 = arith.constant 0 : index
          %get3A_654 = tpu.vector_load %arg5[%get3A_652, %get3A_653] {strides = array<i32>} : memref<256x128xf32, #tpu.memory_space<vmem>>, vector<1x16xf32>,
          %get3A_655 = vector.shape_cast %get3A_654 : vector<1x16xf32> to vector<16xf32>
          %add3A_656 = arith.addf %add3A_600, %get3A_655 : vector<16xf32>
          %add3A_657 = arith.constant 10 : i32
          %add3A_658 = arith.addi %mul3A_114, %add3A_657 : i32
          %get3A_659 = arith.index_cast %add3A_658 : i32 to index
          %get3A_660 = arith.constant 16 : index
          %get3A_661 = tpu.vector_load %arg5[%get3A_659, %get3A_660] {strides = array<i32>} : memref<256x128xf32, #tpu.memory_space<vmem>>, vector<1x16xf32>,
          %get3A_662 = vector.shape_cast %get3A_661 : vector<1x16xf32> to vector<16xf32>
          %add3A_663 = arith.addf %add3A_607, %get3A_662 : vector<16xf32>
          %add3A_664 = arith.constant 10 : i32
          %add3A_665 = arith.addi %mul3A_114, %add3A_664 : i32
          %get3A_666 = arith.index_cast %add3A_665 : i32 to index
          %get3A_667 = arith.constant 32 : index
          %get3A_668 = tpu.vector_load %arg5[%get3A_666, %get3A_667] {strides = array<i32>} : memref<256x128xf32, #tpu.memory_space<vmem>>, vector<1x16xf32>,
          %get3A_669 = vector.shape_cast %get3A_668 : vector<1x16xf32> to vector<16xf32>
          %add3A_670 = arith.addf %add3A_614, %get3A_669 : vector<16xf32>
          %add3A_671 = arith.constant 10 : i32
          %add3A_672 = arith.addi %mul3A_114, %add3A_671 : i32
          %get3A_673 = arith.index_cast %add3A_672 : i32 to index
          %get3A_674 = arith.constant 48 : index
          %get3A_675 = tpu.vector_load %arg5[%get3A_673, %get3A_674] {strides = array<i32>} : memref<256x128xf32, #tpu.memory_space<vmem>>, vector<1x16xf32>,
          %get3A_676 = vector.shape_cast %get3A_675 : vector<1x16xf32> to vector<16xf32>
          %add3A_677 = arith.addf %add3A_621, %get3A_676 : vector<16xf32>
          %add3A_678 = arith.constant 10 : i32
          %add3A_679 = arith.addi %mul3A_114, %add3A_678 : i32
          %get3A_680 = arith.index_cast %add3A_679 : i32 to index
          %get3A_681 = arith.constant 64 : index
          %get3A_682 = tpu.vector_load %arg5[%get3A_680, %get3A_681] {strides = array<i32>} : memref<256x128xf32, #tpu.memory_space<vmem>>, vector<1x16xf32>,
          %get3A_683 = vector.shape_cast %get3A_682 : vector<1x16xf32> to vector<16xf32>
          %add3A_684 = arith.addf %add3A_628, %get3A_683 : vector<16xf32>
          %add3A_685 = arith.constant 10 : i32
          %add3A_686 = arith.addi %mul3A_114, %add3A_685 : i32
          %get3A_687 = arith.index_cast %add3A_686 : i32 to index
          %get3A_688 = arith.constant 80 : index
          %get3A_689 = tpu.vector_load %arg5[%get3A_687, %get3A_688] {strides = array<i32>} : memref<256x128xf32, #tpu.memory_space<vmem>>, vector<1x16xf32>,
          %get3A_690 = vector.shape_cast %get3A_689 : vector<1x16xf32> to vector<16xf32>
          %add3A_691 = arith.addf %add3A_635, %get3A_690 : vector<16xf32>
          %add3A_692 = arith.constant 10 : i32
          %add3A_693 = arith.addi %mul3A_114, %add3A_692 : i32
          %get3A_694 = arith.index_cast %add3A_693 : i32 to index
          %get3A_695 = arith.constant 96 : index
          %get3A_696 = tpu.vector_load %arg5[%get3A_694, %get3A_695] {strides = array<i32>} : memref<256x128xf32, #tpu.memory_space<vmem>>, vector<1x16xf32>,
          %get3A_697 = vector.shape_cast %get3A_696 : vector<1x16xf32> to vector<16xf32>
          %add3A_698 = arith.addf %add3A_642, %get3A_697 : vector<16xf32>
          %add3A_699 = arith.constant 10 : i32
          %add3A_700 = arith.addi %mul3A_114, %add3A_699 : i32
          %get3A_701 = arith.index_cast %add3A_700 : i32 to index
          %get3A_702 = arith.constant 112 : index
          %get3A_703 = tpu.vector_load %arg5[%get3A_701, %get3A_702] {strides = array<i32>} : memref<256x128xf32, #tpu.memory_space<vmem>>, vector<1x16xf32>,
          %get3A_704 = vector.shape_cast %get3A_703 : vector<1x16xf32> to vector<16xf32>
          %add3A_705 = arith.addf %add3A_649, %get3A_704 : vector<16xf32>
          %add3A_706 = arith.constant 11 : i32
          %add3A_707 = arith.addi %mul3A_114, %add3A_706 : i32
          %get3A_708 = arith.index_cast %add3A_707 : i32 to index
          %get3A_709 = arith.constant 0 : index
          %get3A_710 = tpu.vector_load %arg5[%get3A_708, %get3A_709] {strides = array<i32>} : memref<256x128xf32, #tpu.memory_space<vmem>>, vector<1x16xf32>,
          %get3A_711 = vector.shape_cast %get3A_710 : vector<1x16xf32> to vector<16xf32>
          %add3A_712 = arith.addf %add3A_656, %get3A_711 : vector<16xf32>
          %add3A_713 = arith.constant 11 : i32
          %add3A_714 = arith.addi %mul3A_114, %add3A_713 : i32
          %get3A_715 = arith.index_cast %add3A_714 : i32 to index
          %get3A_716 = arith.constant 16 : index
          %get3A_717 = tpu.vector_load %arg5[%get3A_715, %get3A_716] {strides = array<i32>} : memref<256x128xf32, #tpu.memory_space<vmem>>, vector<1x16xf32>,
          %get3A_718 = vector.shape_cast %get3A_717 : vector<1x16xf32> to vector<16xf32>
          %add3A_719 = arith.addf %add3A_663, %get3A_718 : vector<16xf32>
          %add3A_720 = arith.constant 11 : i32
          %add3A_721 = arith.addi %mul3A_114, %add3A_720 : i32
          %get3A_722 = arith.index_cast %add3A_721 : i32 to index
          %get3A_723 = arith.constant 32 : index
          %get3A_724 = tpu.vector_load %arg5[%get3A_722, %get3A_723] {strides = array<i32>} : memref<256x128xf32, #tpu.memory_space<vmem>>, vector<1x16xf32>,
          %get3A_725 = vector.shape_cast %get3A_724 : vector<1x16xf32> to vector<16xf32>
          %add3A_726 = arith.addf %add3A_670, %get3A_725 : vector<16xf32>
          %add3A_727 = arith.constant 11 : i32
          %add3A_728 = arith.addi %mul3A_114, %add3A_727 : i32
          %get3A_729 = arith.index_cast %add3A_728 : i32 to index
          %get3A_730 = arith.constant 48 : index
          %get3A_731 = tpu.vector_load %arg5[%get3A_729, %get3A_730] {strides = array<i32>} : memref<256x128xf32, #tpu.memory_space<vmem>>, vector<1x16xf32>,
          %get3A_732 = vector.shape_cast %get3A_731 : vector<1x16xf32> to vector<16xf32>
          %add3A_733 = arith.addf %add3A_677, %get3A_732 : vector<16xf32>
          %add3A_734 = arith.constant 11 : i32
          %add3A_735 = arith.addi %mul3A_114, %add3A_734 : i32
          %get3A_736 = arith.index_cast %add3A_735 : i32 to index
          %get3A_737 = arith.constant 64 : index
          %get3A_738 = tpu.vector_load %arg5[%get3A_736, %get3A_737] {strides = array<i32>} : memref<256x128xf32, #tpu.memory_space<vmem>>, vector<1x16xf32>,
          %get3A_739 = vector.shape_cast %get3A_738 : vector<1x16xf32> to vector<16xf32>
          %add3A_740 = arith.addf %add3A_684, %get3A_739 : vector<16xf32>
          %add3A_741 = arith.constant 11 : i32
          %add3A_742 = arith.addi %mul3A_114, %add3A_741 : i32
          %get3A_743 = arith.index_cast %add3A_742 : i32 to index
          %get3A_744 = arith.constant 80 : index
          %get3A_745 = tpu.vector_load %arg5[%get3A_743, %get3A_744] {strides = array<i32>} : memref<256x128xf32, #tpu.memory_space<vmem>>, vector<1x16xf32>,
          %get3A_746 = vector.shape_cast %get3A_745 : vector<1x16xf32> to vector<16xf32>
          %add3A_747 = arith.addf %add3A_691, %get3A_746 : vector<16xf32>
          %add3A_748 = arith.constant 11 : i32
          %add3A_749 = arith.addi %mul3A_114, %add3A_748 : i32
          %get3A_750 = arith.index_cast %add3A_749 : i32 to index
          %get3A_751 = arith.constant 96 : index
          %get3A_752 = tpu.vector_load %arg5[%get3A_750, %get3A_751] {strides = array<i32>} : memref<256x128xf32, #tpu.memory_space<vmem>>, vector<1x16xf32>,
          %get3A_753 = vector.shape_cast %get3A_752 : vector<1x16xf32> to vector<16xf32>
          %add3A_754 = arith.addf %add3A_698, %get3A_753 : vector<16xf32>
          %add3A_755 = arith.constant 11 : i32
          %add3A_756 = arith.addi %mul3A_114, %add3A_755 : i32
          %get3A_757 = arith.index_cast %add3A_756 : i32 to index
          %get3A_758 = arith.constant 112 : index
          %get3A_759 = tpu.vector_load %arg5[%get3A_757, %get3A_758] {strides = array<i32>} : memref<256x128xf32, #tpu.memory_space<vmem>>, vector<1x16xf32>,
          %get3A_760 = vector.shape_cast %get3A_759 : vector<1x16xf32> to vector<16xf32>
          %add3A_761 = arith.addf %add3A_705, %get3A_760 : vector<16xf32>
          %add3A_762 = arith.constant 12 : i32
          %add3A_763 = arith.addi %mul3A_114, %add3A_762 : i32
          %get3A_764 = arith.index_cast %add3A_763 : i32 to index
          %get3A_765 = arith.constant 0 : index
          %get3A_766 = tpu.vector_load %arg5[%get3A_764, %get3A_765] {strides = array<i32>} : memref<256x128xf32, #tpu.memory_space<vmem>>, vector<1x16xf32>,
          %get3A_767 = vector.shape_cast %get3A_766 : vector<1x16xf32> to vector<16xf32>
          %add3A_768 = arith.addf %add3A_712, %get3A_767 : vector<16xf32>
          %add3A_769 = arith.constant 12 : i32
          %add3A_770 = arith.addi %mul3A_114, %add3A_769 : i32
          %get3A_771 = arith.index_cast %add3A_770 : i32 to index
          %get3A_772 = arith.constant 16 : index
          %get3A_773 = tpu.vector_load %arg5[%get3A_771, %get3A_772] {strides = array<i32>} : memref<256x128xf32, #tpu.memory_space<vmem>>, vector<1x16xf32>,
          %get3A_774 = vector.shape_cast %get3A_773 : vector<1x16xf32> to vector<16xf32>
          %add3A_775 = arith.addf %add3A_719, %get3A_774 : vector<16xf32>
          %add3A_776 = arith.constant 12 : i32
          %add3A_777 = arith.addi %mul3A_114, %add3A_776 : i32
          %get3A_778 = arith.index_cast %add3A_777 : i32 to index
          %get3A_779 = arith.constant 32 : index
          %get3A_780 = tpu.vector_load %arg5[%get3A_778, %get3A_779] {strides = array<i32>} : memref<256x128xf32, #tpu.memory_space<vmem>>, vector<1x16xf32>,
          %get3A_781 = vector.shape_cast %get3A_780 : vector<1x16xf32> to vector<16xf32>
          %add3A_782 = arith.addf %add3A_726, %get3A_781 : vector<16xf32>
          %add3A_783 = arith.constant 12 : i32
          %add3A_784 = arith.addi %mul3A_114, %add3A_783 : i32
          %get3A_785 = arith.index_cast %add3A_784 : i32 to index
          %get3A_786 = arith.constant 48 : index
          %get3A_787 = tpu.vector_load %arg5[%get3A_785, %get3A_786] {strides = array<i32>} : memref<256x128xf32, #tpu.memory_space<vmem>>, vector<1x16xf32>,
          %get3A_788 = vector.shape_cast %get3A_787 : vector<1x16xf32> to vector<16xf32>
          %add3A_789 = arith.addf %add3A_733, %get3A_788 : vector<16xf32>
          %add3A_790 = arith.constant 12 : i32
          %add3A_791 = arith.addi %mul3A_114, %add3A_790 : i32
          %get3A_792 = arith.index_cast %add3A_791 : i32 to index
          %get3A_793 = arith.constant 64 : index
          %get3A_794 = tpu.vector_load %arg5[%get3A_792, %get3A_793] {strides = array<i32>} : memref<256x128xf32, #tpu.memory_space<vmem>>, vector<1x16xf32>,
          %get3A_795 = vector.shape_cast %get3A_794 : vector<1x16xf32> to vector<16xf32>
          %add3A_796 = arith.addf %add3A_740, %get3A_795 : vector<16xf32>
          %add3A_797 = arith.constant 12 : i32
          %add3A_798 = arith.addi %mul3A_114, %add3A_797 : i32
          %get3A_799 = arith.index_cast %add3A_798 : i32 to index
          %get3A_800 = arith.constant 80 : index
          %get3A_801 = tpu.vector_load %arg5[%get3A_799, %get3A_800] {strides = array<i32>} : memref<256x128xf32, #tpu.memory_space<vmem>>, vector<1x16xf32>,
          %get3A_802 = vector.shape_cast %get3A_801 : vector<1x16xf32> to vector<16xf32>
          %add3A_803 = arith.addf %add3A_747, %get3A_802 : vector<16xf32>
          %add3A_804 = arith.constant 12 : i32
          %add3A_805 = arith.addi %mul3A_114, %add3A_804 : i32
          %get3A_806 = arith.index_cast %add3A_805 : i32 to index
          %get3A_807 = arith.constant 96 : index
          %get3A_808 = tpu.vector_load %arg5[%get3A_806, %get3A_807] {strides = array<i32>} : memref<256x128xf32, #tpu.memory_space<vmem>>, vector<1x16xf32>,
          %get3A_809 = vector.shape_cast %get3A_808 : vector<1x16xf32> to vector<16xf32>
          %add3A_810 = arith.addf %add3A_754, %get3A_809 : vector<16xf32>
          %add3A_811 = arith.constant 12 : i32
          %add3A_812 = arith.addi %mul3A_114, %add3A_811 : i32
          %get3A_813 = arith.index_cast %add3A_812 : i32 to index
          %get3A_814 = arith.constant 112 : index
          %get3A_815 = tpu.vector_load %arg5[%get3A_813, %get3A_814] {strides = array<i32>} : memref<256x128xf32, #tpu.memory_space<vmem>>, vector<1x16xf32>,
          %get3A_816 = vector.shape_cast %get3A_815 : vector<1x16xf32> to vector<16xf32>
          %add3A_817 = arith.addf %add3A_761, %get3A_816 : vector<16xf32>
          %add3A_818 = arith.constant 13 : i32
          %add3A_819 = arith.addi %mul3A_114, %add3A_818 : i32
          %get3A_820 = arith.index_cast %add3A_819 : i32 to index
          %get3A_821 = arith.constant 0 : index
          %get3A_822 = tpu.vector_load %arg5[%get3A_820, %get3A_821] {strides = array<i32>} : memref<256x128xf32, #tpu.memory_space<vmem>>, vector<1x16xf32>,
          %get3A_823 = vector.shape_cast %get3A_822 : vector<1x16xf32> to vector<16xf32>
          %add3A_824 = arith.addf %add3A_768, %get3A_823 : vector<16xf32>
          %add3A_825 = arith.constant 13 : i32
          %add3A_826 = arith.addi %mul3A_114, %add3A_825 : i32
          %get3A_827 = arith.index_cast %add3A_826 : i32 to index
          %get3A_828 = arith.constant 16 : index
          %get3A_829 = tpu.vector_load %arg5[%get3A_827, %get3A_828] {strides = array<i32>} : memref<256x128xf32, #tpu.memory_space<vmem>>, vector<1x16xf32>,
          %get3A_830 = vector.shape_cast %get3A_829 : vector<1x16xf32> to vector<16xf32>
          %add3A_831 = arith.addf %add3A_775, %get3A_830 : vector<16xf32>
          %add3A_832 = arith.constant 13 : i32
          %add3A_833 = arith.addi %mul3A_114, %add3A_832 : i32
          %get3A_834 = arith.index_cast %add3A_833 : i32 to index
          %get3A_835 = arith.constant 32 : index
          %get3A_836 = tpu.vector_load %arg5[%get3A_834, %get3A_835] {strides = array<i32>} : memref<256x128xf32, #tpu.memory_space<vmem>>, vector<1x16xf32>,
          %get3A_837 = vector.shape_cast %get3A_836 : vector<1x16xf32> to vector<16xf32>
          %add3A_838 = arith.addf %add3A_782, %get3A_837 : vector<16xf32>
          %add3A_839 = arith.constant 13 : i32
          %add3A_840 = arith.addi %mul3A_114, %add3A_839 : i32
          %get3A_841 = arith.index_cast %add3A_840 : i32 to index
          %get3A_842 = arith.constant 48 : index
          %get3A_843 = tpu.vector_load %arg5[%get3A_841, %get3A_842] {strides = array<i32>} : memref<256x128xf32, #tpu.memory_space<vmem>>, vector<1x16xf32>,
          %get3A_844 = vector.shape_cast %get3A_843 : vector<1x16xf32> to vector<16xf32>
          %add3A_845 = arith.addf %add3A_789, %get3A_844 : vector<16xf32>
          %add3A_846 = arith.constant 13 : i32
          %add3A_847 = arith.addi %mul3A_114, %add3A_846 : i32
          %get3A_848 = arith.index_cast %add3A_847 : i32 to index
          %get3A_849 = arith.constant 64 : index
          %get3A_850 = tpu.vector_load %arg5[%get3A_848, %get3A_849] {strides = array<i32>} : memref<256x128xf32, #tpu.memory_space<vmem>>, vector<1x16xf32>,
          %get3A_851 = vector.shape_cast %get3A_850 : vector<1x16xf32> to vector<16xf32>
          %add3A_852 = arith.addf %add3A_796, %get3A_851 : vector<16xf32>
          %add3A_853 = arith.constant 13 : i32
          %add3A_854 = arith.addi %mul3A_114, %add3A_853 : i32
          %get3A_855 = arith.index_cast %add3A_854 : i32 to index
          %get3A_856 = arith.constant 80 : index
          %get3A_857 = tpu.vector_load %arg5[%get3A_855, %get3A_856] {strides = array<i32>} : memref<256x128xf32, #tpu.memory_space<vmem>>, vector<1x16xf32>,
          %get3A_858 = vector.shape_cast %get3A_857 : vector<1x16xf32> to vector<16xf32>
          %add3A_859 = arith.addf %add3A_803, %get3A_858 : vector<16xf32>
          %add3A_860 = arith.constant 13 : i32
          %add3A_861 = arith.addi %mul3A_114, %add3A_860 : i32
          %get3A_862 = arith.index_cast %add3A_861 : i32 to index
          %get3A_863 = arith.constant 96 : index
          %get3A_864 = tpu.vector_load %arg5[%get3A_862, %get3A_863] {strides = array<i32>} : memref<256x128xf32, #tpu.memory_space<vmem>>, vector<1x16xf32>,
          %get3A_865 = vector.shape_cast %get3A_864 : vector<1x16xf32> to vector<16xf32>
          %add3A_866 = arith.addf %add3A_810, %get3A_865 : vector<16xf32>
          %add3A_867 = arith.constant 13 : i32
          %add3A_868 = arith.addi %mul3A_114, %add3A_867 : i32
          %get3A_869 = arith.index_cast %add3A_868 : i32 to index
          %get3A_870 = arith.constant 112 : index
          %get3A_871 = tpu.vector_load %arg5[%get3A_869, %get3A_870] {strides = array<i32>} : memref<256x128xf32, #tpu.memory_space<vmem>>, vector<1x16xf32>,
          %get3A_872 = vector.shape_cast %get3A_871 : vector<1x16xf32> to vector<16xf32>
          %add3A_873 = arith.addf %add3A_817, %get3A_872 : vector<16xf32>
          %add3A_874 = arith.constant 14 : i32
          %add3A_875 = arith.addi %mul3A_114, %add3A_874 : i32
          %get3A_876 = arith.index_cast %add3A_875 : i32 to index
          %get3A_877 = arith.constant 0 : index
          %get3A_878 = tpu.vector_load %arg5[%get3A_876, %get3A_877] {strides = array<i32>} : memref<256x128xf32, #tpu.memory_space<vmem>>, vector<1x16xf32>,
          %get3A_879 = vector.shape_cast %get3A_878 : vector<1x16xf32> to vector<16xf32>
          %add3A_880 = arith.addf %add3A_824, %get3A_879 : vector<16xf32>
          %add3A_881 = arith.constant 14 : i32
          %add3A_882 = arith.addi %mul3A_114, %add3A_881 : i32
          %get3A_883 = arith.index_cast %add3A_882 : i32 to index
          %get3A_884 = arith.constant 16 : index
          %get3A_885 = tpu.vector_load %arg5[%get3A_883, %get3A_884] {strides = array<i32>} : memref<256x128xf32, #tpu.memory_space<vmem>>, vector<1x16xf32>,
          %get3A_886 = vector.shape_cast %get3A_885 : vector<1x16xf32> to vector<16xf32>
          %add3A_887 = arith.addf %add3A_831, %get3A_886 : vector<16xf32>
          %add3A_888 = arith.constant 14 : i32
          %add3A_889 = arith.addi %mul3A_114, %add3A_888 : i32
          %get3A_890 = arith.index_cast %add3A_889 : i32 to index
          %get3A_891 = arith.constant 32 : index
          %get3A_892 = tpu.vector_load %arg5[%get3A_890, %get3A_891] {strides = array<i32>} : memref<256x128xf32, #tpu.memory_space<vmem>>, vector<1x16xf32>,
          %get3A_893 = vector.shape_cast %get3A_892 : vector<1x16xf32> to vector<16xf32>
          %add3A_894 = arith.addf %add3A_838, %get3A_893 : vector<16xf32>
          %add3A_895 = arith.constant 14 : i32
          %add3A_896 = arith.addi %mul3A_114, %add3A_895 : i32
          %get3A_897 = arith.index_cast %add3A_896 : i32 to index
          %get3A_898 = arith.constant 48 : index
          %get3A_899 = tpu.vector_load %arg5[%get3A_897, %get3A_898] {strides = array<i32>} : memref<256x128xf32, #tpu.memory_space<vmem>>, vector<1x16xf32>,
          %get3A_900 = vector.shape_cast %get3A_899 : vector<1x16xf32> to vector<16xf32>
          %add3A_901 = arith.addf %add3A_845, %get3A_900 : vector<16xf32>
          %add3A_902 = arith.constant 14 : i32
          %add3A_903 = arith.addi %mul3A_114, %add3A_902 : i32
          %get3A_904 = arith.index_cast %add3A_903 : i32 to index
          %get3A_905 = arith.constant 64 : index
          %get3A_906 = tpu.vector_load %arg5[%get3A_904, %get3A_905] {strides = array<i32>} : memref<256x128xf32, #tpu.memory_space<vmem>>, vector<1x16xf32>,
          %get3A_907 = vector.shape_cast %get3A_906 : vector<1x16xf32> to vector<16xf32>
          %add3A_908 = arith.addf %add3A_852, %get3A_907 : vector<16xf32>
          %add3A_909 = arith.constant 14 : i32
          %add3A_910 = arith.addi %mul3A_114, %add3A_909 : i32
          %get3A_911 = arith.index_cast %add3A_910 : i32 to index
          %get3A_912 = arith.constant 80 : index
          %get3A_913 = tpu.vector_load %arg5[%get3A_911, %get3A_912] {strides = array<i32>} : memref<256x128xf32, #tpu.memory_space<vmem>>, vector<1x16xf32>,
          %get3A_914 = vector.shape_cast %get3A_913 : vector<1x16xf32> to vector<16xf32>
          %add3A_915 = arith.addf %add3A_859, %get3A_914 : vector<16xf32>
          %add3A_916 = arith.constant 14 : i32
          %add3A_917 = arith.addi %mul3A_114, %add3A_916 : i32
          %get3A_918 = arith.index_cast %add3A_917 : i32 to index
          %get3A_919 = arith.constant 96 : index
          %get3A_920 = tpu.vector_load %arg5[%get3A_918, %get3A_919] {strides = array<i32>} : memref<256x128xf32, #tpu.memory_space<vmem>>, vector<1x16xf32>,
          %get3A_921 = vector.shape_cast %get3A_920 : vector<1x16xf32> to vector<16xf32>
          %add3A_922 = arith.addf %add3A_866, %get3A_921 : vector<16xf32>
          %add3A_923 = arith.constant 14 : i32
          %add3A_924 = arith.addi %mul3A_114, %add3A_923 : i32
          %get3A_925 = arith.index_cast %add3A_924 : i32 to index
          %get3A_926 = arith.constant 112 : index
          %get3A_927 = tpu.vector_load %arg5[%get3A_925, %get3A_926] {strides = array<i32>} : memref<256x128xf32, #tpu.memory_space<vmem>>, vector<1x16xf32>,
          %get3A_928 = vector.shape_cast %get3A_927 : vector<1x16xf32> to vector<16xf32>
          %add3A_929 = arith.addf %add3A_873, %get3A_928 : vector<16xf32>
          %add3A_930 = arith.constant 15 : i32
          %add3A_931 = arith.addi %mul3A_114, %add3A_930 : i32
          %get3A_932 = arith.index_cast %add3A_931 : i32 to index
          %get3A_933 = arith.constant 0 : index
          %get3A_934 = tpu.vector_load %arg5[%get3A_932, %get3A_933] {strides = array<i32>} : memref<256x128xf32, #tpu.memory_space<vmem>>, vector<1x16xf32>,
          %get3A_935 = vector.shape_cast %get3A_934 : vector<1x16xf32> to vector<16xf32>
          %add3A_936 = arith.addf %add3A_880, %get3A_935 : vector<16xf32>
          %add3A_937 = arith.constant 15 : i32
          %add3A_938 = arith.addi %mul3A_114, %add3A_937 : i32
          %get3A_939 = arith.index_cast %add3A_938 : i32 to index
          %get3A_940 = arith.constant 16 : index
          %get3A_941 = tpu.vector_load %arg5[%get3A_939, %get3A_940] {strides = array<i32>} : memref<256x128xf32, #tpu.memory_space<vmem>>, vector<1x16xf32>,
          %get3A_942 = vector.shape_cast %get3A_941 : vector<1x16xf32> to vector<16xf32>
          %add3A_943 = arith.addf %add3A_887, %get3A_942 : vector<16xf32>
          %add3A_944 = arith.constant 15 : i32
          %add3A_945 = arith.addi %mul3A_114, %add3A_944 : i32
          %get3A_946 = arith.index_cast %add3A_945 : i32 to index
          %get3A_947 = arith.constant 32 : index
          %get3A_948 = tpu.vector_load %arg5[%get3A_946, %get3A_947] {strides = array<i32>} : memref<256x128xf32, #tpu.memory_space<vmem>>, vector<1x16xf32>,
          %get3A_949 = vector.shape_cast %get3A_948 : vector<1x16xf32> to vector<16xf32>
          %add3A_950 = arith.addf %add3A_894, %get3A_949 : vector<16xf32>
          %add3A_951 = arith.constant 15 : i32
          %add3A_952 = arith.addi %mul3A_114, %add3A_951 : i32
          %get3A_953 = arith.index_cast %add3A_952 : i32 to index
          %get3A_954 = arith.constant 48 : index
          %get3A_955 = tpu.vector_load %arg5[%get3A_953, %get3A_954] {strides = array<i32>} : memref<256x128xf32, #tpu.memory_space<vmem>>, vector<1x16xf32>,
          %get3A_956 = vector.shape_cast %get3A_955 : vector<1x16xf32> to vector<16xf32>
          %add3A_957 = arith.addf %add3A_901, %get3A_956 : vector<16xf32>
          %add3A_958 = arith.constant 15 : i32
          %add3A_959 = arith.addi %mul3A_114, %add3A_958 : i32
          %get3A_960 = arith.index_cast %add3A_959 : i32 to index
          %get3A_961 = arith.constant 64 : index
          %get3A_962 = tpu.vector_load %arg5[%get3A_960, %get3A_961] {strides = array<i32>} : memref<256x128xf32, #tpu.memory_space<vmem>>, vector<1x16xf32>,
          %get3A_963 = vector.shape_cast %get3A_962 : vector<1x16xf32> to vector<16xf32>
          %add3A_964 = arith.addf %add3A_908, %get3A_963 : vector<16xf32>
          %add3A_965 = arith.constant 15 : i32
          %add3A_966 = arith.addi %mul3A_114, %add3A_965 : i32
          %get3A_967 = arith.index_cast %add3A_966 : i32 to index
          %get3A_968 = arith.constant 80 : index
          %get3A_969 = tpu.vector_load %arg5[%get3A_967, %get3A_968] {strides = array<i32>} : memref<256x128xf32, #tpu.memory_space<vmem>>, vector<1x16xf32>,
          %get3A_970 = vector.shape_cast %get3A_969 : vector<1x16xf32> to vector<16xf32>
          %add3A_971 = arith.addf %add3A_915, %get3A_970 : vector<16xf32>
          %add3A_972 = arith.constant 15 : i32
          %add3A_973 = arith.addi %mul3A_114, %add3A_972 : i32
          %get3A_974 = arith.index_cast %add3A_973 : i32 to index
          %get3A_975 = arith.constant 96 : index
          %get3A_976 = tpu.vector_load %arg5[%get3A_974, %get3A_975] {strides = array<i32>} : memref<256x128xf32, #tpu.memory_space<vmem>>, vector<1x16xf32>,
          %get3A_977 = vector.shape_cast %get3A_976 : vector<1x16xf32> to vector<16xf32>
          %add3A_978 = arith.addf %add3A_922, %get3A_977 : vector<16xf32>
          %add3A_979 = arith.constant 15 : i32
          %add3A_980 = arith.addi %mul3A_114, %add3A_979 : i32
          %get3A_981 = arith.index_cast %add3A_980 : i32 to index
          %get3A_982 = arith.constant 112 : index
          %get3A_983 = tpu.vector_load %arg5[%get3A_981, %get3A_982] {strides = array<i32>} : memref<256x128xf32, #tpu.memory_space<vmem>>, vector<1x16xf32>,
          %get3A_984 = vector.shape_cast %get3A_983 : vector<1x16xf32> to vector<16xf32>
          %add3A_985 = arith.addf %add3A_929, %get3A_984 : vector<16xf32>
          %add3A_986 = arith.constant 16 : i32
          %add3A_987 = arith.addi %mul3A_114, %add3A_986 : i32
          %get3A_988 = arith.index_cast %add3A_987 : i32 to index
          %get3A_989 = arith.constant 0 : index
          %get3A_990 = tpu.vector_load %arg5[%get3A_988, %get3A_989] {strides = array<i32>} : memref<256x128xf32, #tpu.memory_space<vmem>>, vector<1x16xf32>,
          %get3A_991 = vector.shape_cast %get3A_990 : vector<1x16xf32> to vector<16xf32>
          %add3A_992 = arith.addf %add3A_936, %get3A_991 : vector<16xf32>
          %add3A_993 = arith.constant 16 : i32
          %add3A_994 = arith.addi %mul3A_114, %add3A_993 : i32
          %get3A_995 = arith.index_cast %add3A_994 : i32 to index
          %get3A_996 = arith.constant 16 : index
          %get3A_997 = tpu.vector_load %arg5[%get3A_995, %get3A_996] {strides = array<i32>} : memref<256x128xf32, #tpu.memory_space<vmem>>, vector<1x16xf32>,
          %get3A_998 = vector.shape_cast %get3A_997 : vector<1x16xf32> to vector<16xf32>
          %add3A_999 = arith.addf %add3A_943, %get3A_998 : vector<16xf32>
          %add3A_1000 = arith.constant 16 : i32
          %add3A_1001 = arith.addi %mul3A_114, %add3A_1000 : i32
          %get3A_1002 = arith.index_cast %add3A_1001 : i32 to index
          %get3A_1003 = arith.constant 32 : index
          %get3A_1004 = tpu.vector_load %arg5[%get3A_1002, %get3A_1003] {strides = array<i32>} : memref<256x128xf32, #tpu.memory_space<vmem>>, vector<1x16xf32>,
          %get3A_1005 = vector.shape_cast %get3A_1004 : vector<1x16xf32> to vector<16xf32>
          %add3A_1006 = arith.addf %add3A_950, %get3A_1005 : vector<16xf32>
          %add3A_1007 = arith.constant 16 : i32
          %add3A_1008 = arith.addi %mul3A_114, %add3A_1007 : i32
          %get3A_1009 = arith.index_cast %add3A_1008 : i32 to index
          %get3A_1010 = arith.constant 48 : index
          %get3A_1011 = tpu.vector_load %arg5[%get3A_1009, %get3A_1010] {strides = array<i32>} : memref<256x128xf32, #tpu.memory_space<vmem>>, vector<1x16xf32>,
          %get3A_1012 = vector.shape_cast %get3A_1011 : vector<1x16xf32> to vector<16xf32>
          %add3A_1013 = arith.addf %add3A_957, %get3A_1012 : vector<16xf32>
          %add3A_1014 = arith.constant 16 : i32
          %add3A_1015 = arith.addi %mul3A_114, %add3A_1014 : i32
          %get3A_1016 = arith.index_cast %add3A_1015 : i32 to index
          %get3A_1017 = arith.constant 64 : index
          %get3A_1018 = tpu.vector_load %arg5[%get3A_1016, %get3A_1017] {strides = array<i32>} : memref<256x128xf32, #tpu.memory_space<vmem>>, vector<1x16xf32>,
          %get3A_1019 = vector.shape_cast %get3A_1018 : vector<1x16xf32> to vector<16xf32>
          %add3A_1020 = arith.addf %add3A_964, %get3A_1019 : vector<16xf32>
          %add3A_1021 = arith.constant 16 : i32
          %add3A_1022 = arith.addi %mul3A_114, %add3A_1021 : i32
          %get3A_1023 = arith.index_cast %add3A_1022 : i32 to index
          %get3A_1024 = arith.constant 80 : index
          %get3A_1025 = tpu.vector_load %arg5[%get3A_1023, %get3A_1024] {strides = array<i32>} : memref<256x128xf32, #tpu.memory_space<vmem>>, vector<1x16xf32>,
          %get3A_1026 = vector.shape_cast %get3A_1025 : vector<1x16xf32> to vector<16xf32>
          %add3A_1027 = arith.addf %add3A_971, %get3A_1026 : vector<16xf32>
          %add3A_1028 = arith.constant 16 : i32
          %add3A_1029 = arith.addi %mul3A_114, %add3A_1028 : i32
          %get3A_1030 = arith.index_cast %add3A_1029 : i32 to index
          %get3A_1031 = arith.constant 96 : index
          %get3A_1032 = tpu.vector_load %arg5[%get3A_1030, %get3A_1031] {strides = array<i32>} : memref<256x128xf32, #tpu.memory_space<vmem>>, vector<1x16xf32>,
          %get3A_1033 = vector.shape_cast %get3A_1032 : vector<1x16xf32> to vector<16xf32>
          %add3A_1034 = arith.addf %add3A_978, %get3A_1033 : vector<16xf32>
          %add3A_1035 = arith.constant 16 : i32
          %add3A_1036 = arith.addi %mul3A_114, %add3A_1035 : i32
          %get3A_1037 = arith.index_cast %add3A_1036 : i32 to index
          %get3A_1038 = arith.constant 112 : index
          %get3A_1039 = tpu.vector_load %arg5[%get3A_1037, %get3A_1038] {strides = array<i32>} : memref<256x128xf32, #tpu.memory_space<vmem>>, vector<1x16xf32>,
          %get3A_1040 = vector.shape_cast %get3A_1039 : vector<1x16xf32> to vector<16xf32>
          %add3A_1041 = arith.addf %add3A_985, %get3A_1040 : vector<16xf32>
          %add3A_1042 = arith.constant 17 : i32
          %add3A_1043 = arith.addi %mul3A_114, %add3A_1042 : i32
          %get3A_1044 = arith.index_cast %add3A_1043 : i32 to index
          %get3A_1045 = arith.constant 0 : index
          %get3A_1046 = tpu.vector_load %arg5[%get3A_1044, %get3A_1045] {strides = array<i32>} : memref<256x128xf32, #tpu.memory_space<vmem>>, vector<1x16xf32>,
          %get3A_1047 = vector.shape_cast %get3A_1046 : vector<1x16xf32> to vector<16xf32>
          %add3A_1048 = arith.addf %add3A_992, %get3A_1047 : vector<16xf32>
          %add3A_1049 = arith.constant 17 : i32
          %add3A_1050 = arith.addi %mul3A_114, %add3A_1049 : i32
          %get3A_1051 = arith.index_cast %add3A_1050 : i32 to index
          %get3A_1052 = arith.constant 16 : index
          %get3A_1053 = tpu.vector_load %arg5[%get3A_1051, %get3A_1052] {strides = array<i32>} : memref<256x128xf32, #tpu.memory_space<vmem>>, vector<1x16xf32>,
          %get3A_1054 = vector.shape_cast %get3A_1053 : vector<1x16xf32> to vector<16xf32>
          %add3A_1055 = arith.addf %add3A_999, %get3A_1054 : vector<16xf32>
          %add3A_1056 = arith.constant 17 : i32
          %add3A_1057 = arith.addi %mul3A_114, %add3A_1056 : i32
          %get3A_1058 = arith.index_cast %add3A_1057 : i32 to index
          %get3A_1059 = arith.constant 32 : index
          %get3A_1060 = tpu.vector_load %arg5[%get3A_1058, %get3A_1059] {strides = array<i32>} : memref<256x128xf32, #tpu.memory_space<vmem>>, vector<1x16xf32>,
          %get3A_1061 = vector.shape_cast %get3A_1060 : vector<1x16xf32> to vector<16xf32>
          %add3A_1062 = arith.addf %add3A_1006, %get3A_1061 : vector<16xf32>
          %add3A_1063 = arith.constant 17 : i32
          %add3A_1064 = arith.addi %mul3A_114, %add3A_1063 : i32
          %get3A_1065 = arith.index_cast %add3A_1064 : i32 to index
          %get3A_1066 = arith.constant 48 : index
          %get3A_1067 = tpu.vector_load %arg5[%get3A_1065, %get3A_1066] {strides = array<i32>} : memref<256x128xf32, #tpu.memory_space<vmem>>, vector<1x16xf32>,
          %get3A_1068 = vector.shape_cast %get3A_1067 : vector<1x16xf32> to vector<16xf32>
          %add3A_1069 = arith.addf %add3A_1013, %get3A_1068 : vector<16xf32>
          %add3A_1070 = arith.constant 17 : i32
          %add3A_1071 = arith.addi %mul3A_114, %add3A_1070 : i32
          %get3A_1072 = arith.index_cast %add3A_1071 : i32 to index
          %get3A_1073 = arith.constant 64 : index
          %get3A_1074 = tpu.vector_load %arg5[%get3A_1072, %get3A_1073] {strides = array<i32>} : memref<256x128xf32, #tpu.memory_space<vmem>>, vector<1x16xf32>,
          %get3A_1075 = vector.shape_cast %get3A_1074 : vector<1x16xf32> to vector<16xf32>
          %add3A_1076 = arith.addf %add3A_1020, %get3A_1075 : vector<16xf32>
          %add3A_1077 = arith.constant 17 : i32
          %add3A_1078 = arith.addi %mul3A_114, %add3A_1077 : i32
          %get3A_1079 = arith.index_cast %add3A_1078 : i32 to index
          %get3A_1080 = arith.constant 80 : index
          %get3A_1081 = tpu.vector_load %arg5[%get3A_1079, %get3A_1080] {strides = array<i32>} : memref<256x128xf32, #tpu.memory_space<vmem>>, vector<1x16xf32>,
          %get3A_1082 = vector.shape_cast %get3A_1081 : vector<1x16xf32> to vector<16xf32>
          %add3A_1083 = arith.addf %add3A_1027, %get3A_1082 : vector<16xf32>
          %add3A_1084 = arith.constant 17 : i32
          %add3A_1085 = arith.addi %mul3A_114, %add3A_1084 : i32
          %get3A_1086 = arith.index_cast %add3A_1085 : i32 to index
          %get3A_1087 = arith.constant 96 : index
          %get3A_1088 = tpu.vector_load %arg5[%get3A_1086, %get3A_1087] {strides = array<i32>} : memref<256x128xf32, #tpu.memory_space<vmem>>, vector<1x16xf32>,
          %get3A_1089 = vector.shape_cast %get3A_1088 : vector<1x16xf32> to vector<16xf32>
          %add3A_1090 = arith.addf %add3A_1034, %get3A_1089 : vector<16xf32>
          %add3A_1091 = arith.constant 17 : i32
          %add3A_1092 = arith.addi %mul3A_114, %add3A_1091 : i32
          %get3A_1093 = arith.index_cast %add3A_1092 : i32 to index
          %get3A_1094 = arith.constant 112 : index
          %get3A_1095 = tpu.vector_load %arg5[%get3A_1093, %get3A_1094] {strides = array<i32>} : memref<256x128xf32, #tpu.memory_space<vmem>>, vector<1x16xf32>,
          %get3A_1096 = vector.shape_cast %get3A_1095 : vector<1x16xf32> to vector<16xf32>
          %add3A_1097 = arith.addf %add3A_1041, %get3A_1096 : vector<16xf32>
          %add3A_1098 = arith.constant 18 : i32
          %add3A_1099 = arith.addi %mul3A_114, %add3A_1098 : i32
          %get3A_1100 = arith.index_cast %add3A_1099 : i32 to index
          %get3A_1101 = arith.constant 0 : index
          %get3A_1102 = tpu.vector_load %arg5[%get3A_1100, %get3A_1101] {strides = array<i32>} : memref<256x128xf32, #tpu.memory_space<vmem>>, vector<1x16xf32>,
          %get3A_1103 = vector.shape_cast %get3A_1102 : vector<1x16xf32> to vector<16xf32>
          %add3A_1104 = arith.addf %add3A_1048, %get3A_1103 : vector<16xf32>
          %add3A_1105 = arith.constant 18 : i32
          %add3A_1106 = arith.addi %mul3A_114, %add3A_1105 : i32
          %get3A_1107 = arith.index_cast %add3A_1106 : i32 to index
          %get3A_1108 = arith.constant 16 : index
          %get3A_1109 = tpu.vector_load %arg5[%get3A_1107, %get3A_1108] {strides = array<i32>} : memref<256x128xf32, #tpu.memory_space<vmem>>, vector<1x16xf32>,
          %get3A_1110 = vector.shape_cast %get3A_1109 : vector<1x16xf32> to vector<16xf32>
          %add3A_1111 = arith.addf %add3A_1055, %get3A_1110 : vector<16xf32>
          %add3A_1112 = arith.constant 18 : i32
          %add3A_1113 = arith.addi %mul3A_114, %add3A_1112 : i32
          %get3A_1114 = arith.index_cast %add3A_1113 : i32 to index
          %get3A_1115 = arith.constant 32 : index
          %get3A_1116 = tpu.vector_load %arg5[%get3A_1114, %get3A_1115] {strides = array<i32>} : memref<256x128xf32, #tpu.memory_space<vmem>>, vector<1x16xf32>,
          %get3A_1117 = vector.shape_cast %get3A_1116 : vector<1x16xf32> to vector<16xf32>
          %add3A_1118 = arith.addf %add3A_1062, %get3A_1117 : vector<16xf32>
          %add3A_1119 = arith.constant 18 : i32
          %add3A_1120 = arith.addi %mul3A_114, %add3A_1119 : i32
          %get3A_1121 = arith.index_cast %add3A_1120 : i32 to index
          %get3A_1122 = arith.constant 48 : index
          %get3A_1123 = tpu.vector_load %arg5[%get3A_1121, %get3A_1122] {strides = array<i32>} : memref<256x128xf32, #tpu.memory_space<vmem>>, vector<1x16xf32>,
          %get3A_1124 = vector.shape_cast %get3A_1123 : vector<1x16xf32> to vector<16xf32>
          %add3A_1125 = arith.addf %add3A_1069, %get3A_1124 : vector<16xf32>
          %add3A_1126 = arith.constant 18 : i32
          %add3A_1127 = arith.addi %mul3A_114, %add3A_1126 : i32
          %get3A_1128 = arith.index_cast %add3A_1127 : i32 to index
          %get3A_1129 = arith.constant 64 : index
          %get3A_1130 = tpu.vector_load %arg5[%get3A_1128, %get3A_1129] {strides = array<i32>} : memref<256x128xf32, #tpu.memory_space<vmem>>, vector<1x16xf32>,
          %get3A_1131 = vector.shape_cast %get3A_1130 : vector<1x16xf32> to vector<16xf32>
          %add3A_1132 = arith.addf %add3A_1076, %get3A_1131 : vector<16xf32>
          %add3A_1133 = arith.constant 18 : i32
          %add3A_1134 = arith.addi %mul3A_114, %add3A_1133 : i32
          %get3A_1135 = arith.index_cast %add3A_1134 : i32 to index
          %get3A_1136 = arith.constant 80 : index
          %get3A_1137 = tpu.vector_load %arg5[%get3A_1135, %get3A_1136] {strides = array<i32>} : memref<256x128xf32, #tpu.memory_space<vmem>>, vector<1x16xf32>,
          %get3A_1138 = vector.shape_cast %get3A_1137 : vector<1x16xf32> to vector<16xf32>
          %add3A_1139 = arith.addf %add3A_1083, %get3A_1138 : vector<16xf32>
          %add3A_1140 = arith.constant 18 : i32
          %add3A_1141 = arith.addi %mul3A_114, %add3A_1140 : i32
          %get3A_1142 = arith.index_cast %add3A_1141 : i32 to index
          %get3A_1143 = arith.constant 96 : index
          %get3A_1144 = tpu.vector_load %arg5[%get3A_1142, %get3A_1143] {strides = array<i32>} : memref<256x128xf32, #tpu.memory_space<vmem>>, vector<1x16xf32>,
          %get3A_1145 = vector.shape_cast %get3A_1144 : vector<1x16xf32> to vector<16xf32>
          %add3A_1146 = arith.addf %add3A_1090, %get3A_1145 : vector<16xf32>
          %add3A_1147 = arith.constant 18 : i32
          %add3A_1148 = arith.addi %mul3A_114, %add3A_1147 : i32
          %get3A_1149 = arith.index_cast %add3A_1148 : i32 to index
          %get3A_1150 = arith.constant 112 : index
          %get3A_1151 = tpu.vector_load %arg5[%get3A_1149, %get3A_1150] {strides = array<i32>} : memref<256x128xf32, #tpu.memory_space<vmem>>, vector<1x16xf32>,
          %get3A_1152 = vector.shape_cast %get3A_1151 : vector<1x16xf32> to vector<16xf32>
          %add3A_1153 = arith.addf %add3A_1097, %get3A_1152 : vector<16xf32>
          %add3A_1154 = arith.constant 19 : i32
          %add3A_1155 = arith.addi %mul3A_114, %add3A_1154 : i32
          %get3A_1156 = arith.index_cast %add3A_1155 : i32 to index
          %get3A_1157 = arith.constant 0 : index
          %get3A_1158 = tpu.vector_load %arg5[%get3A_1156, %get3A_1157] {strides = array<i32>} : memref<256x128xf32, #tpu.memory_space<vmem>>, vector<1x16xf32>,
          %get3A_1159 = vector.shape_cast %get3A_1158 : vector<1x16xf32> to vector<16xf32>
          %add3A_1160 = arith.addf %add3A_1104, %get3A_1159 : vector<16xf32>
          %add3A_1161 = arith.constant 19 : i32
          %add3A_1162 = arith.addi %mul3A_114, %add3A_1161 : i32
          %get3A_1163 = arith.index_cast %add3A_1162 : i32 to index
          %get3A_1164 = arith.constant 16 : index
          %get3A_1165 = tpu.vector_load %arg5[%get3A_1163, %get3A_1164] {strides = array<i32>} : memref<256x128xf32, #tpu.memory_space<vmem>>, vector<1x16xf32>,
          %get3A_1166 = vector.shape_cast %get3A_1165 : vector<1x16xf32> to vector<16xf32>
          %add3A_1167 = arith.addf %add3A_1111, %get3A_1166 : vector<16xf32>
          %add3A_1168 = arith.constant 19 : i32
          %add3A_1169 = arith.addi %mul3A_114, %add3A_1168 : i32
          %get3A_1170 = arith.index_cast %add3A_1169 : i32 to index
          %get3A_1171 = arith.constant 32 : index
          %get3A_1172 = tpu.vector_load %arg5[%get3A_1170, %get3A_1171] {strides = array<i32>} : memref<256x128xf32, #tpu.memory_space<vmem>>, vector<1x16xf32>,
          %get3A_1173 = vector.shape_cast %get3A_1172 : vector<1x16xf32> to vector<16xf32>
          %add3A_1174 = arith.addf %add3A_1118, %get3A_1173 : vector<16xf32>
          %add3A_1175 = arith.constant 19 : i32
          %add3A_1176 = arith.addi %mul3A_114, %add3A_1175 : i32
          %get3A_1177 = arith.index_cast %add3A_1176 : i32 to index
          %get3A_1178 = arith.constant 48 : index
          %get3A_1179 = tpu.vector_load %arg5[%get3A_1177, %get3A_1178] {strides = array<i32>} : memref<256x128xf32, #tpu.memory_space<vmem>>, vector<1x16xf32>,
          %get3A_1180 = vector.shape_cast %get3A_1179 : vector<1x16xf32> to vector<16xf32>
          %add3A_1181 = arith.addf %add3A_1125, %get3A_1180 : vector<16xf32>
          %add3A_1182 = arith.constant 19 : i32
          %add3A_1183 = arith.addi %mul3A_114, %add3A_1182 : i32
          %get3A_1184 = arith.index_cast %add3A_1183 : i32 to index
          %get3A_1185 = arith.constant 64 : index
          %get3A_1186 = tpu.vector_load %arg5[%get3A_1184, %get3A_1185] {strides = array<i32>} : memref<256x128xf32, #tpu.memory_space<vmem>>, vector<1x16xf32>,
          %get3A_1187 = vector.shape_cast %get3A_1186 : vector<1x16xf32> to vector<16xf32>
          %add3A_1188 = arith.addf %add3A_1132, %get3A_1187 : vector<16xf32>
          %add3A_1189 = arith.constant 19 : i32
          %add3A_1190 = arith.addi %mul3A_114, %add3A_1189 : i32
          %get3A_1191 = arith.index_cast %add3A_1190 : i32 to index
          %get3A_1192 = arith.constant 80 : index
          %get3A_1193 = tpu.vector_load %arg5[%get3A_1191, %get3A_1192] {strides = array<i32>} : memref<256x128xf32, #tpu.memory_space<vmem>>, vector<1x16xf32>,
          %get3A_1194 = vector.shape_cast %get3A_1193 : vector<1x16xf32> to vector<16xf32>
          %add3A_1195 = arith.addf %add3A_1139, %get3A_1194 : vector<16xf32>
          %add3A_1196 = arith.constant 19 : i32
          %add3A_1197 = arith.addi %mul3A_114, %add3A_1196 : i32
          %get3A_1198 = arith.index_cast %add3A_1197 : i32 to index
          %get3A_1199 = arith.constant 96 : index
          %get3A_1200 = tpu.vector_load %arg5[%get3A_1198, %get3A_1199] {strides = array<i32>} : memref<256x128xf32, #tpu.memory_space<vmem>>, vector<1x16xf32>,
          %get3A_1201 = vector.shape_cast %get3A_1200 : vector<1x16xf32> to vector<16xf32>
          %add3A_1202 = arith.addf %add3A_1146, %get3A_1201 : vector<16xf32>
          %add3A_1203 = arith.constant 19 : i32
          %add3A_1204 = arith.addi %mul3A_114, %add3A_1203 : i32
          %get3A_1205 = arith.index_cast %add3A_1204 : i32 to index
          %get3A_1206 = arith.constant 112 : index
          %get3A_1207 = tpu.vector_load %arg5[%get3A_1205, %get3A_1206] {strides = array<i32>} : memref<256x128xf32, #tpu.memory_space<vmem>>, vector<1x16xf32>,
          %get3A_1208 = vector.shape_cast %get3A_1207 : vector<1x16xf32> to vector<16xf32>
          %add3A_1209 = arith.addf %add3A_1153, %get3A_1208 : vector<16xf32>
          %add3A_1210 = arith.constant 20 : i32
          %add3A_1211 = arith.addi %mul3A_114, %add3A_1210 : i32
          %get3A_1212 = arith.index_cast %add3A_1211 : i32 to index
          %get3A_1213 = arith.constant 0 : index
          %get3A_1214 = tpu.vector_load %arg5[%get3A_1212, %get3A_1213] {strides = array<i32>} : memref<256x128xf32, #tpu.memory_space<vmem>>, vector<1x16xf32>,
          %get3A_1215 = vector.shape_cast %get3A_1214 : vector<1x16xf32> to vector<16xf32>
          %add3A_1216 = arith.addf %add3A_1160, %get3A_1215 : vector<16xf32>
          %add3A_1217 = arith.constant 20 : i32
          %add3A_1218 = arith.addi %mul3A_114, %add3A_1217 : i32
          %get3A_1219 = arith.index_cast %add3A_1218 : i32 to index
          %get3A_1220 = arith.constant 16 : index
          %get3A_1221 = tpu.vector_load %arg5[%get3A_1219, %get3A_1220] {strides = array<i32>} : memref<256x128xf32, #tpu.memory_space<vmem>>, vector<1x16xf32>,
          %get3A_1222 = vector.shape_cast %get3A_1221 : vector<1x16xf32> to vector<16xf32>
          %add3A_1223 = arith.addf %add3A_1167, %get3A_1222 : vector<16xf32>
          %add3A_1224 = arith.constant 20 : i32
          %add3A_1225 = arith.addi %mul3A_114, %add3A_1224 : i32
          %get3A_1226 = arith.index_cast %add3A_1225 : i32 to index
          %get3A_1227 = arith.constant 32 : index
          %get3A_1228 = tpu.vector_load %arg5[%get3A_1226, %get3A_1227] {strides = array<i32>} : memref<256x128xf32, #tpu.memory_space<vmem>>, vector<1x16xf32>,
          %get3A_1229 = vector.shape_cast %get3A_1228 : vector<1x16xf32> to vector<16xf32>
          %add3A_1230 = arith.addf %add3A_1174, %get3A_1229 : vector<16xf32>
          %add3A_1231 = arith.constant 20 : i32
          %add3A_1232 = arith.addi %mul3A_114, %add3A_1231 : i32
          %get3A_1233 = arith.index_cast %add3A_1232 : i32 to index
          %get3A_1234 = arith.constant 48 : index
          %get3A_1235 = tpu.vector_load %arg5[%get3A_1233, %get3A_1234] {strides = array<i32>} : memref<256x128xf32, #tpu.memory_space<vmem>>, vector<1x16xf32>,
          %get3A_1236 = vector.shape_cast %get3A_1235 : vector<1x16xf32> to vector<16xf32>
          %add3A_1237 = arith.addf %add3A_1181, %get3A_1236 : vector<16xf32>
          %add3A_1238 = arith.constant 20 : i32
          %add3A_1239 = arith.addi %mul3A_114, %add3A_1238 : i32
          %get3A_1240 = arith.index_cast %add3A_1239 : i32 to index
          %get3A_1241 = arith.constant 64 : index
          %get3A_1242 = tpu.vector_load %arg5[%get3A_1240, %get3A_1241] {strides = array<i32>} : memref<256x128xf32, #tpu.memory_space<vmem>>, vector<1x16xf32>,
          %get3A_1243 = vector.shape_cast %get3A_1242 : vector<1x16xf32> to vector<16xf32>
          %add3A_1244 = arith.addf %add3A_1188, %get3A_1243 : vector<16xf32>
          %add3A_1245 = arith.constant 20 : i32
          %add3A_1246 = arith.addi %mul3A_114, %add3A_1245 : i32
          %get3A_1247 = arith.index_cast %add3A_1246 : i32 to index
          %get3A_1248 = arith.constant 80 : index
          %get3A_1249 = tpu.vector_load %arg5[%get3A_1247, %get3A_1248] {strides = array<i32>} : memref<256x128xf32, #tpu.memory_space<vmem>>, vector<1x16xf32>,
          %get3A_1250 = vector.shape_cast %get3A_1249 : vector<1x16xf32> to vector<16xf32>
          %add3A_1251 = arith.addf %add3A_1195, %get3A_1250 : vector<16xf32>
          %add3A_1252 = arith.constant 20 : i32
          %add3A_1253 = arith.addi %mul3A_114, %add3A_1252 : i32
          %get3A_1254 = arith.index_cast %add3A_1253 : i32 to index
          %get3A_1255 = arith.constant 96 : index
          %get3A_1256 = tpu.vector_load %arg5[%get3A_1254, %get3A_1255] {strides = array<i32>} : memref<256x128xf32, #tpu.memory_space<vmem>>, vector<1x16xf32>,
          %get3A_1257 = vector.shape_cast %get3A_1256 : vector<1x16xf32> to vector<16xf32>
          %add3A_1258 = arith.addf %add3A_1202, %get3A_1257 : vector<16xf32>
          %add3A_1259 = arith.constant 20 : i32
          %add3A_1260 = arith.addi %mul3A_114, %add3A_1259 : i32
          %get3A_1261 = arith.index_cast %add3A_1260 : i32 to index
          %get3A_1262 = arith.constant 112 : index
          %get3A_1263 = tpu.vector_load %arg5[%get3A_1261, %get3A_1262] {strides = array<i32>} : memref<256x128xf32, #tpu.memory_space<vmem>>, vector<1x16xf32>,
          %get3A_1264 = vector.shape_cast %get3A_1263 : vector<1x16xf32> to vector<16xf32>
          %add3A_1265 = arith.addf %add3A_1209, %get3A_1264 : vector<16xf32>
          %add3A_1266 = arith.constant 21 : i32
          %add3A_1267 = arith.addi %mul3A_114, %add3A_1266 : i32
          %get3A_1268 = arith.index_cast %add3A_1267 : i32 to index
          %get3A_1269 = arith.constant 0 : index
          %get3A_1270 = tpu.vector_load %arg5[%get3A_1268, %get3A_1269] {strides = array<i32>} : memref<256x128xf32, #tpu.memory_space<vmem>>, vector<1x16xf32>,
          %get3A_1271 = vector.shape_cast %get3A_1270 : vector<1x16xf32> to vector<16xf32>
          %add3A_1272 = arith.addf %add3A_1216, %get3A_1271 : vector<16xf32>
          %add3A_1273 = arith.constant 21 : i32
          %add3A_1274 = arith.addi %mul3A_114, %add3A_1273 : i32
          %get3A_1275 = arith.index_cast %add3A_1274 : i32 to index
          %get3A_1276 = arith.constant 16 : index
          %get3A_1277 = tpu.vector_load %arg5[%get3A_1275, %get3A_1276] {strides = array<i32>} : memref<256x128xf32, #tpu.memory_space<vmem>>, vector<1x16xf32>,
          %get3A_1278 = vector.shape_cast %get3A_1277 : vector<1x16xf32> to vector<16xf32>
          %add3A_1279 = arith.addf %add3A_1223, %get3A_1278 : vector<16xf32>
          %add3A_1280 = arith.constant 21 : i32
          %add3A_1281 = arith.addi %mul3A_114, %add3A_1280 : i32
          %get3A_1282 = arith.index_cast %add3A_1281 : i32 to index
          %get3A_1283 = arith.constant 32 : index
          %get3A_1284 = tpu.vector_load %arg5[%get3A_1282, %get3A_1283] {strides = array<i32>} : memref<256x128xf32, #tpu.memory_space<vmem>>, vector<1x16xf32>,
          %get3A_1285 = vector.shape_cast %get3A_1284 : vector<1x16xf32> to vector<16xf32>
          %add3A_1286 = arith.addf %add3A_1230, %get3A_1285 : vector<16xf32>
          %add3A_1287 = arith.constant 21 : i32
          %add3A_1288 = arith.addi %mul3A_114, %add3A_1287 : i32
          %get3A_1289 = arith.index_cast %add3A_1288 : i32 to index
          %get3A_1290 = arith.constant 48 : index
          %get3A_1291 = tpu.vector_load %arg5[%get3A_1289, %get3A_1290] {strides = array<i32>} : memref<256x128xf32, #tpu.memory_space<vmem>>, vector<1x16xf32>,
          %get3A_1292 = vector.shape_cast %get3A_1291 : vector<1x16xf32> to vector<16xf32>
          %add3A_1293 = arith.addf %add3A_1237, %get3A_1292 : vector<16xf32>
          %add3A_1294 = arith.constant 21 : i32
          %add3A_1295 = arith.addi %mul3A_114, %add3A_1294 : i32
          %get3A_1296 = arith.index_cast %add3A_1295 : i32 to index
          %get3A_1297 = arith.constant 64 : index
          %get3A_1298 = tpu.vector_load %arg5[%get3A_1296, %get3A_1297] {strides = array<i32>} : memref<256x128xf32, #tpu.memory_space<vmem>>, vector<1x16xf32>,
          %get3A_1299 = vector.shape_cast %get3A_1298 : vector<1x16xf32> to vector<16xf32>
          %add3A_1300 = arith.addf %add3A_1244, %get3A_1299 : vector<16xf32>
          %add3A_1301 = arith.constant 21 : i32
          %add3A_1302 = arith.addi %mul3A_114, %add3A_1301 : i32
          %get3A_1303 = arith.index_cast %add3A_1302 : i32 to index
          %get3A_1304 = arith.constant 80 : index
          %get3A_1305 = tpu.vector_load %arg5[%get3A_1303, %get3A_1304] {strides = array<i32>} : memref<256x128xf32, #tpu.memory_space<vmem>>, vector<1x16xf32>,
          %get3A_1306 = vector.shape_cast %get3A_1305 : vector<1x16xf32> to vector<16xf32>
          %add3A_1307 = arith.addf %add3A_1251, %get3A_1306 : vector<16xf32>
          %add3A_1308 = arith.constant 21 : i32
          %add3A_1309 = arith.addi %mul3A_114, %add3A_1308 : i32
          %get3A_1310 = arith.index_cast %add3A_1309 : i32 to index
          %get3A_1311 = arith.constant 96 : index
          %get3A_1312 = tpu.vector_load %arg5[%get3A_1310, %get3A_1311] {strides = array<i32>} : memref<256x128xf32, #tpu.memory_space<vmem>>, vector<1x16xf32>,
          %get3A_1313 = vector.shape_cast %get3A_1312 : vector<1x16xf32> to vector<16xf32>
          %add3A_1314 = arith.addf %add3A_1258, %get3A_1313 : vector<16xf32>
          %add3A_1315 = arith.constant 21 : i32
          %add3A_1316 = arith.addi %mul3A_114, %add3A_1315 : i32
          %get3A_1317 = arith.index_cast %add3A_1316 : i32 to index
          %get3A_1318 = arith.constant 112 : index
          %get3A_1319 = tpu.vector_load %arg5[%get3A_1317, %get3A_1318] {strides = array<i32>} : memref<256x128xf32, #tpu.memory_space<vmem>>, vector<1x16xf32>,
          %get3A_1320 = vector.shape_cast %get3A_1319 : vector<1x16xf32> to vector<16xf32>
          %add3A_1321 = arith.addf %add3A_1265, %get3A_1320 : vector<16xf32>
          %add3A_1322 = arith.constant 22 : i32
          %add3A_1323 = arith.addi %mul3A_114, %add3A_1322 : i32
          %get3A_1324 = arith.index_cast %add3A_1323 : i32 to index
          %get3A_1325 = arith.constant 0 : index
          %get3A_1326 = tpu.vector_load %arg5[%get3A_1324, %get3A_1325] {strides = array<i32>} : memref<256x128xf32, #tpu.memory_space<vmem>>, vector<1x16xf32>,
          %get3A_1327 = vector.shape_cast %get3A_1326 : vector<1x16xf32> to vector<16xf32>
          %add3A_1328 = arith.addf %add3A_1272, %get3A_1327 : vector<16xf32>
          %add3A_1329 = arith.constant 22 : i32
          %add3A_1330 = arith.addi %mul3A_114, %add3A_1329 : i32
          %get3A_1331 = arith.index_cast %add3A_1330 : i32 to index
          %get3A_1332 = arith.constant 16 : index
          %get3A_1333 = tpu.vector_load %arg5[%get3A_1331, %get3A_1332] {strides = array<i32>} : memref<256x128xf32, #tpu.memory_space<vmem>>, vector<1x16xf32>,
          %get3A_1334 = vector.shape_cast %get3A_1333 : vector<1x16xf32> to vector<16xf32>
          %add3A_1335 = arith.addf %add3A_1279, %get3A_1334 : vector<16xf32>
          %add3A_1336 = arith.constant 22 : i32
          %add3A_1337 = arith.addi %mul3A_114, %add3A_1336 : i32
          %get3A_1338 = arith.index_cast %add3A_1337 : i32 to index
          %get3A_1339 = arith.constant 32 : index
          %get3A_1340 = tpu.vector_load %arg5[%get3A_1338, %get3A_1339] {strides = array<i32>} : memref<256x128xf32, #tpu.memory_space<vmem>>, vector<1x16xf32>,
          %get3A_1341 = vector.shape_cast %get3A_1340 : vector<1x16xf32> to vector<16xf32>
          %add3A_1342 = arith.addf %add3A_1286, %get3A_1341 : vector<16xf32>
          %add3A_1343 = arith.constant 22 : i32
          %add3A_1344 = arith.addi %mul3A_114, %add3A_1343 : i32
          %get3A_1345 = arith.index_cast %add3A_1344 : i32 to index
          %get3A_1346 = arith.constant 48 : index
          %get3A_1347 = tpu.vector_load %arg5[%get3A_1345, %get3A_1346] {strides = array<i32>} : memref<256x128xf32, #tpu.memory_space<vmem>>, vector<1x16xf32>,
          %get3A_1348 = vector.shape_cast %get3A_1347 : vector<1x16xf32> to vector<16xf32>
          %add3A_1349 = arith.addf %add3A_1293, %get3A_1348 : vector<16xf32>
          %add3A_1350 = arith.constant 22 : i32
          %add3A_1351 = arith.addi %mul3A_114, %add3A_1350 : i32
          %get3A_1352 = arith.index_cast %add3A_1351 : i32 to index
          %get3A_1353 = arith.constant 64 : index
          %get3A_1354 = tpu.vector_load %arg5[%get3A_1352, %get3A_1353] {strides = array<i32>} : memref<256x128xf32, #tpu.memory_space<vmem>>, vector<1x16xf32>,
          %get3A_1355 = vector.shape_cast %get3A_1354 : vector<1x16xf32> to vector<16xf32>
          %add3A_1356 = arith.addf %add3A_1300, %get3A_1355 : vector<16xf32>
          %add3A_1357 = arith.constant 22 : i32
          %add3A_1358 = arith.addi %mul3A_114, %add3A_1357 : i32
          %get3A_1359 = arith.index_cast %add3A_1358 : i32 to index
          %get3A_1360 = arith.constant 80 : index
          %get3A_1361 = tpu.vector_load %arg5[%get3A_1359, %get3A_1360] {strides = array<i32>} : memref<256x128xf32, #tpu.memory_space<vmem>>, vector<1x16xf32>,
          %get3A_1362 = vector.shape_cast %get3A_1361 : vector<1x16xf32> to vector<16xf32>
          %add3A_1363 = arith.addf %add3A_1307, %get3A_1362 : vector<16xf32>
          %add3A_1364 = arith.constant 22 : i32
          %add3A_1365 = arith.addi %mul3A_114, %add3A_1364 : i32
          %get3A_1366 = arith.index_cast %add3A_1365 : i32 to index
          %get3A_1367 = arith.constant 96 : index
          %get3A_1368 = tpu.vector_load %arg5[%get3A_1366, %get3A_1367] {strides = array<i32>} : memref<256x128xf32, #tpu.memory_space<vmem>>, vector<1x16xf32>,
          %get3A_1369 = vector.shape_cast %get3A_1368 : vector<1x16xf32> to vector<16xf32>
          %add3A_1370 = arith.addf %add3A_1314, %get3A_1369 : vector<16xf32>
          %add3A_1371 = arith.constant 22 : i32
          %add3A_1372 = arith.addi %mul3A_114, %add3A_1371 : i32
          %get3A_1373 = arith.index_cast %add3A_1372 : i32 to index
          %get3A_1374 = arith.constant 112 : index
          %get3A_1375 = tpu.vector_load %arg5[%get3A_1373, %get3A_1374] {strides = array<i32>} : memref<256x128xf32, #tpu.memory_space<vmem>>, vector<1x16xf32>,
          %get3A_1376 = vector.shape_cast %get3A_1375 : vector<1x16xf32> to vector<16xf32>
          %add3A_1377 = arith.addf %add3A_1321, %get3A_1376 : vector<16xf32>
          %add3A_1378 = arith.constant 23 : i32
          %add3A_1379 = arith.addi %mul3A_114, %add3A_1378 : i32
          %get3A_1380 = arith.index_cast %add3A_1379 : i32 to index
          %get3A_1381 = arith.constant 0 : index
          %get3A_1382 = tpu.vector_load %arg5[%get3A_1380, %get3A_1381] {strides = array<i32>} : memref<256x128xf32, #tpu.memory_space<vmem>>, vector<1x16xf32>,
          %get3A_1383 = vector.shape_cast %get3A_1382 : vector<1x16xf32> to vector<16xf32>
          %add3A_1384 = arith.addf %add3A_1328, %get3A_1383 : vector<16xf32>
          %add3A_1385 = arith.constant 23 : i32
          %add3A_1386 = arith.addi %mul3A_114, %add3A_1385 : i32
          %get3A_1387 = arith.index_cast %add3A_1386 : i32 to index
          %get3A_1388 = arith.constant 16 : index
          %get3A_1389 = tpu.vector_load %arg5[%get3A_1387, %get3A_1388] {strides = array<i32>} : memref<256x128xf32, #tpu.memory_space<vmem>>, vector<1x16xf32>,
          %get3A_1390 = vector.shape_cast %get3A_1389 : vector<1x16xf32> to vector<16xf32>
          %add3A_1391 = arith.addf %add3A_1335, %get3A_1390 : vector<16xf32>
          %add3A_1392 = arith.constant 23 : i32
          %add3A_1393 = arith.addi %mul3A_114, %add3A_1392 : i32
          %get3A_1394 = arith.index_cast %add3A_1393 : i32 to index
          %get3A_1395 = arith.constant 32 : index
          %get3A_1396 = tpu.vector_load %arg5[%get3A_1394, %get3A_1395] {strides = array<i32>} : memref<256x128xf32, #tpu.memory_space<vmem>>, vector<1x16xf32>,
          %get3A_1397 = vector.shape_cast %get3A_1396 : vector<1x16xf32> to vector<16xf32>
          %add3A_1398 = arith.addf %add3A_1342, %get3A_1397 : vector<16xf32>
          %add3A_1399 = arith.constant 23 : i32
          %add3A_1400 = arith.addi %mul3A_114, %add3A_1399 : i32
          %get3A_1401 = arith.index_cast %add3A_1400 : i32 to index
          %get3A_1402 = arith.constant 48 : index
          %get3A_1403 = tpu.vector_load %arg5[%get3A_1401, %get3A_1402] {strides = array<i32>} : memref<256x128xf32, #tpu.memory_space<vmem>>, vector<1x16xf32>,
          %get3A_1404 = vector.shape_cast %get3A_1403 : vector<1x16xf32> to vector<16xf32>
          %add3A_1405 = arith.addf %add3A_1349, %get3A_1404 : vector<16xf32>
          %add3A_1406 = arith.constant 23 : i32
          %add3A_1407 = arith.addi %mul3A_114, %add3A_1406 : i32
          %get3A_1408 = arith.index_cast %add3A_1407 : i32 to index
          %get3A_1409 = arith.constant 64 : index
          %get3A_1410 = tpu.vector_load %arg5[%get3A_1408, %get3A_1409] {strides = array<i32>} : memref<256x128xf32, #tpu.memory_space<vmem>>, vector<1x16xf32>,
          %get3A_1411 = vector.shape_cast %get3A_1410 : vector<1x16xf32> to vector<16xf32>
          %add3A_1412 = arith.addf %add3A_1356, %get3A_1411 : vector<16xf32>
          %add3A_1413 = arith.constant 23 : i32
          %add3A_1414 = arith.addi %mul3A_114, %add3A_1413 : i32
          %get3A_1415 = arith.index_cast %add3A_1414 : i32 to index
          %get3A_1416 = arith.constant 80 : index
          %get3A_1417 = tpu.vector_load %arg5[%get3A_1415, %get3A_1416] {strides = array<i32>} : memref<256x128xf32, #tpu.memory_space<vmem>>, vector<1x16xf32>,
          %get3A_1418 = vector.shape_cast %get3A_1417 : vector<1x16xf32> to vector<16xf32>
          %add3A_1419 = arith.addf %add3A_1363, %get3A_1418 : vector<16xf32>
          %add3A_1420 = arith.constant 23 : i32
          %add3A_1421 = arith.addi %mul3A_114, %add3A_1420 : i32
          %get3A_1422 = arith.index_cast %add3A_1421 : i32 to index
          %get3A_1423 = arith.constant 96 : index
          %get3A_1424 = tpu.vector_load %arg5[%get3A_1422, %get3A_1423] {strides = array<i32>} : memref<256x128xf32, #tpu.memory_space<vmem>>, vector<1x16xf32>,
          %get3A_1425 = vector.shape_cast %get3A_1424 : vector<1x16xf32> to vector<16xf32>
          %add3A_1426 = arith.addf %add3A_1370, %get3A_1425 : vector<16xf32>
          %add3A_1427 = arith.constant 23 : i32
          %add3A_1428 = arith.addi %mul3A_114, %add3A_1427 : i32
          %get3A_1429 = arith.index_cast %add3A_1428 : i32 to index
          %get3A_1430 = arith.constant 112 : index
          %get3A_1431 = tpu.vector_load %arg5[%get3A_1429, %get3A_1430] {strides = array<i32>} : memref<256x128xf32, #tpu.memory_space<vmem>>, vector<1x16xf32>,
          %get3A_1432 = vector.shape_cast %get3A_1431 : vector<1x16xf32> to vector<16xf32>
          %add3A_1433 = arith.addf %add3A_1377, %get3A_1432 : vector<16xf32>
          %add3A_1434 = arith.constant 24 : i32
          %add3A_1435 = arith.addi %mul3A_114, %add3A_1434 : i32
          %get3A_1436 = arith.index_cast %add3A_1435 : i32 to index
          %get3A_1437 = arith.constant 0 : index
          %get3A_1438 = tpu.vector_load %arg5[%get3A_1436, %get3A_1437] {strides = array<i32>} : memref<256x128xf32, #tpu.memory_space<vmem>>, vector<1x16xf32>,
          %get3A_1439 = vector.shape_cast %get3A_1438 : vector<1x16xf32> to vector<16xf32>
          %add3A_1440 = arith.addf %add3A_1384, %get3A_1439 : vector<16xf32>
          %add3A_1441 = arith.constant 24 : i32
          %add3A_1442 = arith.addi %mul3A_114, %add3A_1441 : i32
          %get3A_1443 = arith.index_cast %add3A_1442 : i32 to index
          %get3A_1444 = arith.constant 16 : index
          %get3A_1445 = tpu.vector_load %arg5[%get3A_1443, %get3A_1444] {strides = array<i32>} : memref<256x128xf32, #tpu.memory_space<vmem>>, vector<1x16xf32>,
          %get3A_1446 = vector.shape_cast %get3A_1445 : vector<1x16xf32> to vector<16xf32>
          %add3A_1447 = arith.addf %add3A_1391, %get3A_1446 : vector<16xf32>
          %add3A_1448 = arith.constant 24 : i32
          %add3A_1449 = arith.addi %mul3A_114, %add3A_1448 : i32
          %get3A_1450 = arith.index_cast %add3A_1449 : i32 to index
          %get3A_1451 = arith.constant 32 : index
          %get3A_1452 = tpu.vector_load %arg5[%get3A_1450, %get3A_1451] {strides = array<i32>} : memref<256x128xf32, #tpu.memory_space<vmem>>, vector<1x16xf32>,
          %get3A_1453 = vector.shape_cast %get3A_1452 : vector<1x16xf32> to vector<16xf32>
          %add3A_1454 = arith.addf %add3A_1398, %get3A_1453 : vector<16xf32>
          %add3A_1455 = arith.constant 24 : i32
          %add3A_1456 = arith.addi %mul3A_114, %add3A_1455 : i32
          %get3A_1457 = arith.index_cast %add3A_1456 : i32 to index
          %get3A_1458 = arith.constant 48 : index
          %get3A_1459 = tpu.vector_load %arg5[%get3A_1457, %get3A_1458] {strides = array<i32>} : memref<256x128xf32, #tpu.memory_space<vmem>>, vector<1x16xf32>,
          %get3A_1460 = vector.shape_cast %get3A_1459 : vector<1x16xf32> to vector<16xf32>
          %add3A_1461 = arith.addf %add3A_1405, %get3A_1460 : vector<16xf32>
          %add3A_1462 = arith.constant 24 : i32
          %add3A_1463 = arith.addi %mul3A_114, %add3A_1462 : i32
          %get3A_1464 = arith.index_cast %add3A_1463 : i32 to index
          %get3A_1465 = arith.constant 64 : index
          %get3A_1466 = tpu.vector_load %arg5[%get3A_1464, %get3A_1465] {strides = array<i32>} : memref<256x128xf32, #tpu.memory_space<vmem>>, vector<1x16xf32>,
          %get3A_1467 = vector.shape_cast %get3A_1466 : vector<1x16xf32> to vector<16xf32>
          %add3A_1468 = arith.addf %add3A_1412, %get3A_1467 : vector<16xf32>
          %add3A_1469 = arith.constant 24 : i32
          %add3A_1470 = arith.addi %mul3A_114, %add3A_1469 : i32
          %get3A_1471 = arith.index_cast %add3A_1470 : i32 to index
          %get3A_1472 = arith.constant 80 : index
          %get3A_1473 = tpu.vector_load %arg5[%get3A_1471, %get3A_1472] {strides = array<i32>} : memref<256x128xf32, #tpu.memory_space<vmem>>, vector<1x16xf32>,
          %get3A_1474 = vector.shape_cast %get3A_1473 : vector<1x16xf32> to vector<16xf32>
          %add3A_1475 = arith.addf %add3A_1419, %get3A_1474 : vector<16xf32>
          %add3A_1476 = arith.constant 24 : i32
          %add3A_1477 = arith.addi %mul3A_114, %add3A_1476 : i32
          %get3A_1478 = arith.index_cast %add3A_1477 : i32 to index
          %get3A_1479 = arith.constant 96 : index
          %get3A_1480 = tpu.vector_load %arg5[%get3A_1478, %get3A_1479] {strides = array<i32>} : memref<256x128xf32, #tpu.memory_space<vmem>>, vector<1x16xf32>,
          %get3A_1481 = vector.shape_cast %get3A_1480 : vector<1x16xf32> to vector<16xf32>
          %add3A_1482 = arith.addf %add3A_1426, %get3A_1481 : vector<16xf32>
          %add3A_1483 = arith.constant 24 : i32
          %add3A_1484 = arith.addi %mul3A_114, %add3A_1483 : i32
          %get3A_1485 = arith.index_cast %add3A_1484 : i32 to index
          %get3A_1486 = arith.constant 112 : index
          %get3A_1487 = tpu.vector_load %arg5[%get3A_1485, %get3A_1486] {strides = array<i32>} : memref<256x128xf32, #tpu.memory_space<vmem>>, vector<1x16xf32>,
          %get3A_1488 = vector.shape_cast %get3A_1487 : vector<1x16xf32> to vector<16xf32>
          %add3A_1489 = arith.addf %add3A_1433, %get3A_1488 : vector<16xf32>
          %add3A_1490 = arith.constant 25 : i32
          %add3A_1491 = arith.addi %mul3A_114, %add3A_1490 : i32
          %get3A_1492 = arith.index_cast %add3A_1491 : i32 to index
          %get3A_1493 = arith.constant 0 : index
          %get3A_1494 = tpu.vector_load %arg5[%get3A_1492, %get3A_1493] {strides = array<i32>} : memref<256x128xf32, #tpu.memory_space<vmem>>, vector<1x16xf32>,
          %get3A_1495 = vector.shape_cast %get3A_1494 : vector<1x16xf32> to vector<16xf32>
          %add3A_1496 = arith.addf %add3A_1440, %get3A_1495 : vector<16xf32>
          %add3A_1497 = arith.constant 25 : i32
          %add3A_1498 = arith.addi %mul3A_114, %add3A_1497 : i32
          %get3A_1499 = arith.index_cast %add3A_1498 : i32 to index
          %get3A_1500 = arith.constant 16 : index
          %get3A_1501 = tpu.vector_load %arg5[%get3A_1499, %get3A_1500] {strides = array<i32>} : memref<256x128xf32, #tpu.memory_space<vmem>>, vector<1x16xf32>,
          %get3A_1502 = vector.shape_cast %get3A_1501 : vector<1x16xf32> to vector<16xf32>
          %add3A_1503 = arith.addf %add3A_1447, %get3A_1502 : vector<16xf32>
          %add3A_1504 = arith.constant 25 : i32
          %add3A_1505 = arith.addi %mul3A_114, %add3A_1504 : i32
          %get3A_1506 = arith.index_cast %add3A_1505 : i32 to index
          %get3A_1507 = arith.constant 32 : index
          %get3A_1508 = tpu.vector_load %arg5[%get3A_1506, %get3A_1507] {strides = array<i32>} : memref<256x128xf32, #tpu.memory_space<vmem>>, vector<1x16xf32>,
          %get3A_1509 = vector.shape_cast %get3A_1508 : vector<1x16xf32> to vector<16xf32>
          %add3A_1510 = arith.addf %add3A_1454, %get3A_1509 : vector<16xf32>
          %add3A_1511 = arith.constant 25 : i32
          %add3A_1512 = arith.addi %mul3A_114, %add3A_1511 : i32
          %get3A_1513 = arith.index_cast %add3A_1512 : i32 to index
          %get3A_1514 = arith.constant 48 : index
          %get3A_1515 = tpu.vector_load %arg5[%get3A_1513, %get3A_1514] {strides = array<i32>} : memref<256x128xf32, #tpu.memory_space<vmem>>, vector<1x16xf32>,
          %get3A_1516 = vector.shape_cast %get3A_1515 : vector<1x16xf32> to vector<16xf32>
          %add3A_1517 = arith.addf %add3A_1461, %get3A_1516 : vector<16xf32>
          %add3A_1518 = arith.constant 25 : i32
          %add3A_1519 = arith.addi %mul3A_114, %add3A_1518 : i32
          %get3A_1520 = arith.index_cast %add3A_1519 : i32 to index
          %get3A_1521 = arith.constant 64 : index
          %get3A_1522 = tpu.vector_load %arg5[%get3A_1520, %get3A_1521] {strides = array<i32>} : memref<256x128xf32, #tpu.memory_space<vmem>>, vector<1x16xf32>,
          %get3A_1523 = vector.shape_cast %get3A_1522 : vector<1x16xf32> to vector<16xf32>
          %add3A_1524 = arith.addf %add3A_1468, %get3A_1523 : vector<16xf32>
          %add3A_1525 = arith.constant 25 : i32
          %add3A_1526 = arith.addi %mul3A_114, %add3A_1525 : i32
          %get3A_1527 = arith.index_cast %add3A_1526 : i32 to index
          %get3A_1528 = arith.constant 80 : index
          %get3A_1529 = tpu.vector_load %arg5[%get3A_1527, %get3A_1528] {strides = array<i32>} : memref<256x128xf32, #tpu.memory_space<vmem>>, vector<1x16xf32>,
          %get3A_1530 = vector.shape_cast %get3A_1529 : vector<1x16xf32> to vector<16xf32>
          %add3A_1531 = arith.addf %add3A_1475, %get3A_1530 : vector<16xf32>
          %add3A_1532 = arith.constant 25 : i32
          %add3A_1533 = arith.addi %mul3A_114, %add3A_1532 : i32
          %get3A_1534 = arith.index_cast %add3A_1533 : i32 to index
          %get3A_1535 = arith.constant 96 : index
          %get3A_1536 = tpu.vector_load %arg5[%get3A_1534, %get3A_1535] {strides = array<i32>} : memref<256x128xf32, #tpu.memory_space<vmem>>, vector<1x16xf32>,
          %get3A_1537 = vector.shape_cast %get3A_1536 : vector<1x16xf32> to vector<16xf32>
          %add3A_1538 = arith.addf %add3A_1482, %get3A_1537 : vector<16xf32>
          %add3A_1539 = arith.constant 25 : i32
          %add3A_1540 = arith.addi %mul3A_114, %add3A_1539 : i32
          %get3A_1541 = arith.index_cast %add3A_1540 : i32 to index
          %get3A_1542 = arith.constant 112 : index
          %get3A_1543 = tpu.vector_load %arg5[%get3A_1541, %get3A_1542] {strides = array<i32>} : memref<256x128xf32, #tpu.memory_space<vmem>>, vector<1x16xf32>,
          %get3A_1544 = vector.shape_cast %get3A_1543 : vector<1x16xf32> to vector<16xf32>
          %add3A_1545 = arith.addf %add3A_1489, %get3A_1544 : vector<16xf32>
          %add3A_1546 = arith.constant 26 : i32
          %add3A_1547 = arith.addi %mul3A_114, %add3A_1546 : i32
          %get3A_1548 = arith.index_cast %add3A_1547 : i32 to index
          %get3A_1549 = arith.constant 0 : index
          %get3A_1550 = tpu.vector_load %arg5[%get3A_1548, %get3A_1549] {strides = array<i32>} : memref<256x128xf32, #tpu.memory_space<vmem>>, vector<1x16xf32>,
          %get3A_1551 = vector.shape_cast %get3A_1550 : vector<1x16xf32> to vector<16xf32>
          %add3A_1552 = arith.addf %add3A_1496, %get3A_1551 : vector<16xf32>
          %add3A_1553 = arith.constant 26 : i32
          %add3A_1554 = arith.addi %mul3A_114, %add3A_1553 : i32
          %get3A_1555 = arith.index_cast %add3A_1554 : i32 to index
          %get3A_1556 = arith.constant 16 : index
          %get3A_1557 = tpu.vector_load %arg5[%get3A_1555, %get3A_1556] {strides = array<i32>} : memref<256x128xf32, #tpu.memory_space<vmem>>, vector<1x16xf32>,
          %get3A_1558 = vector.shape_cast %get3A_1557 : vector<1x16xf32> to vector<16xf32>
          %add3A_1559 = arith.addf %add3A_1503, %get3A_1558 : vector<16xf32>
          %add3A_1560 = arith.constant 26 : i32
          %add3A_1561 = arith.addi %mul3A_114, %add3A_1560 : i32
          %get3A_1562 = arith.index_cast %add3A_1561 : i32 to index
          %get3A_1563 = arith.constant 32 : index
          %get3A_1564 = tpu.vector_load %arg5[%get3A_1562, %get3A_1563] {strides = array<i32>} : memref<256x128xf32, #tpu.memory_space<vmem>>, vector<1x16xf32>,
          %get3A_1565 = vector.shape_cast %get3A_1564 : vector<1x16xf32> to vector<16xf32>
          %add3A_1566 = arith.addf %add3A_1510, %get3A_1565 : vector<16xf32>
          %add3A_1567 = arith.constant 26 : i32
          %add3A_1568 = arith.addi %mul3A_114, %add3A_1567 : i32
          %get3A_1569 = arith.index_cast %add3A_1568 : i32 to index
          %get3A_1570 = arith.constant 48 : index
          %get3A_1571 = tpu.vector_load %arg5[%get3A_1569, %get3A_1570] {strides = array<i32>} : memref<256x128xf32, #tpu.memory_space<vmem>>, vector<1x16xf32>,
          %get3A_1572 = vector.shape_cast %get3A_1571 : vector<1x16xf32> to vector<16xf32>
          %add3A_1573 = arith.addf %add3A_1517, %get3A_1572 : vector<16xf32>
          %add3A_1574 = arith.constant 26 : i32
          %add3A_1575 = arith.addi %mul3A_114, %add3A_1574 : i32
          %get3A_1576 = arith.index_cast %add3A_1575 : i32 to index
          %get3A_1577 = arith.constant 64 : index
          %get3A_1578 = tpu.vector_load %arg5[%get3A_1576, %get3A_1577] {strides = array<i32>} : memref<256x128xf32, #tpu.memory_space<vmem>>, vector<1x16xf32>,
          %get3A_1579 = vector.shape_cast %get3A_1578 : vector<1x16xf32> to vector<16xf32>
          %add3A_1580 = arith.addf %add3A_1524, %get3A_1579 : vector<16xf32>
          %add3A_1581 = arith.constant 26 : i32
          %add3A_1582 = arith.addi %mul3A_114, %add3A_1581 : i32
          %get3A_1583 = arith.index_cast %add3A_1582 : i32 to index
          %get3A_1584 = arith.constant 80 : index
          %get3A_1585 = tpu.vector_load %arg5[%get3A_1583, %get3A_1584] {strides = array<i32>} : memref<256x128xf32, #tpu.memory_space<vmem>>, vector<1x16xf32>,
          %get3A_1586 = vector.shape_cast %get3A_1585 : vector<1x16xf32> to vector<16xf32>
          %add3A_1587 = arith.addf %add3A_1531, %get3A_1586 : vector<16xf32>
          %add3A_1588 = arith.constant 26 : i32
          %add3A_1589 = arith.addi %mul3A_114, %add3A_1588 : i32
          %get3A_1590 = arith.index_cast %add3A_1589 : i32 to index
          %get3A_1591 = arith.constant 96 : index
          %get3A_1592 = tpu.vector_load %arg5[%get3A_1590, %get3A_1591] {strides = array<i32>} : memref<256x128xf32, #tpu.memory_space<vmem>>, vector<1x16xf32>,
          %get3A_1593 = vector.shape_cast %get3A_1592 : vector<1x16xf32> to vector<16xf32>
          %add3A_1594 = arith.addf %add3A_1538, %get3A_1593 : vector<16xf32>
          %add3A_1595 = arith.constant 26 : i32
          %add3A_1596 = arith.addi %mul3A_114, %add3A_1595 : i32
          %get3A_1597 = arith.index_cast %add3A_1596 : i32 to index
          %get3A_1598 = arith.constant 112 : index
          %get3A_1599 = tpu.vector_load %arg5[%get3A_1597, %get3A_1598] {strides = array<i32>} : memref<256x128xf32, #tpu.memory_space<vmem>>, vector<1x16xf32>,
          %get3A_1600 = vector.shape_cast %get3A_1599 : vector<1x16xf32> to vector<16xf32>
          %add3A_1601 = arith.addf %add3A_1545, %get3A_1600 : vector<16xf32>
          %add3A_1602 = arith.constant 27 : i32
          %add3A_1603 = arith.addi %mul3A_114, %add3A_1602 : i32
          %get3A_1604 = arith.index_cast %add3A_1603 : i32 to index
          %get3A_1605 = arith.constant 0 : index
          %get3A_1606 = tpu.vector_load %arg5[%get3A_1604, %get3A_1605] {strides = array<i32>} : memref<256x128xf32, #tpu.memory_space<vmem>>, vector<1x16xf32>,
          %get3A_1607 = vector.shape_cast %get3A_1606 : vector<1x16xf32> to vector<16xf32>
          %add3A_1608 = arith.addf %add3A_1552, %get3A_1607 : vector<16xf32>
          %add3A_1609 = arith.constant 27 : i32
          %add3A_1610 = arith.addi %mul3A_114, %add3A_1609 : i32
          %get3A_1611 = arith.index_cast %add3A_1610 : i32 to index
          %get3A_1612 = arith.constant 16 : index
          %get3A_1613 = tpu.vector_load %arg5[%get3A_1611, %get3A_1612] {strides = array<i32>} : memref<256x128xf32, #tpu.memory_space<vmem>>, vector<1x16xf32>,
          %get3A_1614 = vector.shape_cast %get3A_1613 : vector<1x16xf32> to vector<16xf32>
          %add3A_1615 = arith.addf %add3A_1559, %get3A_1614 : vector<16xf32>
          %add3A_1616 = arith.constant 27 : i32
          %add3A_1617 = arith.addi %mul3A_114, %add3A_1616 : i32
          %get3A_1618 = arith.index_cast %add3A_1617 : i32 to index
          %get3A_1619 = arith.constant 32 : index
          %get3A_1620 = tpu.vector_load %arg5[%get3A_1618, %get3A_1619] {strides = array<i32>} : memref<256x128xf32, #tpu.memory_space<vmem>>, vector<1x16xf32>,
          %get3A_1621 = vector.shape_cast %get3A_1620 : vector<1x16xf32> to vector<16xf32>
          %add3A_1622 = arith.addf %add3A_1566, %get3A_1621 : vector<16xf32>
          %add3A_1623 = arith.constant 27 : i32
          %add3A_1624 = arith.addi %mul3A_114, %add3A_1623 : i32
          %get3A_1625 = arith.index_cast %add3A_1624 : i32 to index
          %get3A_1626 = arith.constant 48 : index
          %get3A_1627 = tpu.vector_load %arg5[%get3A_1625, %get3A_1626] {strides = array<i32>} : memref<256x128xf32, #tpu.memory_space<vmem>>, vector<1x16xf32>,
          %get3A_1628 = vector.shape_cast %get3A_1627 : vector<1x16xf32> to vector<16xf32>
          %add3A_1629 = arith.addf %add3A_1573, %get3A_1628 : vector<16xf32>
          %add3A_1630 = arith.constant 27 : i32
          %add3A_1631 = arith.addi %mul3A_114, %add3A_1630 : i32
          %get3A_1632 = arith.index_cast %add3A_1631 : i32 to index
          %get3A_1633 = arith.constant 64 : index
          %get3A_1634 = tpu.vector_load %arg5[%get3A_1632, %get3A_1633] {strides = array<i32>} : memref<256x128xf32, #tpu.memory_space<vmem>>, vector<1x16xf32>,
          %get3A_1635 = vector.shape_cast %get3A_1634 : vector<1x16xf32> to vector<16xf32>
          %add3A_1636 = arith.addf %add3A_1580, %get3A_1635 : vector<16xf32>
          %add3A_1637 = arith.constant 27 : i32
          %add3A_1638 = arith.addi %mul3A_114, %add3A_1637 : i32
          %get3A_1639 = arith.index_cast %add3A_1638 : i32 to index
          %get3A_1640 = arith.constant 80 : index
          %get3A_1641 = tpu.vector_load %arg5[%get3A_1639, %get3A_1640] {strides = array<i32>} : memref<256x128xf32, #tpu.memory_space<vmem>>, vector<1x16xf32>,
          %get3A_1642 = vector.shape_cast %get3A_1641 : vector<1x16xf32> to vector<16xf32>
          %add3A_1643 = arith.addf %add3A_1587, %get3A_1642 : vector<16xf32>
          %add3A_1644 = arith.constant 27 : i32
          %add3A_1645 = arith.addi %mul3A_114, %add3A_1644 : i32
          %get3A_1646 = arith.index_cast %add3A_1645 : i32 to index
          %get3A_1647 = arith.constant 96 : index
          %get3A_1648 = tpu.vector_load %arg5[%get3A_1646, %get3A_1647] {strides = array<i32>} : memref<256x128xf32, #tpu.memory_space<vmem>>, vector<1x16xf32>,
          %get3A_1649 = vector.shape_cast %get3A_1648 : vector<1x16xf32> to vector<16xf32>
          %add3A_1650 = arith.addf %add3A_1594, %get3A_1649 : vector<16xf32>
          %add3A_1651 = arith.constant 27 : i32
          %add3A_1652 = arith.addi %mul3A_114, %add3A_1651 : i32
          %get3A_1653 = arith.index_cast %add3A_1652 : i32 to index
          %get3A_1654 = arith.constant 112 : index
          %get3A_1655 = tpu.vector_load %arg5[%get3A_1653, %get3A_1654] {strides = array<i32>} : memref<256x128xf32, #tpu.memory_space<vmem>>, vector<1x16xf32>,
          %get3A_1656 = vector.shape_cast %get3A_1655 : vector<1x16xf32> to vector<16xf32>
          %add3A_1657 = arith.addf %add3A_1601, %get3A_1656 : vector<16xf32>
          %add3A_1658 = arith.constant 28 : i32
          %add3A_1659 = arith.addi %mul3A_114, %add3A_1658 : i32
          %get3A_1660 = arith.index_cast %add3A_1659 : i32 to index
          %get3A_1661 = arith.constant 0 : index
          %get3A_1662 = tpu.vector_load %arg5[%get3A_1660, %get3A_1661] {strides = array<i32>} : memref<256x128xf32, #tpu.memory_space<vmem>>, vector<1x16xf32>,
          %get3A_1663 = vector.shape_cast %get3A_1662 : vector<1x16xf32> to vector<16xf32>
          %add3A_1664 = arith.addf %add3A_1608, %get3A_1663 : vector<16xf32>
          %add3A_1665 = arith.constant 28 : i32
          %add3A_1666 = arith.addi %mul3A_114, %add3A_1665 : i32
          %get3A_1667 = arith.index_cast %add3A_1666 : i32 to index
          %get3A_1668 = arith.constant 16 : index
          %get3A_1669 = tpu.vector_load %arg5[%get3A_1667, %get3A_1668] {strides = array<i32>} : memref<256x128xf32, #tpu.memory_space<vmem>>, vector<1x16xf32>,
          %get3A_1670 = vector.shape_cast %get3A_1669 : vector<1x16xf32> to vector<16xf32>
          %add3A_1671 = arith.addf %add3A_1615, %get3A_1670 : vector<16xf32>
          %add3A_1672 = arith.constant 28 : i32
          %add3A_1673 = arith.addi %mul3A_114, %add3A_1672 : i32
          %get3A_1674 = arith.index_cast %add3A_1673 : i32 to index
          %get3A_1675 = arith.constant 32 : index
          %get3A_1676 = tpu.vector_load %arg5[%get3A_1674, %get3A_1675] {strides = array<i32>} : memref<256x128xf32, #tpu.memory_space<vmem>>, vector<1x16xf32>,
          %get3A_1677 = vector.shape_cast %get3A_1676 : vector<1x16xf32> to vector<16xf32>
          %add3A_1678 = arith.addf %add3A_1622, %get3A_1677 : vector<16xf32>
          %add3A_1679 = arith.constant 28 : i32
          %add3A_1680 = arith.addi %mul3A_114, %add3A_1679 : i32
          %get3A_1681 = arith.index_cast %add3A_1680 : i32 to index
          %get3A_1682 = arith.constant 48 : index
          %get3A_1683 = tpu.vector_load %arg5[%get3A_1681, %get3A_1682] {strides = array<i32>} : memref<256x128xf32, #tpu.memory_space<vmem>>, vector<1x16xf32>,
          %get3A_1684 = vector.shape_cast %get3A_1683 : vector<1x16xf32> to vector<16xf32>
          %add3A_1685 = arith.addf %add3A_1629, %get3A_1684 : vector<16xf32>
          %add3A_1686 = arith.constant 28 : i32
          %add3A_1687 = arith.addi %mul3A_114, %add3A_1686 : i32
          %get3A_1688 = arith.index_cast %add3A_1687 : i32 to index
          %get3A_1689 = arith.constant 64 : index
          %get3A_1690 = tpu.vector_load %arg5[%get3A_1688, %get3A_1689] {strides = array<i32>} : memref<256x128xf32, #tpu.memory_space<vmem>>, vector<1x16xf32>,
          %get3A_1691 = vector.shape_cast %get3A_1690 : vector<1x16xf32> to vector<16xf32>
          %add3A_1692 = arith.addf %add3A_1636, %get3A_1691 : vector<16xf32>
          %add3A_1693 = arith.constant 28 : i32
          %add3A_1694 = arith.addi %mul3A_114, %add3A_1693 : i32
          %get3A_1695 = arith.index_cast %add3A_1694 : i32 to index
          %get3A_1696 = arith.constant 80 : index
          %get3A_1697 = tpu.vector_load %arg5[%get3A_1695, %get3A_1696] {strides = array<i32>} : memref<256x128xf32, #tpu.memory_space<vmem>>, vector<1x16xf32>,
          %get3A_1698 = vector.shape_cast %get3A_1697 : vector<1x16xf32> to vector<16xf32>
          %add3A_1699 = arith.addf %add3A_1643, %get3A_1698 : vector<16xf32>
          %add3A_1700 = arith.constant 28 : i32
          %add3A_1701 = arith.addi %mul3A_114, %add3A_1700 : i32
          %get3A_1702 = arith.index_cast %add3A_1701 : i32 to index
          %get3A_1703 = arith.constant 96 : index
          %get3A_1704 = tpu.vector_load %arg5[%get3A_1702, %get3A_1703] {strides = array<i32>} : memref<256x128xf32, #tpu.memory_space<vmem>>, vector<1x16xf32>,
          %get3A_1705 = vector.shape_cast %get3A_1704 : vector<1x16xf32> to vector<16xf32>
          %add3A_1706 = arith.addf %add3A_1650, %get3A_1705 : vector<16xf32>
          %add3A_1707 = arith.constant 28 : i32
          %add3A_1708 = arith.addi %mul3A_114, %add3A_1707 : i32
          %get3A_1709 = arith.index_cast %add3A_1708 : i32 to index
          %get3A_1710 = arith.constant 112 : index
          %get3A_1711 = tpu.vector_load %arg5[%get3A_1709, %get3A_1710] {strides = array<i32>} : memref<256x128xf32, #tpu.memory_space<vmem>>, vector<1x16xf32>,
          %get3A_1712 = vector.shape_cast %get3A_1711 : vector<1x16xf32> to vector<16xf32>
          %add3A_1713 = arith.addf %add3A_1657, %get3A_1712 : vector<16xf32>
          %add3A_1714 = arith.constant 29 : i32
          %add3A_1715 = arith.addi %mul3A_114, %add3A_1714 : i32
          %get3A_1716 = arith.index_cast %add3A_1715 : i32 to index
          %get3A_1717 = arith.constant 0 : index
          %get3A_1718 = tpu.vector_load %arg5[%get3A_1716, %get3A_1717] {strides = array<i32>} : memref<256x128xf32, #tpu.memory_space<vmem>>, vector<1x16xf32>,
          %get3A_1719 = vector.shape_cast %get3A_1718 : vector<1x16xf32> to vector<16xf32>
          %add3A_1720 = arith.addf %add3A_1664, %get3A_1719 : vector<16xf32>
          %add3A_1721 = arith.constant 29 : i32
          %add3A_1722 = arith.addi %mul3A_114, %add3A_1721 : i32
          %get3A_1723 = arith.index_cast %add3A_1722 : i32 to index
          %get3A_1724 = arith.constant 16 : index
          %get3A_1725 = tpu.vector_load %arg5[%get3A_1723, %get3A_1724] {strides = array<i32>} : memref<256x128xf32, #tpu.memory_space<vmem>>, vector<1x16xf32>,
          %get3A_1726 = vector.shape_cast %get3A_1725 : vector<1x16xf32> to vector<16xf32>
          %add3A_1727 = arith.addf %add3A_1671, %get3A_1726 : vector<16xf32>
          %add3A_1728 = arith.constant 29 : i32
          %add3A_1729 = arith.addi %mul3A_114, %add3A_1728 : i32
          %get3A_1730 = arith.index_cast %add3A_1729 : i32 to index
          %get3A_1731 = arith.constant 32 : index
          %get3A_1732 = tpu.vector_load %arg5[%get3A_1730, %get3A_1731] {strides = array<i32>} : memref<256x128xf32, #tpu.memory_space<vmem>>, vector<1x16xf32>,
          %get3A_1733 = vector.shape_cast %get3A_1732 : vector<1x16xf32> to vector<16xf32>
          %add3A_1734 = arith.addf %add3A_1678, %get3A_1733 : vector<16xf32>
          %add3A_1735 = arith.constant 29 : i32
          %add3A_1736 = arith.addi %mul3A_114, %add3A_1735 : i32
          %get3A_1737 = arith.index_cast %add3A_1736 : i32 to index
          %get3A_1738 = arith.constant 48 : index
          %get3A_1739 = tpu.vector_load %arg5[%get3A_1737, %get3A_1738] {strides = array<i32>} : memref<256x128xf32, #tpu.memory_space<vmem>>, vector<1x16xf32>,
          %get3A_1740 = vector.shape_cast %get3A_1739 : vector<1x16xf32> to vector<16xf32>
          %add3A_1741 = arith.addf %add3A_1685, %get3A_1740 : vector<16xf32>
          %add3A_1742 = arith.constant 29 : i32
          %add3A_1743 = arith.addi %mul3A_114, %add3A_1742 : i32
          %get3A_1744 = arith.index_cast %add3A_1743 : i32 to index
          %get3A_1745 = arith.constant 64 : index
          %get3A_1746 = tpu.vector_load %arg5[%get3A_1744, %get3A_1745] {strides = array<i32>} : memref<256x128xf32, #tpu.memory_space<vmem>>, vector<1x16xf32>,
          %get3A_1747 = vector.shape_cast %get3A_1746 : vector<1x16xf32> to vector<16xf32>
          %add3A_1748 = arith.addf %add3A_1692, %get3A_1747 : vector<16xf32>
          %add3A_1749 = arith.constant 29 : i32
          %add3A_1750 = arith.addi %mul3A_114, %add3A_1749 : i32
          %get3A_1751 = arith.index_cast %add3A_1750 : i32 to index
          %get3A_1752 = arith.constant 80 : index
          %get3A_1753 = tpu.vector_load %arg5[%get3A_1751, %get3A_1752] {strides = array<i32>} : memref<256x128xf32, #tpu.memory_space<vmem>>, vector<1x16xf32>,
          %get3A_1754 = vector.shape_cast %get3A_1753 : vector<1x16xf32> to vector<16xf32>
          %add3A_1755 = arith.addf %add3A_1699, %get3A_1754 : vector<16xf32>
          %add3A_1756 = arith.constant 29 : i32
          %add3A_1757 = arith.addi %mul3A_114, %add3A_1756 : i32
          %get3A_1758 = arith.index_cast %add3A_1757 : i32 to index
          %get3A_1759 = arith.constant 96 : index
          %get3A_1760 = tpu.vector_load %arg5[%get3A_1758, %get3A_1759] {strides = array<i32>} : memref<256x128xf32, #tpu.memory_space<vmem>>, vector<1x16xf32>,
          %get3A_1761 = vector.shape_cast %get3A_1760 : vector<1x16xf32> to vector<16xf32>
          %add3A_1762 = arith.addf %add3A_1706, %get3A_1761 : vector<16xf32>
          %add3A_1763 = arith.constant 29 : i32
          %add3A_1764 = arith.addi %mul3A_114, %add3A_1763 : i32
          %get3A_1765 = arith.index_cast %add3A_1764 : i32 to index
          %get3A_1766 = arith.constant 112 : index
          %get3A_1767 = tpu.vector_load %arg5[%get3A_1765, %get3A_1766] {strides = array<i32>} : memref<256x128xf32, #tpu.memory_space<vmem>>, vector<1x16xf32>,
          %get3A_1768 = vector.shape_cast %get3A_1767 : vector<1x16xf32> to vector<16xf32>
          %add3A_1769 = arith.addf %add3A_1713, %get3A_1768 : vector<16xf32>
          %add3A_1770 = arith.constant 30 : i32
          %add3A_1771 = arith.addi %mul3A_114, %add3A_1770 : i32
          %get3A_1772 = arith.index_cast %add3A_1771 : i32 to index
          %get3A_1773 = arith.constant 0 : index
          %get3A_1774 = tpu.vector_load %arg5[%get3A_1772, %get3A_1773] {strides = array<i32>} : memref<256x128xf32, #tpu.memory_space<vmem>>, vector<1x16xf32>,
          %get3A_1775 = vector.shape_cast %get3A_1774 : vector<1x16xf32> to vector<16xf32>
          %add3A_1776 = arith.addf %add3A_1720, %get3A_1775 : vector<16xf32>
          %add3A_1777 = arith.constant 30 : i32
          %add3A_1778 = arith.addi %mul3A_114, %add3A_1777 : i32
          %get3A_1779 = arith.index_cast %add3A_1778 : i32 to index
          %get3A_1780 = arith.constant 16 : index
          %get3A_1781 = tpu.vector_load %arg5[%get3A_1779, %get3A_1780] {strides = array<i32>} : memref<256x128xf32, #tpu.memory_space<vmem>>, vector<1x16xf32>,
          %get3A_1782 = vector.shape_cast %get3A_1781 : vector<1x16xf32> to vector<16xf32>
          %add3A_1783 = arith.addf %add3A_1727, %get3A_1782 : vector<16xf32>
          %add3A_1784 = arith.constant 30 : i32
          %add3A_1785 = arith.addi %mul3A_114, %add3A_1784 : i32
          %get3A_1786 = arith.index_cast %add3A_1785 : i32 to index
          %get3A_1787 = arith.constant 32 : index
          %get3A_1788 = tpu.vector_load %arg5[%get3A_1786, %get3A_1787] {strides = array<i32>} : memref<256x128xf32, #tpu.memory_space<vmem>>, vector<1x16xf32>,
          %get3A_1789 = vector.shape_cast %get3A_1788 : vector<1x16xf32> to vector<16xf32>
          %add3A_1790 = arith.addf %add3A_1734, %get3A_1789 : vector<16xf32>
          %add3A_1791 = arith.constant 30 : i32
          %add3A_1792 = arith.addi %mul3A_114, %add3A_1791 : i32
          %get3A_1793 = arith.index_cast %add3A_1792 : i32 to index
          %get3A_1794 = arith.constant 48 : index
          %get3A_1795 = tpu.vector_load %arg5[%get3A_1793, %get3A_1794] {strides = array<i32>} : memref<256x128xf32, #tpu.memory_space<vmem>>, vector<1x16xf32>,
          %get3A_1796 = vector.shape_cast %get3A_1795 : vector<1x16xf32> to vector<16xf32>
          %add3A_1797 = arith.addf %add3A_1741, %get3A_1796 : vector<16xf32>
          %add3A_1798 = arith.constant 30 : i32
          %add3A_1799 = arith.addi %mul3A_114, %add3A_1798 : i32
          %get3A_1800 = arith.index_cast %add3A_1799 : i32 to index
          %get3A_1801 = arith.constant 64 : index
          %get3A_1802 = tpu.vector_load %arg5[%get3A_1800, %get3A_1801] {strides = array<i32>} : memref<256x128xf32, #tpu.memory_space<vmem>>, vector<1x16xf32>,
          %get3A_1803 = vector.shape_cast %get3A_1802 : vector<1x16xf32> to vector<16xf32>
          %add3A_1804 = arith.addf %add3A_1748, %get3A_1803 : vector<16xf32>
          %add3A_1805 = arith.constant 30 : i32
          %add3A_1806 = arith.addi %mul3A_114, %add3A_1805 : i32
          %get3A_1807 = arith.index_cast %add3A_1806 : i32 to index
          %get3A_1808 = arith.constant 80 : index
          %get3A_1809 = tpu.vector_load %arg5[%get3A_1807, %get3A_1808] {strides = array<i32>} : memref<256x128xf32, #tpu.memory_space<vmem>>, vector<1x16xf32>,
          %get3A_1810 = vector.shape_cast %get3A_1809 : vector<1x16xf32> to vector<16xf32>
          %add3A_1811 = arith.addf %add3A_1755, %get3A_1810 : vector<16xf32>
          %add3A_1812 = arith.constant 30 : i32
          %add3A_1813 = arith.addi %mul3A_114, %add3A_1812 : i32
          %get3A_1814 = arith.index_cast %add3A_1813 : i32 to index
          %get3A_1815 = arith.constant 96 : index
          %get3A_1816 = tpu.vector_load %arg5[%get3A_1814, %get3A_1815] {strides = array<i32>} : memref<256x128xf32, #tpu.memory_space<vmem>>, vector<1x16xf32>,
          %get3A_1817 = vector.shape_cast %get3A_1816 : vector<1x16xf32> to vector<16xf32>
          %add3A_1818 = arith.addf %add3A_1762, %get3A_1817 : vector<16xf32>
          %add3A_1819 = arith.constant 30 : i32
          %add3A_1820 = arith.addi %mul3A_114, %add3A_1819 : i32
          %get3A_1821 = arith.index_cast %add3A_1820 : i32 to index
          %get3A_1822 = arith.constant 112 : index
          %get3A_1823 = tpu.vector_load %arg5[%get3A_1821, %get3A_1822] {strides = array<i32>} : memref<256x128xf32, #tpu.memory_space<vmem>>, vector<1x16xf32>,
          %get3A_1824 = vector.shape_cast %get3A_1823 : vector<1x16xf32> to vector<16xf32>
          %add3A_1825 = arith.addf %add3A_1769, %get3A_1824 : vector<16xf32>
          %add3A_1826 = arith.constant 31 : i32
          %add3A_1827 = arith.addi %mul3A_114, %add3A_1826 : i32
          %get3A_1828 = arith.index_cast %add3A_1827 : i32 to index
          %get3A_1829 = arith.constant 0 : index
          %get3A_1830 = tpu.vector_load %arg5[%get3A_1828, %get3A_1829] {strides = array<i32>} : memref<256x128xf32, #tpu.memory_space<vmem>>, vector<1x16xf32>,
          %get3A_1831 = vector.shape_cast %get3A_1830 : vector<1x16xf32> to vector<16xf32>
          %add3A_1832 = arith.addf %add3A_1776, %get3A_1831 : vector<16xf32>
          %add3A_1833 = arith.constant 31 : i32
          %add3A_1834 = arith.addi %mul3A_114, %add3A_1833 : i32
          %get3A_1835 = arith.index_cast %add3A_1834 : i32 to index
          %get3A_1836 = arith.constant 16 : index
          %get3A_1837 = tpu.vector_load %arg5[%get3A_1835, %get3A_1836] {strides = array<i32>} : memref<256x128xf32, #tpu.memory_space<vmem>>, vector<1x16xf32>,
          %get3A_1838 = vector.shape_cast %get3A_1837 : vector<1x16xf32> to vector<16xf32>
          %add3A_1839 = arith.addf %add3A_1783, %get3A_1838 : vector<16xf32>
          %add3A_1840 = arith.constant 31 : i32
          %add3A_1841 = arith.addi %mul3A_114, %add3A_1840 : i32
          %get3A_1842 = arith.index_cast %add3A_1841 : i32 to index
          %get3A_1843 = arith.constant 32 : index
          %get3A_1844 = tpu.vector_load %arg5[%get3A_1842, %get3A_1843] {strides = array<i32>} : memref<256x128xf32, #tpu.memory_space<vmem>>, vector<1x16xf32>,
          %get3A_1845 = vector.shape_cast %get3A_1844 : vector<1x16xf32> to vector<16xf32>
          %add3A_1846 = arith.addf %add3A_1790, %get3A_1845 : vector<16xf32>
          %add3A_1847 = arith.constant 31 : i32
          %add3A_1848 = arith.addi %mul3A_114, %add3A_1847 : i32
          %get3A_1849 = arith.index_cast %add3A_1848 : i32 to index
          %get3A_1850 = arith.constant 48 : index
          %get3A_1851 = tpu.vector_load %arg5[%get3A_1849, %get3A_1850] {strides = array<i32>} : memref<256x128xf32, #tpu.memory_space<vmem>>, vector<1x16xf32>,
          %get3A_1852 = vector.shape_cast %get3A_1851 : vector<1x16xf32> to vector<16xf32>
          %add3A_1853 = arith.addf %add3A_1797, %get3A_1852 : vector<16xf32>
          %add3A_1854 = arith.constant 31 : i32
          %add3A_1855 = arith.addi %mul3A_114, %add3A_1854 : i32
          %get3A_1856 = arith.index_cast %add3A_1855 : i32 to index
          %get3A_1857 = arith.constant 64 : index
          %get3A_1858 = tpu.vector_load %arg5[%get3A_1856, %get3A_1857] {strides = array<i32>} : memref<256x128xf32, #tpu.memory_space<vmem>>, vector<1x16xf32>,
          %get3A_1859 = vector.shape_cast %get3A_1858 : vector<1x16xf32> to vector<16xf32>
          %add3A_1860 = arith.addf %add3A_1804, %get3A_1859 : vector<16xf32>
          %add3A_1861 = arith.constant 31 : i32
          %add3A_1862 = arith.addi %mul3A_114, %add3A_1861 : i32
          %get3A_1863 = arith.index_cast %add3A_1862 : i32 to index
          %get3A_1864 = arith.constant 80 : index
          %get3A_1865 = tpu.vector_load %arg5[%get3A_1863, %get3A_1864] {strides = array<i32>} : memref<256x128xf32, #tpu.memory_space<vmem>>, vector<1x16xf32>,
          %get3A_1866 = vector.shape_cast %get3A_1865 : vector<1x16xf32> to vector<16xf32>
          %add3A_1867 = arith.addf %add3A_1811, %get3A_1866 : vector<16xf32>
          %add3A_1868 = arith.constant 31 : i32
          %add3A_1869 = arith.addi %mul3A_114, %add3A_1868 : i32
          %get3A_1870 = arith.index_cast %add3A_1869 : i32 to index
          %get3A_1871 = arith.constant 96 : index
          %get3A_1872 = tpu.vector_load %arg5[%get3A_1870, %get3A_1871] {strides = array<i32>} : memref<256x128xf32, #tpu.memory_space<vmem>>, vector<1x16xf32>,
          %get3A_1873 = vector.shape_cast %get3A_1872 : vector<1x16xf32> to vector<16xf32>
          %add3A_1874 = arith.addf %add3A_1818, %get3A_1873 : vector<16xf32>
          %add3A_1875 = arith.constant 31 : i32
          %add3A_1876 = arith.addi %mul3A_114, %add3A_1875 : i32
          %get3A_1877 = arith.index_cast %add3A_1876 : i32 to index
          %get3A_1878 = arith.constant 112 : index
          %get3A_1879 = tpu.vector_load %arg5[%get3A_1877, %get3A_1878] {strides = array<i32>} : memref<256x128xf32, #tpu.memory_space<vmem>>, vector<1x16xf32>,
          %get3A_1880 = vector.shape_cast %get3A_1879 : vector<1x16xf32> to vector<16xf32>
          %add3A_1881 = arith.addf %add3A_1825, %get3A_1880 : vector<16xf32>
          %mul3A_1882 = arith.constant 3.125000e-02 : f32
          %mul3A_1883 = vector.broadcast %mul3A_1882 : f32 to vector<16xf32>
          %mul3A_1884 = arith.mulf %add3A_1832, %mul3A_1883 : vector<16xf32>
          %swap3A = arith.index_cast %scan3A_112 : i32 to index
          %swap3A_1885 = arith.constant 0 : index
          %swap3A_1886 = tpu.vector_load %arg7[%swap3A, %swap3A_1885] {strides = array<i32>} : memref<8x128xf32, #tpu.memory_space<vmem>>, vector<1x16xf32>,
          %swap3A_1887 = vector.shape_cast %swap3A_1886 : vector<1x16xf32> to vector<16xf32>
          %swap3A_1888 = vector.shape_cast %mul3A_1884 : vector<16xf32> to vector<1x16xf32>
          tpu.vector_store %arg7[%swap3A, %swap3A_1885], %swap3A_1888 {strides = array<i32>} : memref<8x128xf32, #tpu.memory_space<vmem>>, vector<1x16xf32>,
          %mul3A_1889 = arith.constant 3.125000e-02 : f32
          %mul3A_1890 = vector.broadcast %mul3A_1889 : f32 to vector<16xf32>
          %mul3A_1891 = arith.mulf %add3A_1839, %mul3A_1890 : vector<16xf32>
          %swap3A_1892 = arith.index_cast %scan3A_112 : i32 to index
          %swap3A_1893 = arith.constant 16 : index
          %swap3A_1894 = tpu.vector_load %arg7[%swap3A_1892, %swap3A_1893] {strides = array<i32>} : memref<8x128xf32, #tpu.memory_space<vmem>>, vector<1x16xf32>,
          %swap3A_1895 = vector.shape_cast %swap3A_1894 : vector<1x16xf32> to vector<16xf32>
          %swap3A_1896 = vector.shape_cast %mul3A_1891 : vector<16xf32> to vector<1x16xf32>
          tpu.vector_store %arg7[%swap3A_1892, %swap3A_1893], %swap3A_1896 {strides = array<i32>} : memref<8x128xf32, #tpu.memory_space<vmem>>, vector<1x16xf32>,
          %mul3A_1897 = arith.constant 3.125000e-02 : f32
          %mul3A_1898 = vector.broadcast %mul3A_1897 : f32 to vector<16xf32>
          %mul3A_1899 = arith.mulf %add3A_1846, %mul3A_1898 : vector<16xf32>
          %swap3A_1900 = arith.index_cast %scan3A_112 : i32 to index
          %swap3A_1901 = arith.constant 32 : index
          %swap3A_1902 = tpu.vector_load %arg7[%swap3A_1900, %swap3A_1901] {strides = array<i32>} : memref<8x128xf32, #tpu.memory_space<vmem>>, vector<1x16xf32>,
          %swap3A_1903 = vector.shape_cast %swap3A_1902 : vector<1x16xf32> to vector<16xf32>
          %swap3A_1904 = vector.shape_cast %mul3A_1899 : vector<16xf32> to vector<1x16xf32>
          tpu.vector_store %arg7[%swap3A_1900, %swap3A_1901], %swap3A_1904 {strides = array<i32>} : memref<8x128xf32, #tpu.memory_space<vmem>>, vector<1x16xf32>,
          %mul3A_1905 = arith.constant 3.125000e-02 : f32
          %mul3A_1906 = vector.broadcast %mul3A_1905 : f32 to vector<16xf32>
          %mul3A_1907 = arith.mulf %add3A_1853, %mul3A_1906 : vector<16xf32>
          %swap3A_1908 = arith.index_cast %scan3A_112 : i32 to index
          %swap3A_1909 = arith.constant 48 : index
          %swap3A_1910 = tpu.vector_load %arg7[%swap3A_1908, %swap3A_1909] {strides = array<i32>} : memref<8x128xf32, #tpu.memory_space<vmem>>, vector<1x16xf32>,
          %swap3A_1911 = vector.shape_cast %swap3A_1910 : vector<1x16xf32> to vector<16xf32>
          %swap3A_1912 = vector.shape_cast %mul3A_1907 : vector<16xf32> to vector<1x16xf32>
          tpu.vector_store %arg7[%swap3A_1908, %swap3A_1909], %swap3A_1912 {strides = array<i32>} : memref<8x128xf32, #tpu.memory_space<vmem>>, vector<1x16xf32>,
          %mul3A_1913 = arith.constant 3.125000e-02 : f32
          %mul3A_1914 = vector.broadcast %mul3A_1913 : f32 to vector<16xf32>
          %mul3A_1915 = arith.mulf %add3A_1860, %mul3A_1914 : vector<16xf32>
          %swap3A_1916 = arith.index_cast %scan3A_112 : i32 to index
          %swap3A_1917 = arith.constant 64 : index
          %swap3A_1918 = tpu.vector_load %arg7[%swap3A_1916, %swap3A_1917] {strides = array<i32>} : memref<8x128xf32, #tpu.memory_space<vmem>>, vector<1x16xf32>,
          %swap3A_1919 = vector.shape_cast %swap3A_1918 : vector<1x16xf32> to vector<16xf32>
          %swap3A_1920 = vector.shape_cast %mul3A_1915 : vector<16xf32> to vector<1x16xf32>
          tpu.vector_store %arg7[%swap3A_1916, %swap3A_1917], %swap3A_1920 {strides = array<i32>} : memref<8x128xf32, #tpu.memory_space<vmem>>, vector<1x16xf32>,
          %mul3A_1921 = arith.constant 3.125000e-02 : f32
          %mul3A_1922 = vector.broadcast %mul3A_1921 : f32 to vector<16xf32>
          %mul3A_1923 = arith.mulf %add3A_1867, %mul3A_1922 : vector<16xf32>
          %swap3A_1924 = arith.index_cast %scan3A_112 : i32 to index
          %swap3A_1925 = arith.constant 80 : index
          %swap3A_1926 = tpu.vector_load %arg7[%swap3A_1924, %swap3A_1925] {strides = array<i32>} : memref<8x128xf32, #tpu.memory_space<vmem>>, vector<1x16xf32>,
          %swap3A_1927 = vector.shape_cast %swap3A_1926 : vector<1x16xf32> to vector<16xf32>
          %swap3A_1928 = vector.shape_cast %mul3A_1923 : vector<16xf32> to vector<1x16xf32>
          tpu.vector_store %arg7[%swap3A_1924, %swap3A_1925], %swap3A_1928 {strides = array<i32>} : memref<8x128xf32, #tpu.memory_space<vmem>>, vector<1x16xf32>,
          %mul3A_1929 = arith.constant 3.125000e-02 : f32
          %mul3A_1930 = vector.broadcast %mul3A_1929 : f32 to vector<16xf32>
          %mul3A_1931 = arith.mulf %add3A_1874, %mul3A_1930 : vector<16xf32>
          %swap3A_1932 = arith.index_cast %scan3A_112 : i32 to index
          %swap3A_1933 = arith.constant 96 : index
          %swap3A_1934 = tpu.vector_load %arg7[%swap3A_1932, %swap3A_1933] {strides = array<i32>} : memref<8x128xf32, #tpu.memory_space<vmem>>, vector<1x16xf32>,
          %swap3A_1935 = vector.shape_cast %swap3A_1934 : vector<1x16xf32> to vector<16xf32>
          %swap3A_1936 = vector.shape_cast %mul3A_1931 : vector<16xf32> to vector<1x16xf32>
          tpu.vector_store %arg7[%swap3A_1932, %swap3A_1933], %swap3A_1936 {strides = array<i32>} : memref<8x128xf32, #tpu.memory_space<vmem>>, vector<1x16xf32>,
          %mul3A_1937 = arith.constant 3.125000e-02 : f32
          %mul3A_1938 = vector.broadcast %mul3A_1937 : f32 to vector<16xf32>
          %mul3A_1939 = arith.mulf %add3A_1881, %mul3A_1938 : vector<16xf32>
          %swap3A_1940 = arith.index_cast %scan3A_112 : i32 to index
          %swap3A_1941 = arith.constant 112 : index
          %swap3A_1942 = tpu.vector_load %arg7[%swap3A_1940, %swap3A_1941] {strides = array<i32>} : memref<8x128xf32, #tpu.memory_space<vmem>>, vector<1x16xf32>,
          %swap3A_1943 = vector.shape_cast %swap3A_1942 : vector<1x16xf32> to vector<16xf32>
          %swap3A_1944 = vector.shape_cast %mul3A_1939 : vector<16xf32> to vector<1x16xf32>
          tpu.vector_store %arg7[%swap3A_1940, %swap3A_1941], %swap3A_1944 {strides = array<i32>} : memref<8x128xf32, #tpu.memory_space<vmem>>, vector<1x16xf32>,
        }
        %scan3A_106 = arith.constant 8 : i32
        %mul3A_107 = arith.constant 8 : i32
        %mul3A_108 = arith.muli %add3A_77, %mul3A_107 : i32
        %dma_start3A = arith.constant 0 : i32
        %dma_start3A_109 = tpu.memref_slice %arg3[%mul3A_108, %dma_start3A] : memref<4000x128xf32, #tpu.memory_space<hbm>> -> memref<8x128xf32, #tpu.memory_space<hbm>>
        %dma_start3A_110 = arith.constant 0 : i32
        %dma_start3A_111 = tpu.memref_slice %arg3[%mul3A_108, %dma_start3A_110] : memref<4000x128xf32, #tpu.memory_space<hbm>> -> memref<8x128xf32, #tpu.memory_space<hbm>>
        tpu.enqueue_dma source(%arg7 : memref<8x128xf32, #tpu.memory_space<vmem>>) target(%dma_start3A_111 : memref<8x128xf32, #tpu.memory_space<hbm>>) target_semaphore(%arg11 : memref<!tpu.dma_semaphore, #tpu.memory_space<semaphore_mem>>)
      } else {
      }
    }
    %scan3A_9 = arith.constant 8 : i32
    %add3A_10 = arith.constant 448 : i32
    %add3A_11 = arith.addi %add3A, %add3A_10 : i32
    %lt3A_12 = arith.constant 500 : i32
    %lt3A_13 = arith.cmpi slt, %add3A_11, %lt3A_12 : i32
    %and3A = arith.constant true
    %and3A_14 = arith.andi %and3A, %lt3A_13 : i1
    %convert_element_type3A_15 = arith.extui %and3A_14 : i1 to i32
    %cond3A_16 = arith.constant 0 : i32
    %cond3A_17 = arith.cmpi ne, %convert_element_type3A_15, %cond3A_16 : i32
    scf.if %cond3A_17 {
      %mul3A_27 = arith.constant 8 : i32
      %mul3A_28 = arith.muli %add3A_11, %mul3A_27 : i32
      %dma_wait3A = arith.constant 0 : i32
      %dma_wait3A_29 = tpu.memref_slice %arg3[%mul3A_28, %dma_wait3A] : memref<4000x128xf32, #tpu.memory_space<hbm>> -> memref<8x128xf32, #tpu.memory_space<hbm>>
      %dma_wait3A_30 = arith.constant 0 : i32
      %dma_wait3A_31 = tpu.memref_slice %arg3[%mul3A_28, %dma_wait3A_30] : memref<4000x128xf32, #tpu.memory_space<hbm>> -> memref<8x128xf32, #tpu.memory_space<hbm>>
      tpu.wait_dma2 semaphore(%arg10 : memref<!tpu.dma_semaphore, #tpu.memory_space<semaphore_mem>>) src(%arg6 : memref<8x128xf32, #tpu.memory_space<vmem>>) dst(%dma_wait3A_31 : memref<8x128xf32, #tpu.memory_space<hbm>>)
    } else {
    }
    %add3A_18 = arith.constant 480 : i32
    %add3A_19 = arith.addi %add3A, %add3A_18 : i32
    %lt3A_20 = arith.constant 500 : i32
    %lt3A_21 = arith.cmpi slt, %add3A_19, %lt3A_20 : i32
    %and3A_22 = arith.constant true
    %and3A_23 = arith.andi %and3A_22, %lt3A_21 : i1
    %convert_element_type3A_24 = arith.extui %and3A_23 : i1 to i32
    %cond3A_25 = arith.constant 0 : i32
    %cond3A_26 = arith.cmpi ne, %convert_element_type3A_24, %cond3A_25 : i32
    scf.if %cond3A_26 {
      %mul3A_27 = arith.constant 8 : i32
      %mul3A_28 = arith.muli %add3A_19, %mul3A_27 : i32
      %dma_wait3A = arith.constant 0 : i32
      %dma_wait3A_29 = tpu.memref_slice %arg3[%mul3A_28, %dma_wait3A] : memref<4000x128xf32, #tpu.memory_space<hbm>> -> memref<8x128xf32, #tpu.memory_space<hbm>>
      %dma_wait3A_30 = arith.constant 0 : i32
      %dma_wait3A_31 = tpu.memref_slice %arg3[%mul3A_28, %dma_wait3A_30] : memref<4000x128xf32, #tpu.memory_space<hbm>> -> memref<8x128xf32, #tpu.memory_space<hbm>>
      tpu.wait_dma2 semaphore(%arg11 : memref<!tpu.dma_semaphore, #tpu.memory_space<semaphore_mem>>) src(%arg7 : memref<8x128xf32, #tpu.memory_space<vmem>>) dst(%dma_wait3A_31 : memref<8x128xf32, #tpu.memory_space<hbm>>)
    } else {
    }
    return
  }
}

</mosaic_0001>

<sc_bundles>
// kernel: _sc_mailbox_sum.3.cloned.1.call-start
scs
__scs_entry_jumppad:
0x0: {  	(pc) =	sbr.rel $0x88, $3  }
0x1: {  	(tag) =	ssettag $0x0;
	lr =	simm.s32 $0x1  }
0x2: {  	[smem:$0x3FA0] =	sst lr;
	_ =	strace $0xD0000000  }
0x3: {  	_ = 	snop  }
0x4: {  	_ = 	snop  }
0x5: {  	_ = 	snop  }
0x6: {  	_ = 	snop  }
0x7: {  	_ = 	snop  }
__scs_overlays_trampoline_lowered:
0x8: {  	[smem:$0x3FAF] =	sst s0  }
0x9: {  	[smem:$0x3FB0] =	sst s1  }
0xa: {  	[smem:$0x3FB1] =	sst s2  }
0xb: {  	[smem:$0x3FB2] =	sst s3  }
0xc: {  	[smem:$0x3FB3] =	sst s4  }
0xd: {  	[smem:$0x3FB4] =	sst s5  }
0xe: {  	[smem:$0x3FB5] =	sst s6  }
0xf: {  	[smem:$0x3FB6] =	sst s7  }
0x10: {  	[smem:$0x3FB7] =	sst s8  }
0x11: {  	[smem:$0x3FB8] =	sst s9;
	s0 =	simm.s32 @!p0 $0x0  }
0x12: {  	s1 =	sld [smem:$0x3F9E];
	s0 =	simm.s32 @p0 $0x1  }
0x13: {  	[smem:$0x3FB9] =	sst s0;
	s0 =	simm.s32 @!p1 $0x0  }
0x14: {  	s2 =	sld [smem:$0x3F9D];
	s0 =	simm.s32 @p1 $0x1  }
0x15: {  	[smem:$0x3FBA] =	sst s0;
	s0 =	simm.s32 @!p2 $0x0  }
0x16: {  	s3 =	sld [smem:$0x3FDB];
	s0 =	simm.s32 @p2 $0x1  }
0x17: {  	s4 =	simm.s32 $0x1BF5;
	[smem:$0x3FBC] =	sst s0  }
0x18: {  	s0 =	sld [smem:$0x3F9F];
	_ =	swait.ge [sflag:s4], $0x0  }
0x19: {  	s7 =	sld [smem:$0x3FA0]  }
0x1a: {  	s8 =	sadd.s32 $0xFFFFE003, lr  }
0x1b: {  	s9 =	sadd.s32 $0xFFFFFEF7, lr;
	s5 =	simm.s32 $0xFFFFFFFF;
	p2 =	slt.u32 s8, $0xFFFFF086  }
0x1c: {  	p1 =	slt.u32 s9, $0xF7A;
	s5 =	simm.s32 @!p2 $0x0  }
0x1d: {  	s5 =	simm.s32 @p1 $0x1;
	p0 =	seq.s32 s7, s2  }
0x1e: {  	s7 =	smul.u32 @!p0 $0xF7A, s2;
	p2 =	seq.s32 @!p0 s5, $0x0  }
0x1f: {  	s9 =	smul.u32 $0xF7A, s1;
	s8 =	simm.s32 @!p0 $0x1BF5;
	p2 =	por !p2, p0  }
0x20: {  	[sflag:s8] =	ssyncset.s32 @!p0 $0xFFFFF086;
	s6 =	sadd.s32 @!p0 s3, s7;
	s7 =	simm.s32 @!p0 $0x108  }
0x21: {  	s3 =	sadd.s32 s3, s9;
	s6 =	sadd.s32 @!p0 $0x88, s6;
	s7 =	simm.s32 @p2 $0x1082  }
0x22: {  	[simem:s7], [sflag:s8] =	dma.local @!p0 [hbm:s6], $0xF7A  }
0x23: {  	s9 =	sor.u32 $0xD0000000, s2;
	s6 =	simm.s32 $0x108;
	_ =	swait.ge @!p0 [sflag:s8], $0x0  }
0x24: {  	s3 =	sadd.s32 $0x88, s3;
	s6 =	simm.s32 @!p1 $0x1082;
	[sflag:s4] =	ssyncset.s32 $0xFFFFF086  }
0x25: {  	[simem:s6], [sflag:s4] =	dma.local [hbm:s3], $0xF7A  }
0x26: {  	[smem:$0x3FA0] =	sst s1;
	(tag) =	ssettag s2;
	_ =	strace s9  }
0x27: {  	s1 =	sld [smem:$0x3FB0]  }
0x28: {  	s2 =	sld [smem:$0x3FB1]  }
0x29: {  	s4 =	sld [smem:$0x3FB3]  }
0x2a: {  	p0 =	seq.s32 s5, $0x0;
	s5 =	sld [smem:$0x3FB4]  }
0x2b: {  	s6 =	sld [smem:$0x3FB5]  }
0x2c: {  	s7 =	sld [smem:$0x3FB6]  }
0x2d: {  	s3 =	simm.s32 $0x108;
	s8 =	sld [smem:$0x3FB7]  }
0x2e: {  	s3 =	simm.s32 @!p0 $0x1082;
	s9 =	sld [smem:$0x3FB8]  }
0x2f: {  	lr =	sadd.s32 s0, s3;
	s0 =	sld [smem:$0x3FAF]  }
0x30: {  	s3 =	sld [smem:$0x3FB2]  }
0x31: {  	[smem:$0x3FBB] =	sst s10  }
0x32: {  	s10 =	sld [smem:$0x3FB9];
	_ =	sdelay $0x3  }
0x33: {  	p0 =	seq.s32 s10, $0x1;
	s10 =	sld [smem:$0x3FBB];
	_ =	sdelay $0x3  }
0x34: {  	[smem:$0x3FBB] =	sst s10  }
0x35: {  	s10 =	sld [smem:$0x3FBA];
	_ =	sdelay $0x3  }
0x36: {  	p1 =	seq.s32 s10, $0x1;
	s10 =	sld [smem:$0x3FBB];
	_ =	sdelay $0x3  }
0x37: {  	[smem:$0x3FBB] =	sst s10  }
0x38: {  	s10 =	sld [smem:$0x3FBC]  }
0x39: {  	_ = 	snop;
	(pc) =	sbr.ind lr, $3  }
0x3a: {  	_ = 	snop  }
0x3b: {  	_ = 	snop  }
0x3c: {  	p2 =	seq.s32 s10, $0x1;
	s10 =	sld [smem:$0x3FBB]  }
0x3d: {  	_ =	shalt  }
0x3e: {  	_ =	shalt  }
0x3f: {  	_ =	shalt  }
0x40: {  	_ =	shalt  }
0x41: {  	_ =	shalt  }
0x42: {  	_ =	shalt  }
0x43: {  	_ =	shalt  }
0x44: {  	_ =	shalt  }
0x45: {  	_ =	shalt  }
0x46: {  	_ =	shalt  }
0x47: {  	_ =	shalt  }
0x48: {  	_ =	shalt  }
0x49: {  	_ =	shalt  }
0x4a: {  	_ =	shalt  }
0x4b: {  	_ =	shalt  }
0x4c: {  	_ =	shalt  }
0x4d: {  	_ =	shalt  }
0x4e: {  	_ =	shalt  }
0x4f: {  	_ =	shalt  }
0x50: {  	_ =	shalt  }
0x51: {  	_ =	shalt  }
0x52: {  	_ =	shalt  }
0x53: {  	_ =	shalt  }
0x54: {  	_ =	shalt  }
0x55: {  	_ =	shalt  }
0x56: {  	_ =	shalt  }
0x57: {  	_ =	shalt  }
0x58: {  	_ =	shalt  }
0x59: {  	_ =	shalt  }
0x5a: {  	_ =	shalt  }
0x5b: {  	_ =	shalt  }
0x5c: {  	_ =	shalt  }
0x5d: {  	_ =	shalt  }
0x5e: {  	_ =	shalt  }
0x5f: {  	_ =	shalt  }
0x60: {  	_ =	shalt  }
0x61: {  	_ =	shalt  }
0x62: {  	_ =	shalt  }
0x63: {  	_ =	shalt  }
0x64: {  	_ =	shalt  }
0x65: {  	_ =	shalt  }
0x66: {  	_ =	shalt  }
0x67: {  	_ =	shalt  }
0x68: {  	_ =	shalt  }
0x69: {  	_ =	shalt  }
0x6a: {  	_ =	shalt  }
0x6b: {  	_ =	shalt  }
0x6c: {  	_ =	shalt  }
0x6d: {  	_ =	shalt  }
0x6e: {  	_ =	shalt  }
0x6f: {  	_ =	shalt  }
0x70: {  	_ =	shalt  }
0x71: {  	_ =	shalt  }
0x72: {  	_ =	shalt  }
0x73: {  	_ =	shalt  }
0x74: {  	_ =	shalt  }
0x75: {  	_ =	shalt  }
0x76: {  	_ =	shalt  }
0x77: {  	_ =	shalt  }
0x78: {  	_ =	shalt  }
0x79: {  	_ =	shalt  }
0x7a: {  	_ =	shalt  }
0x7b: {  	_ =	shalt  }
0x7c: {  	_ =	shalt  }
0x7d: {  	_ =	shalt  }
0x7e: {  	_ =	shalt  }
0x7f: {  	_ =	shalt  }
0x80: {  	_ =	shalt  }
0x81: {  	_ =	shalt  }
0x82: {  	_ =	shalt  }
0x83: {  	_ =	shalt  }
0x84: {  	_ =	shalt  }
0x85: {  	_ =	shalt  }
0x86: {  	_ =	shalt  }
0x87: {  	_ =	shalt  }
.Lfunc_end0:
.L_simem_size_0:
called_computation_lowered:
.L_overlay_start_0:
0x88: {  	s2 =	sld [smem:$0x3FD9]  }
0x89: {  	s3 =	sld [smem:$0x3FFE];
	_ =	sdelay $0x1  }
0x8a: {  	s1 =	srdreg.scid  }
0x8b: {  	s0 =	sand.u32 $0x1, s1  }
0x8c: {  	s18 =	sshll.u32 s0, $0xA;
	s2 =	sadd.s32 s3, s2  }
0x8d: {  	s2 =	sadd.s32 s2, s18  }
0x8e: {  	[smem:$0x3FC7] =	sst s2  }
0x8f: {  	_ = 	snop  }
0x90: {  	s2 =	sld [smem:$0x3FC9]  }
0x91: {  	s19 =	sld [smem:$0x3FD0];
	(tm) =	ssettm $0x1  }
0x92: {  	s4 =	sld [smem:$0x3FFB];
	_ =	sdelay $0x3  }
0x93: {  	_ =	strace s4  }
0x94: {  	s4 =	sld [smem:$0x3FFC];
	_ =	sdelay $0x3  }
0x95: {  	_ =	strace s4  }
0x96: {  	s4 =	sld [smem:$0x3FFD];
	_ =	sdelay $0x3  }
0x97: {  	_ =	strace s4  }
0x98: {  	_ =	strace $0x8FFFFFFF  }
0x99: {  	s20 =	sld [smem:$0x3FDB];
	_ =	sdelay $0x1  }
0x9a: {  	s5 =	simm.s32 $_scs_section_size  }
0x9b: {  	s6 =	simm.s32 $_size__tile_overlayer_lowered;
	s7 =	simm.s32 $_tile_overlayer_lowered  }
0x9c: {  	s23 =	simm.s32 $0x1BFF;
	s22 =	sshll.u32 s7, $0x1;
	s4 =	sadd.s32 s5, s20  }
0x9d: {  	s8 =	simm.s32 $0x0;
	s21 =	sshll.u32 s6, $0x1;
	s6 =	sadd.s32 s22, s4  }
0x9e: {  	[timem:s8], [sflag:s23] =	dma.local [hbm:s6], s21  }
0x9f: {  	_ =	swait.ge [sflag:s23], s21  }
0xa0: {  	s5 =	ssub.s32 $0x0, s21;
	[sflag:s23] =	ssyncset.done $0x0  }
0xa1: {  	[sflag:s23] =	ssyncadd.s32 s5;
	_ =	sdelay $0x1  }
0xa2: {  	s24 =	simm.s32 $0x1B8B  }
0xa3: {  	_ =	swait.ge [sflag:s24], $0x1  }
0xa4: {  	[sflag:s24] =	ssyncset.done $0x0  }
0xa5: {  	s25 =	simm.s32 $0x1B8E;
	[sflag:s24] =	ssyncadd.s32 $0xFFFFFFFF  }
0xa6: {  	s26 =	simm.s32 $execute0_lowered;
	[smem:$0x3FD2] =	sst s25  }
0xa7: {  	s5 =	sshll.u32 s26, $0x1;
	_ =	strace $0x80000046;
	[dreg:$0x1] =	wrdreg $0xFFFFFFFF  }
0xa8: {  	s28 =	simm.s32 $_size_execute0_lowered;
	s4 =	sadd.s32 s4, s5;
	[dreg:$0x0] =	wrdreg $0x0  }
0xa9: {  	s5 =	sshll.u32 s28, $0x1;
	[dreg:$0x2] =	wrdreg s4  }
0xaa: {  	[dreg:$0x3] =	wrdreg s5  }
0xab: {  	[dreg:$0x4] =	wrdreg $0xC0  }
0xac: {  	_ =	task [dreg:s8], $0x5FFFF  }
0xad: {  	[dreg:$0x1] =	wrdreg $0xFFFFFFFF  }
0xae: {  	[dreg:$0x0] =	wrdreg $0x60  }
0xaf: {  	[dreg:$0x2] =	wrdreg s2  }
0xb0: {  	[dreg:$0x3] =	wrdreg s19  }
0xb1: {  	[dreg:$0x4] =	wrdreg $0x9  }
0xb2: {  	_ =	task.clear_ibuf [dreg:s8], $0x5FFFF;
	_ =	strace $0x90000046  }
0xb3: {  	s29 =	simm.s32 $0x9;
	_ =	strace $0x80000048  }
0xb4: {  	_ =	swait.ge [sflag:s29], $0x1  }
0xb5: {  	[sflag:s29] =	ssyncadd.s32 $0xFFFFFFFF  }
0xb6: {  	_ =	strace $0x90000048  }
0xb7: {  	_ =	sfence  }
0xb8: {  	s30 =	sld [smem:$0x0];
	_ =	sdelay $0x2  }
0xb9: {  	s31 =	sshll.u32 s1, $0xD;
	s1 =	sshrl.u32 s1, $0x2  }
0xba: {  	s3 =	sand.u32 $0x4000, s31;
	s1 =	sadd.s32 s1, s30  }
0xbb: {  	s0 =	sor.u32 s3, s0;
	s1 =	sshll.u32 s1, $0x11  }
0xbc: {  	s0 =	sor.u32 s1, s0  }
0xbd: {  	s0 =	sadd.s32 $0x8F2B, s0  }
0xbe: {  	[sflag:s0] =	ssyncadd.remote.s32 $0x1  }
0xbf: {  	_ =	sfence.sel $0xFFFF  }
0xc0: {  	[dreg:$0x0] =	wrdreg $0xFFFFFFFF;
	(pc) =	sbr.abs _section_cstart, $3  }
0xc1: {  	[dreg:$0x1] =	wrdreg $0xFFFFFFFF  }
0xc2: {  	_ =	task.clear_ibuf [dreg:s8], $0x2FFFF;
	_ =	strace $0x9FFFFFFF  }
0xc3: {  	(tm) =	ssettm $0x7FFFFFFF  }
tec
execute0_lowered:
.L_overlay_start_1:
0x0: {  	(tag) =	ssettag $0x1  }
0x1: {  	s2 =	rddreg [dreg:$0x0]  }
0x2: {  	s3 =	rddreg [dreg:$0x1];
	s4 =	srdreg.scid  }
0x3: {  	s1 =	stileid.u32;
	s0 =	rddreg [dreg:$0x2]  }
0x4: {  	s10 =	simm.s32 $0x10000;
	s11 =	simm.s32 $0x2;
	s12 =	simm.s32 $0x10400  }
0x5: {  	s13 =	simm.s32 $0x3;
	s14 =	simm.s32 $0x0;
	s5 =	sand.u32 $0x1, s4  }
.Ltmp0:
0x6: {  	s6 =	sshll.u32 s1, $0x1;
	s4 =	simm.s32 $0x0;
	(pc) =	sbr.rel .LBB2_1-.Ltmp0, $4  }
0x7: {  	p0 =	sgt.u32 s1, $0x9;
	s7 =	ssub.s32 $0x2, s5;
	s5 =	sor.u32 s5, s6  }
0x8: {  	[smem:$0x7FF] =	sst s4;
	s31 =	sshrl.u32 s7, $0x1;
	s8 =	sshll.u32 s5, $0xC  }
0x9: {  	_ =	strace $0x80000047;
	s9 =	ssub.s32 s7, s31;
	s6 =	sadd.s32 s2, s8  }
0xa: {  	s7 =	sor.u32 $0x40, s5;
	s8 =	smax.u32 s9, $0x1;
	s9 =	simm.s32 $0x1  }
.LBB2_9:
0xb: {  	s14 =	sadd.s32 $0x1, s14  }
0xc: {  	_ =	swait.ge [sflag:s13], $0x400;
	p1 =	sne.s32 s14, s8  }
.Ltmp1:
0xd: {  	[sflag:s13] =	ssyncset.done $0x0;
	(pc) =	sbr.rel @!p1 .LBB2_10-.Ltmp1, $4  }
0xe: {  	s15 =	simm.s32 @!p0 $0x4;
	[sflag:s13] =	ssyncadd.s32 $0xFFFFFC00  }
0xf: {  	_ =	swait.ge @!p0 [sflag:s15], $0x400  }
0x10: {  	[sflag:s15] =	ssyncset.done @!p0 $0x0  }
0x11: {  	[sflag:s15] =	ssyncadd.s32 @!p0 $0xFFFFFC00  }
.LBB2_1:
.Ltmp2:
0x12: {  	(pc) =	sbr.rel .LBB2_2-.Ltmp2, $3  }
0x13: {  	_ =	sdelay $0x1  }
0x14: {  	[tilespmem:s4], [sflag:$0x1] =	stream.linear.gather [hbm4b:s6+s4], $0x8000, $0x38;
	[tilespmem:$0x10800] =	vst v63  }
0x15: {  	s15 =	simm.s32 $0x0  }
.LBB2_8:
0x16: {  	s15 =	sadd.s32 $0x1, s15  }
0x17: {  	p1 =	sne.s32 s15, $0x8  }
.Ltmp3:
0x18: {  	_ = 	snop;
	(pc) =	sbr.rel @!p1 .LBB2_9-.Ltmp3, $1  }
0x19: {  	_ =	sdelay $0x3  }
.LBB2_2:
0x1a: {  	s17 =	sshll.u32 s15, $0x6  }
0x1b: {  	s18 =	sor.u32 s17, s5  }
0x1c: {  	s16 =	sor.u32 $0x20, s18  }
0x1d: {  	p1 =	sgt.u32 s16, $0x1F3  }
0x1e: {  	p2 =	seq.s32 s15, $0x0;
	s19 =	sshll.u32 @!p1 s16, $0xC  }
0x1f: {  	s20 =	simm.s32 @!p1 $0x0;
	s21 =	simm.s32 @!p1 $0x8000;
	s19 =	sadd.s32 @!p1 s2, s19  }
0x20: {  	[tilespmem:s21], [sflag:$0x2] =	stream.linear.gather @!p1 [hbm4b:s19+s20], $0x8000, $0x38;
	[tilespmem:$0x10800] =	vst v63  }
0x21: {  	s19 =	simm.s32 @!p2 $0x3  }
0x22: {  	_ =	swait.ge @!p2 [sflag:s19], $0x400  }
0x23: {  	[sflag:s19] =	ssyncset.done @!p2 $0x0  }
0x24: {  	[sflag:s19] =	ssyncadd.s32 @!p2 $0xFFFFFC00  }
0x25: {  	_ =	swait.ge [sflag:s9], $0x8000  }
0x26: {  	[sflag:s9] =	ssyncset.done $0x0  }
0x27: {  	s19 =	simm.s32 $0x0;
	[sflag:s9] =	ssyncadd.s32 $0xFFFF8000  }
.LBB2_3:
0x28: {  	s20 =	sshll.u32 s19, $0xC  }
0x29: {  	s20 =	sand.u32 $0x3FFFF000, s20  }
0x2a: {  	v62 =	vld [tilespmem:s20+$0x3E0];
	_ =	sdelay $0x4  }
0x2b: {  	[tilespmem:$0x1FA80] =	vst v62;
	v62 =	vld [tilespmem:s20+$0x400];
	_ =	sdelay $0x4  }
0x2c: {  	[tilespmem:$0x1FA90] =	vst v62;
	v62 =	vld [tilespmem:s20+$0x410];
	_ =	sdelay $0x4  }
0x2d: {  	[tilespmem:$0x1FAA0] =	vst v62;
	v62 =	vld [tilespmem:s20+$0x420];
	_ =	sdelay $0x4  }
0x2e: {  	[tilespmem:$0x1FAB0] =	vst v62;
	v62 =	vld [tilespmem:s20+$0x430];
	_ =	sdelay $0x4  }
0x2f: {  	[tilespmem:$0x1FAC0] =	vst v62;
	v62 =	vld [tilespmem:s20+$0x440];
	_ =	sdelay $0x4  }
0x30: {  	[tilespmem:$0x1FAD0] =	vst v62;
	v62 =	vld [tilespmem:s20+$0x450];
	_ =	sdelay $0x4  }
0x31: {  	[tilespmem:$0x1FAE0] =	vst v62;
	v62 =	vld [tilespmem:s20+$0x460];
	_ =	sdelay $0x4  }
0x32: {  	[tilespmem:$0x1FAF0] =	vst v62;
	v62 =	vld [tilespmem:s20+$0x470];
	_ =	sdelay $0x4  }
0x33: {  	[tilespmem:$0x1FB00] =	vst v62;
	v62 =	vld [tilespmem:s20+$0x480];
	_ =	sdelay $0x4  }
0x34: {  	[tilespmem:$0x1FB10] =	vst v62;
	v62 =	vld [tilespmem:s20+$0x490];
	_ =	sdelay $0x4  }
0x35: {  	[tilespmem:$0x1FB20] =	vst v62;
	v62 =	vld [tilespmem:s20+$0x4A0];
	_ =	sdelay $0x4  }
0x36: {  	[tilespmem:$0x1FB30] =	vst v62;
	v62 =	vld [tilespmem:s20+$0x4B0];
	_ =	sdelay $0x4  }
0x37: {  	[tilespmem:$0x1FB40] =	vst v62;
	v62 =	vld [tilespmem:s20+$0x4C0];
	_ =	sdelay $0x4  }
0x38: {  	[tilespmem:$0x1FB50] =	vst v62;
	v62 =	vld [tilespmem:s20+$0x4D0];
	_ =	sdelay $0x4  }
0x39: {  	[tilespmem:$0x1FB60] =	vst v62;
	v62 =	vld [tilespmem:s20+$0x4E0];
	_ =	sdelay $0x4  }
0x3a: {  	[tilespmem:$0x1FB70] =	vst v62;
	v62 =	vld [tilespmem:s20+$0x4F0];
	_ =	sdelay $0x4  }
0x3b: {  	[tilespmem:$0x1FB80] =	vst v62;
	v62 =	vld [tilespmem:s20+$0x500];
	_ =	sdelay $0x4  }
0x3c: {  	[tilespmem:$0x1FB90] =	vst v62;
	v62 =	vld [tilespmem:s20+$0x510];
	_ =	sdelay $0x4  }
0x3d: {  	[tilespmem:$0x1FBA0] =	vst v62;
	v62 =	vld [tilespmem:s20+$0x520];
	_ =	sdelay $0x4  }
0x3e: {  	[tilespmem:$0x1FBB0] =	vst v62;
	v62 =	vld [tilespmem:s20+$0x530];
	_ =	sdelay $0x4  }
0x3f: {  	[tilespmem:$0x1FBC0] =	vst v62;
	v62 =	vld [tilespmem:s20+$0x540];
	_ =	sdelay $0x4  }
0x40: {  	[tilespmem:$0x1FBD0] =	vst v62;
	v62 =	vld [tilespmem:s20+$0x550];
	_ =	sdelay $0x4  }
0x41: {  	[tilespmem:$0x1FBE0] =	vst v62;
	v62 =	vld [tilespmem:s20+$0x560];
	_ =	sdelay $0x1  }
0x42: {  	v16 =	vld [tilespmem:s20+$0x0]  }
0x43: {  	v17 =	vld [tilespmem:s20+$0x10]  }
0x44: {  	v20 =	vld [tilespmem:s20+$0x20]  }
0x45: {  	[tilespmem:$0x1FBF0] =	vst v62;
	v62 =	vld [tilespmem:s20+$0x570]  }
0x46: {  	v21 =	vld [tilespmem:s20+$0x30]  }
0x47: {  	v24 =	vld [tilespmem:s20+$0x40]  }
0x48: {  	v25 =	vld [tilespmem:s20+$0x50]  }
0x49: {  	v28 =	vld [tilespmem:s20+$0x60]  }
0x4a: {  	[tilespmem:$0x1FC00] =	vst v62;
	v62 =	vld [tilespmem:s20+$0x580]  }
0x4b: {  	v29 =	vld [tilespmem:s20+$0x70]  }
0x4c: {  	v0 =	vld [tilespmem:s20+$0x80]  }
0x4d: {  	v1 =	vld [tilespmem:s20+$0x90]  }
0x4e: {  	v2 =	vld [tilespmem:s20+$0xA0]  }
0x4f: {  	[tilespmem:$0x1FC10] =	vst v62;
	v62 =	vld [tilespmem:s20+$0x590]  }
0x50: {  	v3 =	vld [tilespmem:s20+$0xB0]  }
0x51: {  	v4 =	vld [tilespmem:s20+$0xC0]  }
0x52: {  	v5 =	vld [tilespmem:s20+$0xD0]  }
0x53: {  	v6 =	vld [tilespmem:s20+$0xE0]  }
0x54: {  	[tilespmem:$0x1FC20] =	vst v62;
	v62 =	vld [tilespmem:s20+$0x5A0]  }
0x55: {  	v7 =	vld [tilespmem:s20+$0xF0]  }
0x56: {  	v8 =	vld [tilespmem:s20+$0x100]  }
0x57: {  	v9 =	vld [tilespmem:s20+$0x110]  }
0x58: {  	v10 =	vld [tilespmem:s20+$0x120]  }
0x59: {  	[tilespmem:$0x1FC30] =	vst v62;
	v62 =	vld [tilespmem:s20+$0x5B0]  }
0x5a: {  	v11 =	vld [tilespmem:s20+$0x130]  }
0x5b: {  	v12 =	vld [tilespmem:s20+$0x140]  }
0x5c: {  	v13 =	vld [tilespmem:s20+$0x150]  }
0x5d: {  	v14 =	vld [tilespmem:s20+$0x160]  }
0x5e: {  	[tilespmem:$0x1FC40] =	vst v62;
	v62 =	vld [tilespmem:s20+$0x5C0]  }
0x5f: {  	v15 =	vld [tilespmem:s20+$0x170]  }
0x60: {  	v18 =	vld [tilespmem:s20+$0x180]  }
0x61: {  	v19 =	vld [tilespmem:s20+$0x190]  }
0x62: {  	v22 =	vld [tilespmem:s20+$0x1A0]  }
0x63: {  	[tilespmem:$0x1FC50] =	vst v62;
	v62 =	vld [tilespmem:s20+$0x5D0]  }
0x64: {  	v23 =	vld [tilespmem:s20+$0x1B0]  }
0x65: {  	v26 =	vld [tilespmem:s20+$0x1C0]  }
0x66: {  	v27 =	vld [tilespmem:s20+$0x1D0]  }
0x67: {  	v30 =	vld [tilespmem:s20+$0x1E0]  }
0x68: {  	[tilespmem:$0x1FC60] =	vst v62;
	v62 =	vld [tilespmem:s20+$0x5E0]  }
0x69: {  	v31 =	vld [tilespmem:s20+$0x1F0]  }
0x6a: {  	v52 =	vld [tilespmem:s20+$0x200]  }
0x6b: {  	v32 =	vld [tilespmem:s20+$0x210]  }
0x6c: {  	v57 =	vld [tilespmem:s20+$0x220]  }
0x6d: {  	[tilespmem:$0x1FC70] =	vst v62;
	v62 =	vld [tilespmem:s20+$0x5F0]  }
0x6e: {  	v33 =	vld [tilespmem:s20+$0x230]  }
0x6f: {  	v60 =	vld [tilespmem:s20+$0x240]  }
0x70: {  	v34 =	vld [tilespmem:s20+$0x250]  }
0x71: {  	v47 =	vld [tilespmem:s20+$0x260]  }
0x72: {  	[tilespmem:$0x1FC80] =	vst v62;
	v62 =	vld [tilespmem:s20+$0x600]  }
0x73: {  	v35 =	vld [tilespmem:s20+$0x270]  }
0x74: {  	v44 =	vld [tilespmem:s20+$0x280]  }
0x75: {  	v36 =	vld [tilespmem:s20+$0x290]  }
0x76: {  	v38 =	vld [tilespmem:s20+$0x2A0]  }
0x77: {  	[tilespmem:$0x1FC90] =	vst v62;
	v62 =	vld [tilespmem:s20+$0x610]  }
0x78: {  	v37 =	vld [tilespmem:s20+$0x2B0]  }
0x79: {  	v39 =	vld [tilespmem:s20+$0x2C0]  }
0x7a: {  	v40 =	vld [tilespmem:s20+$0x2D0]  }
0x7b: {  	v42 =	vld [tilespmem:s20+$0x2E0]  }
0x7c: {  	[tilespmem:$0x1FCA0] =	vst v62;
	v62 =	vld [tilespmem:s20+$0x620]  }
0x7d: {  	v41 =	vld [tilespmem:s20+$0x2F0]  }
0x7e: {  	v45 =	vld [tilespmem:s20+$0x300]  }
0x7f: {  	v43 =	vld [tilespmem:s20+$0x310]  }
0x80: {  	v46 =	vld [tilespmem:s20+$0x320]  }
0x81: {  	[tilespmem:$0x1FCB0] =	vst v62;
	v62 =	vld [tilespmem:s20+$0x630]  }
0x82: {  	v48 =	vld [tilespmem:s20+$0x330]  }
0x83: {  	v49 =	vld [tilespmem:s20+$0x340]  }
0x84: {  	v50 =	vld [tilespmem:s20+$0x350]  }
0x85: {  	v53 =	vld [tilespmem:s20+$0x360]  }
0x86: {  	[tilespmem:$0x1FCC0] =	vst v62;
	v62 =	vld [tilespmem:s20+$0x640]  }
0x87: {  	v51 =	vld [tilespmem:s20+$0x370]  }
0x88: {  	v54 =	vld [tilespmem:s20+$0x380]  }
0x89: {  	v55 =	vld [tilespmem:s20+$0x390]  }
0x8a: {  	v58 =	vld [tilespmem:s20+$0x3A0]  }
0x8b: {  	[tilespmem:$0x1FCD0] =	vst v62;
	v62 =	vld [tilespmem:s20+$0x650]  }
0x8c: {  	v56 =	vld [tilespmem:s20+$0x3B0]  }
0x8d: {  	v61 =	vld [tilespmem:s20+$0x3C0]  }
0x8e: {  	v59 =	vld [tilespmem:s20+$0x3D0]  }
0x8f: {  	v63 =	vld [tilespmem:s20+$0x3F0]  }
0x90: {  	[tilespmem:$0x1FCE0] =	vst v62;
	v62 =	vld [tilespmem:s20+$0x660]  }
0x91: {  	v0 =	vadd.f32 v0, v16;
	v16 =	vld [tilespmem:s20+$0x880]  }
0x92: {  	v3 =	vadd.f32 v3, v21;
	v21 =	vld [tilespmem:s20+$0x890]  }
0x93: {  	v5 =	vadd.f32 v5, v25;
	v25 =	vld [tilespmem:s20+$0x8A0]  }
0x94: {  	v7 =	vadd.f32 v7, v29;
	v29 =	vld [tilespmem:s20+$0x8B0]  }
0x95: {  	[tilespmem:$0x1FCF0] =	vst v62;
	v62 =	vld [tilespmem:s20+$0x670]  }
0x96: {  	v1 =	vadd.f32 v1, v17;
	v17 =	vld [tilespmem:s20+$0x8C0]  }
0x97: {  	v2 =	vadd.f32 v2, v20;
	v20 =	vld [tilespmem:s20+$0x8D0]  }
0x98: {  	v4 =	vadd.f32 v4, v24;
	v24 =	vld [tilespmem:s20+$0x8F0]  }
0x99: {  	v6 =	vadd.f32 v6, v28;
	v28 =	vld [tilespmem:s20+$0x910]  }
0x9a: {  	[tilespmem:$0x1FD00] =	vst v62;
	v62 =	vld [tilespmem:s20+$0x680]  }
0x9b: {  	v4 =	vadd.f32 v12, v4;
	v12 =	vld [tilespmem:s20+$0x960]  }
0x9c: {  	v5 =	vadd.f32 v13, v5;
	v7 =	vadd.f32 v15, v7;
	v13 =	vld [tilespmem:s20+$0x970]  }
0x9d: {  	v0 =	vadd.f32 v8, v0;
	v8 =	vld [tilespmem:s20+$0xA20]  }
0x9e: {  	v7 =	vadd.f32 v31, v7;
	v31 =	vld [tilespmem:s20+$0x930]  }
0x9f: {  	v3 =	vadd.f32 v11, v3;
	[tilespmem:$0x1FD10] =	vst v62;
	v62 =	vld [tilespmem:s20+$0x690]  }
0xa0: {  	v4 =	vadd.f32 v26, v4;
	v26 =	vld [tilespmem:s20+$0x9E0]  }
0xa1: {  	v3 =	vadd.f32 v23, v3;
	v23 =	vld [tilespmem:s20+$0x9F0]  }
0xa2: {  	v5 =	vadd.f32 v27, v5;
	v27 =	vld [tilespmem:$0x1FA80]  }
0xa3: {  	[tilespmem:$0x1FF10] =	vst v21;
	v21 =	vld [tilespmem:s20+$0x8E0]  }
0xa4: {  	[tilespmem:$0x1FD20] =	vst v62;
	v62 =	vld [tilespmem:s20+$0x6A0]  }
0xa5: {  	[tilespmem:$0x1FF20] =	vst v25;
	v25 =	vld [tilespmem:s20+$0x900]  }
0xa6: {  	v2 =	vadd.f32 v10, v2;
	v0 =	vadd.f32 v18, v0;
	[tilespmem:$0x1FF30] =	vst v29;
	v29 =	vld [tilespmem:s20+$0x920]  }
0xa7: {  	v1 =	vadd.f32 v9, v1;
	v6 =	vadd.f32 v14, v6;
	[tilespmem:$0x1FF40] =	vst v17;
	v17 =	vld [tilespmem:s20+$0xA00]  }
0xa8: {  	v2 =	vadd.f32 v22, v2;
	v0 =	vadd.f32 v52, v0;
	v52 =	vld [tilespmem:s20+$0x940]  }
0xa9: {  	v6 =	vadd.f32 v30, v6;
	[tilespmem:$0x1FD30] =	vst v62;
	v62 =	vld [tilespmem:s20+$0x6B0]  }
0xaa: {  	v1 =	vadd.f32 v19, v1;
	v2 =	vadd.f32 v57, v2;
	v57 =	vld [tilespmem:s20+$0x950]  }
0xab: {  	v6 =	vadd.f32 v47, v6;
	v47 =	vld [tilespmem:s20+$0x9A0]  }
0xac: {  	v1 =	vadd.f32 v32, v1;
	v32 =	vld [tilespmem:s20+$0x9D0]  }
0xad: {  	v0 =	vadd.f32 v44, v0;
	v44 =	vld [tilespmem:s20+$0x9B0]  }
0xae: {  	[tilespmem:$0x1FD40] =	vst v62;
	v62 =	vld [tilespmem:s20+$0x6C0]  }
0xaf: {  	v2 =	vadd.f32 v38, v2;
	v38 =	vld [tilespmem:s20+$0x9C0]  }
0xb0: {  	[tilespmem:$0x1FFA0] =	vst v29;
	v29 =	vld [tilespmem:$0x1FA90]  }
0xb1: {  	v3 =	vadd.f32 v33, v3;
	v14 =	vadd.f32 v46, v2;
	v2 =	vld [tilespmem:s20+$0xCC0]  }
0xb2: {  	v4 =	vadd.f32 v60, v4;
	[tilespmem:$0x1FFD0] =	vst v57;
	v57 =	vld [tilespmem:s20+$0x980]  }
0xb3: {  	v5 =	vadd.f32 v34, v5;
	v3 =	vadd.f32 v37, v3;
	[tilespmem:$0x1FD50] =	vst v62;
	v62 =	vld [tilespmem:s20+$0x6D0]  }
0xb4: {  	v4 =	vadd.f32 v39, v4;
	[tilespmem:$0x1FFC0] =	vst v52;
	v52 =	vld [tilespmem:s20+$0x990]  }
0xb5: {  	v5 =	vadd.f32 v40, v5;
	v3 =	vadd.f32 v48, v3;
	v30 =	vld [tilespmem:$0x1FAA0]  }
0xb6: {  	v6 =	vadd.f32 v42, v6;
	v9 =	vadd.f32 v58, v14;
	v14 =	vld [tilespmem:s20+$0xA10]  }
0xb7: {  	v4 =	vadd.f32 v49, v4;
	v22 =	vadd.f32 v56, v3;
	v3 =	vld [tilespmem:s20+$0xA30]  }
0xb8: {  	v5 =	vadd.f32 v50, v5;
	[tilespmem:$0x1FD60] =	vst v62;
	v62 =	vld [tilespmem:s20+$0x6E0]  }
0xb9: {  	[tilespmem:$0x1FF70] =	vst v24;
	v6 =	vadd.f32 v53, v6;
	v24 =	vadd.f32 v61, v4;
	v4 =	vld [tilespmem:s20+$0xA40]  }
0xba: {  	v1 =	vadd.f32 v36, v1;
	[tilespmem:$0x1FF80] =	vst v25;
	v25 =	vadd.f32 v59, v5;
	v5 =	vld [tilespmem:s20+$0xA50]  }
0xbb: {  	[tilespmem:$0x1FF90] =	vst v28;
	v28 =	vadd.f32 v27, v6;
	v6 =	vld [tilespmem:s20+$0xA60]  }
0xbc: {  	[tilespmem:$0x1FFB0] =	vst v31;
	v1 =	vadd.f32 v43, v1;
	v31 =	vld [tilespmem:$0x1FAB0]  }
0xbd: {  	v0 =	vadd.f32 v45, v0;
	[tilespmem:$0x1FD70] =	vst v62;
	v62 =	vld [tilespmem:s20+$0x6F0]  }
0xbe: {  	[tilespmem:$0x1FF60] =	vst v21;
	v21 =	vadd.f32 v55, v1;
	v1 =	vld [tilespmem:s20+$0xCD0]  }
0xbf: {  	[tilespmem:$0x1FF50] =	vst v20;
	v20 =	vadd.f32 v54, v0;
	v0 =	vld [tilespmem:s20+$0xCE0]  }
0xc0: {  	v34 =	vld [tilespmem:$0x1FAC0]  }
0xc1: {  	v7 =	vadd.f32 v35, v7;
	v33 =	vadd.f32 v31, v9;
	v9 =	vld [tilespmem:s20+$0xA80]  }
0xc2: {  	[tilespmem:$0x1FD80] =	vst v62;
	v62 =	vld [tilespmem:s20+$0x700]  }
0xc3: {  	v7 =	vadd.f32 v41, v7;
	v35 =	vld [tilespmem:$0x1FAD0]  }
0xc4: {  	v39 =	vld [tilespmem:$0x1FB00]  }
0xc5: {  	v7 =	vadd.f32 v51, v7;
	v36 =	vld [tilespmem:$0x1FAE0]  }
0xc6: {  	v41 =	vld [tilespmem:$0x1FB10]  }
0xc7: {  	v7 =	vadd.f32 v63, v7;
	[tilespmem:$0x1FD90] =	vst v62;
	v62 =	vld [tilespmem:s20+$0x710]  }
0xc8: {  	v37 =	vld [tilespmem:$0x1FAF0]  }
0xc9: {  	v10 =	vadd.f32 v29, v20;
	v40 =	vadd.f32 v39, v7;
	v7 =	vld [tilespmem:s20+$0xA70]  }
0xca: {  	v43 =	vld [tilespmem:$0x1FB20]  }
0xcb: {  	v42 =	vadd.f32 v41, v10;
	v10 =	vld [tilespmem:s20+$0xA90]  }
0xcc: {  	[tilespmem:$0x1FDA0] =	vst v62;
	v62 =	vld [tilespmem:s20+$0x720]  }
0xcd: {  	v11 =	vadd.f32 v30, v21;
	v46 =	vld [tilespmem:$0x1FB30]  }
0xce: {  	v48 =	vld [tilespmem:$0x1FB40]  }
0xcf: {  	v45 =	vadd.f32 v43, v11;
	v11 =	vld [tilespmem:s20+$0xAA0]  }
0xd0: {  	[tilespmem:$0x1FFE0] =	vst v12;
	v50 =	vld [tilespmem:$0x1FB50]  }
0xd1: {  	v12 =	vadd.f32 v34, v22;
	[tilespmem:$0x1FDB0] =	vst v62;
	v62 =	vld [tilespmem:s20+$0x730]  }
0xd2: {  	v53 =	vld [tilespmem:$0x1FB60]  }
0xd3: {  	[tilespmem:$0x1FFF0] =	vst v13;
	v13 =	vadd.f32 v35, v24;
	v49 =	vadd.f32 v48, v12;
	v12 =	vld [tilespmem:s20+$0xAB0]  }
0xd4: {  	v55 =	vld [tilespmem:$0x1FB70]  }
0xd5: {  	v15 =	vadd.f32 v36, v25;
	v51 =	vadd.f32 v50, v13;
	v13 =	vld [tilespmem:s20+$0xAC0]  }
0xd6: {  	[tilespmem:$0x1FDC0] =	vst v62;
	v62 =	vld [tilespmem:s20+$0x740]  }
0xd7: {  	[tilespmem:$0x1FF00] =	vst v16;
	v16 =	vadd.f32 v37, v28;
	v54 =	vadd.f32 v53, v15;
	v15 =	vld [tilespmem:s20+$0xAD0]  }
0xd8: {  	v58 =	vld [tilespmem:$0x1FB80]  }
0xd9: {  	v56 =	vadd.f32 v55, v16;
	v16 =	vld [tilespmem:s20+$0xAE0]  }
0xda: {  	v61 =	vld [tilespmem:$0x1FBB0]  }
0xdb: {  	[tilespmem:$0x1FDD0] =	vst v62;
	v62 =	vld [tilespmem:s20+$0x750]  }
0xdc: {  	v59 =	vld [tilespmem:$0x1FB90]  }
0xdd: {  	v18 =	vadd.f32 v46, v33;
	v30 =	vld [tilespmem:$0x1FBC0]  }
0xde: {  	v60 =	vld [tilespmem:$0x1FBA0]  }
0xdf: {  	v63 =	vadd.f32 v61, v18;
	v18 =	vld [tilespmem:s20+$0xAF0]  }
0xe0: {  	[tilespmem:$0x1FDE0] =	vst v62;
	v62 =	vld [tilespmem:s20+$0x760]  }
0xe1: {  	v31 =	vld [tilespmem:$0x1FBD0]  }
0xe2: {  	v22 =	vadd.f32 v30, v49;
	v30 =	vld [tilespmem:s20+$0xB10]  }
0xe3: {  	v33 =	vld [tilespmem:$0x1FBE0]  }
0xe4: {  	v34 =	vld [tilespmem:$0x1FBF0]  }
0xe5: {  	[tilespmem:$0x1FDF0] =	vst v62;
	v62 =	vld [tilespmem:s20+$0x770]  }
0xe6: {  	v24 =	vadd.f32 v31, v51;
	v31 =	vld [tilespmem:s20+$0xB20]  }
0xe7: {  	v35 =	vld [tilespmem:$0x1FC00]  }
0xe8: {  	v25 =	vadd.f32 v33, v54;
	v33 =	vld [tilespmem:s20+$0xB30]  }
0xe9: {  	v27 =	vadd.f32 v34, v56;
	v34 =	vld [tilespmem:s20+$0xB40]  }
0xea: {  	v19 =	vadd.f32 v58, v40;
	[tilespmem:$0x1FE00] =	vst v62;
	v62 =	vld [tilespmem:s20+$0x780]  }
0xeb: {  	v37 =	vld [tilespmem:$0x1FC10]  }
0xec: {  	v36 =	vadd.f32 v35, v19;
	v19 =	vld [tilespmem:s20+$0xB00]  }
0xed: {  	v39 =	vld [tilespmem:$0x1FC20]  }
0xee: {  	v35 =	vld [tilespmem:s20+$0xB50]  }
0xef: {  	v20 =	vadd.f32 v59, v42;
	[tilespmem:$0x1FE10] =	vst v62;
	v62 =	vld [tilespmem:s20+$0x790]  }
0xf0: {  	v21 =	vadd.f32 v60, v45;
	v40 =	vld [tilespmem:$0x1FC30]  }
0xf1: {  	v20 =	vadd.f32 v37, v20;
	v37 =	vld [tilespmem:s20+$0xB70]  }
0xf2: {  	v21 =	vadd.f32 v39, v21;
	v39 =	vld [tilespmem:s20+$0xB80]  }
0xf3: {  	v41 =	vld [tilespmem:$0x1FC40]  }
0xf4: {  	[tilespmem:$0x1FE20] =	vst v62;
	v62 =	vld [tilespmem:s20+$0x7A0]  }
0xf5: {  	v28 =	vadd.f32 v40, v63;
	v40 =	vld [tilespmem:s20+$0xB90]  }
0xf6: {  	v42 =	vld [tilespmem:$0x1FC50]  }
0xf7: {  	v46 =	vld [tilespmem:$0x1FC80]  }
0xf8: {  	v43 =	vld [tilespmem:$0x1FC60]  }
0xf9: {  	[tilespmem:$0x1FE30] =	vst v62;
	v62 =	vld [tilespmem:s20+$0x7B0]  }
0xfa: {  	v45 =	vld [tilespmem:$0x1FC70]  }
0xfb: {  	v48 =	vld [tilespmem:$0x1FC90]  }
0xfc: {  	v29 =	vadd.f32 v46, v36;
	v36 =	vld [tilespmem:s20+$0xB60]  }
0xfd: {  	v49 =	vld [tilespmem:$0x1FCA0]  }
0xfe: {  	[tilespmem:$0x1FE40] =	vst v62;
	v62 =	vld [tilespmem:s20+$0x7C0]  }
0xff: {  	v50 =	vld [tilespmem:$0x1FCB0]  }
0x100: {  	v51 =	vld [tilespmem:$0x1FCC0]  }
0x101: {  	v53 =	vld [tilespmem:$0x1FCD0]  }
0x102: {  	v54 =	vld [tilespmem:$0x1FCE0]  }
0x103: {  	[tilespmem:$0x1FE50] =	vst v62;
	v62 =	vld [tilespmem:s20+$0x7D0]  }
0x104: {  	v55 =	vld [tilespmem:$0x1FCF0]  }
0x105: {  	v56 =	vld [tilespmem:$0x1FD00]  }
0x106: {  	v58 =	vld [tilespmem:$0x1FD10]  }
0x107: {  	v59 =	vld [tilespmem:$0x1FD20]  }
0x108: {  	[tilespmem:$0x1FE60] =	vst v62;
	v62 =	vld [tilespmem:s20+$0x7E0]  }
0x109: {  	v60 =	vld [tilespmem:$0x1FD30]  }
0x10a: {  	v22 =	vadd.f32 v41, v22;
	v41 =	vld [tilespmem:$0x1FD60]  }
0x10b: {  	v25 =	vadd.f32 v43, v25;
	v61 =	vld [tilespmem:$0x1FD40]  }
0x10c: {  	v63 =	vld [tilespmem:$0x1FD50]  }
0x10d: {  	v25 =	vadd.f32 v54, v25;
	[tilespmem:$0x1FE70] =	vst v62;
	v62 =	vld [tilespmem:s20+$0x7F0]  }
0x10e: {  	v24 =	vadd.f32 v42, v24;
	v42 =	vld [tilespmem:$0x1FD70]  }
0x10f: {  	v27 =	vadd.f32 v45, v27;
	v25 =	vadd.f32 v41, v25;
	v41 =	vld [tilespmem:s20+$0xBA0]  }
0x110: {  	v43 =	vld [tilespmem:$0x1FD80]  }
0x111: {  	v27 =	vadd.f32 v55, v27;
	v45 =	vld [tilespmem:$0x1FD90]  }
0x112: {  	v20 =	vadd.f32 v48, v20;
	[tilespmem:$0x1FE80] =	vst v62;
	v62 =	vld [tilespmem:s20+$0x800]  }
0x113: {  	v29 =	vadd.f32 v56, v29;
	v27 =	vadd.f32 v42, v27;
	v42 =	vld [tilespmem:s20+$0xBB0]  }
0x114: {  	v20 =	vadd.f32 v58, v20;
	v46 =	vld [tilespmem:$0x1FDA0]  }
0x115: {  	v21 =	vadd.f32 v49, v21;
	v29 =	vadd.f32 v43, v29;
	v43 =	vld [tilespmem:s20+$0xBC0]  }
0x116: {  	v20 =	vadd.f32 v45, v20;
	v45 =	vld [tilespmem:s20+$0xBD0]  }
0x117: {  	v21 =	vadd.f32 v59, v21;
	[tilespmem:$0x1FE90] =	vst v62;
	v62 =	vld [tilespmem:s20+$0x810]  }
0x118: {  	v48 =	vld [tilespmem:$0x1FDB0]  }
0x119: {  	v28 =	vadd.f32 v50, v28;
	v21 =	vadd.f32 v46, v21;
	v46 =	vld [tilespmem:s20+$0xBE0]  }
0x11a: {  	v49 =	vld [tilespmem:$0x1FDC0]  }
0x11b: {  	v22 =	vadd.f32 v51, v22;
	v28 =	vadd.f32 v60, v28;
	v50 =	vld [tilespmem:$0x1FDD0]  }
0x11c: {  	v24 =	vadd.f32 v53, v24;
	[tilespmem:$0x1FEA0] =	vst v62;
	v62 =	vld [tilespmem:s20+$0x820]  }
0x11d: {  	v22 =	vadd.f32 v61, v22;
	v28 =	vadd.f32 v48, v28;
	v48 =	vld [tilespmem:s20+$0xBF0]  }
0x11e: {  	v24 =	vadd.f32 v63, v24;
	v51 =	vld [tilespmem:$0x1FDE0]  }
0x11f: {  	v22 =	vadd.f32 v49, v22;
	v49 =	vld [tilespmem:s20+$0xC00]  }
0x120: {  	v24 =	vadd.f32 v50, v24;
	v50 =	vld [tilespmem:s20+$0xC10]  }
0x121: {  	[tilespmem:$0x1FEB0] =	vst v62;
	v62 =	vld [tilespmem:s20+$0x830]  }
0x122: {  	v53 =	vld [tilespmem:$0x1FDF0]  }
0x123: {  	v25 =	vadd.f32 v51, v25;
	v51 =	vld [tilespmem:s20+$0xC20]  }
0x124: {  	v54 =	vld [tilespmem:$0x1FE00]  }
0x125: {  	v55 =	vld [tilespmem:$0x1FE10]  }
0x126: {  	[tilespmem:$0x1FEC0] =	vst v62;
	v62 =	vld [tilespmem:s20+$0x840]  }
0x127: {  	v56 =	vld [tilespmem:$0x1FE20]  }
0x128: {  	v58 =	vld [tilespmem:$0x1FE30]  }
0x129: {  	v59 =	vld [tilespmem:$0x1FE40]  }
0x12a: {  	v63 =	vld [tilespmem:$0x1FE70]  }
0x12b: {  	[tilespmem:$0x1FED0] =	vst v62;
	v62 =	vld [tilespmem:s20+$0x850]  }
0x12c: {  	v60 =	vld [tilespmem:$0x1FE50]  }
0x12d: {  	v27 =	vadd.f32 v53, v27;
	v53 =	vld [tilespmem:$0x1FE80]  }
0x12e: {  	v61 =	vld [tilespmem:$0x1FE60]  }
0x12f: {  	v27 =	vadd.f32 v63, v27;
	v63 =	vld [tilespmem:$0x1FF00]  }
0x130: {  	v29 =	vadd.f32 v54, v29;
	v54 =	vld [tilespmem:$0x1FE90];
	[tilespmem:$0x1FEE0] =	vst v62  }
0x131: {  	v24 =	vadd.f32 v60, v24;
	v60 =	vld [tilespmem:$0x1FEE0]  }
0x132: {  	v29 =	vadd.f32 v53, v29;
	v53 =	vld [tilespmem:s20+$0xC30]  }
0x133: {  	v20 =	vadd.f32 v55, v20;
	v62 =	vld [tilespmem:s20+$0x860]  }
0x134: {  	v21 =	vadd.f32 v56, v21;
	v25 =	vadd.f32 v61, v25;
	v56 =	vld [tilespmem:$0x1FEB0]  }
0x135: {  	v55 =	vld [tilespmem:$0x1FEA0]  }
0x136: {  	v20 =	vadd.f32 v54, v20;
	v25 =	vadd.f32 v60, v25;
	v60 =	vld [tilespmem:$0x1FF20]  }
0x137: {  	v28 =	vadd.f32 v58, v28;
	v54 =	vld [tilespmem:s20+$0xC40]  }
0x138: {  	v20 =	vadd.f32 v63, v20;
	v63 =	vld [tilespmem:$0x1FF50];
	[tilespmem:$0x1FEF0] =	vst v62  }
0x139: {  	v28 =	vadd.f32 v56, v28;
	v61 =	vld [tilespmem:$0x1FEF0]  }
0x13a: {  	v21 =	vadd.f32 v55, v21;
	v55 =	vld [tilespmem:s20+$0xC50]  }
0x13b: {  	v28 =	vadd.f32 v60, v28;
	v60 =	vld [tilespmem:$0x1FF60]  }
0x13c: {  	v58 =	vld [tilespmem:$0x1FEC0]  }
0x13d: {  	v22 =	vadd.f32 v59, v22;
	v59 =	vld [tilespmem:$0x1FED0]  }
0x13e: {  	v56 =	vld [tilespmem:s20+$0xC60];
	v27 =	vadd.f32 v61, v27  }
0x13f: {  	v62 =	vld [tilespmem:s20+$0x870]  }
0x140: {  	v27 =	vadd.f32 v60, v27;
	v60 =	vld [tilespmem:$0x1FF80]  }
0x141: {  	v22 =	vadd.f32 v58, v22;
	v58 =	vld [tilespmem:s20+$0xC70]  }
0x142: {  	v24 =	vadd.f32 v59, v24;
	v59 =	vld [tilespmem:$0x1FF10]  }
0x143: {  	v25 =	vadd.f32 v63, v25;
	v63 =	vld [tilespmem:$0x1FF70]  }
0x144: {  	v29 =	vadd.f32 v62, v29;
	v62 =	vld [tilespmem:$0x1FF40]  }
0x145: {  	v20 =	vadd.f32 v60, v20;
	v60 =	vld [tilespmem:$0x1FF90]  }
0x146: {  	v61 =	vld [tilespmem:$0x1FF30]  }
0x147: {  	v21 =	vadd.f32 v59, v21;
	v59 =	vld [tilespmem:s20+$0xC80]  }
0x148: {  	v29 =	vadd.f32 v63, v29;
	v63 =	vld [tilespmem:s20+$0xCB0]  }
0x149: {  	v24 =	vadd.f32 v62, v24;
	v62 =	vld [tilespmem:s20+$0xCA0]  }
0x14a: {  	v20 =	vadd.f32 v57, v20;
	v21 =	vadd.f32 v60, v21;
	v60 =	vld [tilespmem:$0x1FFA0]  }
0x14b: {  	v22 =	vadd.f32 v61, v22;
	v61 =	vld [tilespmem:s20+$0xC90]  }
0x14c: {  	v57 =	vld [tilespmem:s20+$0xE60];
	v17 =	vadd.f32 v17, v20  }
0x14d: {  	v20 =	vld [tilespmem:s20+$0xD40];
	v21 =	vadd.f32 v52, v21  }
0x14e: {  	v9 =	vadd.f32 v9, v17;
	v17 =	vld [tilespmem:s20+$0xDE0]  }
0x14f: {  	v14 =	vadd.f32 v14, v21;
	v28 =	vadd.f32 v60, v28;
	v60 =	vld [tilespmem:$0x1FFB0]  }
0x150: {  	v52 =	vld [tilespmem:s20+$0xD00]  }
0x151: {  	v9 =	vadd.f32 v19, v9;
	v19 =	vld [tilespmem:s20+$0xE00];
	v10 =	vadd.f32 v10, v14  }
0x152: {  	v21 =	vld [tilespmem:s20+$0xD50];
	v28 =	vadd.f32 v47, v28  }
0x153: {  	v9 =	vadd.f32 v39, v9;
	v39 =	vld [tilespmem:s20+$0xEB0];
	v10 =	vadd.f32 v30, v10  }
0x154: {  	v8 =	vadd.f32 v8, v28;
	v22 =	vadd.f32 v60, v22;
	v60 =	vld [tilespmem:$0x1FFC0]  }
0x155: {  	v14 =	vld [tilespmem:s20+$0xD80];
	v9 =	vadd.f32 v49, v9  }
0x156: {  	v47 =	vld [tilespmem:s20+$0xDB0];
	v10 =	vadd.f32 v40, v10;
	v8 =	vadd.f32 v11, v8  }
0x157: {  	v49 =	vld [tilespmem:s20+$0xF30];
	v9 =	vadd.f32 v59, v9;
	v22 =	vadd.f32 v44, v22  }
0x158: {  	v44 =	vld [tilespmem:s20+$0xD10];
	v10 =	vadd.f32 v50, v10;
	v8 =	vadd.f32 v31, v8  }
0x159: {  	v3 =	vadd.f32 v3, v22;
	v24 =	vadd.f32 v60, v24;
	v60 =	vld [tilespmem:$0x1FFD0]  }
0x15a: {  	v28 =	vld [tilespmem:s20+$0xE40];
	v40 =	vadd.f32 v52, v9;
	v8 =	vadd.f32 v41, v8  }
0x15b: {  	v59 =	vld [tilespmem:s20+$0xFD0];
	v10 =	vadd.f32 v61, v10;
	v3 =	vadd.f32 v12, v3  }
0x15c: {  	v11 =	vld [tilespmem:s20+$0xD90];
	v24 =	vadd.f32 v38, v24;
	v8 =	vadd.f32 v51, v8  }
0x15d: {  	v52 =	vld [tilespmem:s20+$0xF60];
	v41 =	vadd.f32 v44, v10;
	v3 =	vadd.f32 v33, v3  }
0x15e: {  	v4 =	vadd.f32 v4, v24;
	v25 =	vadd.f32 v60, v25;
	v60 =	vld [tilespmem:$0x1FFE0]  }
0x15f: {  	v24 =	vld [tilespmem:s20+$0xE10];
	v8 =	vadd.f32 v62, v8;
	v3 =	vadd.f32 v42, v3  }
0x160: {  	v50 =	vld [tilespmem:s20+$0xF40];
	v4 =	vadd.f32 v13, v4;
	v25 =	vadd.f32 v32, v25  }
0x161: {  	v9 =	vadd.f32 v11, v41;
	v32 =	vld [tilespmem:s20+$0xD20];
	v3 =	vadd.f32 v53, v3  }
0x162: {  	v22 =	vld [tilespmem:s20+$0xD60];
	v4 =	vadd.f32 v34, v4;
	v5 =	vadd.f32 v5, v25  }
0x163: {  	v12 =	vld [tilespmem:s20+$0xDA0];
	v3 =	vadd.f32 v63, v3;
	v27 =	vadd.f32 v60, v27  }
0x164: {  	v9 =	vadd.f32 v24, v9;
	v60 =	vld [tilespmem:$0x1FFF0];
	v4 =	vadd.f32 v43, v4  }
0x165: {  	v61 =	vld [tilespmem:s20+$0xE80];
	v5 =	vadd.f32 v15, v5;
	v26 =	vadd.f32 v26, v27  }
0x166: {  	v25 =	vld [tilespmem:s20+$0xE20];
	v4 =	vadd.f32 v54, v4;
	v8 =	vadd.f32 v32, v8  }
0x167: {  	v27 =	vld [tilespmem:s20+$0xD30];
	v5 =	vadd.f32 v35, v5;
	v6 =	vadd.f32 v6, v26  }
0x168: {  	v15 =	vld [tilespmem:s20+$0xDC0];
	v2 =	vadd.f32 v2, v4;
	v8 =	vadd.f32 v12, v8  }
0x169: {  	v44 =	vld [tilespmem:s20+$0xEE0];
	v29 =	vadd.f32 v60, v29;
	v5 =	vadd.f32 v45, v5  }
0x16a: {  	v51 =	vld [tilespmem:s20+$0xF50];
	v6 =	vadd.f32 v16, v6;
	v2 =	vadd.f32 v20, v2  }
0x16b: {  	v42 =	vld [tilespmem:s20+$0xEC0];
	v8 =	vadd.f32 v25, v8;
	v23 =	vadd.f32 v23, v29  }
0x16c: {  	v26 =	vld [tilespmem:s20+$0xE30];
	v5 =	vadd.f32 v55, v5;
	v3 =	vadd.f32 v27, v3  }
0x16d: {  	v53 =	vld [tilespmem:s20+$0xE50];
	v6 =	vadd.f32 v36, v6;
	v2 =	vadd.f32 v15, v2  }
0x16e: {  	v16 =	vld [tilespmem:s20+$0xDD0];
	v7 =	vadd.f32 v7, v23;
	v1 =	vadd.f32 v1, v5  }
0x16f: {  	v36 =	vld [tilespmem:s20+$0xE90];
	v3 =	vadd.f32 v47, v3;
	v6 =	vadd.f32 v46, v6  }
0x170: {  	v43 =	vld [tilespmem:s20+$0xED0];
	v2 =	vadd.f32 v28, v2;
	v7 =	vadd.f32 v18, v7  }
0x171: {  	v47 =	vld [tilespmem:s20+$0xF10];
	v1 =	vadd.f32 v21, v1;
	v3 =	vadd.f32 v26, v3  }
0x172: {  	v54 =	vld [tilespmem:s20+$0xF80];
	v6 =	vadd.f32 v56, v6;
	v2 =	vadd.f32 v42, v2  }
0x173: {  	v60 =	vld [tilespmem:s20+$0xCF0];
	v7 =	vadd.f32 v37, v7;
	v1 =	vadd.f32 v16, v1  }
0x174: {  	v55 =	vld [tilespmem:s20+$0xF90];
	v9 =	vadd.f32 v36, v9;
	v3 =	vadd.f32 v39, v3  }
0x175: {  	v37 =	vld [tilespmem:s20+$0xEA0];
	v0 =	vadd.f32 v0, v6;
	v7 =	vadd.f32 v48, v7  }
0x176: {  	v45 =	vld [tilespmem:s20+$0xEF0];
	v1 =	vadd.f32 v53, v1;
	v9 =	vadd.f32 v47, v9  }
0x177: {  	v23 =	vld [tilespmem:s20+$0xD70];
	v3 =	vadd.f32 v49, v3;
	v0 =	vadd.f32 v22, v0  }
0x178: {  	v48 =	vld [tilespmem:s20+$0xF20];
	v7 =	vadd.f32 v58, v7;
	v1 =	vadd.f32 v43, v1  }
0x179: {  	v18 =	vld [tilespmem:s20+$0xDF0];
	v6 =	vadd.f32 v55, v9;
	v0 =	vadd.f32 v17, v0  }
0x17a: {  	v56 =	vld [tilespmem:s20+$0xFA0];
	v4 =	vadd.f32 v37, v8;
	v38 =	vadd.f32 v60, v7  }
0x17b: {  	v58 =	vld [tilespmem:s20+$0xE70];
	v7 =	vadd.f32 v14, v40;
	v1 =	vadd.f32 v51, v1  }
0x17c: {  	v46 =	vld [tilespmem:s20+$0xF00];
	v0 =	vadd.f32 v57, v0;
	v5 =	vadd.f32 v23, v38  }
0x17d: {  	v57 =	vld [tilespmem:s20+$0xFB0];
	v4 =	vadd.f32 v48, v4;
	v7 =	vadd.f32 v19, v7  }
0x17e: {  	v60 =	vld [tilespmem:s20+$0xFE0];
	v1 =	vadd.f32 v59, v1;
	v5 =	vadd.f32 v18, v5  }
0x17f: {  	v53 =	vld [tilespmem:s20+$0xF70];
	v0 =	vadd.f32 v44, v0;
	v7 =	vadd.f32 v61, v7  }
0x180: {  	v4 =	vadd.f32 v56, v4;
	v5 =	vadd.f32 v58, v5;
	v58 =	vld [tilespmem:s20+$0xFC0]  }
0x181: {  	s31 =	sshll.u32 s19, $0x7;
	v6 =	vmul.f32 $3.125000000e-02, v6;
	v61 =	vld [tilespmem:s20+$0xFF0];
	v0 =	vadd.f32 v52, v0;
	v7 =	vadd.f32 v46, v7  }
0x182: {  	v4 =	vmul.f32 $3.125000000e-02, v4;
	v3 =	vadd.f32 v57, v3;
	s20 =	sand.u32 $0x3FFFFF80, s31;
	v5 =	vadd.f32 v45, v5  }
0x183: {  	v2 =	vadd.f32 v50, v2;
	v1 =	vmul.f32 $3.125000000e-02, v1;
	[tilespmem:s20+$0x10010] =	vst v6;
	v0 =	vadd.f32 v60, v0  }
0x184: {  	[tilespmem:s20+$0x10020] =	vst v4;
	v7 =	vadd.f32 v54, v7;
	v3 =	vmul.f32 $3.125000000e-02, v3;
	v5 =	vadd.f32 v53, v5  }
0x185: {  	p3 =	sne.s32 s19, $0x7;
	[tilespmem:s20+$0x10050] =	vst v1;
	v0 =	vmul.f32 $3.125000000e-02, v0;
	v2 =	vadd.f32 v58, v2  }
.Ltmp4:
0x186: {  	v7 =	vmul.f32 $3.125000000e-02, v7;
	[tilespmem:s20+$0x10030] =	vst v3;
	v62 =	vadd.f32 v61, v5;
	(pc) =	sbr.rel @p3 .LBB2_3-.Ltmp4, $4  }
0x187: {  	[tilespmem:s20+$0x10060] =	vst v0;
	v2 =	vmul.f32 $3.125000000e-02, v2  }
0x188: {  	[tilespmem:s20+$0x10000] =	vst v7;
	v63 =	vmul.f32 $3.125000000e-02, v62  }
0x189: {  	[tilespmem:s20+$0x10040] =	vst v2  }
0x18a: {  	s19 =	sadd.s32 $0x1, s19;
	[tilespmem:s20+$0x10070] =	vst v63  }
0x18b: {  	s18 =	sshll.u32 s18, $0x7;
	s17 =	sadd.s32 s7, s17  }
0x18c: {  	s18 =	sadd.s32 s3, s18;
	p3 =	sgt.u32 s17, $0x1F3  }
0x18d: {  	[hbm4b:s18+s4] =	stream.linear.scatter [tilespmem:s10], [sflag:$0x3], $0x400, $0x38;
	[tilespmem:$0x10800] =	vst v63  }
0x18e: {  	s17 =	sshll.u32 @!p3 s17, $0xC  }
0x18f: {  	s18 =	simm.s32 @!p3 $0x0;
	s17 =	sadd.s32 @!p3 s2, s17  }
0x190: {  	[tilespmem:s18], [sflag:$0x1] =	stream.linear.gather @!p3 [hbm4b:s17+s18], $0x8000, $0x38;
	[tilespmem:$0x10800] =	vst v63  }
.Ltmp5:
0x191: {  	_ = 	snop;
	(pc) =	sbr.rel @p1 .LBB2_8-.Ltmp5, $4  }
0x192: {  	s17 =	simm.s32 @!p2 $0x4  }
0x193: {  	_ =	swait.ge @!p2 [sflag:s17], $0x400  }
0x194: {  	[sflag:s17] =	ssyncset.done @!p2 $0x0  }
0x195: {  	[sflag:s17] =	ssyncadd.s32 @!p2 $0xFFFFFC00  }
0x196: {  	_ =	swait.ge [sflag:s11], $0x8000  }
0x197: {  	[sflag:s11] =	ssyncset.done $0x0  }
0x198: {  	s17 =	simm.s32 $0x0;
	[sflag:s11] =	ssyncadd.s32 $0xFFFF8000  }
.LBB2_6:
0x199: {  	s18 =	sshll.u32 s17, $0xC  }
0x19a: {  	s18 =	sand.u32 $0x3FFFF000, s18  }
0x19b: {  	v62 =	vld [tilespmem:s18+$0x83E0];
	_ =	sdelay $0x4  }
0x19c: {  	[tilespmem:$0x1F500] =	vst v62;
	v62 =	vld [tilespmem:s18+$0x8400];
	_ =	sdelay $0x4  }
0x19d: {  	[tilespmem:$0x1F510] =	vst v62;
	v62 =	vld [tilespmem:s18+$0x8410];
	_ =	sdelay $0x4  }
0x19e: {  	[tilespmem:$0x1F520] =	vst v62;
	v62 =	vld [tilespmem:s18+$0x8420];
	_ =	sdelay $0x4  }
0x19f: {  	[tilespmem:$0x1F530] =	vst v62;
	v62 =	vld [tilespmem:s18+$0x8430];
	_ =	sdelay $0x4  }
0x1a0: {  	[tilespmem:$0x1F540] =	vst v62;
	v62 =	vld [tilespmem:s18+$0x8440];
	_ =	sdelay $0x4  }
0x1a1: {  	[tilespmem:$0x1F550] =	vst v62;
	v62 =	vld [tilespmem:s18+$0x8450];
	_ =	sdelay $0x4  }
0x1a2: {  	[tilespmem:$0x1F560] =	vst v62;
	v62 =	vld [tilespmem:s18+$0x8460];
	_ =	sdelay $0x4  }
0x1a3: {  	[tilespmem:$0x1F570] =	vst v62;
	v62 =	vld [tilespmem:s18+$0x8470];
	_ =	sdelay $0x4  }
0x1a4: {  	[tilespmem:$0x1F580] =	vst v62;
	v62 =	vld [tilespmem:s18+$0x8480];
	_ =	sdelay $0x4  }
0x1a5: {  	[tilespmem:$0x1F590] =	vst v62;
	v62 =	vld [tilespmem:s18+$0x8490];
	_ =	sdelay $0x4  }
0x1a6: {  	[tilespmem:$0x1F5A0] =	vst v62;
	v62 =	vld [tilespmem:s18+$0x84A0];
	_ =	sdelay $0x4  }
0x1a7: {  	[tilespmem:$0x1F5B0] =	vst v62;
	v62 =	vld [tilespmem:s18+$0x84B0];
	_ =	sdelay $0x4  }
0x1a8: {  	[tilespmem:$0x1F5C0] =	vst v62;
	v62 =	vld [tilespmem:s18+$0x84C0];
	_ =	sdelay $0x4  }
0x1a9: {  	[tilespmem:$0x1F5D0] =	vst v62;
	v62 =	vld [tilespmem:s18+$0x84D0];
	_ =	sdelay $0x4  }
0x1aa: {  	[tilespmem:$0x1F5E0] =	vst v62;
	v62 =	vld [tilespmem:s18+$0x84E0];
	_ =	sdelay $0x4  }
0x1ab: {  	[tilespmem:$0x1F5F0] =	vst v62;
	v62 =	vld [tilespmem:s18+$0x84F0];
	_ =	sdelay $0x4  }
0x1ac: {  	[tilespmem:$0x1F600] =	vst v62;
	v62 =	vld [tilespmem:s18+$0x8500];
	_ =	sdelay $0x4  }
0x1ad: {  	[tilespmem:$0x1F610] =	vst v62;
	v62 =	vld [tilespmem:s18+$0x8510];
	_ =	sdelay $0x4  }
0x1ae: {  	[tilespmem:$0x1F620] =	vst v62;
	v62 =	vld [tilespmem:s18+$0x8520];
	_ =	sdelay $0x4  }
0x1af: {  	[tilespmem:$0x1F630] =	vst v62;
	v62 =	vld [tilespmem:s18+$0x8530];
	_ =	sdelay $0x4  }
0x1b0: {  	[tilespmem:$0x1F640] =	vst v62;
	v62 =	vld [tilespmem:s18+$0x8540];
	_ =	sdelay $0x4  }
0x1b1: {  	[tilespmem:$0x1F650] =	vst v62;
	v62 =	vld [tilespmem:s18+$0x8550];
	_ =	sdelay $0x4  }
0x1b2: {  	[tilespmem:$0x1F660] =	vst v62;
	v62 =	vld [tilespmem:s18+$0x8560];
	_ =	sdelay $0x1  }
0x1b3: {  	v16 =	vld [tilespmem:s18+$0x8000]  }
0x1b4: {  	v17 =	vld [tilespmem:s18+$0x8010]  }
0x1b5: {  	v20 =	vld [tilespmem:s18+$0x8020]  }
0x1b6: {  	[tilespmem:$0x1F670] =	vst v62;
	v62 =	vld [tilespmem:s18+$0x8570]  }
0x1b7: {  	v21 =	vld [tilespmem:s18+$0x8030]  }
0x1b8: {  	v24 =	vld [tilespmem:s18+$0x8040]  }
0x1b9: {  	v25 =	vld [tilespmem:s18+$0x8050]  }
0x1ba: {  	v28 =	vld [tilespmem:s18+$0x8060]  }
0x1bb: {  	[tilespmem:$0x1F680] =	vst v62;
	v62 =	vld [tilespmem:s18+$0x8580]  }
0x1bc: {  	v29 =	vld [tilespmem:s18+$0x8070]  }
0x1bd: {  	v0 =	vld [tilespmem:s18+$0x8080]  }
0x1be: {  	v1 =	vld [tilespmem:s18+$0x8090]  }
0x1bf: {  	v2 =	vld [tilespmem:s18+$0x80A0]  }
0x1c0: {  	[tilespmem:$0x1F690] =	vst v62;
	v62 =	vld [tilespmem:s18+$0x8590]  }
0x1c1: {  	v3 =	vld [tilespmem:s18+$0x80B0]  }
0x1c2: {  	v4 =	vld [tilespmem:s18+$0x80C0]  }
0x1c3: {  	v5 =	vld [tilespmem:s18+$0x80D0]  }
0x1c4: {  	v6 =	vld [tilespmem:s18+$0x80E0]  }
0x1c5: {  	[tilespmem:$0x1F6A0] =	vst v62;
	v62 =	vld [tilespmem:s18+$0x85A0]  }
0x1c6: {  	v7 =	vld [tilespmem:s18+$0x80F0]  }
0x1c7: {  	v8 =	vld [tilespmem:s18+$0x8100]  }
0x1c8: {  	v9 =	vld [tilespmem:s18+$0x8110]  }
0x1c9: {  	v10 =	vld [tilespmem:s18+$0x8120]  }
0x1ca: {  	[tilespmem:$0x1F6B0] =	vst v62;
	v62 =	vld [tilespmem:s18+$0x85B0]  }
0x1cb: {  	v11 =	vld [tilespmem:s18+$0x8130]  }
0x1cc: {  	v12 =	vld [tilespmem:s18+$0x8140]  }
0x1cd: {  	v13 =	vld [tilespmem:s18+$0x8150]  }
0x1ce: {  	v14 =	vld [tilespmem:s18+$0x8160]  }
0x1cf: {  	[tilespmem:$0x1F6C0] =	vst v62;
	v62 =	vld [tilespmem:s18+$0x85C0]  }
0x1d0: {  	v15 =	vld [tilespmem:s18+$0x8170]  }
0x1d1: {  	v18 =	vld [tilespmem:s18+$0x8180]  }
0x1d2: {  	v19 =	vld [tilespmem:s18+$0x8190]  }
0x1d3: {  	v22 =	vld [tilespmem:s18+$0x81A0]  }
0x1d4: {  	[tilespmem:$0x1F6D0] =	vst v62;
	v62 =	vld [tilespmem:s18+$0x85D0]  }
0x1d5: {  	v23 =	vld [tilespmem:s18+$0x81B0]  }
0x1d6: {  	v26 =	vld [tilespmem:s18+$0x81C0]  }
0x1d7: {  	v27 =	vld [tilespmem:s18+$0x81D0]  }
0x1d8: {  	v30 =	vld [tilespmem:s18+$0x81E0]  }
0x1d9: {  	[tilespmem:$0x1F6E0] =	vst v62;
	v62 =	vld [tilespmem:s18+$0x85E0]  }
0x1da: {  	v31 =	vld [tilespmem:s18+$0x81F0]  }
0x1db: {  	v52 =	vld [tilespmem:s18+$0x8200]  }
0x1dc: {  	v32 =	vld [tilespmem:s18+$0x8210]  }
0x1dd: {  	v57 =	vld [tilespmem:s18+$0x8220]  }
0x1de: {  	[tilespmem:$0x1F6F0] =	vst v62;
	v62 =	vld [tilespmem:s18+$0x85F0]  }
0x1df: {  	v33 =	vld [tilespmem:s18+$0x8230]  }
0x1e0: {  	v60 =	vld [tilespmem:s18+$0x8240]  }
0x1e1: {  	v34 =	vld [tilespmem:s18+$0x8250]  }
0x1e2: {  	v47 =	vld [tilespmem:s18+$0x8260]  }
0x1e3: {  	[tilespmem:$0x1F700] =	vst v62;
	v62 =	vld [tilespmem:s18+$0x8600]  }
0x1e4: {  	v35 =	vld [tilespmem:s18+$0x8270]  }
0x1e5: {  	v44 =	vld [tilespmem:s18+$0x8280]  }
0x1e6: {  	v36 =	vld [tilespmem:s18+$0x8290]  }
0x1e7: {  	v38 =	vld [tilespmem:s18+$0x82A0]  }
0x1e8: {  	[tilespmem:$0x1F710] =	vst v62;
	v62 =	vld [tilespmem:s18+$0x8610]  }
0x1e9: {  	v37 =	vld [tilespmem:s18+$0x82B0]  }
0x1ea: {  	v39 =	vld [tilespmem:s18+$0x82C0]  }
0x1eb: {  	v40 =	vld [tilespmem:s18+$0x82D0]  }
0x1ec: {  	v42 =	vld [tilespmem:s18+$0x82E0]  }
0x1ed: {  	[tilespmem:$0x1F720] =	vst v62;
	v62 =	vld [tilespmem:s18+$0x8620]  }
0x1ee: {  	v41 =	vld [tilespmem:s18+$0x82F0]  }
0x1ef: {  	v45 =	vld [tilespmem:s18+$0x8300]  }
0x1f0: {  	v43 =	vld [tilespmem:s18+$0x8310]  }
0x1f1: {  	v46 =	vld [tilespmem:s18+$0x8320]  }
0x1f2: {  	[tilespmem:$0x1F730] =	vst v62;
	v62 =	vld [tilespmem:s18+$0x8630]  }
0x1f3: {  	v48 =	vld [tilespmem:s18+$0x8330]  }
0x1f4: {  	v49 =	vld [tilespmem:s18+$0x8340]  }
0x1f5: {  	v50 =	vld [tilespmem:s18+$0x8350]  }
0x1f6: {  	v53 =	vld [tilespmem:s18+$0x8360]  }
0x1f7: {  	[tilespmem:$0x1F740] =	vst v62;
	v62 =	vld [tilespmem:s18+$0x8640]  }
0x1f8: {  	v51 =	vld [tilespmem:s18+$0x8370]  }
0x1f9: {  	v54 =	vld [tilespmem:s18+$0x8380]  }
0x1fa: {  	v55 =	vld [tilespmem:s18+$0x8390]  }
0x1fb: {  	v58 =	vld [tilespmem:s18+$0x83A0]  }
0x1fc: {  	[tilespmem:$0x1F750] =	vst v62;
	v62 =	vld [tilespmem:s18+$0x8650]  }
0x1fd: {  	v56 =	vld [tilespmem:s18+$0x83B0]  }
0x1fe: {  	v61 =	vld [tilespmem:s18+$0x83C0]  }
0x1ff: {  	v59 =	vld [tilespmem:s18+$0x83D0]  }
0x200: {  	v63 =	vld [tilespmem:s18+$0x83F0]  }
0x201: {  	[tilespmem:$0x1F760] =	vst v62;
	v62 =	vld [tilespmem:s18+$0x8660]  }
0x202: {  	v0 =	vadd.f32 v0, v16;
	v16 =	vld [tilespmem:s18+$0x8880]  }
0x203: {  	v3 =	vadd.f32 v3, v21;
	v21 =	vld [tilespmem:s18+$0x8890]  }
0x204: {  	v5 =	vadd.f32 v5, v25;
	v25 =	vld [tilespmem:s18+$0x88A0]  }
0x205: {  	v7 =	vadd.f32 v7, v29;
	v29 =	vld [tilespmem:s18+$0x88B0]  }
0x206: {  	[tilespmem:$0x1F770] =	vst v62;
	v62 =	vld [tilespmem:s18+$0x8670]  }
0x207: {  	v1 =	vadd.f32 v1, v17;
	v17 =	vld [tilespmem:s18+$0x88C0]  }
0x208: {  	v2 =	vadd.f32 v2, v20;
	v20 =	vld [tilespmem:s18+$0x88D0]  }
0x209: {  	v4 =	vadd.f32 v4, v24;
	v24 =	vld [tilespmem:s18+$0x88F0]  }
0x20a: {  	v6 =	vadd.f32 v6, v28;
	v28 =	vld [tilespmem:s18+$0x8910]  }
0x20b: {  	[tilespmem:$0x1F780] =	vst v62;
	v62 =	vld [tilespmem:s18+$0x8680]  }
0x20c: {  	v4 =	vadd.f32 v12, v4;
	v12 =	vld [tilespmem:s18+$0x8960]  }
0x20d: {  	v5 =	vadd.f32 v13, v5;
	v7 =	vadd.f32 v15, v7;
	v13 =	vld [tilespmem:s18+$0x8970]  }
0x20e: {  	v0 =	vadd.f32 v8, v0;
	v8 =	vld [tilespmem:s18+$0x8A20]  }
0x20f: {  	v7 =	vadd.f32 v31, v7;
	v31 =	vld [tilespmem:s18+$0x8930]  }
0x210: {  	v3 =	vadd.f32 v11, v3;
	[tilespmem:$0x1F790] =	vst v62;
	v62 =	vld [tilespmem:s18+$0x8690]  }
0x211: {  	v4 =	vadd.f32 v26, v4;
	v26 =	vld [tilespmem:s18+$0x89E0]  }
0x212: {  	v3 =	vadd.f32 v23, v3;
	v23 =	vld [tilespmem:s18+$0x89F0]  }
0x213: {  	v5 =	vadd.f32 v27, v5;
	v27 =	vld [tilespmem:$0x1F500]  }
0x214: {  	[tilespmem:$0x1F990] =	vst v21;
	v21 =	vld [tilespmem:s18+$0x88E0]  }
0x215: {  	[tilespmem:$0x1F7A0] =	vst v62;
	v62 =	vld [tilespmem:s18+$0x86A0]  }
0x216: {  	[tilespmem:$0x1F9A0] =	vst v25;
	v25 =	vld [tilespmem:s18+$0x8900]  }
0x217: {  	v2 =	vadd.f32 v10, v2;
	v0 =	vadd.f32 v18, v0;
	[tilespmem:$0x1F9B0] =	vst v29;
	v29 =	vld [tilespmem:s18+$0x8920]  }
0x218: {  	v1 =	vadd.f32 v9, v1;
	v6 =	vadd.f32 v14, v6;
	[tilespmem:$0x1F9C0] =	vst v17;
	v17 =	vld [tilespmem:s18+$0x8A00]  }
0x219: {  	v2 =	vadd.f32 v22, v2;
	v0 =	vadd.f32 v52, v0;
	v52 =	vld [tilespmem:s18+$0x8940]  }
0x21a: {  	v6 =	vadd.f32 v30, v6;
	[tilespmem:$0x1F7B0] =	vst v62;
	v62 =	vld [tilespmem:s18+$0x86B0]  }
0x21b: {  	v1 =	vadd.f32 v19, v1;
	v2 =	vadd.f32 v57, v2;
	v57 =	vld [tilespmem:s18+$0x8950]  }
0x21c: {  	v6 =	vadd.f32 v47, v6;
	v47 =	vld [tilespmem:s18+$0x89A0]  }
0x21d: {  	v1 =	vadd.f32 v32, v1;
	v32 =	vld [tilespmem:s18+$0x89D0]  }
0x21e: {  	v0 =	vadd.f32 v44, v0;
	v44 =	vld [tilespmem:s18+$0x89B0]  }
0x21f: {  	[tilespmem:$0x1F7C0] =	vst v62;
	v62 =	vld [tilespmem:s18+$0x86C0]  }
0x220: {  	v2 =	vadd.f32 v38, v2;
	v38 =	vld [tilespmem:s18+$0x89C0]  }
0x221: {  	[tilespmem:$0x1FA20] =	vst v29;
	v29 =	vld [tilespmem:$0x1F510]  }
0x222: {  	v3 =	vadd.f32 v33, v3;
	v14 =	vadd.f32 v46, v2;
	v2 =	vld [tilespmem:s18+$0x8CC0]  }
0x223: {  	v4 =	vadd.f32 v60, v4;
	[tilespmem:$0x1FA50] =	vst v57;
	v57 =	vld [tilespmem:s18+$0x8980]  }
0x224: {  	v5 =	vadd.f32 v34, v5;
	v3 =	vadd.f32 v37, v3;
	[tilespmem:$0x1F7D0] =	vst v62;
	v62 =	vld [tilespmem:s18+$0x86D0]  }
0x225: {  	v4 =	vadd.f32 v39, v4;
	[tilespmem:$0x1FA40] =	vst v52;
	v52 =	vld [tilespmem:s18+$0x8990]  }
0x226: {  	v5 =	vadd.f32 v40, v5;
	v3 =	vadd.f32 v48, v3;
	v30 =	vld [tilespmem:$0x1F520]  }
0x227: {  	v6 =	vadd.f32 v42, v6;
	v9 =	vadd.f32 v58, v14;
	v14 =	vld [tilespmem:s18+$0x8A10]  }
0x228: {  	v4 =	vadd.f32 v49, v4;
	v22 =	vadd.f32 v56, v3;
	v3 =	vld [tilespmem:s18+$0x8A30]  }
0x229: {  	v5 =	vadd.f32 v50, v5;
	[tilespmem:$0x1F7E0] =	vst v62;
	v62 =	vld [tilespmem:s18+$0x86E0]  }
0x22a: {  	[tilespmem:$0x1F9F0] =	vst v24;
	v6 =	vadd.f32 v53, v6;
	v24 =	vadd.f32 v61, v4;
	v4 =	vld [tilespmem:s18+$0x8A40]  }
0x22b: {  	v1 =	vadd.f32 v36, v1;
	[tilespmem:$0x1FA00] =	vst v25;
	v25 =	vadd.f32 v59, v5;
	v5 =	vld [tilespmem:s18+$0x8A50]  }
0x22c: {  	[tilespmem:$0x1FA10] =	vst v28;
	v28 =	vadd.f32 v27, v6;
	v6 =	vld [tilespmem:s18+$0x8A60]  }
0x22d: {  	[tilespmem:$0x1FA30] =	vst v31;
	v1 =	vadd.f32 v43, v1;
	v31 =	vld [tilespmem:$0x1F530]  }
0x22e: {  	v0 =	vadd.f32 v45, v0;
	[tilespmem:$0x1F7F0] =	vst v62;
	v62 =	vld [tilespmem:s18+$0x86F0]  }
0x22f: {  	[tilespmem:$0x1F9E0] =	vst v21;
	v21 =	vadd.f32 v55, v1;
	v1 =	vld [tilespmem:s18+$0x8CD0]  }
0x230: {  	[tilespmem:$0x1F9D0] =	vst v20;
	v20 =	vadd.f32 v54, v0;
	v0 =	vld [tilespmem:s18+$0x8CE0]  }
0x231: {  	v34 =	vld [tilespmem:$0x1F540]  }
0x232: {  	v7 =	vadd.f32 v35, v7;
	v33 =	vadd.f32 v31, v9;
	v9 =	vld [tilespmem:s18+$0x8A80]  }
0x233: {  	[tilespmem:$0x1F800] =	vst v62;
	v62 =	vld [tilespmem:s18+$0x8700]  }
0x234: {  	v7 =	vadd.f32 v41, v7;
	v35 =	vld [tilespmem:$0x1F550]  }
0x235: {  	v39 =	vld [tilespmem:$0x1F580]  }
0x236: {  	v7 =	vadd.f32 v51, v7;
	v36 =	vld [tilespmem:$0x1F560]  }
0x237: {  	v41 =	vld [tilespmem:$0x1F590]  }
0x238: {  	v7 =	vadd.f32 v63, v7;
	[tilespmem:$0x1F810] =	vst v62;
	v62 =	vld [tilespmem:s18+$0x8710]  }
0x239: {  	v37 =	vld [tilespmem:$0x1F570]  }
0x23a: {  	v10 =	vadd.f32 v29, v20;
	v40 =	vadd.f32 v39, v7;
	v7 =	vld [tilespmem:s18+$0x8A70]  }
0x23b: {  	v43 =	vld [tilespmem:$0x1F5A0]  }
0x23c: {  	v42 =	vadd.f32 v41, v10;
	v10 =	vld [tilespmem:s18+$0x8A90]  }
0x23d: {  	[tilespmem:$0x1F820] =	vst v62;
	v62 =	vld [tilespmem:s18+$0x8720]  }
0x23e: {  	v11 =	vadd.f32 v30, v21;
	v46 =	vld [tilespmem:$0x1F5B0]  }
0x23f: {  	v48 =	vld [tilespmem:$0x1F5C0]  }
0x240: {  	v45 =	vadd.f32 v43, v11;
	v11 =	vld [tilespmem:s18+$0x8AA0]  }
0x241: {  	[tilespmem:$0x1FA60] =	vst v12;
	v50 =	vld [tilespmem:$0x1F5D0]  }
0x242: {  	v12 =	vadd.f32 v34, v22;
	[tilespmem:$0x1F830] =	vst v62;
	v62 =	vld [tilespmem:s18+$0x8730]  }
0x243: {  	v53 =	vld [tilespmem:$0x1F5E0]  }
0x244: {  	[tilespmem:$0x1FA70] =	vst v13;
	v13 =	vadd.f32 v35, v24;
	v49 =	vadd.f32 v48, v12;
	v12 =	vld [tilespmem:s18+$0x8AB0]  }
0x245: {  	v55 =	vld [tilespmem:$0x1F5F0]  }
0x246: {  	v15 =	vadd.f32 v36, v25;
	v51 =	vadd.f32 v50, v13;
	v13 =	vld [tilespmem:s18+$0x8AC0]  }
0x247: {  	[tilespmem:$0x1F840] =	vst v62;
	v62 =	vld [tilespmem:s18+$0x8740]  }
0x248: {  	[tilespmem:$0x1F980] =	vst v16;
	v16 =	vadd.f32 v37, v28;
	v54 =	vadd.f32 v53, v15;
	v15 =	vld [tilespmem:s18+$0x8AD0]  }
0x249: {  	v58 =	vld [tilespmem:$0x1F600]  }
0x24a: {  	v56 =	vadd.f32 v55, v16;
	v16 =	vld [tilespmem:s18+$0x8AE0]  }
0x24b: {  	v61 =	vld [tilespmem:$0x1F630]  }
0x24c: {  	[tilespmem:$0x1F850] =	vst v62;
	v62 =	vld [tilespmem:s18+$0x8750]  }
0x24d: {  	v59 =	vld [tilespmem:$0x1F610]  }
0x24e: {  	v18 =	vadd.f32 v46, v33;
	v30 =	vld [tilespmem:$0x1F640]  }
0x24f: {  	v60 =	vld [tilespmem:$0x1F620]  }
0x250: {  	v63 =	vadd.f32 v61, v18;
	v18 =	vld [tilespmem:s18+$0x8AF0]  }
0x251: {  	[tilespmem:$0x1F860] =	vst v62;
	v62 =	vld [tilespmem:s18+$0x8760]  }
0x252: {  	v31 =	vld [tilespmem:$0x1F650]  }
0x253: {  	v22 =	vadd.f32 v30, v49;
	v30 =	vld [tilespmem:s18+$0x8B10]  }
0x254: {  	v33 =	vld [tilespmem:$0x1F660]  }
0x255: {  	v34 =	vld [tilespmem:$0x1F670]  }
0x256: {  	[tilespmem:$0x1F870] =	vst v62;
	v62 =	vld [tilespmem:s18+$0x8770]  }
0x257: {  	v24 =	vadd.f32 v31, v51;
	v31 =	vld [tilespmem:s18+$0x8B20]  }
0x258: {  	v35 =	vld [tilespmem:$0x1F680]  }
0x259: {  	v25 =	vadd.f32 v33, v54;
	v33 =	vld [tilespmem:s18+$0x8B30]  }
0x25a: {  	v27 =	vadd.f32 v34, v56;
	v34 =	vld [tilespmem:s18+$0x8B40]  }
0x25b: {  	v19 =	vadd.f32 v58, v40;
	[tilespmem:$0x1F880] =	vst v62;
	v62 =	vld [tilespmem:s18+$0x8780]  }
0x25c: {  	v37 =	vld [tilespmem:$0x1F690]  }
0x25d: {  	v36 =	vadd.f32 v35, v19;
	v19 =	vld [tilespmem:s18+$0x8B00]  }
0x25e: {  	v39 =	vld [tilespmem:$0x1F6A0]  }
0x25f: {  	v35 =	vld [tilespmem:s18+$0x8B50]  }
0x260: {  	v20 =	vadd.f32 v59, v42;
	[tilespmem:$0x1F890] =	vst v62;
	v62 =	vld [tilespmem:s18+$0x8790]  }
0x261: {  	v21 =	vadd.f32 v60, v45;
	v40 =	vld [tilespmem:$0x1F6B0]  }
0x262: {  	v20 =	vadd.f32 v37, v20;
	v37 =	vld [tilespmem:s18+$0x8B70]  }
0x263: {  	v21 =	vadd.f32 v39, v21;
	v39 =	vld [tilespmem:s18+$0x8B80]  }
0x264: {  	v41 =	vld [tilespmem:$0x1F6C0]  }
0x265: {  	[tilespmem:$0x1F8A0] =	vst v62;
	v62 =	vld [tilespmem:s18+$0x87A0]  }
0x266: {  	v28 =	vadd.f32 v40, v63;
	v40 =	vld [tilespmem:s18+$0x8B90]  }
0x267: {  	v42 =	vld [tilespmem:$0x1F6D0]  }
0x268: {  	v46 =	vld [tilespmem:$0x1F700]  }
0x269: {  	v43 =	vld [tilespmem:$0x1F6E0]  }
0x26a: {  	[tilespmem:$0x1F8B0] =	vst v62;
	v62 =	vld [tilespmem:s18+$0x87B0]  }
0x26b: {  	v45 =	vld [tilespmem:$0x1F6F0]  }
0x26c: {  	v48 =	vld [tilespmem:$0x1F710]  }
0x26d: {  	v29 =	vadd.f32 v46, v36;
	v36 =	vld [tilespmem:s18+$0x8B60]  }
0x26e: {  	v49 =	vld [tilespmem:$0x1F720]  }
0x26f: {  	[tilespmem:$0x1F8C0] =	vst v62;
	v62 =	vld [tilespmem:s18+$0x87C0]  }
0x270: {  	v50 =	vld [tilespmem:$0x1F730]  }
0x271: {  	v51 =	vld [tilespmem:$0x1F740]  }
0x272: {  	v53 =	vld [tilespmem:$0x1F750]  }
0x273: {  	v54 =	vld [tilespmem:$0x1F760]  }
0x274: {  	[tilespmem:$0x1F8D0] =	vst v62;
	v62 =	vld [tilespmem:s18+$0x87D0]  }
0x275: {  	v55 =	vld [tilespmem:$0x1F770]  }
0x276: {  	v56 =	vld [tilespmem:$0x1F780]  }
0x277: {  	v58 =	vld [tilespmem:$0x1F790]  }
0x278: {  	v59 =	vld [tilespmem:$0x1F7A0]  }
0x279: {  	[tilespmem:$0x1F8E0] =	vst v62;
	v62 =	vld [tilespmem:s18+$0x87E0]  }
0x27a: {  	v60 =	vld [tilespmem:$0x1F7B0]  }
0x27b: {  	v22 =	vadd.f32 v41, v22;
	v41 =	vld [tilespmem:$0x1F7E0]  }
0x27c: {  	v25 =	vadd.f32 v43, v25;
	v61 =	vld [tilespmem:$0x1F7C0]  }
0x27d: {  	v63 =	vld [tilespmem:$0x1F7D0]  }
0x27e: {  	v25 =	vadd.f32 v54, v25;
	[tilespmem:$0x1F8F0] =	vst v62;
	v62 =	vld [tilespmem:s18+$0x87F0]  }
0x27f: {  	v24 =	vadd.f32 v42, v24;
	v42 =	vld [tilespmem:$0x1F7F0]  }
0x280: {  	v27 =	vadd.f32 v45, v27;
	v25 =	vadd.f32 v41, v25;
	v41 =	vld [tilespmem:s18+$0x8BA0]  }
0x281: {  	v43 =	vld [tilespmem:$0x1F800]  }
0x282: {  	v27 =	vadd.f32 v55, v27;
	v45 =	vld [tilespmem:$0x1F810]  }
0x283: {  	v20 =	vadd.f32 v48, v20;
	[tilespmem:$0x1F900] =	vst v62;
	v62 =	vld [tilespmem:s18+$0x8800]  }
0x284: {  	v29 =	vadd.f32 v56, v29;
	v27 =	vadd.f32 v42, v27;
	v42 =	vld [tilespmem:s18+$0x8BB0]  }
0x285: {  	v20 =	vadd.f32 v58, v20;
	v46 =	vld [tilespmem:$0x1F820]  }
0x286: {  	v21 =	vadd.f32 v49, v21;
	v29 =	vadd.f32 v43, v29;
	v43 =	vld [tilespmem:s18+$0x8BC0]  }
0x287: {  	v20 =	vadd.f32 v45, v20;
	v45 =	vld [tilespmem:s18+$0x8BD0]  }
0x288: {  	v21 =	vadd.f32 v59, v21;
	[tilespmem:$0x1F910] =	vst v62;
	v62 =	vld [tilespmem:s18+$0x8810]  }
0x289: {  	v48 =	vld [tilespmem:$0x1F830]  }
0x28a: {  	v28 =	vadd.f32 v50, v28;
	v21 =	vadd.f32 v46, v21;
	v46 =	vld [tilespmem:s18+$0x8BE0]  }
0x28b: {  	v49 =	vld [tilespmem:$0x1F840]  }
0x28c: {  	v22 =	vadd.f32 v51, v22;
	v28 =	vadd.f32 v60, v28;
	v50 =	vld [tilespmem:$0x1F850]  }
0x28d: {  	v24 =	vadd.f32 v53, v24;
	[tilespmem:$0x1F920] =	vst v62;
	v62 =	vld [tilespmem:s18+$0x8820]  }
0x28e: {  	v22 =	vadd.f32 v61, v22;
	v28 =	vadd.f32 v48, v28;
	v48 =	vld [tilespmem:s18+$0x8BF0]  }
0x28f: {  	v24 =	vadd.f32 v63, v24;
	v51 =	vld [tilespmem:$0x1F860]  }
0x290: {  	v22 =	vadd.f32 v49, v22;
	v49 =	vld [tilespmem:s18+$0x8C00]  }
0x291: {  	v24 =	vadd.f32 v50, v24;
	v50 =	vld [tilespmem:s18+$0x8C10]  }
0x292: {  	[tilespmem:$0x1F930] =	vst v62;
	v62 =	vld [tilespmem:s18+$0x8830]  }
0x293: {  	v53 =	vld [tilespmem:$0x1F870]  }
0x294: {  	v25 =	vadd.f32 v51, v25;
	v51 =	vld [tilespmem:s18+$0x8C20]  }
0x295: {  	v54 =	vld [tilespmem:$0x1F880]  }
0x296: {  	v55 =	vld [tilespmem:$0x1F890]  }
0x297: {  	[tilespmem:$0x1F940] =	vst v62;
	v62 =	vld [tilespmem:s18+$0x8840]  }
0x298: {  	v56 =	vld [tilespmem:$0x1F8A0]  }
0x299: {  	v58 =	vld [tilespmem:$0x1F8B0]  }
0x29a: {  	v59 =	vld [tilespmem:$0x1F8C0]  }
0x29b: {  	v63 =	vld [tilespmem:$0x1F8F0]  }
0x29c: {  	[tilespmem:$0x1F950] =	vst v62;
	v62 =	vld [tilespmem:s18+$0x8850]  }
0x29d: {  	v60 =	vld [tilespmem:$0x1F8D0]  }
0x29e: {  	v27 =	vadd.f32 v53, v27;
	v53 =	vld [tilespmem:$0x1F900]  }
0x29f: {  	v61 =	vld [tilespmem:$0x1F8E0]  }
0x2a0: {  	v27 =	vadd.f32 v63, v27;
	v63 =	vld [tilespmem:$0x1F980]  }
0x2a1: {  	v29 =	vadd.f32 v54, v29;
	v54 =	vld [tilespmem:$0x1F910];
	[tilespmem:$0x1F960] =	vst v62  }
0x2a2: {  	v24 =	vadd.f32 v60, v24;
	v60 =	vld [tilespmem:$0x1F960]  }
0x2a3: {  	v29 =	vadd.f32 v53, v29;
	v53 =	vld [tilespmem:s18+$0x8C30]  }
0x2a4: {  	v20 =	vadd.f32 v55, v20;
	v62 =	vld [tilespmem:s18+$0x8860]  }
0x2a5: {  	v21 =	vadd.f32 v56, v21;
	v25 =	vadd.f32 v61, v25;
	v56 =	vld [tilespmem:$0x1F930]  }
0x2a6: {  	v55 =	vld [tilespmem:$0x1F920]  }
0x2a7: {  	v20 =	vadd.f32 v54, v20;
	v25 =	vadd.f32 v60, v25;
	v60 =	vld [tilespmem:$0x1F9A0]  }
0x2a8: {  	v28 =	vadd.f32 v58, v28;
	v54 =	vld [tilespmem:s18+$0x8C40]  }
0x2a9: {  	v20 =	vadd.f32 v63, v20;
	v63 =	vld [tilespmem:$0x1F9D0];
	[tilespmem:$0x1F970] =	vst v62  }
0x2aa: {  	v28 =	vadd.f32 v56, v28;
	v61 =	vld [tilespmem:$0x1F970]  }
0x2ab: {  	v21 =	vadd.f32 v55, v21;
	v55 =	vld [tilespmem:s18+$0x8C50]  }
0x2ac: {  	v28 =	vadd.f32 v60, v28;
	v60 =	vld [tilespmem:$0x1F9E0]  }
0x2ad: {  	v58 =	vld [tilespmem:$0x1F940]  }
0x2ae: {  	v22 =	vadd.f32 v59, v22;
	v59 =	vld [tilespmem:$0x1F950]  }
0x2af: {  	v56 =	vld [tilespmem:s18+$0x8C60];
	v27 =	vadd.f32 v61, v27  }
0x2b0: {  	v62 =	vld [tilespmem:s18+$0x8870]  }
0x2b1: {  	v27 =	vadd.f32 v60, v27;
	v60 =	vld [tilespmem:$0x1FA00]  }
0x2b2: {  	v22 =	vadd.f32 v58, v22;
	v58 =	vld [tilespmem:s18+$0x8C70]  }
0x2b3: {  	v24 =	vadd.f32 v59, v24;
	v59 =	vld [tilespmem:$0x1F990]  }
0x2b4: {  	v25 =	vadd.f32 v63, v25;
	v63 =	vld [tilespmem:$0x1F9F0]  }
0x2b5: {  	v29 =	vadd.f32 v62, v29;
	v62 =	vld [tilespmem:$0x1F9C0]  }
0x2b6: {  	v20 =	vadd.f32 v60, v20;
	v60 =	vld [tilespmem:$0x1FA10]  }
0x2b7: {  	v61 =	vld [tilespmem:$0x1F9B0]  }
0x2b8: {  	v21 =	vadd.f32 v59, v21;
	v59 =	vld [tilespmem:s18+$0x8C80]  }
0x2b9: {  	v29 =	vadd.f32 v63, v29;
	v63 =	vld [tilespmem:s18+$0x8CB0]  }
0x2ba: {  	v24 =	vadd.f32 v62, v24;
	v62 =	vld [tilespmem:s18+$0x8CA0]  }
0x2bb: {  	v20 =	vadd.f32 v57, v20;
	v21 =	vadd.f32 v60, v21;
	v60 =	vld [tilespmem:$0x1FA20]  }
0x2bc: {  	v22 =	vadd.f32 v61, v22;
	v61 =	vld [tilespmem:s18+$0x8C90]  }
0x2bd: {  	v57 =	vld [tilespmem:s18+$0x8E60];
	v17 =	vadd.f32 v17, v20  }
0x2be: {  	v20 =	vld [tilespmem:s18+$0x8D40];
	v21 =	vadd.f32 v52, v21  }
0x2bf: {  	v9 =	vadd.f32 v9, v17;
	v17 =	vld [tilespmem:s18+$0x8DE0]  }
0x2c0: {  	v14 =	vadd.f32 v14, v21;
	v28 =	vadd.f32 v60, v28;
	v60 =	vld [tilespmem:$0x1FA30]  }
0x2c1: {  	v52 =	vld [tilespmem:s18+$0x8D00]  }
0x2c2: {  	v9 =	vadd.f32 v19, v9;
	v19 =	vld [tilespmem:s18+$0x8E00];
	v10 =	vadd.f32 v10, v14  }
0x2c3: {  	v21 =	vld [tilespmem:s18+$0x8D50];
	v28 =	vadd.f32 v47, v28  }
0x2c4: {  	v9 =	vadd.f32 v39, v9;
	v39 =	vld [tilespmem:s18+$0x8EB0];
	v10 =	vadd.f32 v30, v10  }
0x2c5: {  	v8 =	vadd.f32 v8, v28;
	v22 =	vadd.f32 v60, v22;
	v60 =	vld [tilespmem:$0x1FA40]  }
0x2c6: {  	v14 =	vld [tilespmem:s18+$0x8D80];
	v9 =	vadd.f32 v49, v9  }
0x2c7: {  	v47 =	vld [tilespmem:s18+$0x8DB0];
	v10 =	vadd.f32 v40, v10;
	v8 =	vadd.f32 v11, v8  }
0x2c8: {  	v49 =	vld [tilespmem:s18+$0x8F30];
	v9 =	vadd.f32 v59, v9;
	v22 =	vadd.f32 v44, v22  }
0x2c9: {  	v44 =	vld [tilespmem:s18+$0x8D10];
	v10 =	vadd.f32 v50, v10;
	v8 =	vadd.f32 v31, v8  }
0x2ca: {  	v3 =	vadd.f32 v3, v22;
	v24 =	vadd.f32 v60, v24;
	v60 =	vld [tilespmem:$0x1FA50]  }
0x2cb: {  	v28 =	vld [tilespmem:s18+$0x8E40];
	v40 =	vadd.f32 v52, v9;
	v8 =	vadd.f32 v41, v8  }
0x2cc: {  	v59 =	vld [tilespmem:s18+$0x8FD0];
	v10 =	vadd.f32 v61, v10;
	v3 =	vadd.f32 v12, v3  }
0x2cd: {  	v11 =	vld [tilespmem:s18+$0x8D90];
	v24 =	vadd.f32 v38, v24;
	v8 =	vadd.f32 v51, v8  }
0x2ce: {  	v52 =	vld [tilespmem:s18+$0x8F60];
	v41 =	vadd.f32 v44, v10;
	v3 =	vadd.f32 v33, v3  }
0x2cf: {  	v4 =	vadd.f32 v4, v24;
	v25 =	vadd.f32 v60, v25;
	v60 =	vld [tilespmem:$0x1FA60]  }
0x2d0: {  	v24 =	vld [tilespmem:s18+$0x8E10];
	v8 =	vadd.f32 v62, v8;
	v3 =	vadd.f32 v42, v3  }
0x2d1: {  	v50 =	vld [tilespmem:s18+$0x8F40];
	v4 =	vadd.f32 v13, v4;
	v25 =	vadd.f32 v32, v25  }
0x2d2: {  	v9 =	vadd.f32 v11, v41;
	v32 =	vld [tilespmem:s18+$0x8D20];
	v3 =	vadd.f32 v53, v3  }
0x2d3: {  	v22 =	vld [tilespmem:s18+$0x8D60];
	v4 =	vadd.f32 v34, v4;
	v5 =	vadd.f32 v5, v25  }
0x2d4: {  	v12 =	vld [tilespmem:s18+$0x8DA0];
	v3 =	vadd.f32 v63, v3;
	v27 =	vadd.f32 v60, v27  }
0x2d5: {  	v9 =	vadd.f32 v24, v9;
	v60 =	vld [tilespmem:$0x1FA70];
	v4 =	vadd.f32 v43, v4  }
0x2d6: {  	v61 =	vld [tilespmem:s18+$0x8E80];
	v5 =	vadd.f32 v15, v5;
	v26 =	vadd.f32 v26, v27  }
0x2d7: {  	v25 =	vld [tilespmem:s18+$0x8E20];
	v4 =	vadd.f32 v54, v4;
	v8 =	vadd.f32 v32, v8  }
0x2d8: {  	v27 =	vld [tilespmem:s18+$0x8D30];
	v5 =	vadd.f32 v35, v5;
	v6 =	vadd.f32 v6, v26  }
0x2d9: {  	v15 =	vld [tilespmem:s18+$0x8DC0];
	v2 =	vadd.f32 v2, v4;
	v8 =	vadd.f32 v12, v8  }
0x2da: {  	v44 =	vld [tilespmem:s18+$0x8EE0];
	v29 =	vadd.f32 v60, v29;
	v5 =	vadd.f32 v45, v5  }
0x2db: {  	v51 =	vld [tilespmem:s18+$0x8F50];
	v6 =	vadd.f32 v16, v6;
	v2 =	vadd.f32 v20, v2  }
0x2dc: {  	v42 =	vld [tilespmem:s18+$0x8EC0];
	v8 =	vadd.f32 v25, v8;
	v23 =	vadd.f32 v23, v29  }
0x2dd: {  	v26 =	vld [tilespmem:s18+$0x8E30];
	v5 =	vadd.f32 v55, v5;
	v3 =	vadd.f32 v27, v3  }
0x2de: {  	v53 =	vld [tilespmem:s18+$0x8E50];
	v6 =	vadd.f32 v36, v6;
	v2 =	vadd.f32 v15, v2  }
0x2df: {  	v16 =	vld [tilespmem:s18+$0x8DD0];
	v7 =	vadd.f32 v7, v23;
	v1 =	vadd.f32 v1, v5  }
0x2e0: {  	v36 =	vld [tilespmem:s18+$0x8E90];
	v3 =	vadd.f32 v47, v3;
	v6 =	vadd.f32 v46, v6  }
0x2e1: {  	v43 =	vld [tilespmem:s18+$0x8ED0];
	v2 =	vadd.f32 v28, v2;
	v7 =	vadd.f32 v18, v7  }
0x2e2: {  	v47 =	vld [tilespmem:s18+$0x8F10];
	v1 =	vadd.f32 v21, v1;
	v3 =	vadd.f32 v26, v3  }
0x2e3: {  	v54 =	vld [tilespmem:s18+$0x8F80];
	v6 =	vadd.f32 v56, v6;
	v2 =	vadd.f32 v42, v2  }
0x2e4: {  	v60 =	vld [tilespmem:s18+$0x8CF0];
	v7 =	vadd.f32 v37, v7;
	v1 =	vadd.f32 v16, v1  }
0x2e5: {  	v55 =	vld [tilespmem:s18+$0x8F90];
	v9 =	vadd.f32 v36, v9;
	v3 =	vadd.f32 v39, v3  }
0x2e6: {  	v37 =	vld [tilespmem:s18+$0x8EA0];
	v0 =	vadd.f32 v0, v6;
	v7 =	vadd.f32 v48, v7  }
0x2e7: {  	v45 =	vld [tilespmem:s18+$0x8EF0];
	v1 =	vadd.f32 v53, v1;
	v9 =	vadd.f32 v47, v9  }
0x2e8: {  	v23 =	vld [tilespmem:s18+$0x8D70];
	v3 =	vadd.f32 v49, v3;
	v0 =	vadd.f32 v22, v0  }
0x2e9: {  	v48 =	vld [tilespmem:s18+$0x8F20];
	v7 =	vadd.f32 v58, v7;
	v1 =	vadd.f32 v43, v1  }
0x2ea: {  	v18 =	vld [tilespmem:s18+$0x8DF0];
	v6 =	vadd.f32 v55, v9;
	v0 =	vadd.f32 v17, v0  }
0x2eb: {  	v56 =	vld [tilespmem:s18+$0x8FA0];
	v4 =	vadd.f32 v37, v8;
	v38 =	vadd.f32 v60, v7  }
0x2ec: {  	v58 =	vld [tilespmem:s18+$0x8E70];
	v7 =	vadd.f32 v14, v40;
	v1 =	vadd.f32 v51, v1  }
0x2ed: {  	v46 =	vld [tilespmem:s18+$0x8F00];
	v0 =	vadd.f32 v57, v0;
	v5 =	vadd.f32 v23, v38  }
0x2ee: {  	v57 =	vld [tilespmem:s18+$0x8FB0];
	v4 =	vadd.f32 v48, v4;
	v7 =	vadd.f32 v19, v7  }
0x2ef: {  	v60 =	vld [tilespmem:s18+$0x8FE0];
	v1 =	vadd.f32 v59, v1;
	v5 =	vadd.f32 v18, v5  }
0x2f0: {  	v53 =	vld [tilespmem:s18+$0x8F70];
	v0 =	vadd.f32 v44, v0;
	v7 =	vadd.f32 v61, v7  }
0x2f1: {  	v4 =	vadd.f32 v56, v4;
	v5 =	vadd.f32 v58, v5;
	v58 =	vld [tilespmem:s18+$0x8FC0]  }
0x2f2: {  	s31 =	sshll.u32 s17, $0x7;
	v6 =	vmul.f32 $3.125000000e-02, v6;
	v61 =	vld [tilespmem:s18+$0x8FF0];
	v0 =	vadd.f32 v52, v0;
	v7 =	vadd.f32 v46, v7  }
0x2f3: {  	v4 =	vmul.f32 $3.125000000e-02, v4;
	v3 =	vadd.f32 v57, v3;
	s18 =	sand.u32 $0x3FFFFF80, s31;
	v5 =	vadd.f32 v45, v5  }
0x2f4: {  	v2 =	vadd.f32 v50, v2;
	v1 =	vmul.f32 $3.125000000e-02, v1;
	[tilespmem:s18+$0x10410] =	vst v6;
	v0 =	vadd.f32 v60, v0  }
0x2f5: {  	[tilespmem:s18+$0x10420] =	vst v4;
	v7 =	vadd.f32 v54, v7;
	v3 =	vmul.f32 $3.125000000e-02, v3;
	v5 =	vadd.f32 v53, v5  }
0x2f6: {  	p1 =	sne.s32 s17, $0x7;
	[tilespmem:s18+$0x10450] =	vst v1;
	v0 =	vmul.f32 $3.125000000e-02, v0;
	v2 =	vadd.f32 v58, v2  }
.Ltmp6:
0x2f7: {  	v7 =	vmul.f32 $3.125000000e-02, v7;
	[tilespmem:s18+$0x10430] =	vst v3;
	v62 =	vadd.f32 v61, v5;
	(pc) =	sbr.rel @p1 .LBB2_6-.Ltmp6, $4  }
0x2f8: {  	[tilespmem:s18+$0x10460] =	vst v0;
	v2 =	vmul.f32 $3.125000000e-02, v2  }
0x2f9: {  	[tilespmem:s18+$0x10400] =	vst v7;
	v63 =	vmul.f32 $3.125000000e-02, v62  }
0x2fa: {  	[tilespmem:s18+$0x10440] =	vst v2  }
0x2fb: {  	s17 =	sadd.s32 $0x1, s17;
	[tilespmem:s18+$0x10470] =	vst v63  }
.Ltmp7:
0x2fc: {  	(pc) =	sbr.rel .LBB2_8-.Ltmp7, $4  }
0x2fd: {  	_ = 	snop  }
0x2fe: {  	s16 =	sshll.u32 s16, $0x7  }
0x2ff: {  	s16 =	sadd.s32 s3, s16  }
0x300: {  	[hbm4b:s16+s4] =	stream.linear.scatter [tilespmem:s12], [sflag:$0x4], $0x400, $0x38;
	[tilespmem:$0x10800] =	vst v63  }
.LBB2_10:
0x301: {  	_ =	sfence.sel $0x180000  }
0x302: {  	[bflag:$0x0] =	sbarrier.arrive $0xFFFF  }
0x303: {  	p0 =	sne.s32 s1, $0x0;
	_ =	strace $0x90000047  }
0x304: {  	s0 =	sadd.s32 @!p0 $0x100000, s0;
	[bflag:$0x2] =	sbarrier.arrive $0xFFFF  }
0x305: {  	[sflag:s0] =	ssyncadd.tile.s32 @!p0 $0x1;
	_ =	shalt  }
.Lfunc_end2:
_tile_overlayer_lowered:
.L_overlay_start_2:
0x306: {  	(tag) =	ssettag $0x2  }
0x307: {  	s0 =	rddreg [dreg:$0x0];
	s2 =	stileid.u32  }
0x308: {  	s1 =	rddreg [dreg:$0x1];
	p0 =	sne.s32 s2, $0x0  }
0x309: {  	s3 =	rddreg [dreg:$0x2];
	[bflag:$0x3] =	sbarrier.arrive $0xFFFF;
	s2 =	simm.s32 @!p0 $0x1C05  }
0x30a: {  	[timem:s3], [sflag:s2] =	dma.local @!p0 [hbm:s0], s1  }
0x30b: {  	s0 =	simm.s32 @!p0 $0x5  }
0x30c: {  	_ =	swait.ge @!p0 [sflag:s0], s1  }
0x30d: {  	s1 =	ssub.s32 @!p0 $0x0, s1;
	[sflag:s0] =	ssyncset.done @!p0 $0x0  }
0x30e: {  	[sflag:s0] =	ssyncadd.s32 @!p0 s1  }
0x30f: {  	[bflag:$0x3] =	sbarrier.arrive $0xFFFF  }
0x310: {  	_ =	shalt  }

</sc_bundles>
